<compile_context>
chip_gen: v7x
topology: tpu7x:2x2x1
jax: 0.10.2.dev20260603
libtpu: 0.0.44.dev20260713+nightly
codegen_flags: <defaults>
</compile_context>

<pallas_src>
import functools

import jax
import jax.numpy as jnp
from jax import lax
from jax.experimental import pallas as pl
from jax.experimental.pallas import tpu as pltpu
from jax.experimental.pallas import tpu_sc as plsc

N = 10000
E = 320000
D = 128
ALPHA = 0.2

NC = 2
NS = 16
EPW = E // NS
CH = 128
NCH = 156
TAIL = EPW - NCH * CH
IB = 26
NIB = NCH // IB
NP = 10240
RPT = NP // NS


def _sc_segment_sums(ufea, vfea, zrows, *edges):
    mesh = plsc.VectorSubcoreMesh(
        core_axis_name="c", subcore_axis_name="s", num_cores=NC, num_subcores=NS
    )

    @functools.partial(
        pl.kernel,
        out_type=jax.ShapeDtypeStruct((4, NP, D), jnp.float32),
        mesh=mesh,
        scratch_types=[
            pltpu.VMEM_SHARED((NP, D), jnp.float32),
            pltpu.VMEM((IB * CH,), jnp.int32),
            pltpu.VMEM((IB * CH,), jnp.int32),
            pltpu.VMEM((IB * CH,), jnp.int32),
            pltpu.VMEM((IB * CH,), jnp.int32),
            pltpu.VMEM((2, CH, D), jnp.float32),
            pltpu.SemaphoreType.DMA,
            pltpu.SemaphoreType.DMA,
            pltpu.SemaphoreType.DMA,
            pltpu.SemaphoreType.DMA,
            pltpu.SemaphoreType.DMA,
            pltpu.SemaphoreType.DMA,
        ],
    )
    def k(ufea_h, vfea_h, zrows_h,
          uu_d_h, uu_s_h, vv_d_h, vv_s_h, uv_d_h, uv_s_h, vu_d_h, vu_s_h,
          out_h, acc, srcva0, srcva1, dstva0, dstva1, rows,
          gsem0, gsem1, ssem0, ssem1, isem0, isem1):
        srcvas = (srcva0, srcva1)
        dstvas = (dstva0, dstva1)
        core = lax.axis_index("c")
        sub = lax.axis_index("s")
        my_row0 = sub * RPT
        gsems = (gsem0, gsem1)
        ssems = (ssem0, ssem1)

        def zero_my_slice():
            pltpu.sync_copy(zrows_h, acc.at[pl.ds(my_row0, RPT)])

        zero_my_slice()
        plsc.subcore_barrier()

        for kk in range(4):
            fea_h = (ufea_h, vfea_h, vfea_h, ufea_h)[kk]
            dst_h = (uu_d_h, vv_d_h, uv_d_h, vu_d_h)[kk]
            src_h = (uu_s_h, vv_s_h, uv_s_h, vu_s_h)[kk]

            @pl.when(core == kk // 2)
            def _():
                base = sub * EPW
                pltpu.sync_copy(src_h.at[pl.ds(base, IB * CH)], srcva0)
                pltpu.sync_copy(dst_h.at[pl.ds(base, IB * CH)], dstva0)
                pltpu.async_copy(fea_h.at[srcva0.at[pl.ds(0, CH)]],
                                 rows.at[0], gsem0)

                def idx_slice(vas, gb, j):
                    return vas[gb].at[pl.ds(j * CH, CH)]

                def wait_gather(gb, j, b):
                    pltpu.make_async_copy(fea_h.at[idx_slice(srcvas, gb, j)],
                                          rows.at[b], gsems[b]).wait()

                def wait_scatter(gb, j, b):
                    pltpu.make_async_copy(rows.at[b],
                                          acc.at[idx_slice(dstvas, gb, j)],
                                          ssems[b]).wait()

                def process_block(g, gb):
                    @pl.when(g + 1 < NIB)
                    def _():
                        nb = base + (g + 1) * (IB * CH)
                        pltpu.async_copy(src_h.at[pl.ds(nb, IB * CH)],
                                         srcvas[1 - gb], isem0)
                        pltpu.async_copy(dst_h.at[pl.ds(nb, IB * CH)],
                                         dstvas[1 - gb], isem1)

                    def pair(p, _):
                        for b in range(2):
                            j = p * 2 + b
                            if b == 0:
                                @pl.when((j > 0) | (g > 0))
                                def _():
                                    wait_scatter(gb, j, 1)
                            else:
                                wait_scatter(gb, j, 0)

                            @pl.when(j + 1 < IB)
                            def _():
                                pltpu.async_copy(
                                    fea_h.at[idx_slice(srcvas, gb, j + 1)],
                                    rows.at[1 - b], gsems[1 - b])

                            wait_gather(gb, j, b)
                            pltpu.async_copy(rows.at[b],
                                             acc.at[idx_slice(dstvas, gb, j)],
                                             ssems[b], add=True)
                        return 0

                    lax.fori_loop(0, IB // 2, pair, 0)

                    @pl.when(g + 1 < NIB)
                    def _():
                        nb = base + (g + 1) * (IB * CH)
                        pltpu.make_async_copy(src_h.at[pl.ds(nb, IB * CH)],
                                              srcvas[1 - gb], isem0).wait()
                        pltpu.make_async_copy(dst_h.at[pl.ds(nb, IB * CH)],
                                              dstvas[1 - gb], isem1).wait()
                        pltpu.async_copy(fea_h.at[srcvas[1 - gb].at[pl.ds(0, CH)]],
                                         rows.at[0], gsem0)

                def blockpair(q, _):
                    for gb in range(2):
                        process_block(q * 2 + gb, gb)
                    return 0

                lax.fori_loop(0, NIB // 2, blockpair, 0)
                if NIB % 2:
                    process_block(NIB - 1, 0)
                wait_scatter(1, IB - 1, 1)
                tb = base + NCH * CH
                pltpu.sync_copy(src_h.at[pl.ds(tb, TAIL)],
                                srcva0.at[pl.ds(0, TAIL)])
                pltpu.sync_copy(dst_h.at[pl.ds(tb, TAIL)],
                                dstva0.at[pl.ds(0, TAIL)])
                pltpu.async_copy(fea_h.at[srcva0.at[pl.ds(0, TAIL)]],
                                 rows.at[0, pl.ds(0, TAIL)], gsem0)
                pltpu.make_async_copy(fea_h.at[srcva0.at[pl.ds(0, TAIL)]],
                                      rows.at[0, pl.ds(0, TAIL)], gsem0).wait()
                pltpu.sync_copy(rows.at[0, pl.ds(0, TAIL)],
                                acc.at[dstva0.at[pl.ds(0, TAIL)]], add=True)
                plsc.subcore_barrier()
                pltpu.sync_copy(acc.at[pl.ds(my_row0, RPT)],
                                out_h.at[kk, pl.ds(my_row0, RPT)])
                zero_my_slice()
                plsc.subcore_barrier()

    return k(ufea, vfea, zrows, *edges)


EBLK = 32000


def _tc_split_body(uu_ref, vv_ref, uv_ref, vu_ref, *outs):
    for i, e_ref in enumerate((uu_ref, vv_ref, uv_ref, vu_ref)):
        outs[2 * i][...] = e_ref[0]
        outs[2 * i + 1][...] = e_ref[1]


def _tc_split_edges(uu, vv, uv, vu):
    return pl.pallas_call(
        _tc_split_body,
        grid=(1,),
        in_specs=[pl.BlockSpec((2, E), lambda i: (0, 0))] * 4,
        out_specs=[pl.BlockSpec((E,), lambda i: (0,))] * 8,
        out_shape=[jax.ShapeDtypeStruct((E,), jnp.int32)] * 8,
    )(uu, vv, uv, vu)


BLK = 2000


def _tc_body(agg_ref, ufea_ref, vfea_ref, wg_ref, bg_ref,
             wu1_ref, bu1_ref, wi1_ref, bi1_ref,
             wu_ref, bu_ref, wi_ref, bi_ref, user_ref, item_ref):
    def lrelu(x):
        return jnp.where(x >= 0, x, ALPHA * x)

    def mm(a, b):
        return jnp.dot(a, b, preferred_element_type=jnp.float32)

    h = [lrelu(mm(agg_ref[i], wg_ref[i]) + bg_ref[i]) for i in range(4)]
    uh = mm(h[0], wu1_ref[:D]) + mm(h[2], wu1_ref[D:]) + bu1_ref[...]
    ih = mm(h[1], wi1_ref[:D]) + mm(h[3], wi1_ref[D:]) + bi1_ref[...]
    user_ref[...] = lrelu(mm(uh, wu_ref[:D]) + mm(ufea_ref[...], wu_ref[D:]) + bu_ref[...])
    item_ref[...] = lrelu(mm(ih, wi_ref[:D]) + mm(vfea_ref[...], wi_ref[D:]) + bi_ref[...])


def _tc_epilogue(aggs, ufea, vfea, wg, bg, wu1, bu1, wi1, bi1, wu, bu, wi, bi):
    grid = (N // BLK,)
    full2 = lambda shape: pl.BlockSpec(shape, lambda i: (0, 0))
    full3 = lambda shape: pl.BlockSpec(shape, lambda i: (0, 0, 0))
    return pl.pallas_call(
        _tc_body,
        grid=grid,
        in_specs=[
            pl.BlockSpec((4, BLK, D), lambda i: (0, i, 0)),
            pl.BlockSpec((BLK, D), lambda i: (i, 0)),
            pl.BlockSpec((BLK, D), lambda i: (i, 0)),
            full3((4, D, D)),
            full3((4, 1, D)),
            full2((2 * D, D)),
            full2((1, D)),
            full2((2 * D, D)),
            full2((1, D)),
            full2((2 * D, D)),
            full2((1, D)),
            full2((2 * D, D)),
            full2((1, D)),
        ],
        out_specs=[
            pl.BlockSpec((BLK, D), lambda i: (i, 0)),
            pl.BlockSpec((BLK, D), lambda i: (i, 0)),
        ],
        out_shape=[
            jax.ShapeDtypeStruct((N, D), jnp.float32),
            jax.ShapeDtypeStruct((N, D), jnp.float32),
        ],
    )(aggs, ufea, vfea, wg, bg, wu1, bu1, wi1, bi1, wu, bu, wi, bi)


def kernel(ufea, vfea, UV_adj, VU_adj, uu, vv,
           W_gc1, b_gc1, W_gc2, b_gc2, W_gc3, b_gc3, W_gc4, b_gc4,
           Wu1, bu1, Wi1, bi1, Wu, bu, Wi, bi):
    zrows = jnp.zeros((RPT, D), jnp.float32)
    erows = _tc_split_edges(uu, vv, UV_adj, VU_adj)
    aggs = _sc_segment_sums(ufea, vfea, zrows, *erows)
    wg = jnp.stack([W_gc1, W_gc2, W_gc3, W_gc4])
    bg = jnp.stack([b_gc1, b_gc2, b_gc3, b_gc4]).reshape(4, 1, D)
    user, item = _tc_epilogue(
        aggs, ufea, vfea, wg, bg,
        Wu1, bu1.reshape(1, D), Wi1, bi1.reshape(1, D),
        Wu, bu.reshape(1, D), Wi, bi.reshape(1, D),
    )
    return user, item

# --- scband reference (transcript-rebuilt; emitter-appended) ---
"""Pipeline reference for scband-dgcnlayer-42709154791899 (READ-ONLY COPY).

The authoritative reference and input builder live on the scoring server;
editing this copy changes nothing except your own understanding.
"""

import jax, jax.numpy as jnp
import numpy as np

N = 10000
E = 320000
D = 128
ALPHA = 0.2


def setup_inputs(seed: int = 0) -> dict:
    key = jax.random.key(seed)
    ks = jax.random.split(key, 32)
    inp = {}
    inp["ufea"] = jax.random.normal(ks[0], (N, D), dtype=jnp.float32)
    inp["vfea"] = jax.random.normal(ks[1], (N, D), dtype=jnp.float32)
    # adjacency as edge lists: row 0 = dst (output node), row 1 = src (input node)
    inp["UV_adj"] = jax.random.randint(ks[2], (2, E), 0, N, dtype=jnp.int32)
    inp["VU_adj"] = jax.random.randint(ks[3], (2, E), 0, N, dtype=jnp.int32)
    inp["uu"] = jax.random.randint(ks[4], (2, E), 0, N, dtype=jnp.int32)
    inp["vv"] = jax.random.randint(ks[5], (2, E), 0, N, dtype=jnp.int32)
    # GCN weights (gc1..gc4 used in forward; gc5/gc6 are unused in the original forward)
    s = 0.05
    inp["W_gc1"] = jax.random.normal(ks[6], (D, D), dtype=jnp.float32) * s
    inp["b_gc1"] = jnp.zeros((D,), dtype=jnp.float32)
    inp["W_gc2"] = jax.random.normal(ks[7], (D, D), dtype=jnp.float32) * s
    inp["b_gc2"] = jnp.zeros((D,), dtype=jnp.float32)
    inp["W_gc3"] = jax.random.normal(ks[8], (D, D), dtype=jnp.float32) * s
    inp["b_gc3"] = jnp.zeros((D,), dtype=jnp.float32)
    inp["W_gc4"] = jax.random.normal(ks[9], (D, D), dtype=jnp.float32) * s
    inp["b_gc4"] = jnp.zeros((D,), dtype=jnp.float32)
    # union linear layers (stored as [in, out], y = x @ W + b)
    inp["Wu1"] = jax.random.normal(ks[10], (2 * D, D), dtype=jnp.float32) * s
    inp["bu1"] = jnp.zeros((D,), dtype=jnp.float32)
    inp["Wi1"] = jax.random.normal(ks[11], (2 * D, D), dtype=jnp.float32) * s
    inp["bi1"] = jnp.zeros((D,), dtype=jnp.float32)
    inp["Wu"] = jax.random.normal(ks[12], (2 * D, D), dtype=jnp.float32) * s
    inp["bu"] = jnp.zeros((D,), dtype=jnp.float32)
    inp["Wi"] = jax.random.normal(ks[13], (2 * D, D), dtype=jnp.float32) * s
    inp["bi"] = jnp.zeros((D,), dtype=jnp.float32)
    return inp


def _gcn(x, edge_index, W, b):
    # GraphConvolution: support = x @ W ; out = spmm(adj, support) + b
    # adj[dst, src] = 1 represented by edge list; dropout p=0 (eval), then LeakyReLU(alpha)
    support = x @ W
    dst = edge_index[0]
    src = edge_index[1]
    agg = jax.ops.segment_sum(support[src], dst, num_segments=N)
    return jax.nn.leaky_relu(agg + b, negative_slope=ALPHA)


def reference(ufea, vfea, UV_adj, VU_adj, uu, vv,
              W_gc1, b_gc1, W_gc2, b_gc2, W_gc3, b_gc3, W_gc4, b_gc4,
              Wu1, bu1, Wi1, bi1, Wu, bu, Wi, bi):
    User_ho1 = _gcn(vfea, UV_adj, W_gc3, b_gc3)
    Item_ho1 = _gcn(ufea, VU_adj, W_gc4, b_gc4)
    User_ho = _gcn(ufea, uu, W_gc1, b_gc1)
    Item_ho = _gcn(vfea, vv, W_gc2, b_gc2)
    User_ho = jnp.concatenate([User_ho, User_ho1], axis=1) @ Wu1 + bu1
    Item_ho = jnp.concatenate([Item_ho, Item_ho1], axis=1) @ Wi1 + bi1
    User = jnp.concatenate([User_ho, ufea], axis=1) @ Wu + bu
    Item = jnp.concatenate([Item_ho, vfea], axis=1) @ Wi + bi
    return (jax.nn.leaky_relu(User, negative_slope=ALPHA),
            jax.nn.leaky_relu(Item, negative_slope=ALPHA))

if __name__ == "__main__":
    import jax
    _d = setup_inputs()
    print(jax.jit(kernel)(*tuple(_d.values())))

</pallas_src>

<mosaic_0001>
#map = affine_map<(d0, d1) -> (0, 0)>
#map1 = affine_map<(d0, d1) -> (0)>
#map2 = affine_map<(d0, d1) -> (0, 0, 0)>
module attributes {stable_mosaic.version = 14 : i64} {
  func.func @k(%arg0: i32, %arg1: i32, %arg2: memref<10000x128xf32, #tpu.memory_space<hbm>>, %arg3: memref<10000x128xf32, #tpu.memory_space<hbm>>, %arg4: memref<640x128xf32, #tpu.memory_space<hbm>>, %arg5: memref<320000xi32, #tpu.memory_space<hbm>>, %arg6: memref<320000xi32, #tpu.memory_space<hbm>>, %arg7: memref<320000xi32, #tpu.memory_space<hbm>>, %arg8: memref<320000xi32, #tpu.memory_space<hbm>>, %arg9: memref<320000xi32, #tpu.memory_space<hbm>>, %arg10: memref<320000xi32, #tpu.memory_space<hbm>>, %arg11: memref<320000xi32, #tpu.memory_space<hbm>>, %arg12: memref<320000xi32, #tpu.memory_space<hbm>>, %arg13: memref<4x10240x128xf32, #tpu.memory_space<hbm>>, %arg14: memref<10240x128xf32, #tpu.memory_space<vmem_shared>>, %arg15: memref<3328xi32, #tpu.memory_space<vmem>>, %arg16: memref<3328xi32, #tpu.memory_space<vmem>>, %arg17: memref<3328xi32, #tpu.memory_space<vmem>>, %arg18: memref<3328xi32, #tpu.memory_space<vmem>>, %arg19: memref<2x128x128xf32, #tpu.memory_space<vmem>>, %arg20: memref<!tpu.dma_semaphore, #tpu.memory_space<semaphore_mem>>, %arg21: memref<!tpu.dma_semaphore, #tpu.memory_space<semaphore_mem>>, %arg22: memref<!tpu.dma_semaphore, #tpu.memory_space<semaphore_mem>>, %arg23: memref<!tpu.dma_semaphore, #tpu.memory_space<semaphore_mem>>, %arg24: memref<!tpu.dma_semaphore, #tpu.memory_space<semaphore_mem>>, %arg25: memref<!tpu.dma_semaphore, #tpu.memory_space<semaphore_mem>>) attributes {dimension_semantics = [#tpu.dimension_semantics<core_parallel>, #tpu.dimension_semantics<subcore_parallel>], iteration_bounds = array<i64: 2, 16>, scalar_prefetch = 0 : i64, scratch_operands = 12 : i64, tpu.core_type = #tpu.core_type<sc_vector_subcore>, window_params = [{transform_indices = #map}, {transform_indices = #map}, {transform_indices = #map}, {transform_indices = #map1}, {transform_indices = #map1}, {transform_indices = #map1}, {transform_indices = #map1}, {transform_indices = #map1}, {transform_indices = #map1}, {transform_indices = #map1}, {transform_indices = #map1}, {transform_indices = #map2}]} {
    %mul3A = arith.constant 640 : i32
    %mul3A_0 = arith.muli %arg1, %mul3A : i32
    "tpu.region"() ({
      %run_scoped3A = tpu.sem_alloc : memref<!tpu.dma_semaphore, #tpu.memory_space<semaphore_mem>>
      %dma_start3A = arith.constant 0 : i32
      %dma_start3A_18 = tpu.memref_slice %arg14[%mul3A_0, %dma_start3A] : memref<10240x128xf32, #tpu.memory_space<vmem_shared>> -> memref<640x128xf32, #tpu.memory_space<vmem_shared>>
      tpu.enqueue_dma source(%arg4 : memref<640x128xf32, #tpu.memory_space<hbm>>) target(%dma_start3A_18 : memref<640x128xf32, #tpu.memory_space<vmem_shared>>) target_semaphore(%run_scoped3A : memref<!tpu.dma_semaphore, #tpu.memory_space<semaphore_mem>>)
      %dma_wait3A = arith.constant 0 : i32
      %dma_wait3A_19 = tpu.memref_slice %arg14[%mul3A_0, %dma_wait3A] : memref<10240x128xf32, #tpu.memory_space<vmem_shared>> -> memref<640x128xf32, #tpu.memory_space<vmem_shared>>
      tpu.wait_dma2 semaphore(%run_scoped3A : memref<!tpu.dma_semaphore, #tpu.memory_space<semaphore_mem>>) src(%arg4 : memref<640x128xf32, #tpu.memory_space<hbm>>) dst(%dma_wait3A_19 : memref<640x128xf32, #tpu.memory_space<vmem_shared>>)
      tpu.yield
    }) : () -> ()
    %barrier3A = arith.constant 0 : index
    tpu.barrier barrier_id(%barrier3A)
    %eq3A = arith.constant 0 : i32
    %eq3A_1 = arith.cmpi eq, %arg0, %eq3A : i32
    %convert_element_type3A = arith.extui %eq3A_1 : i1 to i32
    %cond3A = arith.constant 0 : i32
    %cond3A_2 = arith.cmpi ne, %convert_element_type3A, %cond3A : i32
    scf.if %cond3A_2 {
      %mul3A_18 = arith.constant 20000 : i32
      %mul3A_19 = arith.muli %arg1, %mul3A_18 : i32
      "tpu.region"() ({
        %run_scoped3A_68 = tpu.sem_alloc : memref<!tpu.dma_semaphore, #tpu.memory_space<semaphore_mem>>
        %dma_start3A_69 = tpu.memref_slice %arg6[%mul3A_19] : memref<320000xi32, #tpu.memory_space<hbm>> -> memref<3328xi32, #tpu.memory_space<hbm>>
        %dma_start3A_70 = tpu.memref_slice %arg6[%mul3A_19] : memref<320000xi32, #tpu.memory_space<hbm>> -> memref<3328xi32, #tpu.memory_space<hbm>>
        tpu.enqueue_dma source(%dma_start3A_70 : memref<3328xi32, #tpu.memory_space<hbm>>) target(%arg15 : memref<3328xi32, #tpu.memory_space<vmem>>) target_semaphore(%run_scoped3A_68 : memref<!tpu.dma_semaphore, #tpu.memory_space<semaphore_mem>>)
        %dma_wait3A_71 = tpu.memref_slice %arg6[%mul3A_19] : memref<320000xi32, #tpu.memory_space<hbm>> -> memref<3328xi32, #tpu.memory_space<hbm>>
        %dma_wait3A_72 = tpu.memref_slice %arg6[%mul3A_19] : memref<320000xi32, #tpu.memory_space<hbm>> -> memref<3328xi32, #tpu.memory_space<hbm>>
        tpu.wait_dma2 semaphore(%run_scoped3A_68 : memref<!tpu.dma_semaphore, #tpu.memory_space<semaphore_mem>>) src(%dma_wait3A_72 : memref<3328xi32, #tpu.memory_space<hbm>>) dst(%arg15 : memref<3328xi32, #tpu.memory_space<vmem>>)
        tpu.yield
      }) : () -> ()
      "tpu.region"() ({
        %run_scoped3A_68 = tpu.sem_alloc : memref<!tpu.dma_semaphore, #tpu.memory_space<semaphore_mem>>
        %dma_start3A_69 = tpu.memref_slice %arg5[%mul3A_19] : memref<320000xi32, #tpu.memory_space<hbm>> -> memref<3328xi32, #tpu.memory_space<hbm>>
        %dma_start3A_70 = tpu.memref_slice %arg5[%mul3A_19] : memref<320000xi32, #tpu.memory_space<hbm>> -> memref<3328xi32, #tpu.memory_space<hbm>>
        tpu.enqueue_dma source(%dma_start3A_70 : memref<3328xi32, #tpu.memory_space<hbm>>) target(%arg17 : memref<3328xi32, #tpu.memory_space<vmem>>) target_semaphore(%run_scoped3A_68 : memref<!tpu.dma_semaphore, #tpu.memory_space<semaphore_mem>>)
        %dma_wait3A_71 = tpu.memref_slice %arg5[%mul3A_19] : memref<320000xi32, #tpu.memory_space<hbm>> -> memref<3328xi32, #tpu.memory_space<hbm>>
        %dma_wait3A_72 = tpu.memref_slice %arg5[%mul3A_19] : memref<320000xi32, #tpu.memory_space<hbm>> -> memref<3328xi32, #tpu.memory_space<hbm>>
        tpu.wait_dma2 semaphore(%run_scoped3A_68 : memref<!tpu.dma_semaphore, #tpu.memory_space<semaphore_mem>>) src(%dma_wait3A_72 : memref<3328xi32, #tpu.memory_space<hbm>>) dst(%arg17 : memref<3328xi32, #tpu.memory_space<vmem>>)
        tpu.yield
      }) : () -> ()
      %dma_start3A = arith.constant 0 : i32
      %dma_start3A_20 = arith.constant 0 : i32
      %dma_start3A_21 = arith.constant 0 : i32
      %dma_start3A_22 = tpu.memref_slice %arg19[%dma_start3A, %dma_start3A_20, %dma_start3A_21] : memref<2x128x128xf32, #tpu.memory_space<vmem>> -> memref<1x128x128xf32, #tpu.memory_space<vmem>>
      %dma_start3A_23 = tpu.memref_squeeze %dma_start3A_22 : memref<1x128x128xf32, #tpu.memory_space<vmem>> -> memref<128x128xf32, #tpu.memory_space<vmem>>
      %dma_start3A_24 = arith.constant 0 : i32
      %dma_start3A_25 = tpu.memref_slice %arg15[%dma_start3A_24] : memref<3328xi32, #tpu.memory_space<vmem>> -> memref<128xi32, #tpu.memory_space<vmem>>
      %dma_start3A_26 = arith.constant 0 : i32
      %dma_start3A_27 = arith.constant 0 : i32
      %dma_start3A_28 = tpu.memref_slice %arg2[%dma_start3A_26, %dma_start3A_27] : memref<10000x128xf32, #tpu.memory_space<hbm>> -> memref<10000x128xf32, #tpu.memory_space<hbm>>
      tpu.enqueue_indirect_dma source(%dma_start3A_28 : memref<10000x128xf32, #tpu.memory_space<hbm>>) target(%dma_start3A_23 : memref<128x128xf32, #tpu.memory_space<vmem>>) offsets(%dma_start3A_25 : memref<128xi32, #tpu.memory_space<vmem>>) semaphore(%arg20 : memref<!tpu.dma_semaphore, #tpu.memory_space<semaphore_mem>>)
      %scan3A = arith.constant 0 : i32
      %scan3A_29 = arith.constant 0 : i32
      %scan3A_30 = arith.constant 3 : i32
      %scan3A_31 = arith.addi %scan3A_29, %scan3A_30 : i32
      %scan3A_32 = arith.constant 1 : i32
      %scan3A_33 = scf.for %scan3A_68 = %scan3A_29 to %scan3A_31 step %scan3A_32 iter_args(%scan3A_69 = %scan3A) -> (i32)  : i32 {
        %mul3A_70 = arith.constant 2 : i32
        %mul3A_71 = arith.muli %scan3A_68, %mul3A_70 : i32
        %add3A_72 = arith.constant 0 : i32
        %add3A_73 = arith.addi %mul3A_71, %add3A_72 : i32
        %add3A_74 = arith.constant 1 : i32
        %add3A_75 = arith.addi %add3A_73, %add3A_74 : i32
        %lt3A = arith.constant 6 : i32
        %lt3A_76 = arith.cmpi slt, %add3A_75, %lt3A : i32
        %convert_element_type3A_77 = arith.extui %lt3A_76 : i1 to i32
        %cond3A_78 = arith.constant 0 : i32
        %cond3A_79 = arith.cmpi ne, %convert_element_type3A_77, %cond3A_78 : i32
        scf.if %cond3A_79 {
          %add3A_120 = arith.constant 1 : i32
          %add3A_121 = arith.addi %add3A_73, %add3A_120 : i32
          %mul3A_122 = arith.constant 3328 : i32
          %mul3A_123 = arith.muli %add3A_121, %mul3A_122 : i32
          %add3A_124 = arith.addi %mul3A_19, %mul3A_123 : i32
          %dma_start3A_125 = tpu.memref_slice %arg6[%add3A_124] : memref<320000xi32, #tpu.memory_space<hbm>> -> memref<3328xi32, #tpu.memory_space<hbm>>
          %dma_start3A_126 = tpu.memref_slice %arg6[%add3A_124] : memref<320000xi32, #tpu.memory_space<hbm>> -> memref<3328xi32, #tpu.memory_space<hbm>>
          tpu.enqueue_dma source(%dma_start3A_126 : memref<3328xi32, #tpu.memory_space<hbm>>) target(%arg16 : memref<3328xi32, #tpu.memory_space<vmem>>) target_semaphore(%arg24 : memref<!tpu.dma_semaphore, #tpu.memory_space<semaphore_mem>>)
          %dma_start3A_127 = tpu.memref_slice %arg5[%add3A_124] : memref<320000xi32, #tpu.memory_space<hbm>> -> memref<3328xi32, #tpu.memory_space<hbm>>
          %dma_start3A_128 = tpu.memref_slice %arg5[%add3A_124] : memref<320000xi32, #tpu.memory_space<hbm>> -> memref<3328xi32, #tpu.memory_space<hbm>>
          tpu.enqueue_dma source(%dma_start3A_128 : memref<3328xi32, #tpu.memory_space<hbm>>) target(%arg18 : memref<3328xi32, #tpu.memory_space<vmem>>) target_semaphore(%arg25 : memref<!tpu.dma_semaphore, #tpu.memory_space<semaphore_mem>>)
        } else {
        }
        %scan3A_80 = arith.constant 0 : i32
        %scan3A_81 = arith.constant 0 : i32
        %scan3A_82 = arith.constant 13 : i32
        %scan3A_83 = arith.addi %scan3A_81, %scan3A_82 : i32
        %scan3A_84 = arith.constant 1 : i32
        %scan3A_85 = scf.for %scan3A_120 = %scan3A_81 to %scan3A_83 step %scan3A_84 iter_args(%scan3A_121 = %scan3A_80) -> (i32)  : i32 {
          %mul3A_122 = arith.constant 2 : i32
          %mul3A_123 = arith.muli %scan3A_120, %mul3A_122 : i32
          %add3A_124 = arith.constant 0 : i32
          %add3A_125 = arith.addi %mul3A_123, %add3A_124 : i32
          %gt3A = arith.constant 0 : i32
          %gt3A_126 = arith.cmpi sgt, %add3A_125, %gt3A : i32
          %gt3A_127 = arith.constant 0 : i32
          %gt3A_128 = arith.cmpi sgt, %add3A_73, %gt3A_127 : i32
          %or3A = arith.ori %gt3A_126, %gt3A_128 : i1
          %convert_element_type3A_129 = arith.extui %or3A : i1 to i32
          %cond3A_130 = arith.constant 0 : i32
          %cond3A_131 = arith.cmpi ne, %convert_element_type3A_129, %cond3A_130 : i32
          scf.if %cond3A_131 {
            %mul3A_206 = arith.constant 128 : i32
            %mul3A_207 = arith.muli %add3A_125, %mul3A_206 : i32
            %dma_wait3A_208 = arith.constant 1 : i32
            %dma_wait3A_209 = arith.constant 0 : i32
            %dma_wait3A_210 = arith.constant 0 : i32
            %dma_wait3A_211 = tpu.memref_slice %arg19[%dma_wait3A_208, %dma_wait3A_209, %dma_wait3A_210] : memref<2x128x128xf32, #tpu.memory_space<vmem>> -> memref<1x128x128xf32, #tpu.memory_space<vmem>>
            %dma_wait3A_212 = tpu.memref_squeeze %dma_wait3A_211 : memref<1x128x128xf32, #tpu.memory_space<vmem>> -> memref<128x128xf32, #tpu.memory_space<vmem>>
            %dma_wait3A_213 = tpu.memref_slice %arg17[%mul3A_207] : memref<3328xi32, #tpu.memory_space<vmem>> -> memref<128xi32, #tpu.memory_space<vmem>>
            %dma_wait3A_214 = arith.constant 0 : i32
            %dma_wait3A_215 = arith.constant 0 : i32
            %dma_wait3A_216 = tpu.memref_slice %arg14[%dma_wait3A_214, %dma_wait3A_215] : memref<10240x128xf32, #tpu.memory_space<vmem_shared>> -> memref<10240x128xf32, #tpu.memory_space<vmem_shared>>
            tpu.wait_indirect_dma semaphore(%arg23 : memref<!tpu.dma_semaphore, #tpu.memory_space<semaphore_mem>>) src(%dma_wait3A_212 : memref<128x128xf32, #tpu.memory_space<vmem>>) dst(%dma_wait3A_216 : memref<10240x128xf32, #tpu.memory_space<vmem_shared>>)
          } else {
          }
          %add3A_132 = arith.constant 1 : i32
          %add3A_133 = arith.addi %add3A_125, %add3A_132 : i32
          %lt3A_134 = arith.constant 26 : i32
          %lt3A_135 = arith.cmpi slt, %add3A_133, %lt3A_134 : i32
          %convert_element_type3A_136 = arith.extui %lt3A_135 : i1 to i32
          %cond3A_137 = arith.constant 0 : i32
          %cond3A_138 = arith.cmpi ne, %convert_element_type3A_136, %cond3A_137 : i32
          scf.if %cond3A_138 {
            %add3A_206 = arith.constant 1 : i32
            %add3A_207 = arith.addi %add3A_125, %add3A_206 : i32
            %mul3A_208 = arith.constant 128 : i32
            %mul3A_209 = arith.muli %add3A_207, %mul3A_208 : i32
            %dma_start3A_210 = arith.constant 1 : i32
            %dma_start3A_211 = arith.constant 0 : i32
            %dma_start3A_212 = arith.constant 0 : i32
            %dma_start3A_213 = tpu.memref_slice %arg19[%dma_start3A_210, %dma_start3A_211, %dma_start3A_212] : memref<2x128x128xf32, #tpu.memory_space<vmem>> -> memref<1x128x128xf32, #tpu.memory_space<vmem>>
            %dma_start3A_214 = tpu.memref_squeeze %dma_start3A_213 : memref<1x128x128xf32, #tpu.memory_space<vmem>> -> memref<128x128xf32, #tpu.memory_space<vmem>>
            %dma_start3A_215 = tpu.memref_slice %arg15[%mul3A_209] : memref<3328xi32, #tpu.memory_space<vmem>> -> memref<128xi32, #tpu.memory_space<vmem>>
            %dma_start3A_216 = arith.constant 0 : i32
            %dma_start3A_217 = arith.constant 0 : i32
            %dma_start3A_218 = tpu.memref_slice %arg2[%dma_start3A_216, %dma_start3A_217] : memref<10000x128xf32, #tpu.memory_space<hbm>> -> memref<10000x128xf32, #tpu.memory_space<hbm>>
            tpu.enqueue_indirect_dma source(%dma_start3A_218 : memref<10000x128xf32, #tpu.memory_space<hbm>>) target(%dma_start3A_214 : memref<128x128xf32, #tpu.memory_space<vmem>>) offsets(%dma_start3A_215 : memref<128xi32, #tpu.memory_space<vmem>>) semaphore(%arg21 : memref<!tpu.dma_semaphore, #tpu.memory_space<semaphore_mem>>)
          } else {
          }
          %mul3A_139 = arith.constant 128 : i32
          %mul3A_140 = arith.muli %add3A_125, %mul3A_139 : i32
          %dma_wait3A_141 = arith.constant 0 : i32
          %dma_wait3A_142 = arith.constant 0 : i32
          %dma_wait3A_143 = arith.constant 0 : i32
          %dma_wait3A_144 = tpu.memref_slice %arg19[%dma_wait3A_141, %dma_wait3A_142, %dma_wait3A_143] : memref<2x128x128xf32, #tpu.memory_space<vmem>> -> memref<1x128x128xf32, #tpu.memory_space<vmem>>
          %dma_wait3A_145 = tpu.memref_squeeze %dma_wait3A_144 : memref<1x128x128xf32, #tpu.memory_space<vmem>> -> memref<128x128xf32, #tpu.memory_space<vmem>>
          %dma_wait3A_146 = tpu.memref_slice %arg15[%mul3A_140] : memref<3328xi32, #tpu.memory_space<vmem>> -> memref<128xi32, #tpu.memory_space<vmem>>
          %dma_wait3A_147 = arith.constant 0 : i32
          %dma_wait3A_148 = arith.constant 0 : i32
          %dma_wait3A_149 = tpu.memref_slice %arg2[%dma_wait3A_147, %dma_wait3A_148] : memref<10000x128xf32, #tpu.memory_space<hbm>> -> memref<10000x128xf32, #tpu.memory_space<hbm>>
          tpu.wait_indirect_dma semaphore(%arg20 : memref<!tpu.dma_semaphore, #tpu.memory_space<semaphore_mem>>) src(%dma_wait3A_149 : memref<10000x128xf32, #tpu.memory_space<hbm>>) dst(%dma_wait3A_145 : memref<128x128xf32, #tpu.memory_space<vmem>>)
          %mul3A_150 = arith.constant 128 : i32
          %mul3A_151 = arith.muli %add3A_125, %mul3A_150 : i32
          %dma_start3A_152 = arith.constant 0 : i32
          %dma_start3A_153 = arith.constant 0 : i32
          %dma_start3A_154 = arith.constant 0 : i32
          %dma_start3A_155 = tpu.memref_slice %arg19[%dma_start3A_152, %dma_start3A_153, %dma_start3A_154] : memref<2x128x128xf32, #tpu.memory_space<vmem>> -> memref<1x128x128xf32, #tpu.memory_space<vmem>>
          %dma_start3A_156 = tpu.memref_squeeze %dma_start3A_155 : memref<1x128x128xf32, #tpu.memory_space<vmem>> -> memref<128x128xf32, #tpu.memory_space<vmem>>
          %dma_start3A_157 = tpu.memref_slice %arg17[%mul3A_151] : memref<3328xi32, #tpu.memory_space<vmem>> -> memref<128xi32, #tpu.memory_space<vmem>>
          %dma_start3A_158 = arith.constant 0 : i32
          %dma_start3A_159 = arith.constant 0 : i32
          %dma_start3A_160 = tpu.memref_slice %arg14[%dma_start3A_158, %dma_start3A_159] : memref<10240x128xf32, #tpu.memory_space<vmem_shared>> -> memref<10240x128xf32, #tpu.memory_space<vmem_shared>>
          tpu.enqueue_indirect_dma source(%dma_start3A_156 : memref<128x128xf32, #tpu.memory_space<vmem>>) target(%dma_start3A_160 : memref<10240x128xf32, #tpu.memory_space<vmem_shared>>) offsets(%dma_start3A_157 : memref<128xi32, #tpu.memory_space<vmem>>) semaphore(%arg22 : memref<!tpu.dma_semaphore, #tpu.memory_space<semaphore_mem>>) {add = true}
          %mul3A_161 = arith.constant 2 : i32
          %mul3A_162 = arith.muli %scan3A_120, %mul3A_161 : i32
          %add3A_163 = arith.constant 1 : i32
          %add3A_164 = arith.addi %mul3A_162, %add3A_163 : i32
          %mul3A_165 = arith.constant 128 : i32
          %mul3A_166 = arith.muli %add3A_164, %mul3A_165 : i32
          %dma_wait3A_167 = arith.constant 0 : i32
          %dma_wait3A_168 = arith.constant 0 : i32
          %dma_wait3A_169 = arith.constant 0 : i32
          %dma_wait3A_170 = tpu.memref_slice %arg19[%dma_wait3A_167, %dma_wait3A_168, %dma_wait3A_169] : memref<2x128x128xf32, #tpu.memory_space<vmem>> -> memref<1x128x128xf32, #tpu.memory_space<vmem>>
          %dma_wait3A_171 = tpu.memref_squeeze %dma_wait3A_170 : memref<1x128x128xf32, #tpu.memory_space<vmem>> -> memref<128x128xf32, #tpu.memory_space<vmem>>
          %dma_wait3A_172 = tpu.memref_slice %arg17[%mul3A_166] : memref<3328xi32, #tpu.memory_space<vmem>> -> memref<128xi32, #tpu.memory_space<vmem>>
          %dma_wait3A_173 = arith.constant 0 : i32
          %dma_wait3A_174 = arith.constant 0 : i32
          %dma_wait3A_175 = tpu.memref_slice %arg14[%dma_wait3A_173, %dma_wait3A_174] : memref<10240x128xf32, #tpu.memory_space<vmem_shared>> -> memref<10240x128xf32, #tpu.memory_space<vmem_shared>>
          tpu.wait_indirect_dma semaphore(%arg22 : memref<!tpu.dma_semaphore, #tpu.memory_space<semaphore_mem>>) src(%dma_wait3A_171 : memref<128x128xf32, #tpu.memory_space<vmem>>) dst(%dma_wait3A_175 : memref<10240x128xf32, #tpu.memory_space<vmem_shared>>)
          %add3A_176 = arith.constant 1 : i32
          %add3A_177 = arith.addi %add3A_164, %add3A_176 : i32
          %lt3A_178 = arith.constant 26 : i32
          %lt3A_179 = arith.cmpi slt, %add3A_177, %lt3A_178 : i32
          %convert_element_type3A_180 = arith.extui %lt3A_179 : i1 to i32
          %cond3A_181 = arith.constant 0 : i32
          %cond3A_182 = arith.cmpi ne, %convert_element_type3A_180, %cond3A_181 : i32
          scf.if %cond3A_182 {
            %add3A_206 = arith.constant 1 : i32
            %add3A_207 = arith.addi %add3A_164, %add3A_206 : i32
            %mul3A_208 = arith.constant 128 : i32
            %mul3A_209 = arith.muli %add3A_207, %mul3A_208 : i32
            %dma_start3A_210 = arith.constant 0 : i32
            %dma_start3A_211 = arith.constant 0 : i32
            %dma_start3A_212 = arith.constant 0 : i32
            %dma_start3A_213 = tpu.memref_slice %arg19[%dma_start3A_210, %dma_start3A_211, %dma_start3A_212] : memref<2x128x128xf32, #tpu.memory_space<vmem>> -> memref<1x128x128xf32, #tpu.memory_space<vmem>>
            %dma_start3A_214 = tpu.memref_squeeze %dma_start3A_213 : memref<1x128x128xf32, #tpu.memory_space<vmem>> -> memref<128x128xf32, #tpu.memory_space<vmem>>
            %dma_start3A_215 = tpu.memref_slice %arg15[%mul3A_209] : memref<3328xi32, #tpu.memory_space<vmem>> -> memref<128xi32, #tpu.memory_space<vmem>>
            %dma_start3A_216 = arith.constant 0 : i32
            %dma_start3A_217 = arith.constant 0 : i32
            %dma_start3A_218 = tpu.memref_slice %arg2[%dma_start3A_216, %dma_start3A_217] : memref<10000x128xf32, #tpu.memory_space<hbm>> -> memref<10000x128xf32, #tpu.memory_space<hbm>>
            tpu.enqueue_indirect_dma source(%dma_start3A_218 : memref<10000x128xf32, #tpu.memory_space<hbm>>) target(%dma_start3A_214 : memref<128x128xf32, #tpu.memory_space<vmem>>) offsets(%dma_start3A_215 : memref<128xi32, #tpu.memory_space<vmem>>) semaphore(%arg20 : memref<!tpu.dma_semaphore, #tpu.memory_space<semaphore_mem>>)
          } else {
          }
          %mul3A_183 = arith.constant 128 : i32
          %mul3A_184 = arith.muli %add3A_164, %mul3A_183 : i32
          %dma_wait3A_185 = arith.constant 1 : i32
          %dma_wait3A_186 = arith.constant 0 : i32
          %dma_wait3A_187 = arith.constant 0 : i32
          %dma_wait3A_188 = tpu.memref_slice %arg19[%dma_wait3A_185, %dma_wait3A_186, %dma_wait3A_187] : memref<2x128x128xf32, #tpu.memory_space<vmem>> -> memref<1x128x128xf32, #tpu.memory_space<vmem>>
          %dma_wait3A_189 = tpu.memref_squeeze %dma_wait3A_188 : memref<1x128x128xf32, #tpu.memory_space<vmem>> -> memref<128x128xf32, #tpu.memory_space<vmem>>
          %dma_wait3A_190 = tpu.memref_slice %arg15[%mul3A_184] : memref<3328xi32, #tpu.memory_space<vmem>> -> memref<128xi32, #tpu.memory_space<vmem>>
          %dma_wait3A_191 = arith.constant 0 : i32
          %dma_wait3A_192 = arith.constant 0 : i32
          %dma_wait3A_193 = tpu.memref_slice %arg2[%dma_wait3A_191, %dma_wait3A_192] : memref<10000x128xf32, #tpu.memory_space<hbm>> -> memref<10000x128xf32, #tpu.memory_space<hbm>>
          tpu.wait_indirect_dma semaphore(%arg21 : memref<!tpu.dma_semaphore, #tpu.memory_space<semaphore_mem>>) src(%dma_wait3A_193 : memref<10000x128xf32, #tpu.memory_space<hbm>>) dst(%dma_wait3A_189 : memref<128x128xf32, #tpu.memory_space<vmem>>)
          %mul3A_194 = arith.constant 128 : i32
          %mul3A_195 = arith.muli %add3A_164, %mul3A_194 : i32
          %dma_start3A_196 = arith.constant 1 : i32
          %dma_start3A_197 = arith.constant 0 : i32
          %dma_start3A_198 = arith.constant 0 : i32
          %dma_start3A_199 = tpu.memref_slice %arg19[%dma_start3A_196, %dma_start3A_197, %dma_start3A_198] : memref<2x128x128xf32, #tpu.memory_space<vmem>> -> memref<1x128x128xf32, #tpu.memory_space<vmem>>
          %dma_start3A_200 = tpu.memref_squeeze %dma_start3A_199 : memref<1x128x128xf32, #tpu.memory_space<vmem>> -> memref<128x128xf32, #tpu.memory_space<vmem>>
          %dma_start3A_201 = tpu.memref_slice %arg17[%mul3A_195] : memref<3328xi32, #tpu.memory_space<vmem>> -> memref<128xi32, #tpu.memory_space<vmem>>
          %dma_start3A_202 = arith.constant 0 : i32
          %dma_start3A_203 = arith.constant 0 : i32
          %dma_start3A_204 = tpu.memref_slice %arg14[%dma_start3A_202, %dma_start3A_203] : memref<10240x128xf32, #tpu.memory_space<vmem_shared>> -> memref<10240x128xf32, #tpu.memory_space<vmem_shared>>
          tpu.enqueue_indirect_dma source(%dma_start3A_200 : memref<128x128xf32, #tpu.memory_space<vmem>>) target(%dma_start3A_204 : memref<10240x128xf32, #tpu.memory_space<vmem_shared>>) offsets(%dma_start3A_201 : memref<128xi32, #tpu.memory_space<vmem>>) semaphore(%arg23 : memref<!tpu.dma_semaphore, #tpu.memory_space<semaphore_mem>>) {add = true}
          %scan3A_205 = arith.constant 0 : i32
          scf.yield %scan3A_205 : i32
        }
        %scan3A_86 = arith.constant 13 : i32
        %add3A_87 = arith.constant 1 : i32
        %add3A_88 = arith.addi %add3A_73, %add3A_87 : i32
        %lt3A_89 = arith.constant 6 : i32
        %lt3A_90 = arith.cmpi slt, %add3A_88, %lt3A_89 : i32
        %convert_element_type3A_91 = arith.extui %lt3A_90 : i1 to i32
        %cond3A_92 = arith.constant 0 : i32
        %cond3A_93 = arith.cmpi ne, %convert_element_type3A_91, %cond3A_92 : i32
        scf.if %cond3A_93 {
          %add3A_120 = arith.constant 1 : i32
          %add3A_121 = arith.addi %add3A_73, %add3A_120 : i32
          %mul3A_122 = arith.constant 3328 : i32
          %mul3A_123 = arith.muli %add3A_121, %mul3A_122 : i32
          %add3A_124 = arith.addi %mul3A_19, %mul3A_123 : i32
          %dma_wait3A_125 = tpu.memref_slice %arg6[%add3A_124] : memref<320000xi32, #tpu.memory_space<hbm>> -> memref<3328xi32, #tpu.memory_space<hbm>>
          %dma_wait3A_126 = tpu.memref_slice %arg6[%add3A_124] : memref<320000xi32, #tpu.memory_space<hbm>> -> memref<3328xi32, #tpu.memory_space<hbm>>
          tpu.wait_dma2 semaphore(%arg24 : memref<!tpu.dma_semaphore, #tpu.memory_space<semaphore_mem>>) src(%dma_wait3A_126 : memref<3328xi32, #tpu.memory_space<hbm>>) dst(%arg16 : memref<3328xi32, #tpu.memory_space<vmem>>)
          %dma_wait3A_127 = tpu.memref_slice %arg5[%add3A_124] : memref<320000xi32, #tpu.memory_space<hbm>> -> memref<3328xi32, #tpu.memory_space<hbm>>
          %dma_wait3A_128 = tpu.memref_slice %arg5[%add3A_124] : memref<320000xi32, #tpu.memory_space<hbm>> -> memref<3328xi32, #tpu.memory_space<hbm>>
          tpu.wait_dma2 semaphore(%arg25 : memref<!tpu.dma_semaphore, #tpu.memory_space<semaphore_mem>>) src(%dma_wait3A_128 : memref<3328xi32, #tpu.memory_space<hbm>>) dst(%arg18 : memref<3328xi32, #tpu.memory_space<vmem>>)
          %dma_start3A_129 = arith.constant 0 : i32
          %dma_start3A_130 = arith.constant 0 : i32
          %dma_start3A_131 = arith.constant 0 : i32
          %dma_start3A_132 = tpu.memref_slice %arg19[%dma_start3A_129, %dma_start3A_130, %dma_start3A_131] : memref<2x128x128xf32, #tpu.memory_space<vmem>> -> memref<1x128x128xf32, #tpu.memory_space<vmem>>
          %dma_start3A_133 = tpu.memref_squeeze %dma_start3A_132 : memref<1x128x128xf32, #tpu.memory_space<vmem>> -> memref<128x128xf32, #tpu.memory_space<vmem>>
          %dma_start3A_134 = arith.constant 0 : i32
          %dma_start3A_135 = tpu.memref_slice %arg16[%dma_start3A_134] : memref<3328xi32, #tpu.memory_space<vmem>> -> memref<128xi32, #tpu.memory_space<vmem>>
          %dma_start3A_136 = arith.constant 0 : i32
          %dma_start3A_137 = arith.constant 0 : i32
          %dma_start3A_138 = tpu.memref_slice %arg2[%dma_start3A_136, %dma_start3A_137] : memref<10000x128xf32, #tpu.memory_space<hbm>> -> memref<10000x128xf32, #tpu.memory_space<hbm>>
          tpu.enqueue_indirect_dma source(%dma_start3A_138 : memref<10000x128xf32, #tpu.memory_space<hbm>>) target(%dma_start3A_133 : memref<128x128xf32, #tpu.memory_space<vmem>>) offsets(%dma_start3A_135 : memref<128xi32, #tpu.memory_space<vmem>>) semaphore(%arg20 : memref<!tpu.dma_semaphore, #tpu.memory_space<semaphore_mem>>)
        } else {
        }
        %mul3A_94 = arith.constant 2 : i32
        %mul3A_95 = arith.muli %scan3A_68, %mul3A_94 : i32
        %add3A_96 = arith.constant 1 : i32
        %add3A_97 = arith.addi %mul3A_95, %add3A_96 : i32
        %add3A_98 = arith.constant 1 : i32
        %add3A_99 = arith.addi %add3A_97, %add3A_98 : i32
        %lt3A_100 = arith.constant 6 : i32
        %lt3A_101 = arith.cmpi slt, %add3A_99, %lt3A_100 : i32
        %convert_element_type3A_102 = arith.extui %lt3A_101 : i1 to i32
        %cond3A_103 = arith.constant 0 : i32
        %cond3A_104 = arith.cmpi ne, %convert_element_type3A_102, %cond3A_103 : i32
        scf.if %cond3A_104 {
          %add3A_120 = arith.constant 1 : i32
          %add3A_121 = arith.addi %add3A_97, %add3A_120 : i32
          %mul3A_122 = arith.constant 3328 : i32
          %mul3A_123 = arith.muli %add3A_121, %mul3A_122 : i32
          %add3A_124 = arith.addi %mul3A_19, %mul3A_123 : i32
          %dma_start3A_125 = tpu.memref_slice %arg6[%add3A_124] : memref<320000xi32, #tpu.memory_space<hbm>> -> memref<3328xi32, #tpu.memory_space<hbm>>
          %dma_start3A_126 = tpu.memref_slice %arg6[%add3A_124] : memref<320000xi32, #tpu.memory_space<hbm>> -> memref<3328xi32, #tpu.memory_space<hbm>>
          tpu.enqueue_dma source(%dma_start3A_126 : memref<3328xi32, #tpu.memory_space<hbm>>) target(%arg15 : memref<3328xi32, #tpu.memory_space<vmem>>) target_semaphore(%arg24 : memref<!tpu.dma_semaphore, #tpu.memory_space<semaphore_mem>>)
          %dma_start3A_127 = tpu.memref_slice %arg5[%add3A_124] : memref<320000xi32, #tpu.memory_space<hbm>> -> memref<3328xi32, #tpu.memory_space<hbm>>
          %dma_start3A_128 = tpu.memref_slice %arg5[%add3A_124] : memref<320000xi32, #tpu.memory_space<hbm>> -> memref<3328xi32, #tpu.memory_space<hbm>>
          tpu.enqueue_dma source(%dma_start3A_128 : memref<3328xi32, #tpu.memory_space<hbm>>) target(%arg17 : memref<3328xi32, #tpu.memory_space<vmem>>) target_semaphore(%arg25 : memref<!tpu.dma_semaphore, #tpu.memory_space<semaphore_mem>>)
        } else {
        }
        %scan3A_105 = arith.constant 0 : i32
        %scan3A_106 = arith.constant 0 : i32
        %scan3A_107 = arith.constant 13 : i32
        %scan3A_108 = arith.addi %scan3A_106, %scan3A_107 : i32
        %scan3A_109 = arith.constant 1 : i32
        %scan3A_110 = scf.for %scan3A_120 = %scan3A_106 to %scan3A_108 step %scan3A_109 iter_args(%scan3A_121 = %scan3A_105) -> (i32)  : i32 {
          %mul3A_122 = arith.constant 2 : i32
          %mul3A_123 = arith.muli %scan3A_120, %mul3A_122 : i32
          %add3A_124 = arith.constant 0 : i32
          %add3A_125 = arith.addi %mul3A_123, %add3A_124 : i32
          %gt3A = arith.constant 0 : i32
          %gt3A_126 = arith.cmpi sgt, %add3A_125, %gt3A : i32
          %gt3A_127 = arith.constant 0 : i32
          %gt3A_128 = arith.cmpi sgt, %add3A_97, %gt3A_127 : i32
          %or3A = arith.ori %gt3A_126, %gt3A_128 : i1
          %convert_element_type3A_129 = arith.extui %or3A : i1 to i32
          %cond3A_130 = arith.constant 0 : i32
          %cond3A_131 = arith.cmpi ne, %convert_element_type3A_129, %cond3A_130 : i32
          scf.if %cond3A_131 {
            %mul3A_206 = arith.constant 128 : i32
            %mul3A_207 = arith.muli %add3A_125, %mul3A_206 : i32
            %dma_wait3A_208 = arith.constant 1 : i32
            %dma_wait3A_209 = arith.constant 0 : i32
            %dma_wait3A_210 = arith.constant 0 : i32
            %dma_wait3A_211 = tpu.memref_slice %arg19[%dma_wait3A_208, %dma_wait3A_209, %dma_wait3A_210] : memref<2x128x128xf32, #tpu.memory_space<vmem>> -> memref<1x128x128xf32, #tpu.memory_space<vmem>>
            %dma_wait3A_212 = tpu.memref_squeeze %dma_wait3A_211 : memref<1x128x128xf32, #tpu.memory_space<vmem>> -> memref<128x128xf32, #tpu.memory_space<vmem>>
            %dma_wait3A_213 = tpu.memref_slice %arg18[%mul3A_207] : memref<3328xi32, #tpu.memory_space<vmem>> -> memref<128xi32, #tpu.memory_space<vmem>>
            %dma_wait3A_214 = arith.constant 0 : i32
            %dma_wait3A_215 = arith.constant 0 : i32
            %dma_wait3A_216 = tpu.memref_slice %arg14[%dma_wait3A_214, %dma_wait3A_215] : memref<10240x128xf32, #tpu.memory_space<vmem_shared>> -> memref<10240x128xf32, #tpu.memory_space<vmem_shared>>
            tpu.wait_indirect_dma semaphore(%arg23 : memref<!tpu.dma_semaphore, #tpu.memory_space<semaphore_mem>>) src(%dma_wait3A_212 : memref<128x128xf32, #tpu.memory_space<vmem>>) dst(%dma_wait3A_216 : memref<10240x128xf32, #tpu.memory_space<vmem_shared>>)
          } else {
          }
          %add3A_132 = arith.constant 1 : i32
          %add3A_133 = arith.addi %add3A_125, %add3A_132 : i32
          %lt3A_134 = arith.constant 26 : i32
          %lt3A_135 = arith.cmpi slt, %add3A_133, %lt3A_134 : i32
          %convert_element_type3A_136 = arith.extui %lt3A_135 : i1 to i32
          %cond3A_137 = arith.constant 0 : i32
          %cond3A_138 = arith.cmpi ne, %convert_element_type3A_136, %cond3A_137 : i32
          scf.if %cond3A_138 {
            %add3A_206 = arith.constant 1 : i32
            %add3A_207 = arith.addi %add3A_125, %add3A_206 : i32
            %mul3A_208 = arith.constant 128 : i32
            %mul3A_209 = arith.muli %add3A_207, %mul3A_208 : i32
            %dma_start3A_210 = arith.constant 1 : i32
            %dma_start3A_211 = arith.constant 0 : i32
            %dma_start3A_212 = arith.constant 0 : i32
            %dma_start3A_213 = tpu.memref_slice %arg19[%dma_start3A_210, %dma_start3A_211, %dma_start3A_212] : memref<2x128x128xf32, #tpu.memory_space<vmem>> -> memref<1x128x128xf32, #tpu.memory_space<vmem>>
            %dma_start3A_214 = tpu.memref_squeeze %dma_start3A_213 : memref<1x128x128xf32, #tpu.memory_space<vmem>> -> memref<128x128xf32, #tpu.memory_space<vmem>>
            %dma_start3A_215 = tpu.memref_slice %arg16[%mul3A_209] : memref<3328xi32, #tpu.memory_space<vmem>> -> memref<128xi32, #tpu.memory_space<vmem>>
            %dma_start3A_216 = arith.constant 0 : i32
            %dma_start3A_217 = arith.constant 0 : i32
            %dma_start3A_218 = tpu.memref_slice %arg2[%dma_start3A_216, %dma_start3A_217] : memref<10000x128xf32, #tpu.memory_space<hbm>> -> memref<10000x128xf32, #tpu.memory_space<hbm>>
            tpu.enqueue_indirect_dma source(%dma_start3A_218 : memref<10000x128xf32, #tpu.memory_space<hbm>>) target(%dma_start3A_214 : memref<128x128xf32, #tpu.memory_space<vmem>>) offsets(%dma_start3A_215 : memref<128xi32, #tpu.memory_space<vmem>>) semaphore(%arg21 : memref<!tpu.dma_semaphore, #tpu.memory_space<semaphore_mem>>)
          } else {
          }
          %mul3A_139 = arith.constant 128 : i32
          %mul3A_140 = arith.muli %add3A_125, %mul3A_139 : i32
          %dma_wait3A_141 = arith.constant 0 : i32
          %dma_wait3A_142 = arith.constant 0 : i32
          %dma_wait3A_143 = arith.constant 0 : i32
          %dma_wait3A_144 = tpu.memref_slice %arg19[%dma_wait3A_141, %dma_wait3A_142, %dma_wait3A_143] : memref<2x128x128xf32, #tpu.memory_space<vmem>> -> memref<1x128x128xf32, #tpu.memory_space<vmem>>
          %dma_wait3A_145 = tpu.memref_squeeze %dma_wait3A_144 : memref<1x128x128xf32, #tpu.memory_space<vmem>> -> memref<128x128xf32, #tpu.memory_space<vmem>>
          %dma_wait3A_146 = tpu.memref_slice %arg16[%mul3A_140] : memref<3328xi32, #tpu.memory_space<vmem>> -> memref<128xi32, #tpu.memory_space<vmem>>
          %dma_wait3A_147 = arith.constant 0 : i32
          %dma_wait3A_148 = arith.constant 0 : i32
          %dma_wait3A_149 = tpu.memref_slice %arg2[%dma_wait3A_147, %dma_wait3A_148] : memref<10000x128xf32, #tpu.memory_space<hbm>> -> memref<10000x128xf32, #tpu.memory_space<hbm>>
          tpu.wait_indirect_dma semaphore(%arg20 : memref<!tpu.dma_semaphore, #tpu.memory_space<semaphore_mem>>) src(%dma_wait3A_149 : memref<10000x128xf32, #tpu.memory_space<hbm>>) dst(%dma_wait3A_145 : memref<128x128xf32, #tpu.memory_space<vmem>>)
          %mul3A_150 = arith.constant 128 : i32
          %mul3A_151 = arith.muli %add3A_125, %mul3A_150 : i32
          %dma_start3A_152 = arith.constant 0 : i32
          %dma_start3A_153 = arith.constant 0 : i32
          %dma_start3A_154 = arith.constant 0 : i32
          %dma_start3A_155 = tpu.memref_slice %arg19[%dma_start3A_152, %dma_start3A_153, %dma_start3A_154] : memref<2x128x128xf32, #tpu.memory_space<vmem>> -> memref<1x128x128xf32, #tpu.memory_space<vmem>>
          %dma_start3A_156 = tpu.memref_squeeze %dma_start3A_155 : memref<1x128x128xf32, #tpu.memory_space<vmem>> -> memref<128x128xf32, #tpu.memory_space<vmem>>
          %dma_start3A_157 = tpu.memref_slice %arg18[%mul3A_151] : memref<3328xi32, #tpu.memory_space<vmem>> -> memref<128xi32, #tpu.memory_space<vmem>>
          %dma_start3A_158 = arith.constant 0 : i32
          %dma_start3A_159 = arith.constant 0 : i32
          %dma_start3A_160 = tpu.memref_slice %arg14[%dma_start3A_158, %dma_start3A_159] : memref<10240x128xf32, #tpu.memory_space<vmem_shared>> -> memref<10240x128xf32, #tpu.memory_space<vmem_shared>>
          tpu.enqueue_indirect_dma source(%dma_start3A_156 : memref<128x128xf32, #tpu.memory_space<vmem>>) target(%dma_start3A_160 : memref<10240x128xf32, #tpu.memory_space<vmem_shared>>) offsets(%dma_start3A_157 : memref<128xi32, #tpu.memory_space<vmem>>) semaphore(%arg22 : memref<!tpu.dma_semaphore, #tpu.memory_space<semaphore_mem>>) {add = true}
          %mul3A_161 = arith.constant 2 : i32
          %mul3A_162 = arith.muli %scan3A_120, %mul3A_161 : i32
          %add3A_163 = arith.constant 1 : i32
          %add3A_164 = arith.addi %mul3A_162, %add3A_163 : i32
          %mul3A_165 = arith.constant 128 : i32
          %mul3A_166 = arith.muli %add3A_164, %mul3A_165 : i32
          %dma_wait3A_167 = arith.constant 0 : i32
          %dma_wait3A_168 = arith.constant 0 : i32
          %dma_wait3A_169 = arith.constant 0 : i32
          %dma_wait3A_170 = tpu.memref_slice %arg19[%dma_wait3A_167, %dma_wait3A_168, %dma_wait3A_169] : memref<2x128x128xf32, #tpu.memory_space<vmem>> -> memref<1x128x128xf32, #tpu.memory_space<vmem>>
          %dma_wait3A_171 = tpu.memref_squeeze %dma_wait3A_170 : memref<1x128x128xf32, #tpu.memory_space<vmem>> -> memref<128x128xf32, #tpu.memory_space<vmem>>
          %dma_wait3A_172 = tpu.memref_slice %arg18[%mul3A_166] : memref<3328xi32, #tpu.memory_space<vmem>> -> memref<128xi32, #tpu.memory_space<vmem>>
          %dma_wait3A_173 = arith.constant 0 : i32
          %dma_wait3A_174 = arith.constant 0 : i32
          %dma_wait3A_175 = tpu.memref_slice %arg14[%dma_wait3A_173, %dma_wait3A_174] : memref<10240x128xf32, #tpu.memory_space<vmem_shared>> -> memref<10240x128xf32, #tpu.memory_space<vmem_shared>>
          tpu.wait_indirect_dma semaphore(%arg22 : memref<!tpu.dma_semaphore, #tpu.memory_space<semaphore_mem>>) src(%dma_wait3A_171 : memref<128x128xf32, #tpu.memory_space<vmem>>) dst(%dma_wait3A_175 : memref<10240x128xf32, #tpu.memory_space<vmem_shared>>)
          %add3A_176 = arith.constant 1 : i32
          %add3A_177 = arith.addi %add3A_164, %add3A_176 : i32
          %lt3A_178 = arith.constant 26 : i32
          %lt3A_179 = arith.cmpi slt, %add3A_177, %lt3A_178 : i32
          %convert_element_type3A_180 = arith.extui %lt3A_179 : i1 to i32
          %cond3A_181 = arith.constant 0 : i32
          %cond3A_182 = arith.cmpi ne, %convert_element_type3A_180, %cond3A_181 : i32
          scf.if %cond3A_182 {
            %add3A_206 = arith.constant 1 : i32
            %add3A_207 = arith.addi %add3A_164, %add3A_206 : i32
            %mul3A_208 = arith.constant 128 : i32
            %mul3A_209 = arith.muli %add3A_207, %mul3A_208 : i32
            %dma_start3A_210 = arith.constant 0 : i32
            %dma_start3A_211 = arith.constant 0 : i32
            %dma_start3A_212 = arith.constant 0 : i32
            %dma_start3A_213 = tpu.memref_slice %arg19[%dma_start3A_210, %dma_start3A_211, %dma_start3A_212] : memref<2x128x128xf32, #tpu.memory_space<vmem>> -> memref<1x128x128xf32, #tpu.memory_space<vmem>>
            %dma_start3A_214 = tpu.memref_squeeze %dma_start3A_213 : memref<1x128x128xf32, #tpu.memory_space<vmem>> -> memref<128x128xf32, #tpu.memory_space<vmem>>
            %dma_start3A_215 = tpu.memref_slice %arg16[%mul3A_209] : memref<3328xi32, #tpu.memory_space<vmem>> -> memref<128xi32, #tpu.memory_space<vmem>>
            %dma_start3A_216 = arith.constant 0 : i32
            %dma_start3A_217 = arith.constant 0 : i32
            %dma_start3A_218 = tpu.memref_slice %arg2[%dma_start3A_216, %dma_start3A_217] : memref<10000x128xf32, #tpu.memory_space<hbm>> -> memref<10000x128xf32, #tpu.memory_space<hbm>>
            tpu.enqueue_indirect_dma source(%dma_start3A_218 : memref<10000x128xf32, #tpu.memory_space<hbm>>) target(%dma_start3A_214 : memref<128x128xf32, #tpu.memory_space<vmem>>) offsets(%dma_start3A_215 : memref<128xi32, #tpu.memory_space<vmem>>) semaphore(%arg20 : memref<!tpu.dma_semaphore, #tpu.memory_space<semaphore_mem>>)
          } else {
          }
          %mul3A_183 = arith.constant 128 : i32
          %mul3A_184 = arith.muli %add3A_164, %mul3A_183 : i32
          %dma_wait3A_185 = arith.constant 1 : i32
          %dma_wait3A_186 = arith.constant 0 : i32
          %dma_wait3A_187 = arith.constant 0 : i32
          %dma_wait3A_188 = tpu.memref_slice %arg19[%dma_wait3A_185, %dma_wait3A_186, %dma_wait3A_187] : memref<2x128x128xf32, #tpu.memory_space<vmem>> -> memref<1x128x128xf32, #tpu.memory_space<vmem>>
          %dma_wait3A_189 = tpu.memref_squeeze %dma_wait3A_188 : memref<1x128x128xf32, #tpu.memory_space<vmem>> -> memref<128x128xf32, #tpu.memory_space<vmem>>
          %dma_wait3A_190 = tpu.memref_slice %arg16[%mul3A_184] : memref<3328xi32, #tpu.memory_space<vmem>> -> memref<128xi32, #tpu.memory_space<vmem>>
          %dma_wait3A_191 = arith.constant 0 : i32
          %dma_wait3A_192 = arith.constant 0 : i32
          %dma_wait3A_193 = tpu.memref_slice %arg2[%dma_wait3A_191, %dma_wait3A_192] : memref<10000x128xf32, #tpu.memory_space<hbm>> -> memref<10000x128xf32, #tpu.memory_space<hbm>>
          tpu.wait_indirect_dma semaphore(%arg21 : memref<!tpu.dma_semaphore, #tpu.memory_space<semaphore_mem>>) src(%dma_wait3A_193 : memref<10000x128xf32, #tpu.memory_space<hbm>>) dst(%dma_wait3A_189 : memref<128x128xf32, #tpu.memory_space<vmem>>)
          %mul3A_194 = arith.constant 128 : i32
          %mul3A_195 = arith.muli %add3A_164, %mul3A_194 : i32
          %dma_start3A_196 = arith.constant 1 : i32
          %dma_start3A_197 = arith.constant 0 : i32
          %dma_start3A_198 = arith.constant 0 : i32
          %dma_start3A_199 = tpu.memref_slice %arg19[%dma_start3A_196, %dma_start3A_197, %dma_start3A_198] : memref<2x128x128xf32, #tpu.memory_space<vmem>> -> memref<1x128x128xf32, #tpu.memory_space<vmem>>
          %dma_start3A_200 = tpu.memref_squeeze %dma_start3A_199 : memref<1x128x128xf32, #tpu.memory_space<vmem>> -> memref<128x128xf32, #tpu.memory_space<vmem>>
          %dma_start3A_201 = tpu.memref_slice %arg18[%mul3A_195] : memref<3328xi32, #tpu.memory_space<vmem>> -> memref<128xi32, #tpu.memory_space<vmem>>
          %dma_start3A_202 = arith.constant 0 : i32
          %dma_start3A_203 = arith.constant 0 : i32
          %dma_start3A_204 = tpu.memref_slice %arg14[%dma_start3A_202, %dma_start3A_203] : memref<10240x128xf32, #tpu.memory_space<vmem_shared>> -> memref<10240x128xf32, #tpu.memory_space<vmem_shared>>
          tpu.enqueue_indirect_dma source(%dma_start3A_200 : memref<128x128xf32, #tpu.memory_space<vmem>>) target(%dma_start3A_204 : memref<10240x128xf32, #tpu.memory_space<vmem_shared>>) offsets(%dma_start3A_201 : memref<128xi32, #tpu.memory_space<vmem>>) semaphore(%arg23 : memref<!tpu.dma_semaphore, #tpu.memory_space<semaphore_mem>>) {add = true}
          %scan3A_205 = arith.constant 0 : i32
          scf.yield %scan3A_205 : i32
        }
        %scan3A_111 = arith.constant 13 : i32
        %add3A_112 = arith.constant 1 : i32
        %add3A_113 = arith.addi %add3A_97, %add3A_112 : i32
        %lt3A_114 = arith.constant 6 : i32
        %lt3A_115 = arith.cmpi slt, %add3A_113, %lt3A_114 : i32
        %convert_element_type3A_116 = arith.extui %lt3A_115 : i1 to i32
        %cond3A_117 = arith.constant 0 : i32
        %cond3A_118 = arith.cmpi ne, %convert_element_type3A_116, %cond3A_117 : i32
        scf.if %cond3A_118 {
          %add3A_120 = arith.constant 1 : i32
          %add3A_121 = arith.addi %add3A_97, %add3A_120 : i32
          %mul3A_122 = arith.constant 3328 : i32
          %mul3A_123 = arith.muli %add3A_121, %mul3A_122 : i32
          %add3A_124 = arith.addi %mul3A_19, %mul3A_123 : i32
          %dma_wait3A_125 = tpu.memref_slice %arg6[%add3A_124] : memref<320000xi32, #tpu.memory_space<hbm>> -> memref<3328xi32, #tpu.memory_space<hbm>>
          %dma_wait3A_126 = tpu.memref_slice %arg6[%add3A_124] : memref<320000xi32, #tpu.memory_space<hbm>> -> memref<3328xi32, #tpu.memory_space<hbm>>
          tpu.wait_dma2 semaphore(%arg24 : memref<!tpu.dma_semaphore, #tpu.memory_space<semaphore_mem>>) src(%dma_wait3A_126 : memref<3328xi32, #tpu.memory_space<hbm>>) dst(%arg15 : memref<3328xi32, #tpu.memory_space<vmem>>)
          %dma_wait3A_127 = tpu.memref_slice %arg5[%add3A_124] : memref<320000xi32, #tpu.memory_space<hbm>> -> memref<3328xi32, #tpu.memory_space<hbm>>
          %dma_wait3A_128 = tpu.memref_slice %arg5[%add3A_124] : memref<320000xi32, #tpu.memory_space<hbm>> -> memref<3328xi32, #tpu.memory_space<hbm>>
          tpu.wait_dma2 semaphore(%arg25 : memref<!tpu.dma_semaphore, #tpu.memory_space<semaphore_mem>>) src(%dma_wait3A_128 : memref<3328xi32, #tpu.memory_space<hbm>>) dst(%arg17 : memref<3328xi32, #tpu.memory_space<vmem>>)
          %dma_start3A_129 = arith.constant 0 : i32
          %dma_start3A_130 = arith.constant 0 : i32
          %dma_start3A_131 = arith.constant 0 : i32
          %dma_start3A_132 = tpu.memref_slice %arg19[%dma_start3A_129, %dma_start3A_130, %dma_start3A_131] : memref<2x128x128xf32, #tpu.memory_space<vmem>> -> memref<1x128x128xf32, #tpu.memory_space<vmem>>
          %dma_start3A_133 = tpu.memref_squeeze %dma_start3A_132 : memref<1x128x128xf32, #tpu.memory_space<vmem>> -> memref<128x128xf32, #tpu.memory_space<vmem>>
          %dma_start3A_134 = arith.constant 0 : i32
          %dma_start3A_135 = tpu.memref_slice %arg15[%dma_start3A_134] : memref<3328xi32, #tpu.memory_space<vmem>> -> memref<128xi32, #tpu.memory_space<vmem>>
          %dma_start3A_136 = arith.constant 0 : i32
          %dma_start3A_137 = arith.constant 0 : i32
          %dma_start3A_138 = tpu.memref_slice %arg2[%dma_start3A_136, %dma_start3A_137] : memref<10000x128xf32, #tpu.memory_space<hbm>> -> memref<10000x128xf32, #tpu.memory_space<hbm>>
          tpu.enqueue_indirect_dma source(%dma_start3A_138 : memref<10000x128xf32, #tpu.memory_space<hbm>>) target(%dma_start3A_133 : memref<128x128xf32, #tpu.memory_space<vmem>>) offsets(%dma_start3A_135 : memref<128xi32, #tpu.memory_space<vmem>>) semaphore(%arg20 : memref<!tpu.dma_semaphore, #tpu.memory_space<semaphore_mem>>)
        } else {
        }
        %scan3A_119 = arith.constant 0 : i32
        scf.yield %scan3A_119 : i32
      }
      %scan3A_34 = arith.constant 3 : i32
      %dma_wait3A = arith.constant 1 : i32
      %dma_wait3A_35 = arith.constant 0 : i32
      %dma_wait3A_36 = arith.constant 0 : i32
      %dma_wait3A_37 = tpu.memref_slice %arg19[%dma_wait3A, %dma_wait3A_35, %dma_wait3A_36] : memref<2x128x128xf32, #tpu.memory_space<vmem>> -> memref<1x128x128xf32, #tpu.memory_space<vmem>>
      %dma_wait3A_38 = tpu.memref_squeeze %dma_wait3A_37 : memref<1x128x128xf32, #tpu.memory_space<vmem>> -> memref<128x128xf32, #tpu.memory_space<vmem>>
      %dma_wait3A_39 = arith.constant 3200 : i32
      %dma_wait3A_40 = tpu.memref_slice %arg18[%dma_wait3A_39] : memref<3328xi32, #tpu.memory_space<vmem>> -> memref<128xi32, #tpu.memory_space<vmem>>
      %dma_wait3A_41 = arith.constant 0 : i32
      %dma_wait3A_42 = arith.constant 0 : i32
      %dma_wait3A_43 = tpu.memref_slice %arg14[%dma_wait3A_41, %dma_wait3A_42] : memref<10240x128xf32, #tpu.memory_space<vmem_shared>> -> memref<10240x128xf32, #tpu.memory_space<vmem_shared>>
      tpu.wait_indirect_dma semaphore(%arg23 : memref<!tpu.dma_semaphore, #tpu.memory_space<semaphore_mem>>) src(%dma_wait3A_38 : memref<128x128xf32, #tpu.memory_space<vmem>>) dst(%dma_wait3A_43 : memref<10240x128xf32, #tpu.memory_space<vmem_shared>>)
      %add3A = arith.constant 19968 : i32
      %add3A_44 = arith.addi %mul3A_19, %add3A : i32
      "tpu.region"() ({
        %run_scoped3A_68 = tpu.sem_alloc : memref<!tpu.dma_semaphore, #tpu.memory_space<semaphore_mem>>
        %dma_start3A_69 = arith.constant 0 : i32
        %dma_start3A_70 = tpu.memref_slice %arg15[%dma_start3A_69] : memref<3328xi32, #tpu.memory_space<vmem>> -> memref<32xi32, #tpu.memory_space<vmem>>
        %dma_start3A_71 = tpu.memref_slice %arg6[%add3A_44] : memref<320000xi32, #tpu.memory_space<hbm>> -> memref<32xi32, #tpu.memory_space<hbm>>
        %dma_start3A_72 = arith.constant 0 : i32
        %dma_start3A_73 = tpu.memref_slice %arg15[%dma_start3A_72] : memref<3328xi32, #tpu.memory_space<vmem>> -> memref<32xi32, #tpu.memory_space<vmem>>
        %dma_start3A_74 = tpu.memref_slice %arg6[%add3A_44] : memref<320000xi32, #tpu.memory_space<hbm>> -> memref<32xi32, #tpu.memory_space<hbm>>
        tpu.enqueue_dma source(%dma_start3A_74 : memref<32xi32, #tpu.memory_space<hbm>>) target(%dma_start3A_73 : memref<32xi32, #tpu.memory_space<vmem>>) target_semaphore(%run_scoped3A_68 : memref<!tpu.dma_semaphore, #tpu.memory_space<semaphore_mem>>)
        %dma_wait3A_75 = arith.constant 0 : i32
        %dma_wait3A_76 = tpu.memref_slice %arg15[%dma_wait3A_75] : memref<3328xi32, #tpu.memory_space<vmem>> -> memref<32xi32, #tpu.memory_space<vmem>>
        %dma_wait3A_77 = tpu.memref_slice %arg6[%add3A_44] : memref<320000xi32, #tpu.memory_space<hbm>> -> memref<32xi32, #tpu.memory_space<hbm>>
        %dma_wait3A_78 = arith.constant 0 : i32
        %dma_wait3A_79 = tpu.memref_slice %arg15[%dma_wait3A_78] : memref<3328xi32, #tpu.memory_space<vmem>> -> memref<32xi32, #tpu.memory_space<vmem>>
        %dma_wait3A_80 = tpu.memref_slice %arg6[%add3A_44] : memref<320000xi32, #tpu.memory_space<hbm>> -> memref<32xi32, #tpu.memory_space<hbm>>
        tpu.wait_dma2 semaphore(%run_scoped3A_68 : memref<!tpu.dma_semaphore, #tpu.memory_space<semaphore_mem>>) src(%dma_wait3A_80 : memref<32xi32, #tpu.memory_space<hbm>>) dst(%dma_wait3A_79 : memref<32xi32, #tpu.memory_space<vmem>>)
        tpu.yield
      }) : () -> ()
      "tpu.region"() ({
        %run_scoped3A_68 = tpu.sem_alloc : memref<!tpu.dma_semaphore, #tpu.memory_space<semaphore_mem>>
        %dma_start3A_69 = arith.constant 0 : i32
        %dma_start3A_70 = tpu.memref_slice %arg17[%dma_start3A_69] : memref<3328xi32, #tpu.memory_space<vmem>> -> memref<32xi32, #tpu.memory_space<vmem>>
        %dma_start3A_71 = tpu.memref_slice %arg5[%add3A_44] : memref<320000xi32, #tpu.memory_space<hbm>> -> memref<32xi32, #tpu.memory_space<hbm>>
        %dma_start3A_72 = arith.constant 0 : i32
        %dma_start3A_73 = tpu.memref_slice %arg17[%dma_start3A_72] : memref<3328xi32, #tpu.memory_space<vmem>> -> memref<32xi32, #tpu.memory_space<vmem>>
        %dma_start3A_74 = tpu.memref_slice %arg5[%add3A_44] : memref<320000xi32, #tpu.memory_space<hbm>> -> memref<32xi32, #tpu.memory_space<hbm>>
        tpu.enqueue_dma source(%dma_start3A_74 : memref<32xi32, #tpu.memory_space<hbm>>) target(%dma_start3A_73 : memref<32xi32, #tpu.memory_space<vmem>>) target_semaphore(%run_scoped3A_68 : memref<!tpu.dma_semaphore, #tpu.memory_space<semaphore_mem>>)
        %dma_wait3A_75 = arith.constant 0 : i32
        %dma_wait3A_76 = tpu.memref_slice %arg17[%dma_wait3A_75] : memref<3328xi32, #tpu.memory_space<vmem>> -> memref<32xi32, #tpu.memory_space<vmem>>
        %dma_wait3A_77 = tpu.memref_slice %arg5[%add3A_44] : memref<320000xi32, #tpu.memory_space<hbm>> -> memref<32xi32, #tpu.memory_space<hbm>>
        %dma_wait3A_78 = arith.constant 0 : i32
        %dma_wait3A_79 = tpu.memref_slice %arg17[%dma_wait3A_78] : memref<3328xi32, #tpu.memory_space<vmem>> -> memref<32xi32, #tpu.memory_space<vmem>>
        %dma_wait3A_80 = tpu.memref_slice %arg5[%add3A_44] : memref<320000xi32, #tpu.memory_space<hbm>> -> memref<32xi32, #tpu.memory_space<hbm>>
        tpu.wait_dma2 semaphore(%run_scoped3A_68 : memref<!tpu.dma_semaphore, #tpu.memory_space<semaphore_mem>>) src(%dma_wait3A_80 : memref<32xi32, #tpu.memory_space<hbm>>) dst(%dma_wait3A_79 : memref<32xi32, #tpu.memory_space<vmem>>)
        tpu.yield
      }) : () -> ()
      %dma_start3A_45 = arith.constant 0 : i32
      %dma_start3A_46 = arith.constant 0 : i32
      %dma_start3A_47 = arith.constant 0 : i32
      %dma_start3A_48 = tpu.memref_slice %arg19[%dma_start3A_45, %dma_start3A_46, %dma_start3A_47] : memref<2x128x128xf32, #tpu.memory_space<vmem>> -> memref<1x32x128xf32, #tpu.memory_space<vmem>>
      %dma_start3A_49 = tpu.memref_squeeze %dma_start3A_48 : memref<1x32x128xf32, #tpu.memory_space<vmem>> -> memref<32x128xf32, #tpu.memory_space<vmem>>
      %dma_start3A_50 = arith.constant 0 : i32
      %dma_start3A_51 = tpu.memref_slice %arg15[%dma_start3A_50] : memref<3328xi32, #tpu.memory_space<vmem>> -> memref<32xi32, #tpu.memory_space<vmem>>
      %dma_start3A_52 = arith.constant 0 : i32
      %dma_start3A_53 = arith.constant 0 : i32
      %dma_start3A_54 = tpu.memref_slice %arg2[%dma_start3A_52, %dma_start3A_53] : memref<10000x128xf32, #tpu.memory_space<hbm>> -> memref<10000x128xf32, #tpu.memory_space<hbm>>
      tpu.enqueue_indirect_dma source(%dma_start3A_54 : memref<10000x128xf32, #tpu.memory_space<hbm>>) target(%dma_start3A_49 : memref<32x128xf32, #tpu.memory_space<vmem>>) offsets(%dma_start3A_51 : memref<32xi32, #tpu.memory_space<vmem>>) semaphore(%arg20 : memref<!tpu.dma_semaphore, #tpu.memory_space<semaphore_mem>>)
      %dma_wait3A_55 = arith.constant 0 : i32
      %dma_wait3A_56 = arith.constant 0 : i32
      %dma_wait3A_57 = arith.constant 0 : i32
      %dma_wait3A_58 = tpu.memref_slice %arg19[%dma_wait3A_55, %dma_wait3A_56, %dma_wait3A_57] : memref<2x128x128xf32, #tpu.memory_space<vmem>> -> memref<1x32x128xf32, #tpu.memory_space<vmem>>
      %dma_wait3A_59 = tpu.memref_squeeze %dma_wait3A_58 : memref<1x32x128xf32, #tpu.memory_space<vmem>> -> memref<32x128xf32, #tpu.memory_space<vmem>>
      %dma_wait3A_60 = arith.constant 0 : i32
      %dma_wait3A_61 = tpu.memref_slice %arg15[%dma_wait3A_60] : memref<3328xi32, #tpu.memory_space<vmem>> -> memref<32xi32, #tpu.memory_space<vmem>>
      %dma_wait3A_62 = arith.constant 0 : i32
      %dma_wait3A_63 = arith.constant 0 : i32
      %dma_wait3A_64 = tpu.memref_slice %arg2[%dma_wait3A_62, %dma_wait3A_63] : memref<10000x128xf32, #tpu.memory_space<hbm>> -> memref<10000x128xf32, #tpu.memory_space<hbm>>
      tpu.wait_indirect_dma semaphore(%arg20 : memref<!tpu.dma_semaphore, #tpu.memory_space<semaphore_mem>>) src(%dma_wait3A_64 : memref<10000x128xf32, #tpu.memory_space<hbm>>) dst(%dma_wait3A_59 : memref<32x128xf32, #tpu.memory_space<vmem>>)
      %run_scoped3A = arith.constant 0 : i32
      "tpu.region"() ({
        %run_scoped3A_68 = tpu.sem_alloc : memref<!tpu.dma_semaphore, #tpu.memory_space<semaphore_mem>>
        %dma_start3A_69 = arith.constant 0 : i32
        %dma_start3A_70 = arith.constant 0 : i32
        %dma_start3A_71 = tpu.memref_slice %arg19[%run_scoped3A, %dma_start3A_69, %dma_start3A_70] : memref<2x128x128xf32, #tpu.memory_space<vmem>> -> memref<1x32x128xf32, #tpu.memory_space<vmem>>
        %dma_start3A_72 = tpu.memref_squeeze %dma_start3A_71 : memref<1x32x128xf32, #tpu.memory_space<vmem>> -> memref<32x128xf32, #tpu.memory_space<vmem>>
        %dma_start3A_73 = arith.constant 0 : i32
        %dma_start3A_74 = tpu.memref_slice %arg17[%dma_start3A_73] : memref<3328xi32, #tpu.memory_space<vmem>> -> memref<32xi32, #tpu.memory_space<vmem>>
        %dma_start3A_75 = arith.constant 0 : i32
        %dma_start3A_76 = arith.constant 0 : i32
        %dma_start3A_77 = tpu.memref_slice %arg14[%dma_start3A_75, %dma_start3A_76] : memref<10240x128xf32, #tpu.memory_space<vmem_shared>> -> memref<10240x128xf32, #tpu.memory_space<vmem_shared>>
        tpu.enqueue_indirect_dma source(%dma_start3A_72 : memref<32x128xf32, #tpu.memory_space<vmem>>) target(%dma_start3A_77 : memref<10240x128xf32, #tpu.memory_space<vmem_shared>>) offsets(%dma_start3A_74 : memref<32xi32, #tpu.memory_space<vmem>>) semaphore(%run_scoped3A_68 : memref<!tpu.dma_semaphore, #tpu.memory_space<semaphore_mem>>) {add = true}
        %dma_wait3A_78 = arith.constant 0 : i32
        %dma_wait3A_79 = arith.constant 0 : i32
        %dma_wait3A_80 = tpu.memref_slice %arg19[%run_scoped3A, %dma_wait3A_78, %dma_wait3A_79] : memref<2x128x128xf32, #tpu.memory_space<vmem>> -> memref<1x32x128xf32, #tpu.memory_space<vmem>>
        %dma_wait3A_81 = tpu.memref_squeeze %dma_wait3A_80 : memref<1x32x128xf32, #tpu.memory_space<vmem>> -> memref<32x128xf32, #tpu.memory_space<vmem>>
        %dma_wait3A_82 = arith.constant 0 : i32
        %dma_wait3A_83 = tpu.memref_slice %arg17[%dma_wait3A_82] : memref<3328xi32, #tpu.memory_space<vmem>> -> memref<32xi32, #tpu.memory_space<vmem>>
        %dma_wait3A_84 = arith.constant 0 : i32
        %dma_wait3A_85 = arith.constant 0 : i32
        %dma_wait3A_86 = tpu.memref_slice %arg14[%dma_wait3A_84, %dma_wait3A_85] : memref<10240x128xf32, #tpu.memory_space<vmem_shared>> -> memref<10240x128xf32, #tpu.memory_space<vmem_shared>>
        tpu.wait_indirect_dma semaphore(%run_scoped3A_68 : memref<!tpu.dma_semaphore, #tpu.memory_space<semaphore_mem>>) src(%dma_wait3A_81 : memref<32x128xf32, #tpu.memory_space<vmem>>) dst(%dma_wait3A_86 : memref<10240x128xf32, #tpu.memory_space<vmem_shared>>)
        tpu.yield
      }) : () -> ()
      %barrier3A_65 = arith.constant 0 : index
      tpu.barrier barrier_id(%barrier3A_65)
      %run_scoped3A_66 = arith.constant 0 : i32
      "tpu.region"() ({
        %run_scoped3A_68 = tpu.sem_alloc : memref<!tpu.dma_semaphore, #tpu.memory_space<semaphore_mem>>
        %dma_start3A_69 = arith.constant 0 : i32
        %dma_start3A_70 = tpu.memref_slice %arg13[%run_scoped3A_66, %mul3A_0, %dma_start3A_69] : memref<4x10240x128xf32, #tpu.memory_space<hbm>> -> memref<1x640x128xf32, #tpu.memory_space<hbm>>
        %dma_start3A_71 = tpu.memref_squeeze %dma_start3A_70 : memref<1x640x128xf32, #tpu.memory_space<hbm>> -> memref<640x128xf32, #tpu.memory_space<hbm>>
        %dma_start3A_72 = arith.constant 0 : i32
        %dma_start3A_73 = tpu.memref_slice %arg14[%mul3A_0, %dma_start3A_72] : memref<10240x128xf32, #tpu.memory_space<vmem_shared>> -> memref<640x128xf32, #tpu.memory_space<vmem_shared>>
        tpu.enqueue_dma source(%dma_start3A_73 : memref<640x128xf32, #tpu.memory_space<vmem_shared>>) target(%dma_start3A_71 : memref<640x128xf32, #tpu.memory_space<hbm>>) target_semaphore(%run_scoped3A_68 : memref<!tpu.dma_semaphore, #tpu.memory_space<semaphore_mem>>)
        %dma_wait3A_74 = arith.constant 0 : i32
        %dma_wait3A_75 = tpu.memref_slice %arg13[%run_scoped3A_66, %mul3A_0, %dma_wait3A_74] : memref<4x10240x128xf32, #tpu.memory_space<hbm>> -> memref<1x640x128xf32, #tpu.memory_space<hbm>>
        %dma_wait3A_76 = tpu.memref_squeeze %dma_wait3A_75 : memref<1x640x128xf32, #tpu.memory_space<hbm>> -> memref<640x128xf32, #tpu.memory_space<hbm>>
        %dma_wait3A_77 = arith.constant 0 : i32
        %dma_wait3A_78 = tpu.memref_slice %arg14[%mul3A_0, %dma_wait3A_77] : memref<10240x128xf32, #tpu.memory_space<vmem_shared>> -> memref<640x128xf32, #tpu.memory_space<vmem_shared>>
        tpu.wait_dma2 semaphore(%run_scoped3A_68 : memref<!tpu.dma_semaphore, #tpu.memory_space<semaphore_mem>>) src(%dma_wait3A_78 : memref<640x128xf32, #tpu.memory_space<vmem_shared>>) dst(%dma_wait3A_76 : memref<640x128xf32, #tpu.memory_space<hbm>>)
        tpu.yield
      }) : () -> ()
      "tpu.region"() ({
        %run_scoped3A_68 = tpu.sem_alloc : memref<!tpu.dma_semaphore, #tpu.memory_space<semaphore_mem>>
        %dma_start3A_69 = arith.constant 0 : i32
        %dma_start3A_70 = tpu.memref_slice %arg14[%mul3A_0, %dma_start3A_69] : memref<10240x128xf32, #tpu.memory_space<vmem_shared>> -> memref<640x128xf32, #tpu.memory_space<vmem_shared>>
        tpu.enqueue_dma source(%arg4 : memref<640x128xf32, #tpu.memory_space<hbm>>) target(%dma_start3A_70 : memref<640x128xf32, #tpu.memory_space<vmem_shared>>) target_semaphore(%run_scoped3A_68 : memref<!tpu.dma_semaphore, #tpu.memory_space<semaphore_mem>>)
        %dma_wait3A_71 = arith.constant 0 : i32
        %dma_wait3A_72 = tpu.memref_slice %arg14[%mul3A_0, %dma_wait3A_71] : memref<10240x128xf32, #tpu.memory_space<vmem_shared>> -> memref<640x128xf32, #tpu.memory_space<vmem_shared>>
        tpu.wait_dma2 semaphore(%run_scoped3A_68 : memref<!tpu.dma_semaphore, #tpu.memory_space<semaphore_mem>>) src(%arg4 : memref<640x128xf32, #tpu.memory_space<hbm>>) dst(%dma_wait3A_72 : memref<640x128xf32, #tpu.memory_space<vmem_shared>>)
        tpu.yield
      }) : () -> ()
      %barrier3A_67 = arith.constant 0 : index
      tpu.barrier barrier_id(%barrier3A_67)
    } else {
    }
    %eq3A_3 = arith.constant 0 : i32
    %eq3A_4 = arith.cmpi eq, %arg0, %eq3A_3 : i32
    %convert_element_type3A_5 = arith.extui %eq3A_4 : i1 to i32
    %cond3A_6 = arith.constant 0 : i32
    %cond3A_7 = arith.cmpi ne, %convert_element_type3A_5, %cond3A_6 : i32
    scf.if %cond3A_7 {
      %mul3A_18 = arith.constant 20000 : i32
      %mul3A_19 = arith.muli %arg1, %mul3A_18 : i32
      "tpu.region"() ({
        %run_scoped3A_68 = tpu.sem_alloc : memref<!tpu.dma_semaphore, #tpu.memory_space<semaphore_mem>>
        %dma_start3A_69 = tpu.memref_slice %arg8[%mul3A_19] : memref<320000xi32, #tpu.memory_space<hbm>> -> memref<3328xi32, #tpu.memory_space<hbm>>
        %dma_start3A_70 = tpu.memref_slice %arg8[%mul3A_19] : memref<320000xi32, #tpu.memory_space<hbm>> -> memref<3328xi32, #tpu.memory_space<hbm>>
        tpu.enqueue_dma source(%dma_start3A_70 : memref<3328xi32, #tpu.memory_space<hbm>>) target(%arg15 : memref<3328xi32, #tpu.memory_space<vmem>>) target_semaphore(%run_scoped3A_68 : memref<!tpu.dma_semaphore, #tpu.memory_space<semaphore_mem>>)
        %dma_wait3A_71 = tpu.memref_slice %arg8[%mul3A_19] : memref<320000xi32, #tpu.memory_space<hbm>> -> memref<3328xi32, #tpu.memory_space<hbm>>
        %dma_wait3A_72 = tpu.memref_slice %arg8[%mul3A_19] : memref<320000xi32, #tpu.memory_space<hbm>> -> memref<3328xi32, #tpu.memory_space<hbm>>
        tpu.wait_dma2 semaphore(%run_scoped3A_68 : memref<!tpu.dma_semaphore, #tpu.memory_space<semaphore_mem>>) src(%dma_wait3A_72 : memref<3328xi32, #tpu.memory_space<hbm>>) dst(%arg15 : memref<3328xi32, #tpu.memory_space<vmem>>)
        tpu.yield
      }) : () -> ()
      "tpu.region"() ({
        %run_scoped3A_68 = tpu.sem_alloc : memref<!tpu.dma_semaphore, #tpu.memory_space<semaphore_mem>>
        %dma_start3A_69 = tpu.memref_slice %arg7[%mul3A_19] : memref<320000xi32, #tpu.memory_space<hbm>> -> memref<3328xi32, #tpu.memory_space<hbm>>
        %dma_start3A_70 = tpu.memref_slice %arg7[%mul3A_19] : memref<320000xi32, #tpu.memory_space<hbm>> -> memref<3328xi32, #tpu.memory_space<hbm>>
        tpu.enqueue_dma source(%dma_start3A_70 : memref<3328xi32, #tpu.memory_space<hbm>>) target(%arg17 : memref<3328xi32, #tpu.memory_space<vmem>>) target_semaphore(%run_scoped3A_68 : memref<!tpu.dma_semaphore, #tpu.memory_space<semaphore_mem>>)
        %dma_wait3A_71 = tpu.memref_slice %arg7[%mul3A_19] : memref<320000xi32, #tpu.memory_space<hbm>> -> memref<3328xi32, #tpu.memory_space<hbm>>
        %dma_wait3A_72 = tpu.memref_slice %arg7[%mul3A_19] : memref<320000xi32, #tpu.memory_space<hbm>> -> memref<3328xi32, #tpu.memory_space<hbm>>
        tpu.wait_dma2 semaphore(%run_scoped3A_68 : memref<!tpu.dma_semaphore, #tpu.memory_space<semaphore_mem>>) src(%dma_wait3A_72 : memref<3328xi32, #tpu.memory_space<hbm>>) dst(%arg17 : memref<3328xi32, #tpu.memory_space<vmem>>)
        tpu.yield
      }) : () -> ()
      %dma_start3A = arith.constant 0 : i32
      %dma_start3A_20 = arith.constant 0 : i32
      %dma_start3A_21 = arith.constant 0 : i32
      %dma_start3A_22 = tpu.memref_slice %arg19[%dma_start3A, %dma_start3A_20, %dma_start3A_21] : memref<2x128x128xf32, #tpu.memory_space<vmem>> -> memref<1x128x128xf32, #tpu.memory_space<vmem>>
      %dma_start3A_23 = tpu.memref_squeeze %dma_start3A_22 : memref<1x128x128xf32, #tpu.memory_space<vmem>> -> memref<128x128xf32, #tpu.memory_space<vmem>>
      %dma_start3A_24 = arith.constant 0 : i32
      %dma_start3A_25 = tpu.memref_slice %arg15[%dma_start3A_24] : memref<3328xi32, #tpu.memory_space<vmem>> -> memref<128xi32, #tpu.memory_space<vmem>>
      %dma_start3A_26 = arith.constant 0 : i32
      %dma_start3A_27 = arith.constant 0 : i32
      %dma_start3A_28 = tpu.memref_slice %arg3[%dma_start3A_26, %dma_start3A_27] : memref<10000x128xf32, #tpu.memory_space<hbm>> -> memref<10000x128xf32, #tpu.memory_space<hbm>>
      tpu.enqueue_indirect_dma source(%dma_start3A_28 : memref<10000x128xf32, #tpu.memory_space<hbm>>) target(%dma_start3A_23 : memref<128x128xf32, #tpu.memory_space<vmem>>) offsets(%dma_start3A_25 : memref<128xi32, #tpu.memory_space<vmem>>) semaphore(%arg20 : memref<!tpu.dma_semaphore, #tpu.memory_space<semaphore_mem>>)
      %scan3A = arith.constant 0 : i32
      %scan3A_29 = arith.constant 0 : i32
      %scan3A_30 = arith.constant 3 : i32
      %scan3A_31 = arith.addi %scan3A_29, %scan3A_30 : i32
      %scan3A_32 = arith.constant 1 : i32
      %scan3A_33 = scf.for %scan3A_68 = %scan3A_29 to %scan3A_31 step %scan3A_32 iter_args(%scan3A_69 = %scan3A) -> (i32)  : i32 {
        %mul3A_70 = arith.constant 2 : i32
        %mul3A_71 = arith.muli %scan3A_68, %mul3A_70 : i32
        %add3A_72 = arith.constant 0 : i32
        %add3A_73 = arith.addi %mul3A_71, %add3A_72 : i32
        %add3A_74 = arith.constant 1 : i32
        %add3A_75 = arith.addi %add3A_73, %add3A_74 : i32
        %lt3A = arith.constant 6 : i32
        %lt3A_76 = arith.cmpi slt, %add3A_75, %lt3A : i32
        %convert_element_type3A_77 = arith.extui %lt3A_76 : i1 to i32
        %cond3A_78 = arith.constant 0 : i32
        %cond3A_79 = arith.cmpi ne, %convert_element_type3A_77, %cond3A_78 : i32
        scf.if %cond3A_79 {
          %add3A_120 = arith.constant 1 : i32
          %add3A_121 = arith.addi %add3A_73, %add3A_120 : i32
          %mul3A_122 = arith.constant 3328 : i32
          %mul3A_123 = arith.muli %add3A_121, %mul3A_122 : i32
          %add3A_124 = arith.addi %mul3A_19, %mul3A_123 : i32
          %dma_start3A_125 = tpu.memref_slice %arg8[%add3A_124] : memref<320000xi32, #tpu.memory_space<hbm>> -> memref<3328xi32, #tpu.memory_space<hbm>>
          %dma_start3A_126 = tpu.memref_slice %arg8[%add3A_124] : memref<320000xi32, #tpu.memory_space<hbm>> -> memref<3328xi32, #tpu.memory_space<hbm>>
          tpu.enqueue_dma source(%dma_start3A_126 : memref<3328xi32, #tpu.memory_space<hbm>>) target(%arg16 : memref<3328xi32, #tpu.memory_space<vmem>>) target_semaphore(%arg24 : memref<!tpu.dma_semaphore, #tpu.memory_space<semaphore_mem>>)
          %dma_start3A_127 = tpu.memref_slice %arg7[%add3A_124] : memref<320000xi32, #tpu.memory_space<hbm>> -> memref<3328xi32, #tpu.memory_space<hbm>>
          %dma_start3A_128 = tpu.memref_slice %arg7[%add3A_124] : memref<320000xi32, #tpu.memory_space<hbm>> -> memref<3328xi32, #tpu.memory_space<hbm>>
          tpu.enqueue_dma source(%dma_start3A_128 : memref<3328xi32, #tpu.memory_space<hbm>>) target(%arg18 : memref<3328xi32, #tpu.memory_space<vmem>>) target_semaphore(%arg25 : memref<!tpu.dma_semaphore, #tpu.memory_space<semaphore_mem>>)
        } else {
        }
        %scan3A_80 = arith.constant 0 : i32
        %scan3A_81 = arith.constant 0 : i32
        %scan3A_82 = arith.constant 13 : i32
        %scan3A_83 = arith.addi %scan3A_81, %scan3A_82 : i32
        %scan3A_84 = arith.constant 1 : i32
        %scan3A_85 = scf.for %scan3A_120 = %scan3A_81 to %scan3A_83 step %scan3A_84 iter_args(%scan3A_121 = %scan3A_80) -> (i32)  : i32 {
          %mul3A_122 = arith.constant 2 : i32
          %mul3A_123 = arith.muli %scan3A_120, %mul3A_122 : i32
          %add3A_124 = arith.constant 0 : i32
          %add3A_125 = arith.addi %mul3A_123, %add3A_124 : i32
          %gt3A = arith.constant 0 : i32
          %gt3A_126 = arith.cmpi sgt, %add3A_125, %gt3A : i32
          %gt3A_127 = arith.constant 0 : i32
          %gt3A_128 = arith.cmpi sgt, %add3A_73, %gt3A_127 : i32
          %or3A = arith.ori %gt3A_126, %gt3A_128 : i1
          %convert_element_type3A_129 = arith.extui %or3A : i1 to i32
          %cond3A_130 = arith.constant 0 : i32
          %cond3A_131 = arith.cmpi ne, %convert_element_type3A_129, %cond3A_130 : i32
          scf.if %cond3A_131 {
            %mul3A_206 = arith.constant 128 : i32
            %mul3A_207 = arith.muli %add3A_125, %mul3A_206 : i32
            %dma_wait3A_208 = arith.constant 1 : i32
            %dma_wait3A_209 = arith.constant 0 : i32
            %dma_wait3A_210 = arith.constant 0 : i32
            %dma_wait3A_211 = tpu.memref_slice %arg19[%dma_wait3A_208, %dma_wait3A_209, %dma_wait3A_210] : memref<2x128x128xf32, #tpu.memory_space<vmem>> -> memref<1x128x128xf32, #tpu.memory_space<vmem>>
            %dma_wait3A_212 = tpu.memref_squeeze %dma_wait3A_211 : memref<1x128x128xf32, #tpu.memory_space<vmem>> -> memref<128x128xf32, #tpu.memory_space<vmem>>
            %dma_wait3A_213 = tpu.memref_slice %arg17[%mul3A_207] : memref<3328xi32, #tpu.memory_space<vmem>> -> memref<128xi32, #tpu.memory_space<vmem>>
            %dma_wait3A_214 = arith.constant 0 : i32
            %dma_wait3A_215 = arith.constant 0 : i32
            %dma_wait3A_216 = tpu.memref_slice %arg14[%dma_wait3A_214, %dma_wait3A_215] : memref<10240x128xf32, #tpu.memory_space<vmem_shared>> -> memref<10240x128xf32, #tpu.memory_space<vmem_shared>>
            tpu.wait_indirect_dma semaphore(%arg23 : memref<!tpu.dma_semaphore, #tpu.memory_space<semaphore_mem>>) src(%dma_wait3A_212 : memref<128x128xf32, #tpu.memory_space<vmem>>) dst(%dma_wait3A_216 : memref<10240x128xf32, #tpu.memory_space<vmem_shared>>)
          } else {
          }
          %add3A_132 = arith.constant 1 : i32
          %add3A_133 = arith.addi %add3A_125, %add3A_132 : i32
          %lt3A_134 = arith.constant 26 : i32
          %lt3A_135 = arith.cmpi slt, %add3A_133, %lt3A_134 : i32
          %convert_element_type3A_136 = arith.extui %lt3A_135 : i1 to i32
          %cond3A_137 = arith.constant 0 : i32
          %cond3A_138 = arith.cmpi ne, %convert_element_type3A_136, %cond3A_137 : i32
          scf.if %cond3A_138 {
            %add3A_206 = arith.constant 1 : i32
            %add3A_207 = arith.addi %add3A_125, %add3A_206 : i32
            %mul3A_208 = arith.constant 128 : i32
            %mul3A_209 = arith.muli %add3A_207, %mul3A_208 : i32
            %dma_start3A_210 = arith.constant 1 : i32
            %dma_start3A_211 = arith.constant 0 : i32
            %dma_start3A_212 = arith.constant 0 : i32
            %dma_start3A_213 = tpu.memref_slice %arg19[%dma_start3A_210, %dma_start3A_211, %dma_start3A_212] : memref<2x128x128xf32, #tpu.memory_space<vmem>> -> memref<1x128x128xf32, #tpu.memory_space<vmem>>
            %dma_start3A_214 = tpu.memref_squeeze %dma_start3A_213 : memref<1x128x128xf32, #tpu.memory_space<vmem>> -> memref<128x128xf32, #tpu.memory_space<vmem>>
            %dma_start3A_215 = tpu.memref_slice %arg15[%mul3A_209] : memref<3328xi32, #tpu.memory_space<vmem>> -> memref<128xi32, #tpu.memory_space<vmem>>
            %dma_start3A_216 = arith.constant 0 : i32
            %dma_start3A_217 = arith.constant 0 : i32
            %dma_start3A_218 = tpu.memref_slice %arg3[%dma_start3A_216, %dma_start3A_217] : memref<10000x128xf32, #tpu.memory_space<hbm>> -> memref<10000x128xf32, #tpu.memory_space<hbm>>
            tpu.enqueue_indirect_dma source(%dma_start3A_218 : memref<10000x128xf32, #tpu.memory_space<hbm>>) target(%dma_start3A_214 : memref<128x128xf32, #tpu.memory_space<vmem>>) offsets(%dma_start3A_215 : memref<128xi32, #tpu.memory_space<vmem>>) semaphore(%arg21 : memref<!tpu.dma_semaphore, #tpu.memory_space<semaphore_mem>>)
          } else {
          }
          %mul3A_139 = arith.constant 128 : i32
          %mul3A_140 = arith.muli %add3A_125, %mul3A_139 : i32
          %dma_wait3A_141 = arith.constant 0 : i32
          %dma_wait3A_142 = arith.constant 0 : i32
          %dma_wait3A_143 = arith.constant 0 : i32
          %dma_wait3A_144 = tpu.memref_slice %arg19[%dma_wait3A_141, %dma_wait3A_142, %dma_wait3A_143] : memref<2x128x128xf32, #tpu.memory_space<vmem>> -> memref<1x128x128xf32, #tpu.memory_space<vmem>>
          %dma_wait3A_145 = tpu.memref_squeeze %dma_wait3A_144 : memref<1x128x128xf32, #tpu.memory_space<vmem>> -> memref<128x128xf32, #tpu.memory_space<vmem>>
          %dma_wait3A_146 = tpu.memref_slice %arg15[%mul3A_140] : memref<3328xi32, #tpu.memory_space<vmem>> -> memref<128xi32, #tpu.memory_space<vmem>>
          %dma_wait3A_147 = arith.constant 0 : i32
          %dma_wait3A_148 = arith.constant 0 : i32
          %dma_wait3A_149 = tpu.memref_slice %arg3[%dma_wait3A_147, %dma_wait3A_148] : memref<10000x128xf32, #tpu.memory_space<hbm>> -> memref<10000x128xf32, #tpu.memory_space<hbm>>
          tpu.wait_indirect_dma semaphore(%arg20 : memref<!tpu.dma_semaphore, #tpu.memory_space<semaphore_mem>>) src(%dma_wait3A_149 : memref<10000x128xf32, #tpu.memory_space<hbm>>) dst(%dma_wait3A_145 : memref<128x128xf32, #tpu.memory_space<vmem>>)
          %mul3A_150 = arith.constant 128 : i32
          %mul3A_151 = arith.muli %add3A_125, %mul3A_150 : i32
          %dma_start3A_152 = arith.constant 0 : i32
          %dma_start3A_153 = arith.constant 0 : i32
          %dma_start3A_154 = arith.constant 0 : i32
          %dma_start3A_155 = tpu.memref_slice %arg19[%dma_start3A_152, %dma_start3A_153, %dma_start3A_154] : memref<2x128x128xf32, #tpu.memory_space<vmem>> -> memref<1x128x128xf32, #tpu.memory_space<vmem>>
          %dma_start3A_156 = tpu.memref_squeeze %dma_start3A_155 : memref<1x128x128xf32, #tpu.memory_space<vmem>> -> memref<128x128xf32, #tpu.memory_space<vmem>>
          %dma_start3A_157 = tpu.memref_slice %arg17[%mul3A_151] : memref<3328xi32, #tpu.memory_space<vmem>> -> memref<128xi32, #tpu.memory_space<vmem>>
          %dma_start3A_158 = arith.constant 0 : i32
          %dma_start3A_159 = arith.constant 0 : i32
          %dma_start3A_160 = tpu.memref_slice %arg14[%dma_start3A_158, %dma_start3A_159] : memref<10240x128xf32, #tpu.memory_space<vmem_shared>> -> memref<10240x128xf32, #tpu.memory_space<vmem_shared>>
          tpu.enqueue_indirect_dma source(%dma_start3A_156 : memref<128x128xf32, #tpu.memory_space<vmem>>) target(%dma_start3A_160 : memref<10240x128xf32, #tpu.memory_space<vmem_shared>>) offsets(%dma_start3A_157 : memref<128xi32, #tpu.memory_space<vmem>>) semaphore(%arg22 : memref<!tpu.dma_semaphore, #tpu.memory_space<semaphore_mem>>) {add = true}
          %mul3A_161 = arith.constant 2 : i32
          %mul3A_162 = arith.muli %scan3A_120, %mul3A_161 : i32
          %add3A_163 = arith.constant 1 : i32
          %add3A_164 = arith.addi %mul3A_162, %add3A_163 : i32
          %mul3A_165 = arith.constant 128 : i32
          %mul3A_166 = arith.muli %add3A_164, %mul3A_165 : i32
          %dma_wait3A_167 = arith.constant 0 : i32
          %dma_wait3A_168 = arith.constant 0 : i32
          %dma_wait3A_169 = arith.constant 0 : i32
          %dma_wait3A_170 = tpu.memref_slice %arg19[%dma_wait3A_167, %dma_wait3A_168, %dma_wait3A_169] : memref<2x128x128xf32, #tpu.memory_space<vmem>> -> memref<1x128x128xf32, #tpu.memory_space<vmem>>
          %dma_wait3A_171 = tpu.memref_squeeze %dma_wait3A_170 : memref<1x128x128xf32, #tpu.memory_space<vmem>> -> memref<128x128xf32, #tpu.memory_space<vmem>>
          %dma_wait3A_172 = tpu.memref_slice %arg17[%mul3A_166] : memref<3328xi32, #tpu.memory_space<vmem>> -> memref<128xi32, #tpu.memory_space<vmem>>
          %dma_wait3A_173 = arith.constant 0 : i32
          %dma_wait3A_174 = arith.constant 0 : i32
          %dma_wait3A_175 = tpu.memref_slice %arg14[%dma_wait3A_173, %dma_wait3A_174] : memref<10240x128xf32, #tpu.memory_space<vmem_shared>> -> memref<10240x128xf32, #tpu.memory_space<vmem_shared>>
          tpu.wait_indirect_dma semaphore(%arg22 : memref<!tpu.dma_semaphore, #tpu.memory_space<semaphore_mem>>) src(%dma_wait3A_171 : memref<128x128xf32, #tpu.memory_space<vmem>>) dst(%dma_wait3A_175 : memref<10240x128xf32, #tpu.memory_space<vmem_shared>>)
          %add3A_176 = arith.constant 1 : i32
          %add3A_177 = arith.addi %add3A_164, %add3A_176 : i32
          %lt3A_178 = arith.constant 26 : i32
          %lt3A_179 = arith.cmpi slt, %add3A_177, %lt3A_178 : i32
          %convert_element_type3A_180 = arith.extui %lt3A_179 : i1 to i32
          %cond3A_181 = arith.constant 0 : i32
          %cond3A_182 = arith.cmpi ne, %convert_element_type3A_180, %cond3A_181 : i32
          scf.if %cond3A_182 {
            %add3A_206 = arith.constant 1 : i32
            %add3A_207 = arith.addi %add3A_164, %add3A_206 : i32
            %mul3A_208 = arith.constant 128 : i32
            %mul3A_209 = arith.muli %add3A_207, %mul3A_208 : i32
            %dma_start3A_210 = arith.constant 0 : i32
            %dma_start3A_211 = arith.constant 0 : i32
            %dma_start3A_212 = arith.constant 0 : i32
            %dma_start3A_213 = tpu.memref_slice %arg19[%dma_start3A_210, %dma_start3A_211, %dma_start3A_212] : memref<2x128x128xf32, #tpu.memory_space<vmem>> -> memref<1x128x128xf32, #tpu.memory_space<vmem>>
            %dma_start3A_214 = tpu.memref_squeeze %dma_start3A_213 : memref<1x128x128xf32, #tpu.memory_space<vmem>> -> memref<128x128xf32, #tpu.memory_space<vmem>>
            %dma_start3A_215 = tpu.memref_slice %arg15[%mul3A_209] : memref<3328xi32, #tpu.memory_space<vmem>> -> memref<128xi32, #tpu.memory_space<vmem>>
            %dma_start3A_216 = arith.constant 0 : i32
            %dma_start3A_217 = arith.constant 0 : i32
            %dma_start3A_218 = tpu.memref_slice %arg3[%dma_start3A_216, %dma_start3A_217] : memref<10000x128xf32, #tpu.memory_space<hbm>> -> memref<10000x128xf32, #tpu.memory_space<hbm>>
            tpu.enqueue_indirect_dma source(%dma_start3A_218 : memref<10000x128xf32, #tpu.memory_space<hbm>>) target(%dma_start3A_214 : memref<128x128xf32, #tpu.memory_space<vmem>>) offsets(%dma_start3A_215 : memref<128xi32, #tpu.memory_space<vmem>>) semaphore(%arg20 : memref<!tpu.dma_semaphore, #tpu.memory_space<semaphore_mem>>)
          } else {
          }
          %mul3A_183 = arith.constant 128 : i32
          %mul3A_184 = arith.muli %add3A_164, %mul3A_183 : i32
          %dma_wait3A_185 = arith.constant 1 : i32
          %dma_wait3A_186 = arith.constant 0 : i32
          %dma_wait3A_187 = arith.constant 0 : i32
          %dma_wait3A_188 = tpu.memref_slice %arg19[%dma_wait3A_185, %dma_wait3A_186, %dma_wait3A_187] : memref<2x128x128xf32, #tpu.memory_space<vmem>> -> memref<1x128x128xf32, #tpu.memory_space<vmem>>
          %dma_wait3A_189 = tpu.memref_squeeze %dma_wait3A_188 : memref<1x128x128xf32, #tpu.memory_space<vmem>> -> memref<128x128xf32, #tpu.memory_space<vmem>>
          %dma_wait3A_190 = tpu.memref_slice %arg15[%mul3A_184] : memref<3328xi32, #tpu.memory_space<vmem>> -> memref<128xi32, #tpu.memory_space<vmem>>
          %dma_wait3A_191 = arith.constant 0 : i32
          %dma_wait3A_192 = arith.constant 0 : i32
          %dma_wait3A_193 = tpu.memref_slice %arg3[%dma_wait3A_191, %dma_wait3A_192] : memref<10000x128xf32, #tpu.memory_space<hbm>> -> memref<10000x128xf32, #tpu.memory_space<hbm>>
          tpu.wait_indirect_dma semaphore(%arg21 : memref<!tpu.dma_semaphore, #tpu.memory_space<semaphore_mem>>) src(%dma_wait3A_193 : memref<10000x128xf32, #tpu.memory_space<hbm>>) dst(%dma_wait3A_189 : memref<128x128xf32, #tpu.memory_space<vmem>>)
          %mul3A_194 = arith.constant 128 : i32
          %mul3A_195 = arith.muli %add3A_164, %mul3A_194 : i32
          %dma_start3A_196 = arith.constant 1 : i32
          %dma_start3A_197 = arith.constant 0 : i32
          %dma_start3A_198 = arith.constant 0 : i32
          %dma_start3A_199 = tpu.memref_slice %arg19[%dma_start3A_196, %dma_start3A_197, %dma_start3A_198] : memref<2x128x128xf32, #tpu.memory_space<vmem>> -> memref<1x128x128xf32, #tpu.memory_space<vmem>>
          %dma_start3A_200 = tpu.memref_squeeze %dma_start3A_199 : memref<1x128x128xf32, #tpu.memory_space<vmem>> -> memref<128x128xf32, #tpu.memory_space<vmem>>
          %dma_start3A_201 = tpu.memref_slice %arg17[%mul3A_195] : memref<3328xi32, #tpu.memory_space<vmem>> -> memref<128xi32, #tpu.memory_space<vmem>>
          %dma_start3A_202 = arith.constant 0 : i32
          %dma_start3A_203 = arith.constant 0 : i32
          %dma_start3A_204 = tpu.memref_slice %arg14[%dma_start3A_202, %dma_start3A_203] : memref<10240x128xf32, #tpu.memory_space<vmem_shared>> -> memref<10240x128xf32, #tpu.memory_space<vmem_shared>>
          tpu.enqueue_indirect_dma source(%dma_start3A_200 : memref<128x128xf32, #tpu.memory_space<vmem>>) target(%dma_start3A_204 : memref<10240x128xf32, #tpu.memory_space<vmem_shared>>) offsets(%dma_start3A_201 : memref<128xi32, #tpu.memory_space<vmem>>) semaphore(%arg23 : memref<!tpu.dma_semaphore, #tpu.memory_space<semaphore_mem>>) {add = true}
          %scan3A_205 = arith.constant 0 : i32
          scf.yield %scan3A_205 : i32
        }
        %scan3A_86 = arith.constant 13 : i32
        %add3A_87 = arith.constant 1 : i32
        %add3A_88 = arith.addi %add3A_73, %add3A_87 : i32
        %lt3A_89 = arith.constant 6 : i32
        %lt3A_90 = arith.cmpi slt, %add3A_88, %lt3A_89 : i32
        %convert_element_type3A_91 = arith.extui %lt3A_90 : i1 to i32
        %cond3A_92 = arith.constant 0 : i32
        %cond3A_93 = arith.cmpi ne, %convert_element_type3A_91, %cond3A_92 : i32
        scf.if %cond3A_93 {
          %add3A_120 = arith.constant 1 : i32
          %add3A_121 = arith.addi %add3A_73, %add3A_120 : i32
          %mul3A_122 = arith.constant 3328 : i32
          %mul3A_123 = arith.muli %add3A_121, %mul3A_122 : i32
          %add3A_124 = arith.addi %mul3A_19, %mul3A_123 : i32
          %dma_wait3A_125 = tpu.memref_slice %arg8[%add3A_124] : memref<320000xi32, #tpu.memory_space<hbm>> -> memref<3328xi32, #tpu.memory_space<hbm>>
          %dma_wait3A_126 = tpu.memref_slice %arg8[%add3A_124] : memref<320000xi32, #tpu.memory_space<hbm>> -> memref<3328xi32, #tpu.memory_space<hbm>>
          tpu.wait_dma2 semaphore(%arg24 : memref<!tpu.dma_semaphore, #tpu.memory_space<semaphore_mem>>) src(%dma_wait3A_126 : memref<3328xi32, #tpu.memory_space<hbm>>) dst(%arg16 : memref<3328xi32, #tpu.memory_space<vmem>>)
          %dma_wait3A_127 = tpu.memref_slice %arg7[%add3A_124] : memref<320000xi32, #tpu.memory_space<hbm>> -> memref<3328xi32, #tpu.memory_space<hbm>>
          %dma_wait3A_128 = tpu.memref_slice %arg7[%add3A_124] : memref<320000xi32, #tpu.memory_space<hbm>> -> memref<3328xi32, #tpu.memory_space<hbm>>
          tpu.wait_dma2 semaphore(%arg25 : memref<!tpu.dma_semaphore, #tpu.memory_space<semaphore_mem>>) src(%dma_wait3A_128 : memref<3328xi32, #tpu.memory_space<hbm>>) dst(%arg18 : memref<3328xi32, #tpu.memory_space<vmem>>)
          %dma_start3A_129 = arith.constant 0 : i32
          %dma_start3A_130 = arith.constant 0 : i32
          %dma_start3A_131 = arith.constant 0 : i32
          %dma_start3A_132 = tpu.memref_slice %arg19[%dma_start3A_129, %dma_start3A_130, %dma_start3A_131] : memref<2x128x128xf32, #tpu.memory_space<vmem>> -> memref<1x128x128xf32, #tpu.memory_space<vmem>>
          %dma_start3A_133 = tpu.memref_squeeze %dma_start3A_132 : memref<1x128x128xf32, #tpu.memory_space<vmem>> -> memref<128x128xf32, #tpu.memory_space<vmem>>
          %dma_start3A_134 = arith.constant 0 : i32
          %dma_start3A_135 = tpu.memref_slice %arg16[%dma_start3A_134] : memref<3328xi32, #tpu.memory_space<vmem>> -> memref<128xi32, #tpu.memory_space<vmem>>
          %dma_start3A_136 = arith.constant 0 : i32
          %dma_start3A_137 = arith.constant 0 : i32
          %dma_start3A_138 = tpu.memref_slice %arg3[%dma_start3A_136, %dma_start3A_137] : memref<10000x128xf32, #tpu.memory_space<hbm>> -> memref<10000x128xf32, #tpu.memory_space<hbm>>
          tpu.enqueue_indirect_dma source(%dma_start3A_138 : memref<10000x128xf32, #tpu.memory_space<hbm>>) target(%dma_start3A_133 : memref<128x128xf32, #tpu.memory_space<vmem>>) offsets(%dma_start3A_135 : memref<128xi32, #tpu.memory_space<vmem>>) semaphore(%arg20 : memref<!tpu.dma_semaphore, #tpu.memory_space<semaphore_mem>>)
        } else {
        }
        %mul3A_94 = arith.constant 2 : i32
        %mul3A_95 = arith.muli %scan3A_68, %mul3A_94 : i32
        %add3A_96 = arith.constant 1 : i32
        %add3A_97 = arith.addi %mul3A_95, %add3A_96 : i32
        %add3A_98 = arith.constant 1 : i32
        %add3A_99 = arith.addi %add3A_97, %add3A_98 : i32
        %lt3A_100 = arith.constant 6 : i32
        %lt3A_101 = arith.cmpi slt, %add3A_99, %lt3A_100 : i32
        %convert_element_type3A_102 = arith.extui %lt3A_101 : i1 to i32
        %cond3A_103 = arith.constant 0 : i32
        %cond3A_104 = arith.cmpi ne, %convert_element_type3A_102, %cond3A_103 : i32
        scf.if %cond3A_104 {
          %add3A_120 = arith.constant 1 : i32
          %add3A_121 = arith.addi %add3A_97, %add3A_120 : i32
          %mul3A_122 = arith.constant 3328 : i32
          %mul3A_123 = arith.muli %add3A_121, %mul3A_122 : i32
          %add3A_124 = arith.addi %mul3A_19, %mul3A_123 : i32
          %dma_start3A_125 = tpu.memref_slice %arg8[%add3A_124] : memref<320000xi32, #tpu.memory_space<hbm>> -> memref<3328xi32, #tpu.memory_space<hbm>>
          %dma_start3A_126 = tpu.memref_slice %arg8[%add3A_124] : memref<320000xi32, #tpu.memory_space<hbm>> -> memref<3328xi32, #tpu.memory_space<hbm>>
          tpu.enqueue_dma source(%dma_start3A_126 : memref<3328xi32, #tpu.memory_space<hbm>>) target(%arg15 : memref<3328xi32, #tpu.memory_space<vmem>>) target_semaphore(%arg24 : memref<!tpu.dma_semaphore, #tpu.memory_space<semaphore_mem>>)
          %dma_start3A_127 = tpu.memref_slice %arg7[%add3A_124] : memref<320000xi32, #tpu.memory_space<hbm>> -> memref<3328xi32, #tpu.memory_space<hbm>>
          %dma_start3A_128 = tpu.memref_slice %arg7[%add3A_124] : memref<320000xi32, #tpu.memory_space<hbm>> -> memref<3328xi32, #tpu.memory_space<hbm>>
          tpu.enqueue_dma source(%dma_start3A_128 : memref<3328xi32, #tpu.memory_space<hbm>>) target(%arg17 : memref<3328xi32, #tpu.memory_space<vmem>>) target_semaphore(%arg25 : memref<!tpu.dma_semaphore, #tpu.memory_space<semaphore_mem>>)
        } else {
        }
        %scan3A_105 = arith.constant 0 : i32
        %scan3A_106 = arith.constant 0 : i32
        %scan3A_107 = arith.constant 13 : i32
        %scan3A_108 = arith.addi %scan3A_106, %scan3A_107 : i32
        %scan3A_109 = arith.constant 1 : i32
        %scan3A_110 = scf.for %scan3A_120 = %scan3A_106 to %scan3A_108 step %scan3A_109 iter_args(%scan3A_121 = %scan3A_105) -> (i32)  : i32 {
          %mul3A_122 = arith.constant 2 : i32
          %mul3A_123 = arith.muli %scan3A_120, %mul3A_122 : i32
          %add3A_124 = arith.constant 0 : i32
          %add3A_125 = arith.addi %mul3A_123, %add3A_124 : i32
          %gt3A = arith.constant 0 : i32
          %gt3A_126 = arith.cmpi sgt, %add3A_125, %gt3A : i32
          %gt3A_127 = arith.constant 0 : i32
          %gt3A_128 = arith.cmpi sgt, %add3A_97, %gt3A_127 : i32
          %or3A = arith.ori %gt3A_126, %gt3A_128 : i1
          %convert_element_type3A_129 = arith.extui %or3A : i1 to i32
          %cond3A_130 = arith.constant 0 : i32
          %cond3A_131 = arith.cmpi ne, %convert_element_type3A_129, %cond3A_130 : i32
          scf.if %cond3A_131 {
            %mul3A_206 = arith.constant 128 : i32
            %mul3A_207 = arith.muli %add3A_125, %mul3A_206 : i32
            %dma_wait3A_208 = arith.constant 1 : i32
            %dma_wait3A_209 = arith.constant 0 : i32
            %dma_wait3A_210 = arith.constant 0 : i32
            %dma_wait3A_211 = tpu.memref_slice %arg19[%dma_wait3A_208, %dma_wait3A_209, %dma_wait3A_210] : memref<2x128x128xf32, #tpu.memory_space<vmem>> -> memref<1x128x128xf32, #tpu.memory_space<vmem>>
            %dma_wait3A_212 = tpu.memref_squeeze %dma_wait3A_211 : memref<1x128x128xf32, #tpu.memory_space<vmem>> -> memref<128x128xf32, #tpu.memory_space<vmem>>
            %dma_wait3A_213 = tpu.memref_slice %arg18[%mul3A_207] : memref<3328xi32, #tpu.memory_space<vmem>> -> memref<128xi32, #tpu.memory_space<vmem>>
            %dma_wait3A_214 = arith.constant 0 : i32
            %dma_wait3A_215 = arith.constant 0 : i32
            %dma_wait3A_216 = tpu.memref_slice %arg14[%dma_wait3A_214, %dma_wait3A_215] : memref<10240x128xf32, #tpu.memory_space<vmem_shared>> -> memref<10240x128xf32, #tpu.memory_space<vmem_shared>>
            tpu.wait_indirect_dma semaphore(%arg23 : memref<!tpu.dma_semaphore, #tpu.memory_space<semaphore_mem>>) src(%dma_wait3A_212 : memref<128x128xf32, #tpu.memory_space<vmem>>) dst(%dma_wait3A_216 : memref<10240x128xf32, #tpu.memory_space<vmem_shared>>)
          } else {
          }
          %add3A_132 = arith.constant 1 : i32
          %add3A_133 = arith.addi %add3A_125, %add3A_132 : i32
          %lt3A_134 = arith.constant 26 : i32
          %lt3A_135 = arith.cmpi slt, %add3A_133, %lt3A_134 : i32
          %convert_element_type3A_136 = arith.extui %lt3A_135 : i1 to i32
          %cond3A_137 = arith.constant 0 : i32
          %cond3A_138 = arith.cmpi ne, %convert_element_type3A_136, %cond3A_137 : i32
          scf.if %cond3A_138 {
            %add3A_206 = arith.constant 1 : i32
            %add3A_207 = arith.addi %add3A_125, %add3A_206 : i32
            %mul3A_208 = arith.constant 128 : i32
            %mul3A_209 = arith.muli %add3A_207, %mul3A_208 : i32
            %dma_start3A_210 = arith.constant 1 : i32
            %dma_start3A_211 = arith.constant 0 : i32
            %dma_start3A_212 = arith.constant 0 : i32
            %dma_start3A_213 = tpu.memref_slice %arg19[%dma_start3A_210, %dma_start3A_211, %dma_start3A_212] : memref<2x128x128xf32, #tpu.memory_space<vmem>> -> memref<1x128x128xf32, #tpu.memory_space<vmem>>
            %dma_start3A_214 = tpu.memref_squeeze %dma_start3A_213 : memref<1x128x128xf32, #tpu.memory_space<vmem>> -> memref<128x128xf32, #tpu.memory_space<vmem>>
            %dma_start3A_215 = tpu.memref_slice %arg16[%mul3A_209] : memref<3328xi32, #tpu.memory_space<vmem>> -> memref<128xi32, #tpu.memory_space<vmem>>
            %dma_start3A_216 = arith.constant 0 : i32
            %dma_start3A_217 = arith.constant 0 : i32
            %dma_start3A_218 = tpu.memref_slice %arg3[%dma_start3A_216, %dma_start3A_217] : memref<10000x128xf32, #tpu.memory_space<hbm>> -> memref<10000x128xf32, #tpu.memory_space<hbm>>
            tpu.enqueue_indirect_dma source(%dma_start3A_218 : memref<10000x128xf32, #tpu.memory_space<hbm>>) target(%dma_start3A_214 : memref<128x128xf32, #tpu.memory_space<vmem>>) offsets(%dma_start3A_215 : memref<128xi32, #tpu.memory_space<vmem>>) semaphore(%arg21 : memref<!tpu.dma_semaphore, #tpu.memory_space<semaphore_mem>>)
          } else {
          }
          %mul3A_139 = arith.constant 128 : i32
          %mul3A_140 = arith.muli %add3A_125, %mul3A_139 : i32
          %dma_wait3A_141 = arith.constant 0 : i32
          %dma_wait3A_142 = arith.constant 0 : i32
          %dma_wait3A_143 = arith.constant 0 : i32
          %dma_wait3A_144 = tpu.memref_slice %arg19[%dma_wait3A_141, %dma_wait3A_142, %dma_wait3A_143] : memref<2x128x128xf32, #tpu.memory_space<vmem>> -> memref<1x128x128xf32, #tpu.memory_space<vmem>>
          %dma_wait3A_145 = tpu.memref_squeeze %dma_wait3A_144 : memref<1x128x128xf32, #tpu.memory_space<vmem>> -> memref<128x128xf32, #tpu.memory_space<vmem>>
          %dma_wait3A_146 = tpu.memref_slice %arg16[%mul3A_140] : memref<3328xi32, #tpu.memory_space<vmem>> -> memref<128xi32, #tpu.memory_space<vmem>>
          %dma_wait3A_147 = arith.constant 0 : i32
          %dma_wait3A_148 = arith.constant 0 : i32
          %dma_wait3A_149 = tpu.memref_slice %arg3[%dma_wait3A_147, %dma_wait3A_148] : memref<10000x128xf32, #tpu.memory_space<hbm>> -> memref<10000x128xf32, #tpu.memory_space<hbm>>
          tpu.wait_indirect_dma semaphore(%arg20 : memref<!tpu.dma_semaphore, #tpu.memory_space<semaphore_mem>>) src(%dma_wait3A_149 : memref<10000x128xf32, #tpu.memory_space<hbm>>) dst(%dma_wait3A_145 : memref<128x128xf32, #tpu.memory_space<vmem>>)
          %mul3A_150 = arith.constant 128 : i32
          %mul3A_151 = arith.muli %add3A_125, %mul3A_150 : i32
          %dma_start3A_152 = arith.constant 0 : i32
          %dma_start3A_153 = arith.constant 0 : i32
          %dma_start3A_154 = arith.constant 0 : i32
          %dma_start3A_155 = tpu.memref_slice %arg19[%dma_start3A_152, %dma_start3A_153, %dma_start3A_154] : memref<2x128x128xf32, #tpu.memory_space<vmem>> -> memref<1x128x128xf32, #tpu.memory_space<vmem>>
          %dma_start3A_156 = tpu.memref_squeeze %dma_start3A_155 : memref<1x128x128xf32, #tpu.memory_space<vmem>> -> memref<128x128xf32, #tpu.memory_space<vmem>>
          %dma_start3A_157 = tpu.memref_slice %arg18[%mul3A_151] : memref<3328xi32, #tpu.memory_space<vmem>> -> memref<128xi32, #tpu.memory_space<vmem>>
          %dma_start3A_158 = arith.constant 0 : i32
          %dma_start3A_159 = arith.constant 0 : i32
          %dma_start3A_160 = tpu.memref_slice %arg14[%dma_start3A_158, %dma_start3A_159] : memref<10240x128xf32, #tpu.memory_space<vmem_shared>> -> memref<10240x128xf32, #tpu.memory_space<vmem_shared>>
          tpu.enqueue_indirect_dma source(%dma_start3A_156 : memref<128x128xf32, #tpu.memory_space<vmem>>) target(%dma_start3A_160 : memref<10240x128xf32, #tpu.memory_space<vmem_shared>>) offsets(%dma_start3A_157 : memref<128xi32, #tpu.memory_space<vmem>>) semaphore(%arg22 : memref<!tpu.dma_semaphore, #tpu.memory_space<semaphore_mem>>) {add = true}
          %mul3A_161 = arith.constant 2 : i32
          %mul3A_162 = arith.muli %scan3A_120, %mul3A_161 : i32
          %add3A_163 = arith.constant 1 : i32
          %add3A_164 = arith.addi %mul3A_162, %add3A_163 : i32
          %mul3A_165 = arith.constant 128 : i32
          %mul3A_166 = arith.muli %add3A_164, %mul3A_165 : i32
          %dma_wait3A_167 = arith.constant 0 : i32
          %dma_wait3A_168 = arith.constant 0 : i32
          %dma_wait3A_169 = arith.constant 0 : i32
          %dma_wait3A_170 = tpu.memref_slice %arg19[%dma_wait3A_167, %dma_wait3A_168, %dma_wait3A_169] : memref<2x128x128xf32, #tpu.memory_space<vmem>> -> memref<1x128x128xf32, #tpu.memory_space<vmem>>
          %dma_wait3A_171 = tpu.memref_squeeze %dma_wait3A_170 : memref<1x128x128xf32, #tpu.memory_space<vmem>> -> memref<128x128xf32, #tpu.memory_space<vmem>>
          %dma_wait3A_172 = tpu.memref_slice %arg18[%mul3A_166] : memref<3328xi32, #tpu.memory_space<vmem>> -> memref<128xi32, #tpu.memory_space<vmem>>
          %dma_wait3A_173 = arith.constant 0 : i32
          %dma_wait3A_174 = arith.constant 0 : i32
          %dma_wait3A_175 = tpu.memref_slice %arg14[%dma_wait3A_173, %dma_wait3A_174] : memref<10240x128xf32, #tpu.memory_space<vmem_shared>> -> memref<10240x128xf32, #tpu.memory_space<vmem_shared>>
          tpu.wait_indirect_dma semaphore(%arg22 : memref<!tpu.dma_semaphore, #tpu.memory_space<semaphore_mem>>) src(%dma_wait3A_171 : memref<128x128xf32, #tpu.memory_space<vmem>>) dst(%dma_wait3A_175 : memref<10240x128xf32, #tpu.memory_space<vmem_shared>>)
          %add3A_176 = arith.constant 1 : i32
          %add3A_177 = arith.addi %add3A_164, %add3A_176 : i32
          %lt3A_178 = arith.constant 26 : i32
          %lt3A_179 = arith.cmpi slt, %add3A_177, %lt3A_178 : i32
          %convert_element_type3A_180 = arith.extui %lt3A_179 : i1 to i32
          %cond3A_181 = arith.constant 0 : i32
          %cond3A_182 = arith.cmpi ne, %convert_element_type3A_180, %cond3A_181 : i32
          scf.if %cond3A_182 {
            %add3A_206 = arith.constant 1 : i32
            %add3A_207 = arith.addi %add3A_164, %add3A_206 : i32
            %mul3A_208 = arith.constant 128 : i32
            %mul3A_209 = arith.muli %add3A_207, %mul3A_208 : i32
            %dma_start3A_210 = arith.constant 0 : i32
            %dma_start3A_211 = arith.constant 0 : i32
            %dma_start3A_212 = arith.constant 0 : i32
            %dma_start3A_213 = tpu.memref_slice %arg19[%dma_start3A_210, %dma_start3A_211, %dma_start3A_212] : memref<2x128x128xf32, #tpu.memory_space<vmem>> -> memref<1x128x128xf32, #tpu.memory_space<vmem>>
            %dma_start3A_214 = tpu.memref_squeeze %dma_start3A_213 : memref<1x128x128xf32, #tpu.memory_space<vmem>> -> memref<128x128xf32, #tpu.memory_space<vmem>>
            %dma_start3A_215 = tpu.memref_slice %arg16[%mul3A_209] : memref<3328xi32, #tpu.memory_space<vmem>> -> memref<128xi32, #tpu.memory_space<vmem>>
            %dma_start3A_216 = arith.constant 0 : i32
            %dma_start3A_217 = arith.constant 0 : i32
            %dma_start3A_218 = tpu.memref_slice %arg3[%dma_start3A_216, %dma_start3A_217] : memref<10000x128xf32, #tpu.memory_space<hbm>> -> memref<10000x128xf32, #tpu.memory_space<hbm>>
            tpu.enqueue_indirect_dma source(%dma_start3A_218 : memref<10000x128xf32, #tpu.memory_space<hbm>>) target(%dma_start3A_214 : memref<128x128xf32, #tpu.memory_space<vmem>>) offsets(%dma_start3A_215 : memref<128xi32, #tpu.memory_space<vmem>>) semaphore(%arg20 : memref<!tpu.dma_semaphore, #tpu.memory_space<semaphore_mem>>)
          } else {
          }
          %mul3A_183 = arith.constant 128 : i32
          %mul3A_184 = arith.muli %add3A_164, %mul3A_183 : i32
          %dma_wait3A_185 = arith.constant 1 : i32
          %dma_wait3A_186 = arith.constant 0 : i32
          %dma_wait3A_187 = arith.constant 0 : i32
          %dma_wait3A_188 = tpu.memref_slice %arg19[%dma_wait3A_185, %dma_wait3A_186, %dma_wait3A_187] : memref<2x128x128xf32, #tpu.memory_space<vmem>> -> memref<1x128x128xf32, #tpu.memory_space<vmem>>
          %dma_wait3A_189 = tpu.memref_squeeze %dma_wait3A_188 : memref<1x128x128xf32, #tpu.memory_space<vmem>> -> memref<128x128xf32, #tpu.memory_space<vmem>>
          %dma_wait3A_190 = tpu.memref_slice %arg16[%mul3A_184] : memref<3328xi32, #tpu.memory_space<vmem>> -> memref<128xi32, #tpu.memory_space<vmem>>
          %dma_wait3A_191 = arith.constant 0 : i32
          %dma_wait3A_192 = arith.constant 0 : i32
          %dma_wait3A_193 = tpu.memref_slice %arg3[%dma_wait3A_191, %dma_wait3A_192] : memref<10000x128xf32, #tpu.memory_space<hbm>> -> memref<10000x128xf32, #tpu.memory_space<hbm>>
          tpu.wait_indirect_dma semaphore(%arg21 : memref<!tpu.dma_semaphore, #tpu.memory_space<semaphore_mem>>) src(%dma_wait3A_193 : memref<10000x128xf32, #tpu.memory_space<hbm>>) dst(%dma_wait3A_189 : memref<128x128xf32, #tpu.memory_space<vmem>>)
          %mul3A_194 = arith.constant 128 : i32
          %mul3A_195 = arith.muli %add3A_164, %mul3A_194 : i32
          %dma_start3A_196 = arith.constant 1 : i32
          %dma_start3A_197 = arith.constant 0 : i32
          %dma_start3A_198 = arith.constant 0 : i32
          %dma_start3A_199 = tpu.memref_slice %arg19[%dma_start3A_196, %dma_start3A_197, %dma_start3A_198] : memref<2x128x128xf32, #tpu.memory_space<vmem>> -> memref<1x128x128xf32, #tpu.memory_space<vmem>>
          %dma_start3A_200 = tpu.memref_squeeze %dma_start3A_199 : memref<1x128x128xf32, #tpu.memory_space<vmem>> -> memref<128x128xf32, #tpu.memory_space<vmem>>
          %dma_start3A_201 = tpu.memref_slice %arg18[%mul3A_195] : memref<3328xi32, #tpu.memory_space<vmem>> -> memref<128xi32, #tpu.memory_space<vmem>>
          %dma_start3A_202 = arith.constant 0 : i32
          %dma_start3A_203 = arith.constant 0 : i32
          %dma_start3A_204 = tpu.memref_slice %arg14[%dma_start3A_202, %dma_start3A_203] : memref<10240x128xf32, #tpu.memory_space<vmem_shared>> -> memref<10240x128xf32, #tpu.memory_space<vmem_shared>>
          tpu.enqueue_indirect_dma source(%dma_start3A_200 : memref<128x128xf32, #tpu.memory_space<vmem>>) target(%dma_start3A_204 : memref<10240x128xf32, #tpu.memory_space<vmem_shared>>) offsets(%dma_start3A_201 : memref<128xi32, #tpu.memory_space<vmem>>) semaphore(%arg23 : memref<!tpu.dma_semaphore, #tpu.memory_space<semaphore_mem>>) {add = true}
          %scan3A_205 = arith.constant 0 : i32
          scf.yield %scan3A_205 : i32
        }
        %scan3A_111 = arith.constant 13 : i32
        %add3A_112 = arith.constant 1 : i32
        %add3A_113 = arith.addi %add3A_97, %add3A_112 : i32
        %lt3A_114 = arith.constant 6 : i32
        %lt3A_115 = arith.cmpi slt, %add3A_113, %lt3A_114 : i32
        %convert_element_type3A_116 = arith.extui %lt3A_115 : i1 to i32
        %cond3A_117 = arith.constant 0 : i32
        %cond3A_118 = arith.cmpi ne, %convert_element_type3A_116, %cond3A_117 : i32
        scf.if %cond3A_118 {
          %add3A_120 = arith.constant 1 : i32
          %add3A_121 = arith.addi %add3A_97, %add3A_120 : i32
          %mul3A_122 = arith.constant 3328 : i32
          %mul3A_123 = arith.muli %add3A_121, %mul3A_122 : i32
          %add3A_124 = arith.addi %mul3A_19, %mul3A_123 : i32
          %dma_wait3A_125 = tpu.memref_slice %arg8[%add3A_124] : memref<320000xi32, #tpu.memory_space<hbm>> -> memref<3328xi32, #tpu.memory_space<hbm>>
          %dma_wait3A_126 = tpu.memref_slice %arg8[%add3A_124] : memref<320000xi32, #tpu.memory_space<hbm>> -> memref<3328xi32, #tpu.memory_space<hbm>>
          tpu.wait_dma2 semaphore(%arg24 : memref<!tpu.dma_semaphore, #tpu.memory_space<semaphore_mem>>) src(%dma_wait3A_126 : memref<3328xi32, #tpu.memory_space<hbm>>) dst(%arg15 : memref<3328xi32, #tpu.memory_space<vmem>>)
          %dma_wait3A_127 = tpu.memref_slice %arg7[%add3A_124] : memref<320000xi32, #tpu.memory_space<hbm>> -> memref<3328xi32, #tpu.memory_space<hbm>>
          %dma_wait3A_128 = tpu.memref_slice %arg7[%add3A_124] : memref<320000xi32, #tpu.memory_space<hbm>> -> memref<3328xi32, #tpu.memory_space<hbm>>
          tpu.wait_dma2 semaphore(%arg25 : memref<!tpu.dma_semaphore, #tpu.memory_space<semaphore_mem>>) src(%dma_wait3A_128 : memref<3328xi32, #tpu.memory_space<hbm>>) dst(%arg17 : memref<3328xi32, #tpu.memory_space<vmem>>)
          %dma_start3A_129 = arith.constant 0 : i32
          %dma_start3A_130 = arith.constant 0 : i32
          %dma_start3A_131 = arith.constant 0 : i32
          %dma_start3A_132 = tpu.memref_slice %arg19[%dma_start3A_129, %dma_start3A_130, %dma_start3A_131] : memref<2x128x128xf32, #tpu.memory_space<vmem>> -> memref<1x128x128xf32, #tpu.memory_space<vmem>>
          %dma_start3A_133 = tpu.memref_squeeze %dma_start3A_132 : memref<1x128x128xf32, #tpu.memory_space<vmem>> -> memref<128x128xf32, #tpu.memory_space<vmem>>
          %dma_start3A_134 = arith.constant 0 : i32
          %dma_start3A_135 = tpu.memref_slice %arg15[%dma_start3A_134] : memref<3328xi32, #tpu.memory_space<vmem>> -> memref<128xi32, #tpu.memory_space<vmem>>
          %dma_start3A_136 = arith.constant 0 : i32
          %dma_start3A_137 = arith.constant 0 : i32
          %dma_start3A_138 = tpu.memref_slice %arg3[%dma_start3A_136, %dma_start3A_137] : memref<10000x128xf32, #tpu.memory_space<hbm>> -> memref<10000x128xf32, #tpu.memory_space<hbm>>
          tpu.enqueue_indirect_dma source(%dma_start3A_138 : memref<10000x128xf32, #tpu.memory_space<hbm>>) target(%dma_start3A_133 : memref<128x128xf32, #tpu.memory_space<vmem>>) offsets(%dma_start3A_135 : memref<128xi32, #tpu.memory_space<vmem>>) semaphore(%arg20 : memref<!tpu.dma_semaphore, #tpu.memory_space<semaphore_mem>>)
        } else {
        }
        %scan3A_119 = arith.constant 0 : i32
        scf.yield %scan3A_119 : i32
      }
      %scan3A_34 = arith.constant 3 : i32
      %dma_wait3A = arith.constant 1 : i32
      %dma_wait3A_35 = arith.constant 0 : i32
      %dma_wait3A_36 = arith.constant 0 : i32
      %dma_wait3A_37 = tpu.memref_slice %arg19[%dma_wait3A, %dma_wait3A_35, %dma_wait3A_36] : memref<2x128x128xf32, #tpu.memory_space<vmem>> -> memref<1x128x128xf32, #tpu.memory_space<vmem>>
      %dma_wait3A_38 = tpu.memref_squeeze %dma_wait3A_37 : memref<1x128x128xf32, #tpu.memory_space<vmem>> -> memref<128x128xf32, #tpu.memory_space<vmem>>
      %dma_wait3A_39 = arith.constant 3200 : i32
      %dma_wait3A_40 = tpu.memref_slice %arg18[%dma_wait3A_39] : memref<3328xi32, #tpu.memory_space<vmem>> -> memref<128xi32, #tpu.memory_space<vmem>>
      %dma_wait3A_41 = arith.constant 0 : i32
      %dma_wait3A_42 = arith.constant 0 : i32
      %dma_wait3A_43 = tpu.memref_slice %arg14[%dma_wait3A_41, %dma_wait3A_42] : memref<10240x128xf32, #tpu.memory_space<vmem_shared>> -> memref<10240x128xf32, #tpu.memory_space<vmem_shared>>
      tpu.wait_indirect_dma semaphore(%arg23 : memref<!tpu.dma_semaphore, #tpu.memory_space<semaphore_mem>>) src(%dma_wait3A_38 : memref<128x128xf32, #tpu.memory_space<vmem>>) dst(%dma_wait3A_43 : memref<10240x128xf32, #tpu.memory_space<vmem_shared>>)
      %add3A = arith.constant 19968 : i32
      %add3A_44 = arith.addi %mul3A_19, %add3A : i32
      "tpu.region"() ({
        %run_scoped3A_68 = tpu.sem_alloc : memref<!tpu.dma_semaphore, #tpu.memory_space<semaphore_mem>>
        %dma_start3A_69 = arith.constant 0 : i32
        %dma_start3A_70 = tpu.memref_slice %arg15[%dma_start3A_69] : memref<3328xi32, #tpu.memory_space<vmem>> -> memref<32xi32, #tpu.memory_space<vmem>>
        %dma_start3A_71 = tpu.memref_slice %arg8[%add3A_44] : memref<320000xi32, #tpu.memory_space<hbm>> -> memref<32xi32, #tpu.memory_space<hbm>>
        %dma_start3A_72 = arith.constant 0 : i32
        %dma_start3A_73 = tpu.memref_slice %arg15[%dma_start3A_72] : memref<3328xi32, #tpu.memory_space<vmem>> -> memref<32xi32, #tpu.memory_space<vmem>>
        %dma_start3A_74 = tpu.memref_slice %arg8[%add3A_44] : memref<320000xi32, #tpu.memory_space<hbm>> -> memref<32xi32, #tpu.memory_space<hbm>>
        tpu.enqueue_dma source(%dma_start3A_74 : memref<32xi32, #tpu.memory_space<hbm>>) target(%dma_start3A_73 : memref<32xi32, #tpu.memory_space<vmem>>) target_semaphore(%run_scoped3A_68 : memref<!tpu.dma_semaphore, #tpu.memory_space<semaphore_mem>>)
        %dma_wait3A_75 = arith.constant 0 : i32
        %dma_wait3A_76 = tpu.memref_slice %arg15[%dma_wait3A_75] : memref<3328xi32, #tpu.memory_space<vmem>> -> memref<32xi32, #tpu.memory_space<vmem>>
        %dma_wait3A_77 = tpu.memref_slice %arg8[%add3A_44] : memref<320000xi32, #tpu.memory_space<hbm>> -> memref<32xi32, #tpu.memory_space<hbm>>
        %dma_wait3A_78 = arith.constant 0 : i32
        %dma_wait3A_79 = tpu.memref_slice %arg15[%dma_wait3A_78] : memref<3328xi32, #tpu.memory_space<vmem>> -> memref<32xi32, #tpu.memory_space<vmem>>
        %dma_wait3A_80 = tpu.memref_slice %arg8[%add3A_44] : memref<320000xi32, #tpu.memory_space<hbm>> -> memref<32xi32, #tpu.memory_space<hbm>>
        tpu.wait_dma2 semaphore(%run_scoped3A_68 : memref<!tpu.dma_semaphore, #tpu.memory_space<semaphore_mem>>) src(%dma_wait3A_80 : memref<32xi32, #tpu.memory_space<hbm>>) dst(%dma_wait3A_79 : memref<32xi32, #tpu.memory_space<vmem>>)
        tpu.yield
      }) : () -> ()
      "tpu.region"() ({
        %run_scoped3A_68 = tpu.sem_alloc : memref<!tpu.dma_semaphore, #tpu.memory_space<semaphore_mem>>
        %dma_start3A_69 = arith.constant 0 : i32
        %dma_start3A_70 = tpu.memref_slice %arg17[%dma_start3A_69] : memref<3328xi32, #tpu.memory_space<vmem>> -> memref<32xi32, #tpu.memory_space<vmem>>
        %dma_start3A_71 = tpu.memref_slice %arg7[%add3A_44] : memref<320000xi32, #tpu.memory_space<hbm>> -> memref<32xi32, #tpu.memory_space<hbm>>
        %dma_start3A_72 = arith.constant 0 : i32
        %dma_start3A_73 = tpu.memref_slice %arg17[%dma_start3A_72] : memref<3328xi32, #tpu.memory_space<vmem>> -> memref<32xi32, #tpu.memory_space<vmem>>
        %dma_start3A_74 = tpu.memref_slice %arg7[%add3A_44] : memref<320000xi32, #tpu.memory_space<hbm>> -> memref<32xi32, #tpu.memory_space<hbm>>
        tpu.enqueue_dma source(%dma_start3A_74 : memref<32xi32, #tpu.memory_space<hbm>>) target(%dma_start3A_73 : memref<32xi32, #tpu.memory_space<vmem>>) target_semaphore(%run_scoped3A_68 : memref<!tpu.dma_semaphore, #tpu.memory_space<semaphore_mem>>)
        %dma_wait3A_75 = arith.constant 0 : i32
        %dma_wait3A_76 = tpu.memref_slice %arg17[%dma_wait3A_75] : memref<3328xi32, #tpu.memory_space<vmem>> -> memref<32xi32, #tpu.memory_space<vmem>>
        %dma_wait3A_77 = tpu.memref_slice %arg7[%add3A_44] : memref<320000xi32, #tpu.memory_space<hbm>> -> memref<32xi32, #tpu.memory_space<hbm>>
        %dma_wait3A_78 = arith.constant 0 : i32
        %dma_wait3A_79 = tpu.memref_slice %arg17[%dma_wait3A_78] : memref<3328xi32, #tpu.memory_space<vmem>> -> memref<32xi32, #tpu.memory_space<vmem>>
        %dma_wait3A_80 = tpu.memref_slice %arg7[%add3A_44] : memref<320000xi32, #tpu.memory_space<hbm>> -> memref<32xi32, #tpu.memory_space<hbm>>
        tpu.wait_dma2 semaphore(%run_scoped3A_68 : memref<!tpu.dma_semaphore, #tpu.memory_space<semaphore_mem>>) src(%dma_wait3A_80 : memref<32xi32, #tpu.memory_space<hbm>>) dst(%dma_wait3A_79 : memref<32xi32, #tpu.memory_space<vmem>>)
        tpu.yield
      }) : () -> ()
      %dma_start3A_45 = arith.constant 0 : i32
      %dma_start3A_46 = arith.constant 0 : i32
      %dma_start3A_47 = arith.constant 0 : i32
      %dma_start3A_48 = tpu.memref_slice %arg19[%dma_start3A_45, %dma_start3A_46, %dma_start3A_47] : memref<2x128x128xf32, #tpu.memory_space<vmem>> -> memref<1x32x128xf32, #tpu.memory_space<vmem>>
      %dma_start3A_49 = tpu.memref_squeeze %dma_start3A_48 : memref<1x32x128xf32, #tpu.memory_space<vmem>> -> memref<32x128xf32, #tpu.memory_space<vmem>>
      %dma_start3A_50 = arith.constant 0 : i32
      %dma_start3A_51 = tpu.memref_slice %arg15[%dma_start3A_50] : memref<3328xi32, #tpu.memory_space<vmem>> -> memref<32xi32, #tpu.memory_space<vmem>>
      %dma_start3A_52 = arith.constant 0 : i32
      %dma_start3A_53 = arith.constant 0 : i32
      %dma_start3A_54 = tpu.memref_slice %arg3[%dma_start3A_52, %dma_start3A_53] : memref<10000x128xf32, #tpu.memory_space<hbm>> -> memref<10000x128xf32, #tpu.memory_space<hbm>>
      tpu.enqueue_indirect_dma source(%dma_start3A_54 : memref<10000x128xf32, #tpu.memory_space<hbm>>) target(%dma_start3A_49 : memref<32x128xf32, #tpu.memory_space<vmem>>) offsets(%dma_start3A_51 : memref<32xi32, #tpu.memory_space<vmem>>) semaphore(%arg20 : memref<!tpu.dma_semaphore, #tpu.memory_space<semaphore_mem>>)
      %dma_wait3A_55 = arith.constant 0 : i32
      %dma_wait3A_56 = arith.constant 0 : i32
      %dma_wait3A_57 = arith.constant 0 : i32
      %dma_wait3A_58 = tpu.memref_slice %arg19[%dma_wait3A_55, %dma_wait3A_56, %dma_wait3A_57] : memref<2x128x128xf32, #tpu.memory_space<vmem>> -> memref<1x32x128xf32, #tpu.memory_space<vmem>>
      %dma_wait3A_59 = tpu.memref_squeeze %dma_wait3A_58 : memref<1x32x128xf32, #tpu.memory_space<vmem>> -> memref<32x128xf32, #tpu.memory_space<vmem>>
      %dma_wait3A_60 = arith.constant 0 : i32
      %dma_wait3A_61 = tpu.memref_slice %arg15[%dma_wait3A_60] : memref<3328xi32, #tpu.memory_space<vmem>> -> memref<32xi32, #tpu.memory_space<vmem>>
      %dma_wait3A_62 = arith.constant 0 : i32
      %dma_wait3A_63 = arith.constant 0 : i32
      %dma_wait3A_64 = tpu.memref_slice %arg3[%dma_wait3A_62, %dma_wait3A_63] : memref<10000x128xf32, #tpu.memory_space<hbm>> -> memref<10000x128xf32, #tpu.memory_space<hbm>>
      tpu.wait_indirect_dma semaphore(%arg20 : memref<!tpu.dma_semaphore, #tpu.memory_space<semaphore_mem>>) src(%dma_wait3A_64 : memref<10000x128xf32, #tpu.memory_space<hbm>>) dst(%dma_wait3A_59 : memref<32x128xf32, #tpu.memory_space<vmem>>)
      %run_scoped3A = arith.constant 0 : i32
      "tpu.region"() ({
        %run_scoped3A_68 = tpu.sem_alloc : memref<!tpu.dma_semaphore, #tpu.memory_space<semaphore_mem>>
        %dma_start3A_69 = arith.constant 0 : i32
        %dma_start3A_70 = arith.constant 0 : i32
        %dma_start3A_71 = tpu.memref_slice %arg19[%run_scoped3A, %dma_start3A_69, %dma_start3A_70] : memref<2x128x128xf32, #tpu.memory_space<vmem>> -> memref<1x32x128xf32, #tpu.memory_space<vmem>>
        %dma_start3A_72 = tpu.memref_squeeze %dma_start3A_71 : memref<1x32x128xf32, #tpu.memory_space<vmem>> -> memref<32x128xf32, #tpu.memory_space<vmem>>
        %dma_start3A_73 = arith.constant 0 : i32
        %dma_start3A_74 = tpu.memref_slice %arg17[%dma_start3A_73] : memref<3328xi32, #tpu.memory_space<vmem>> -> memref<32xi32, #tpu.memory_space<vmem>>
        %dma_start3A_75 = arith.constant 0 : i32
        %dma_start3A_76 = arith.constant 0 : i32
        %dma_start3A_77 = tpu.memref_slice %arg14[%dma_start3A_75, %dma_start3A_76] : memref<10240x128xf32, #tpu.memory_space<vmem_shared>> -> memref<10240x128xf32, #tpu.memory_space<vmem_shared>>
        tpu.enqueue_indirect_dma source(%dma_start3A_72 : memref<32x128xf32, #tpu.memory_space<vmem>>) target(%dma_start3A_77 : memref<10240x128xf32, #tpu.memory_space<vmem_shared>>) offsets(%dma_start3A_74 : memref<32xi32, #tpu.memory_space<vmem>>) semaphore(%run_scoped3A_68 : memref<!tpu.dma_semaphore, #tpu.memory_space<semaphore_mem>>) {add = true}
        %dma_wait3A_78 = arith.constant 0 : i32
        %dma_wait3A_79 = arith.constant 0 : i32
        %dma_wait3A_80 = tpu.memref_slice %arg19[%run_scoped3A, %dma_wait3A_78, %dma_wait3A_79] : memref<2x128x128xf32, #tpu.memory_space<vmem>> -> memref<1x32x128xf32, #tpu.memory_space<vmem>>
        %dma_wait3A_81 = tpu.memref_squeeze %dma_wait3A_80 : memref<1x32x128xf32, #tpu.memory_space<vmem>> -> memref<32x128xf32, #tpu.memory_space<vmem>>
        %dma_wait3A_82 = arith.constant 0 : i32
        %dma_wait3A_83 = tpu.memref_slice %arg17[%dma_wait3A_82] : memref<3328xi32, #tpu.memory_space<vmem>> -> memref<32xi32, #tpu.memory_space<vmem>>
        %dma_wait3A_84 = arith.constant 0 : i32
        %dma_wait3A_85 = arith.constant 0 : i32
        %dma_wait3A_86 = tpu.memref_slice %arg14[%dma_wait3A_84, %dma_wait3A_85] : memref<10240x128xf32, #tpu.memory_space<vmem_shared>> -> memref<10240x128xf32, #tpu.memory_space<vmem_shared>>
        tpu.wait_indirect_dma semaphore(%run_scoped3A_68 : memref<!tpu.dma_semaphore, #tpu.memory_space<semaphore_mem>>) src(%dma_wait3A_81 : memref<32x128xf32, #tpu.memory_space<vmem>>) dst(%dma_wait3A_86 : memref<10240x128xf32, #tpu.memory_space<vmem_shared>>)
        tpu.yield
      }) : () -> ()
      %barrier3A_65 = arith.constant 0 : index
      tpu.barrier barrier_id(%barrier3A_65)
      %run_scoped3A_66 = arith.constant 1 : i32
      "tpu.region"() ({
        %run_scoped3A_68 = tpu.sem_alloc : memref<!tpu.dma_semaphore, #tpu.memory_space<semaphore_mem>>
        %dma_start3A_69 = arith.constant 0 : i32
        %dma_start3A_70 = tpu.memref_slice %arg13[%run_scoped3A_66, %mul3A_0, %dma_start3A_69] : memref<4x10240x128xf32, #tpu.memory_space<hbm>> -> memref<1x640x128xf32, #tpu.memory_space<hbm>>
        %dma_start3A_71 = tpu.memref_squeeze %dma_start3A_70 : memref<1x640x128xf32, #tpu.memory_space<hbm>> -> memref<640x128xf32, #tpu.memory_space<hbm>>
        %dma_start3A_72 = arith.constant 0 : i32
        %dma_start3A_73 = tpu.memref_slice %arg14[%mul3A_0, %dma_start3A_72] : memref<10240x128xf32, #tpu.memory_space<vmem_shared>> -> memref<640x128xf32, #tpu.memory_space<vmem_shared>>
        tpu.enqueue_dma source(%dma_start3A_73 : memref<640x128xf32, #tpu.memory_space<vmem_shared>>) target(%dma_start3A_71 : memref<640x128xf32, #tpu.memory_space<hbm>>) target_semaphore(%run_scoped3A_68 : memref<!tpu.dma_semaphore, #tpu.memory_space<semaphore_mem>>)
        %dma_wait3A_74 = arith.constant 0 : i32
        %dma_wait3A_75 = tpu.memref_slice %arg13[%run_scoped3A_66, %mul3A_0, %dma_wait3A_74] : memref<4x10240x128xf32, #tpu.memory_space<hbm>> -> memref<1x640x128xf32, #tpu.memory_space<hbm>>
        %dma_wait3A_76 = tpu.memref_squeeze %dma_wait3A_75 : memref<1x640x128xf32, #tpu.memory_space<hbm>> -> memref<640x128xf32, #tpu.memory_space<hbm>>
        %dma_wait3A_77 = arith.constant 0 : i32
        %dma_wait3A_78 = tpu.memref_slice %arg14[%mul3A_0, %dma_wait3A_77] : memref<10240x128xf32, #tpu.memory_space<vmem_shared>> -> memref<640x128xf32, #tpu.memory_space<vmem_shared>>
        tpu.wait_dma2 semaphore(%run_scoped3A_68 : memref<!tpu.dma_semaphore, #tpu.memory_space<semaphore_mem>>) src(%dma_wait3A_78 : memref<640x128xf32, #tpu.memory_space<vmem_shared>>) dst(%dma_wait3A_76 : memref<640x128xf32, #tpu.memory_space<hbm>>)
        tpu.yield
      }) : () -> ()
      "tpu.region"() ({
        %run_scoped3A_68 = tpu.sem_alloc : memref<!tpu.dma_semaphore, #tpu.memory_space<semaphore_mem>>
        %dma_start3A_69 = arith.constant 0 : i32
        %dma_start3A_70 = tpu.memref_slice %arg14[%mul3A_0, %dma_start3A_69] : memref<10240x128xf32, #tpu.memory_space<vmem_shared>> -> memref<640x128xf32, #tpu.memory_space<vmem_shared>>
        tpu.enqueue_dma source(%arg4 : memref<640x128xf32, #tpu.memory_space<hbm>>) target(%dma_start3A_70 : memref<640x128xf32, #tpu.memory_space<vmem_shared>>) target_semaphore(%run_scoped3A_68 : memref<!tpu.dma_semaphore, #tpu.memory_space<semaphore_mem>>)
        %dma_wait3A_71 = arith.constant 0 : i32
        %dma_wait3A_72 = tpu.memref_slice %arg14[%mul3A_0, %dma_wait3A_71] : memref<10240x128xf32, #tpu.memory_space<vmem_shared>> -> memref<640x128xf32, #tpu.memory_space<vmem_shared>>
        tpu.wait_dma2 semaphore(%run_scoped3A_68 : memref<!tpu.dma_semaphore, #tpu.memory_space<semaphore_mem>>) src(%arg4 : memref<640x128xf32, #tpu.memory_space<hbm>>) dst(%dma_wait3A_72 : memref<640x128xf32, #tpu.memory_space<vmem_shared>>)
        tpu.yield
      }) : () -> ()
      %barrier3A_67 = arith.constant 0 : index
      tpu.barrier barrier_id(%barrier3A_67)
    } else {
    }
    %eq3A_8 = arith.constant 1 : i32
    %eq3A_9 = arith.cmpi eq, %arg0, %eq3A_8 : i32
    %convert_element_type3A_10 = arith.extui %eq3A_9 : i1 to i32
    %cond3A_11 = arith.constant 0 : i32
    %cond3A_12 = arith.cmpi ne, %convert_element_type3A_10, %cond3A_11 : i32
    scf.if %cond3A_12 {
      %mul3A_18 = arith.constant 20000 : i32
      %mul3A_19 = arith.muli %arg1, %mul3A_18 : i32
      "tpu.region"() ({
        %run_scoped3A_68 = tpu.sem_alloc : memref<!tpu.dma_semaphore, #tpu.memory_space<semaphore_mem>>
        %dma_start3A_69 = tpu.memref_slice %arg10[%mul3A_19] : memref<320000xi32, #tpu.memory_space<hbm>> -> memref<3328xi32, #tpu.memory_space<hbm>>
        %dma_start3A_70 = tpu.memref_slice %arg10[%mul3A_19] : memref<320000xi32, #tpu.memory_space<hbm>> -> memref<3328xi32, #tpu.memory_space<hbm>>
        tpu.enqueue_dma source(%dma_start3A_70 : memref<3328xi32, #tpu.memory_space<hbm>>) target(%arg15 : memref<3328xi32, #tpu.memory_space<vmem>>) target_semaphore(%run_scoped3A_68 : memref<!tpu.dma_semaphore, #tpu.memory_space<semaphore_mem>>)
        %dma_wait3A_71 = tpu.memref_slice %arg10[%mul3A_19] : memref<320000xi32, #tpu.memory_space<hbm>> -> memref<3328xi32, #tpu.memory_space<hbm>>
        %dma_wait3A_72 = tpu.memref_slice %arg10[%mul3A_19] : memref<320000xi32, #tpu.memory_space<hbm>> -> memref<3328xi32, #tpu.memory_space<hbm>>
        tpu.wait_dma2 semaphore(%run_scoped3A_68 : memref<!tpu.dma_semaphore, #tpu.memory_space<semaphore_mem>>) src(%dma_wait3A_72 : memref<3328xi32, #tpu.memory_space<hbm>>) dst(%arg15 : memref<3328xi32, #tpu.memory_space<vmem>>)
        tpu.yield
      }) : () -> ()
      "tpu.region"() ({
        %run_scoped3A_68 = tpu.sem_alloc : memref<!tpu.dma_semaphore, #tpu.memory_space<semaphore_mem>>
        %dma_start3A_69 = tpu.memref_slice %arg9[%mul3A_19] : memref<320000xi32, #tpu.memory_space<hbm>> -> memref<3328xi32, #tpu.memory_space<hbm>>
        %dma_start3A_70 = tpu.memref_slice %arg9[%mul3A_19] : memref<320000xi32, #tpu.memory_space<hbm>> -> memref<3328xi32, #tpu.memory_space<hbm>>
        tpu.enqueue_dma source(%dma_start3A_70 : memref<3328xi32, #tpu.memory_space<hbm>>) target(%arg17 : memref<3328xi32, #tpu.memory_space<vmem>>) target_semaphore(%run_scoped3A_68 : memref<!tpu.dma_semaphore, #tpu.memory_space<semaphore_mem>>)
        %dma_wait3A_71 = tpu.memref_slice %arg9[%mul3A_19] : memref<320000xi32, #tpu.memory_space<hbm>> -> memref<3328xi32, #tpu.memory_space<hbm>>
        %dma_wait3A_72 = tpu.memref_slice %arg9[%mul3A_19] : memref<320000xi32, #tpu.memory_space<hbm>> -> memref<3328xi32, #tpu.memory_space<hbm>>
        tpu.wait_dma2 semaphore(%run_scoped3A_68 : memref<!tpu.dma_semaphore, #tpu.memory_space<semaphore_mem>>) src(%dma_wait3A_72 : memref<3328xi32, #tpu.memory_space<hbm>>) dst(%arg17 : memref<3328xi32, #tpu.memory_space<vmem>>)
        tpu.yield
      }) : () -> ()
      %dma_start3A = arith.constant 0 : i32
      %dma_start3A_20 = arith.constant 0 : i32
      %dma_start3A_21 = arith.constant 0 : i32
      %dma_start3A_22 = tpu.memref_slice %arg19[%dma_start3A, %dma_start3A_20, %dma_start3A_21] : memref<2x128x128xf32, #tpu.memory_space<vmem>> -> memref<1x128x128xf32, #tpu.memory_space<vmem>>
      %dma_start3A_23 = tpu.memref_squeeze %dma_start3A_22 : memref<1x128x128xf32, #tpu.memory_space<vmem>> -> memref<128x128xf32, #tpu.memory_space<vmem>>
      %dma_start3A_24 = arith.constant 0 : i32
      %dma_start3A_25 = tpu.memref_slice %arg15[%dma_start3A_24] : memref<3328xi32, #tpu.memory_space<vmem>> -> memref<128xi32, #tpu.memory_space<vmem>>
      %dma_start3A_26 = arith.constant 0 : i32
      %dma_start3A_27 = arith.constant 0 : i32
      %dma_start3A_28 = tpu.memref_slice %arg3[%dma_start3A_26, %dma_start3A_27] : memref<10000x128xf32, #tpu.memory_space<hbm>> -> memref<10000x128xf32, #tpu.memory_space<hbm>>
      tpu.enqueue_indirect_dma source(%dma_start3A_28 : memref<10000x128xf32, #tpu.memory_space<hbm>>) target(%dma_start3A_23 : memref<128x128xf32, #tpu.memory_space<vmem>>) offsets(%dma_start3A_25 : memref<128xi32, #tpu.memory_space<vmem>>) semaphore(%arg20 : memref<!tpu.dma_semaphore, #tpu.memory_space<semaphore_mem>>)
      %scan3A = arith.constant 0 : i32
      %scan3A_29 = arith.constant 0 : i32
      %scan3A_30 = arith.constant 3 : i32
      %scan3A_31 = arith.addi %scan3A_29, %scan3A_30 : i32
      %scan3A_32 = arith.constant 1 : i32
      %scan3A_33 = scf.for %scan3A_68 = %scan3A_29 to %scan3A_31 step %scan3A_32 iter_args(%scan3A_69 = %scan3A) -> (i32)  : i32 {
        %mul3A_70 = arith.constant 2 : i32
        %mul3A_71 = arith.muli %scan3A_68, %mul3A_70 : i32
        %add3A_72 = arith.constant 0 : i32
        %add3A_73 = arith.addi %mul3A_71, %add3A_72 : i32
        %add3A_74 = arith.constant 1 : i32
        %add3A_75 = arith.addi %add3A_73, %add3A_74 : i32
        %lt3A = arith.constant 6 : i32
        %lt3A_76 = arith.cmpi slt, %add3A_75, %lt3A : i32
        %convert_element_type3A_77 = arith.extui %lt3A_76 : i1 to i32
        %cond3A_78 = arith.constant 0 : i32
        %cond3A_79 = arith.cmpi ne, %convert_element_type3A_77, %cond3A_78 : i32
        scf.if %cond3A_79 {
          %add3A_120 = arith.constant 1 : i32
          %add3A_121 = arith.addi %add3A_73, %add3A_120 : i32
          %mul3A_122 = arith.constant 3328 : i32
          %mul3A_123 = arith.muli %add3A_121, %mul3A_122 : i32
          %add3A_124 = arith.addi %mul3A_19, %mul3A_123 : i32
          %dma_start3A_125 = tpu.memref_slice %arg10[%add3A_124] : memref<320000xi32, #tpu.memory_space<hbm>> -> memref<3328xi32, #tpu.memory_space<hbm>>
          %dma_start3A_126 = tpu.memref_slice %arg10[%add3A_124] : memref<320000xi32, #tpu.memory_space<hbm>> -> memref<3328xi32, #tpu.memory_space<hbm>>
          tpu.enqueue_dma source(%dma_start3A_126 : memref<3328xi32, #tpu.memory_space<hbm>>) target(%arg16 : memref<3328xi32, #tpu.memory_space<vmem>>) target_semaphore(%arg24 : memref<!tpu.dma_semaphore, #tpu.memory_space<semaphore_mem>>)
          %dma_start3A_127 = tpu.memref_slice %arg9[%add3A_124] : memref<320000xi32, #tpu.memory_space<hbm>> -> memref<3328xi32, #tpu.memory_space<hbm>>
          %dma_start3A_128 = tpu.memref_slice %arg9[%add3A_124] : memref<320000xi32, #tpu.memory_space<hbm>> -> memref<3328xi32, #tpu.memory_space<hbm>>
          tpu.enqueue_dma source(%dma_start3A_128 : memref<3328xi32, #tpu.memory_space<hbm>>) target(%arg18 : memref<3328xi32, #tpu.memory_space<vmem>>) target_semaphore(%arg25 : memref<!tpu.dma_semaphore, #tpu.memory_space<semaphore_mem>>)
        } else {
        }
        %scan3A_80 = arith.constant 0 : i32
        %scan3A_81 = arith.constant 0 : i32
        %scan3A_82 = arith.constant 13 : i32
        %scan3A_83 = arith.addi %scan3A_81, %scan3A_82 : i32
        %scan3A_84 = arith.constant 1 : i32
        %scan3A_85 = scf.for %scan3A_120 = %scan3A_81 to %scan3A_83 step %scan3A_84 iter_args(%scan3A_121 = %scan3A_80) -> (i32)  : i32 {
          %mul3A_122 = arith.constant 2 : i32
          %mul3A_123 = arith.muli %scan3A_120, %mul3A_122 : i32
          %add3A_124 = arith.constant 0 : i32
          %add3A_125 = arith.addi %mul3A_123, %add3A_124 : i32
          %gt3A = arith.constant 0 : i32
          %gt3A_126 = arith.cmpi sgt, %add3A_125, %gt3A : i32
          %gt3A_127 = arith.constant 0 : i32
          %gt3A_128 = arith.cmpi sgt, %add3A_73, %gt3A_127 : i32
          %or3A = arith.ori %gt3A_126, %gt3A_128 : i1
          %convert_element_type3A_129 = arith.extui %or3A : i1 to i32
          %cond3A_130 = arith.constant 0 : i32
          %cond3A_131 = arith.cmpi ne, %convert_element_type3A_129, %cond3A_130 : i32
          scf.if %cond3A_131 {
            %mul3A_206 = arith.constant 128 : i32
            %mul3A_207 = arith.muli %add3A_125, %mul3A_206 : i32
            %dma_wait3A_208 = arith.constant 1 : i32
            %dma_wait3A_209 = arith.constant 0 : i32
            %dma_wait3A_210 = arith.constant 0 : i32
            %dma_wait3A_211 = tpu.memref_slice %arg19[%dma_wait3A_208, %dma_wait3A_209, %dma_wait3A_210] : memref<2x128x128xf32, #tpu.memory_space<vmem>> -> memref<1x128x128xf32, #tpu.memory_space<vmem>>
            %dma_wait3A_212 = tpu.memref_squeeze %dma_wait3A_211 : memref<1x128x128xf32, #tpu.memory_space<vmem>> -> memref<128x128xf32, #tpu.memory_space<vmem>>
            %dma_wait3A_213 = tpu.memref_slice %arg17[%mul3A_207] : memref<3328xi32, #tpu.memory_space<vmem>> -> memref<128xi32, #tpu.memory_space<vmem>>
            %dma_wait3A_214 = arith.constant 0 : i32
            %dma_wait3A_215 = arith.constant 0 : i32
            %dma_wait3A_216 = tpu.memref_slice %arg14[%dma_wait3A_214, %dma_wait3A_215] : memref<10240x128xf32, #tpu.memory_space<vmem_shared>> -> memref<10240x128xf32, #tpu.memory_space<vmem_shared>>
            tpu.wait_indirect_dma semaphore(%arg23 : memref<!tpu.dma_semaphore, #tpu.memory_space<semaphore_mem>>) src(%dma_wait3A_212 : memref<128x128xf32, #tpu.memory_space<vmem>>) dst(%dma_wait3A_216 : memref<10240x128xf32, #tpu.memory_space<vmem_shared>>)
          } else {
          }
          %add3A_132 = arith.constant 1 : i32
          %add3A_133 = arith.addi %add3A_125, %add3A_132 : i32
          %lt3A_134 = arith.constant 26 : i32
          %lt3A_135 = arith.cmpi slt, %add3A_133, %lt3A_134 : i32
          %convert_element_type3A_136 = arith.extui %lt3A_135 : i1 to i32
          %cond3A_137 = arith.constant 0 : i32
          %cond3A_138 = arith.cmpi ne, %convert_element_type3A_136, %cond3A_137 : i32
          scf.if %cond3A_138 {
            %add3A_206 = arith.constant 1 : i32
            %add3A_207 = arith.addi %add3A_125, %add3A_206 : i32
            %mul3A_208 = arith.constant 128 : i32
            %mul3A_209 = arith.muli %add3A_207, %mul3A_208 : i32
            %dma_start3A_210 = arith.constant 1 : i32
            %dma_start3A_211 = arith.constant 0 : i32
            %dma_start3A_212 = arith.constant 0 : i32
            %dma_start3A_213 = tpu.memref_slice %arg19[%dma_start3A_210, %dma_start3A_211, %dma_start3A_212] : memref<2x128x128xf32, #tpu.memory_space<vmem>> -> memref<1x128x128xf32, #tpu.memory_space<vmem>>
            %dma_start3A_214 = tpu.memref_squeeze %dma_start3A_213 : memref<1x128x128xf32, #tpu.memory_space<vmem>> -> memref<128x128xf32, #tpu.memory_space<vmem>>
            %dma_start3A_215 = tpu.memref_slice %arg15[%mul3A_209] : memref<3328xi32, #tpu.memory_space<vmem>> -> memref<128xi32, #tpu.memory_space<vmem>>
            %dma_start3A_216 = arith.constant 0 : i32
            %dma_start3A_217 = arith.constant 0 : i32
            %dma_start3A_218 = tpu.memref_slice %arg3[%dma_start3A_216, %dma_start3A_217] : memref<10000x128xf32, #tpu.memory_space<hbm>> -> memref<10000x128xf32, #tpu.memory_space<hbm>>
            tpu.enqueue_indirect_dma source(%dma_start3A_218 : memref<10000x128xf32, #tpu.memory_space<hbm>>) target(%dma_start3A_214 : memref<128x128xf32, #tpu.memory_space<vmem>>) offsets(%dma_start3A_215 : memref<128xi32, #tpu.memory_space<vmem>>) semaphore(%arg21 : memref<!tpu.dma_semaphore, #tpu.memory_space<semaphore_mem>>)
          } else {
          }
          %mul3A_139 = arith.constant 128 : i32
          %mul3A_140 = arith.muli %add3A_125, %mul3A_139 : i32
          %dma_wait3A_141 = arith.constant 0 : i32
          %dma_wait3A_142 = arith.constant 0 : i32
          %dma_wait3A_143 = arith.constant 0 : i32
          %dma_wait3A_144 = tpu.memref_slice %arg19[%dma_wait3A_141, %dma_wait3A_142, %dma_wait3A_143] : memref<2x128x128xf32, #tpu.memory_space<vmem>> -> memref<1x128x128xf32, #tpu.memory_space<vmem>>
          %dma_wait3A_145 = tpu.memref_squeeze %dma_wait3A_144 : memref<1x128x128xf32, #tpu.memory_space<vmem>> -> memref<128x128xf32, #tpu.memory_space<vmem>>
          %dma_wait3A_146 = tpu.memref_slice %arg15[%mul3A_140] : memref<3328xi32, #tpu.memory_space<vmem>> -> memref<128xi32, #tpu.memory_space<vmem>>
          %dma_wait3A_147 = arith.constant 0 : i32
          %dma_wait3A_148 = arith.constant 0 : i32
          %dma_wait3A_149 = tpu.memref_slice %arg3[%dma_wait3A_147, %dma_wait3A_148] : memref<10000x128xf32, #tpu.memory_space<hbm>> -> memref<10000x128xf32, #tpu.memory_space<hbm>>
          tpu.wait_indirect_dma semaphore(%arg20 : memref<!tpu.dma_semaphore, #tpu.memory_space<semaphore_mem>>) src(%dma_wait3A_149 : memref<10000x128xf32, #tpu.memory_space<hbm>>) dst(%dma_wait3A_145 : memref<128x128xf32, #tpu.memory_space<vmem>>)
          %mul3A_150 = arith.constant 128 : i32
          %mul3A_151 = arith.muli %add3A_125, %mul3A_150 : i32
          %dma_start3A_152 = arith.constant 0 : i32
          %dma_start3A_153 = arith.constant 0 : i32
          %dma_start3A_154 = arith.constant 0 : i32
          %dma_start3A_155 = tpu.memref_slice %arg19[%dma_start3A_152, %dma_start3A_153, %dma_start3A_154] : memref<2x128x128xf32, #tpu.memory_space<vmem>> -> memref<1x128x128xf32, #tpu.memory_space<vmem>>
          %dma_start3A_156 = tpu.memref_squeeze %dma_start3A_155 : memref<1x128x128xf32, #tpu.memory_space<vmem>> -> memref<128x128xf32, #tpu.memory_space<vmem>>
          %dma_start3A_157 = tpu.memref_slice %arg17[%mul3A_151] : memref<3328xi32, #tpu.memory_space<vmem>> -> memref<128xi32, #tpu.memory_space<vmem>>
          %dma_start3A_158 = arith.constant 0 : i32
          %dma_start3A_159 = arith.constant 0 : i32
          %dma_start3A_160 = tpu.memref_slice %arg14[%dma_start3A_158, %dma_start3A_159] : memref<10240x128xf32, #tpu.memory_space<vmem_shared>> -> memref<10240x128xf32, #tpu.memory_space<vmem_shared>>
          tpu.enqueue_indirect_dma source(%dma_start3A_156 : memref<128x128xf32, #tpu.memory_space<vmem>>) target(%dma_start3A_160 : memref<10240x128xf32, #tpu.memory_space<vmem_shared>>) offsets(%dma_start3A_157 : memref<128xi32, #tpu.memory_space<vmem>>) semaphore(%arg22 : memref<!tpu.dma_semaphore, #tpu.memory_space<semaphore_mem>>) {add = true}
          %mul3A_161 = arith.constant 2 : i32
          %mul3A_162 = arith.muli %scan3A_120, %mul3A_161 : i32
          %add3A_163 = arith.constant 1 : i32
          %add3A_164 = arith.addi %mul3A_162, %add3A_163 : i32
          %mul3A_165 = arith.constant 128 : i32
          %mul3A_166 = arith.muli %add3A_164, %mul3A_165 : i32
          %dma_wait3A_167 = arith.constant 0 : i32
          %dma_wait3A_168 = arith.constant 0 : i32
          %dma_wait3A_169 = arith.constant 0 : i32
          %dma_wait3A_170 = tpu.memref_slice %arg19[%dma_wait3A_167, %dma_wait3A_168, %dma_wait3A_169] : memref<2x128x128xf32, #tpu.memory_space<vmem>> -> memref<1x128x128xf32, #tpu.memory_space<vmem>>
          %dma_wait3A_171 = tpu.memref_squeeze %dma_wait3A_170 : memref<1x128x128xf32, #tpu.memory_space<vmem>> -> memref<128x128xf32, #tpu.memory_space<vmem>>
          %dma_wait3A_172 = tpu.memref_slice %arg17[%mul3A_166] : memref<3328xi32, #tpu.memory_space<vmem>> -> memref<128xi32, #tpu.memory_space<vmem>>
          %dma_wait3A_173 = arith.constant 0 : i32
          %dma_wait3A_174 = arith.constant 0 : i32
          %dma_wait3A_175 = tpu.memref_slice %arg14[%dma_wait3A_173, %dma_wait3A_174] : memref<10240x128xf32, #tpu.memory_space<vmem_shared>> -> memref<10240x128xf32, #tpu.memory_space<vmem_shared>>
          tpu.wait_indirect_dma semaphore(%arg22 : memref<!tpu.dma_semaphore, #tpu.memory_space<semaphore_mem>>) src(%dma_wait3A_171 : memref<128x128xf32, #tpu.memory_space<vmem>>) dst(%dma_wait3A_175 : memref<10240x128xf32, #tpu.memory_space<vmem_shared>>)
          %add3A_176 = arith.constant 1 : i32
          %add3A_177 = arith.addi %add3A_164, %add3A_176 : i32
          %lt3A_178 = arith.constant 26 : i32
          %lt3A_179 = arith.cmpi slt, %add3A_177, %lt3A_178 : i32
          %convert_element_type3A_180 = arith.extui %lt3A_179 : i1 to i32
          %cond3A_181 = arith.constant 0 : i32
          %cond3A_182 = arith.cmpi ne, %convert_element_type3A_180, %cond3A_181 : i32
          scf.if %cond3A_182 {
            %add3A_206 = arith.constant 1 : i32
            %add3A_207 = arith.addi %add3A_164, %add3A_206 : i32
            %mul3A_208 = arith.constant 128 : i32
            %mul3A_209 = arith.muli %add3A_207, %mul3A_208 : i32
            %dma_start3A_210 = arith.constant 0 : i32
            %dma_start3A_211 = arith.constant 0 : i32
            %dma_start3A_212 = arith.constant 0 : i32
            %dma_start3A_213 = tpu.memref_slice %arg19[%dma_start3A_210, %dma_start3A_211, %dma_start3A_212] : memref<2x128x128xf32, #tpu.memory_space<vmem>> -> memref<1x128x128xf32, #tpu.memory_space<vmem>>
            %dma_start3A_214 = tpu.memref_squeeze %dma_start3A_213 : memref<1x128x128xf32, #tpu.memory_space<vmem>> -> memref<128x128xf32, #tpu.memory_space<vmem>>
            %dma_start3A_215 = tpu.memref_slice %arg15[%mul3A_209] : memref<3328xi32, #tpu.memory_space<vmem>> -> memref<128xi32, #tpu.memory_space<vmem>>
            %dma_start3A_216 = arith.constant 0 : i32
            %dma_start3A_217 = arith.constant 0 : i32
            %dma_start3A_218 = tpu.memref_slice %arg3[%dma_start3A_216, %dma_start3A_217] : memref<10000x128xf32, #tpu.memory_space<hbm>> -> memref<10000x128xf32, #tpu.memory_space<hbm>>
            tpu.enqueue_indirect_dma source(%dma_start3A_218 : memref<10000x128xf32, #tpu.memory_space<hbm>>) target(%dma_start3A_214 : memref<128x128xf32, #tpu.memory_space<vmem>>) offsets(%dma_start3A_215 : memref<128xi32, #tpu.memory_space<vmem>>) semaphore(%arg20 : memref<!tpu.dma_semaphore, #tpu.memory_space<semaphore_mem>>)
          } else {
          }
          %mul3A_183 = arith.constant 128 : i32
          %mul3A_184 = arith.muli %add3A_164, %mul3A_183 : i32
          %dma_wait3A_185 = arith.constant 1 : i32
          %dma_wait3A_186 = arith.constant 0 : i32
          %dma_wait3A_187 = arith.constant 0 : i32
          %dma_wait3A_188 = tpu.memref_slice %arg19[%dma_wait3A_185, %dma_wait3A_186, %dma_wait3A_187] : memref<2x128x128xf32, #tpu.memory_space<vmem>> -> memref<1x128x128xf32, #tpu.memory_space<vmem>>
          %dma_wait3A_189 = tpu.memref_squeeze %dma_wait3A_188 : memref<1x128x128xf32, #tpu.memory_space<vmem>> -> memref<128x128xf32, #tpu.memory_space<vmem>>
          %dma_wait3A_190 = tpu.memref_slice %arg15[%mul3A_184] : memref<3328xi32, #tpu.memory_space<vmem>> -> memref<128xi32, #tpu.memory_space<vmem>>
          %dma_wait3A_191 = arith.constant 0 : i32
          %dma_wait3A_192 = arith.constant 0 : i32
          %dma_wait3A_193 = tpu.memref_slice %arg3[%dma_wait3A_191, %dma_wait3A_192] : memref<10000x128xf32, #tpu.memory_space<hbm>> -> memref<10000x128xf32, #tpu.memory_space<hbm>>
          tpu.wait_indirect_dma semaphore(%arg21 : memref<!tpu.dma_semaphore, #tpu.memory_space<semaphore_mem>>) src(%dma_wait3A_193 : memref<10000x128xf32, #tpu.memory_space<hbm>>) dst(%dma_wait3A_189 : memref<128x128xf32, #tpu.memory_space<vmem>>)
          %mul3A_194 = arith.constant 128 : i32
          %mul3A_195 = arith.muli %add3A_164, %mul3A_194 : i32
          %dma_start3A_196 = arith.constant 1 : i32
          %dma_start3A_197 = arith.constant 0 : i32
          %dma_start3A_198 = arith.constant 0 : i32
          %dma_start3A_199 = tpu.memref_slice %arg19[%dma_start3A_196, %dma_start3A_197, %dma_start3A_198] : memref<2x128x128xf32, #tpu.memory_space<vmem>> -> memref<1x128x128xf32, #tpu.memory_space<vmem>>
          %dma_start3A_200 = tpu.memref_squeeze %dma_start3A_199 : memref<1x128x128xf32, #tpu.memory_space<vmem>> -> memref<128x128xf32, #tpu.memory_space<vmem>>
          %dma_start3A_201 = tpu.memref_slice %arg17[%mul3A_195] : memref<3328xi32, #tpu.memory_space<vmem>> -> memref<128xi32, #tpu.memory_space<vmem>>
          %dma_start3A_202 = arith.constant 0 : i32
          %dma_start3A_203 = arith.constant 0 : i32
          %dma_start3A_204 = tpu.memref_slice %arg14[%dma_start3A_202, %dma_start3A_203] : memref<10240x128xf32, #tpu.memory_space<vmem_shared>> -> memref<10240x128xf32, #tpu.memory_space<vmem_shared>>
          tpu.enqueue_indirect_dma source(%dma_start3A_200 : memref<128x128xf32, #tpu.memory_space<vmem>>) target(%dma_start3A_204 : memref<10240x128xf32, #tpu.memory_space<vmem_shared>>) offsets(%dma_start3A_201 : memref<128xi32, #tpu.memory_space<vmem>>) semaphore(%arg23 : memref<!tpu.dma_semaphore, #tpu.memory_space<semaphore_mem>>) {add = true}
          %scan3A_205 = arith.constant 0 : i32
          scf.yield %scan3A_205 : i32
        }
        %scan3A_86 = arith.constant 13 : i32
        %add3A_87 = arith.constant 1 : i32
        %add3A_88 = arith.addi %add3A_73, %add3A_87 : i32
        %lt3A_89 = arith.constant 6 : i32
        %lt3A_90 = arith.cmpi slt, %add3A_88, %lt3A_89 : i32
        %convert_element_type3A_91 = arith.extui %lt3A_90 : i1 to i32
        %cond3A_92 = arith.constant 0 : i32
        %cond3A_93 = arith.cmpi ne, %convert_element_type3A_91, %cond3A_92 : i32
        scf.if %cond3A_93 {
          %add3A_120 = arith.constant 1 : i32
          %add3A_121 = arith.addi %add3A_73, %add3A_120 : i32
          %mul3A_122 = arith.constant 3328 : i32
          %mul3A_123 = arith.muli %add3A_121, %mul3A_122 : i32
          %add3A_124 = arith.addi %mul3A_19, %mul3A_123 : i32
          %dma_wait3A_125 = tpu.memref_slice %arg10[%add3A_124] : memref<320000xi32, #tpu.memory_space<hbm>> -> memref<3328xi32, #tpu.memory_space<hbm>>
          %dma_wait3A_126 = tpu.memref_slice %arg10[%add3A_124] : memref<320000xi32, #tpu.memory_space<hbm>> -> memref<3328xi32, #tpu.memory_space<hbm>>
          tpu.wait_dma2 semaphore(%arg24 : memref<!tpu.dma_semaphore, #tpu.memory_space<semaphore_mem>>) src(%dma_wait3A_126 : memref<3328xi32, #tpu.memory_space<hbm>>) dst(%arg16 : memref<3328xi32, #tpu.memory_space<vmem>>)
          %dma_wait3A_127 = tpu.memref_slice %arg9[%add3A_124] : memref<320000xi32, #tpu.memory_space<hbm>> -> memref<3328xi32, #tpu.memory_space<hbm>>
          %dma_wait3A_128 = tpu.memref_slice %arg9[%add3A_124] : memref<320000xi32, #tpu.memory_space<hbm>> -> memref<3328xi32, #tpu.memory_space<hbm>>
          tpu.wait_dma2 semaphore(%arg25 : memref<!tpu.dma_semaphore, #tpu.memory_space<semaphore_mem>>) src(%dma_wait3A_128 : memref<3328xi32, #tpu.memory_space<hbm>>) dst(%arg18 : memref<3328xi32, #tpu.memory_space<vmem>>)
          %dma_start3A_129 = arith.constant 0 : i32
          %dma_start3A_130 = arith.constant 0 : i32
          %dma_start3A_131 = arith.constant 0 : i32
          %dma_start3A_132 = tpu.memref_slice %arg19[%dma_start3A_129, %dma_start3A_130, %dma_start3A_131] : memref<2x128x128xf32, #tpu.memory_space<vmem>> -> memref<1x128x128xf32, #tpu.memory_space<vmem>>
          %dma_start3A_133 = tpu.memref_squeeze %dma_start3A_132 : memref<1x128x128xf32, #tpu.memory_space<vmem>> -> memref<128x128xf32, #tpu.memory_space<vmem>>
          %dma_start3A_134 = arith.constant 0 : i32
          %dma_start3A_135 = tpu.memref_slice %arg16[%dma_start3A_134] : memref<3328xi32, #tpu.memory_space<vmem>> -> memref<128xi32, #tpu.memory_space<vmem>>
          %dma_start3A_136 = arith.constant 0 : i32
          %dma_start3A_137 = arith.constant 0 : i32
          %dma_start3A_138 = tpu.memref_slice %arg3[%dma_start3A_136, %dma_start3A_137] : memref<10000x128xf32, #tpu.memory_space<hbm>> -> memref<10000x128xf32, #tpu.memory_space<hbm>>
          tpu.enqueue_indirect_dma source(%dma_start3A_138 : memref<10000x128xf32, #tpu.memory_space<hbm>>) target(%dma_start3A_133 : memref<128x128xf32, #tpu.memory_space<vmem>>) offsets(%dma_start3A_135 : memref<128xi32, #tpu.memory_space<vmem>>) semaphore(%arg20 : memref<!tpu.dma_semaphore, #tpu.memory_space<semaphore_mem>>)
        } else {
        }
        %mul3A_94 = arith.constant 2 : i32
        %mul3A_95 = arith.muli %scan3A_68, %mul3A_94 : i32
        %add3A_96 = arith.constant 1 : i32
        %add3A_97 = arith.addi %mul3A_95, %add3A_96 : i32
        %add3A_98 = arith.constant 1 : i32
        %add3A_99 = arith.addi %add3A_97, %add3A_98 : i32
        %lt3A_100 = arith.constant 6 : i32
        %lt3A_101 = arith.cmpi slt, %add3A_99, %lt3A_100 : i32
        %convert_element_type3A_102 = arith.extui %lt3A_101 : i1 to i32
        %cond3A_103 = arith.constant 0 : i32
        %cond3A_104 = arith.cmpi ne, %convert_element_type3A_102, %cond3A_103 : i32
        scf.if %cond3A_104 {
          %add3A_120 = arith.constant 1 : i32
          %add3A_121 = arith.addi %add3A_97, %add3A_120 : i32
          %mul3A_122 = arith.constant 3328 : i32
          %mul3A_123 = arith.muli %add3A_121, %mul3A_122 : i32
          %add3A_124 = arith.addi %mul3A_19, %mul3A_123 : i32
          %dma_start3A_125 = tpu.memref_slice %arg10[%add3A_124] : memref<320000xi32, #tpu.memory_space<hbm>> -> memref<3328xi32, #tpu.memory_space<hbm>>
          %dma_start3A_126 = tpu.memref_slice %arg10[%add3A_124] : memref<320000xi32, #tpu.memory_space<hbm>> -> memref<3328xi32, #tpu.memory_space<hbm>>
          tpu.enqueue_dma source(%dma_start3A_126 : memref<3328xi32, #tpu.memory_space<hbm>>) target(%arg15 : memref<3328xi32, #tpu.memory_space<vmem>>) target_semaphore(%arg24 : memref<!tpu.dma_semaphore, #tpu.memory_space<semaphore_mem>>)
          %dma_start3A_127 = tpu.memref_slice %arg9[%add3A_124] : memref<320000xi32, #tpu.memory_space<hbm>> -> memref<3328xi32, #tpu.memory_space<hbm>>
          %dma_start3A_128 = tpu.memref_slice %arg9[%add3A_124] : memref<320000xi32, #tpu.memory_space<hbm>> -> memref<3328xi32, #tpu.memory_space<hbm>>
          tpu.enqueue_dma source(%dma_start3A_128 : memref<3328xi32, #tpu.memory_space<hbm>>) target(%arg17 : memref<3328xi32, #tpu.memory_space<vmem>>) target_semaphore(%arg25 : memref<!tpu.dma_semaphore, #tpu.memory_space<semaphore_mem>>)
        } else {
        }
        %scan3A_105 = arith.constant 0 : i32
        %scan3A_106 = arith.constant 0 : i32
        %scan3A_107 = arith.constant 13 : i32
        %scan3A_108 = arith.addi %scan3A_106, %scan3A_107 : i32
        %scan3A_109 = arith.constant 1 : i32
        %scan3A_110 = scf.for %scan3A_120 = %scan3A_106 to %scan3A_108 step %scan3A_109 iter_args(%scan3A_121 = %scan3A_105) -> (i32)  : i32 {
          %mul3A_122 = arith.constant 2 : i32
          %mul3A_123 = arith.muli %scan3A_120, %mul3A_122 : i32
          %add3A_124 = arith.constant 0 : i32
          %add3A_125 = arith.addi %mul3A_123, %add3A_124 : i32
          %gt3A = arith.constant 0 : i32
          %gt3A_126 = arith.cmpi sgt, %add3A_125, %gt3A : i32
          %gt3A_127 = arith.constant 0 : i32
          %gt3A_128 = arith.cmpi sgt, %add3A_97, %gt3A_127 : i32
          %or3A = arith.ori %gt3A_126, %gt3A_128 : i1
          %convert_element_type3A_129 = arith.extui %or3A : i1 to i32
          %cond3A_130 = arith.constant 0 : i32
          %cond3A_131 = arith.cmpi ne, %convert_element_type3A_129, %cond3A_130 : i32
          scf.if %cond3A_131 {
            %mul3A_206 = arith.constant 128 : i32
            %mul3A_207 = arith.muli %add3A_125, %mul3A_206 : i32
            %dma_wait3A_208 = arith.constant 1 : i32
            %dma_wait3A_209 = arith.constant 0 : i32
            %dma_wait3A_210 = arith.constant 0 : i32
            %dma_wait3A_211 = tpu.memref_slice %arg19[%dma_wait3A_208, %dma_wait3A_209, %dma_wait3A_210] : memref<2x128x128xf32, #tpu.memory_space<vmem>> -> memref<1x128x128xf32, #tpu.memory_space<vmem>>
            %dma_wait3A_212 = tpu.memref_squeeze %dma_wait3A_211 : memref<1x128x128xf32, #tpu.memory_space<vmem>> -> memref<128x128xf32, #tpu.memory_space<vmem>>
            %dma_wait3A_213 = tpu.memref_slice %arg18[%mul3A_207] : memref<3328xi32, #tpu.memory_space<vmem>> -> memref<128xi32, #tpu.memory_space<vmem>>
            %dma_wait3A_214 = arith.constant 0 : i32
            %dma_wait3A_215 = arith.constant 0 : i32
            %dma_wait3A_216 = tpu.memref_slice %arg14[%dma_wait3A_214, %dma_wait3A_215] : memref<10240x128xf32, #tpu.memory_space<vmem_shared>> -> memref<10240x128xf32, #tpu.memory_space<vmem_shared>>
            tpu.wait_indirect_dma semaphore(%arg23 : memref<!tpu.dma_semaphore, #tpu.memory_space<semaphore_mem>>) src(%dma_wait3A_212 : memref<128x128xf32, #tpu.memory_space<vmem>>) dst(%dma_wait3A_216 : memref<10240x128xf32, #tpu.memory_space<vmem_shared>>)
          } else {
          }
          %add3A_132 = arith.constant 1 : i32
          %add3A_133 = arith.addi %add3A_125, %add3A_132 : i32
          %lt3A_134 = arith.constant 26 : i32
          %lt3A_135 = arith.cmpi slt, %add3A_133, %lt3A_134 : i32
          %convert_element_type3A_136 = arith.extui %lt3A_135 : i1 to i32
          %cond3A_137 = arith.constant 0 : i32
          %cond3A_138 = arith.cmpi ne, %convert_element_type3A_136, %cond3A_137 : i32
          scf.if %cond3A_138 {
            %add3A_206 = arith.constant 1 : i32
            %add3A_207 = arith.addi %add3A_125, %add3A_206 : i32
            %mul3A_208 = arith.constant 128 : i32
            %mul3A_209 = arith.muli %add3A_207, %mul3A_208 : i32
            %dma_start3A_210 = arith.constant 1 : i32
            %dma_start3A_211 = arith.constant 0 : i32
            %dma_start3A_212 = arith.constant 0 : i32
            %dma_start3A_213 = tpu.memref_slice %arg19[%dma_start3A_210, %dma_start3A_211, %dma_start3A_212] : memref<2x128x128xf32, #tpu.memory_space<vmem>> -> memref<1x128x128xf32, #tpu.memory_space<vmem>>
            %dma_start3A_214 = tpu.memref_squeeze %dma_start3A_213 : memref<1x128x128xf32, #tpu.memory_space<vmem>> -> memref<128x128xf32, #tpu.memory_space<vmem>>
            %dma_start3A_215 = tpu.memref_slice %arg16[%mul3A_209] : memref<3328xi32, #tpu.memory_space<vmem>> -> memref<128xi32, #tpu.memory_space<vmem>>
            %dma_start3A_216 = arith.constant 0 : i32
            %dma_start3A_217 = arith.constant 0 : i32
            %dma_start3A_218 = tpu.memref_slice %arg3[%dma_start3A_216, %dma_start3A_217] : memref<10000x128xf32, #tpu.memory_space<hbm>> -> memref<10000x128xf32, #tpu.memory_space<hbm>>
            tpu.enqueue_indirect_dma source(%dma_start3A_218 : memref<10000x128xf32, #tpu.memory_space<hbm>>) target(%dma_start3A_214 : memref<128x128xf32, #tpu.memory_space<vmem>>) offsets(%dma_start3A_215 : memref<128xi32, #tpu.memory_space<vmem>>) semaphore(%arg21 : memref<!tpu.dma_semaphore, #tpu.memory_space<semaphore_mem>>)
          } else {
          }
          %mul3A_139 = arith.constant 128 : i32
          %mul3A_140 = arith.muli %add3A_125, %mul3A_139 : i32
          %dma_wait3A_141 = arith.constant 0 : i32
          %dma_wait3A_142 = arith.constant 0 : i32
          %dma_wait3A_143 = arith.constant 0 : i32
          %dma_wait3A_144 = tpu.memref_slice %arg19[%dma_wait3A_141, %dma_wait3A_142, %dma_wait3A_143] : memref<2x128x128xf32, #tpu.memory_space<vmem>> -> memref<1x128x128xf32, #tpu.memory_space<vmem>>
          %dma_wait3A_145 = tpu.memref_squeeze %dma_wait3A_144 : memref<1x128x128xf32, #tpu.memory_space<vmem>> -> memref<128x128xf32, #tpu.memory_space<vmem>>
          %dma_wait3A_146 = tpu.memref_slice %arg16[%mul3A_140] : memref<3328xi32, #tpu.memory_space<vmem>> -> memref<128xi32, #tpu.memory_space<vmem>>
          %dma_wait3A_147 = arith.constant 0 : i32
          %dma_wait3A_148 = arith.constant 0 : i32
          %dma_wait3A_149 = tpu.memref_slice %arg3[%dma_wait3A_147, %dma_wait3A_148] : memref<10000x128xf32, #tpu.memory_space<hbm>> -> memref<10000x128xf32, #tpu.memory_space<hbm>>
          tpu.wait_indirect_dma semaphore(%arg20 : memref<!tpu.dma_semaphore, #tpu.memory_space<semaphore_mem>>) src(%dma_wait3A_149 : memref<10000x128xf32, #tpu.memory_space<hbm>>) dst(%dma_wait3A_145 : memref<128x128xf32, #tpu.memory_space<vmem>>)
          %mul3A_150 = arith.constant 128 : i32
          %mul3A_151 = arith.muli %add3A_125, %mul3A_150 : i32
          %dma_start3A_152 = arith.constant 0 : i32
          %dma_start3A_153 = arith.constant 0 : i32
          %dma_start3A_154 = arith.constant 0 : i32
          %dma_start3A_155 = tpu.memref_slice %arg19[%dma_start3A_152, %dma_start3A_153, %dma_start3A_154] : memref<2x128x128xf32, #tpu.memory_space<vmem>> -> memref<1x128x128xf32, #tpu.memory_space<vmem>>
          %dma_start3A_156 = tpu.memref_squeeze %dma_start3A_155 : memref<1x128x128xf32, #tpu.memory_space<vmem>> -> memref<128x128xf32, #tpu.memory_space<vmem>>
          %dma_start3A_157 = tpu.memref_slice %arg18[%mul3A_151] : memref<3328xi32, #tpu.memory_space<vmem>> -> memref<128xi32, #tpu.memory_space<vmem>>
          %dma_start3A_158 = arith.constant 0 : i32
          %dma_start3A_159 = arith.constant 0 : i32
          %dma_start3A_160 = tpu.memref_slice %arg14[%dma_start3A_158, %dma_start3A_159] : memref<10240x128xf32, #tpu.memory_space<vmem_shared>> -> memref<10240x128xf32, #tpu.memory_space<vmem_shared>>
          tpu.enqueue_indirect_dma source(%dma_start3A_156 : memref<128x128xf32, #tpu.memory_space<vmem>>) target(%dma_start3A_160 : memref<10240x128xf32, #tpu.memory_space<vmem_shared>>) offsets(%dma_start3A_157 : memref<128xi32, #tpu.memory_space<vmem>>) semaphore(%arg22 : memref<!tpu.dma_semaphore, #tpu.memory_space<semaphore_mem>>) {add = true}
          %mul3A_161 = arith.constant 2 : i32
          %mul3A_162 = arith.muli %scan3A_120, %mul3A_161 : i32
          %add3A_163 = arith.constant 1 : i32
          %add3A_164 = arith.addi %mul3A_162, %add3A_163 : i32
          %mul3A_165 = arith.constant 128 : i32
          %mul3A_166 = arith.muli %add3A_164, %mul3A_165 : i32
          %dma_wait3A_167 = arith.constant 0 : i32
          %dma_wait3A_168 = arith.constant 0 : i32
          %dma_wait3A_169 = arith.constant 0 : i32
          %dma_wait3A_170 = tpu.memref_slice %arg19[%dma_wait3A_167, %dma_wait3A_168, %dma_wait3A_169] : memref<2x128x128xf32, #tpu.memory_space<vmem>> -> memref<1x128x128xf32, #tpu.memory_space<vmem>>
          %dma_wait3A_171 = tpu.memref_squeeze %dma_wait3A_170 : memref<1x128x128xf32, #tpu.memory_space<vmem>> -> memref<128x128xf32, #tpu.memory_space<vmem>>
          %dma_wait3A_172 = tpu.memref_slice %arg18[%mul3A_166] : memref<3328xi32, #tpu.memory_space<vmem>> -> memref<128xi32, #tpu.memory_space<vmem>>
          %dma_wait3A_173 = arith.constant 0 : i32
          %dma_wait3A_174 = arith.constant 0 : i32
          %dma_wait3A_175 = tpu.memref_slice %arg14[%dma_wait3A_173, %dma_wait3A_174] : memref<10240x128xf32, #tpu.memory_space<vmem_shared>> -> memref<10240x128xf32, #tpu.memory_space<vmem_shared>>
          tpu.wait_indirect_dma semaphore(%arg22 : memref<!tpu.dma_semaphore, #tpu.memory_space<semaphore_mem>>) src(%dma_wait3A_171 : memref<128x128xf32, #tpu.memory_space<vmem>>) dst(%dma_wait3A_175 : memref<10240x128xf32, #tpu.memory_space<vmem_shared>>)
          %add3A_176 = arith.constant 1 : i32
          %add3A_177 = arith.addi %add3A_164, %add3A_176 : i32
          %lt3A_178 = arith.constant 26 : i32
          %lt3A_179 = arith.cmpi slt, %add3A_177, %lt3A_178 : i32
          %convert_element_type3A_180 = arith.extui %lt3A_179 : i1 to i32
          %cond3A_181 = arith.constant 0 : i32
          %cond3A_182 = arith.cmpi ne, %convert_element_type3A_180, %cond3A_181 : i32
          scf.if %cond3A_182 {
            %add3A_206 = arith.constant 1 : i32
            %add3A_207 = arith.addi %add3A_164, %add3A_206 : i32
            %mul3A_208 = arith.constant 128 : i32
            %mul3A_209 = arith.muli %add3A_207, %mul3A_208 : i32
            %dma_start3A_210 = arith.constant 0 : i32
            %dma_start3A_211 = arith.constant 0 : i32
            %dma_start3A_212 = arith.constant 0 : i32
            %dma_start3A_213 = tpu.memref_slice %arg19[%dma_start3A_210, %dma_start3A_211, %dma_start3A_212] : memref<2x128x128xf32, #tpu.memory_space<vmem>> -> memref<1x128x128xf32, #tpu.memory_space<vmem>>
            %dma_start3A_214 = tpu.memref_squeeze %dma_start3A_213 : memref<1x128x128xf32, #tpu.memory_space<vmem>> -> memref<128x128xf32, #tpu.memory_space<vmem>>
            %dma_start3A_215 = tpu.memref_slice %arg16[%mul3A_209] : memref<3328xi32, #tpu.memory_space<vmem>> -> memref<128xi32, #tpu.memory_space<vmem>>
            %dma_start3A_216 = arith.constant 0 : i32
            %dma_start3A_217 = arith.constant 0 : i32
            %dma_start3A_218 = tpu.memref_slice %arg3[%dma_start3A_216, %dma_start3A_217] : memref<10000x128xf32, #tpu.memory_space<hbm>> -> memref<10000x128xf32, #tpu.memory_space<hbm>>
            tpu.enqueue_indirect_dma source(%dma_start3A_218 : memref<10000x128xf32, #tpu.memory_space<hbm>>) target(%dma_start3A_214 : memref<128x128xf32, #tpu.memory_space<vmem>>) offsets(%dma_start3A_215 : memref<128xi32, #tpu.memory_space<vmem>>) semaphore(%arg20 : memref<!tpu.dma_semaphore, #tpu.memory_space<semaphore_mem>>)
          } else {
          }
          %mul3A_183 = arith.constant 128 : i32
          %mul3A_184 = arith.muli %add3A_164, %mul3A_183 : i32
          %dma_wait3A_185 = arith.constant 1 : i32
          %dma_wait3A_186 = arith.constant 0 : i32
          %dma_wait3A_187 = arith.constant 0 : i32
          %dma_wait3A_188 = tpu.memref_slice %arg19[%dma_wait3A_185, %dma_wait3A_186, %dma_wait3A_187] : memref<2x128x128xf32, #tpu.memory_space<vmem>> -> memref<1x128x128xf32, #tpu.memory_space<vmem>>
          %dma_wait3A_189 = tpu.memref_squeeze %dma_wait3A_188 : memref<1x128x128xf32, #tpu.memory_space<vmem>> -> memref<128x128xf32, #tpu.memory_space<vmem>>
          %dma_wait3A_190 = tpu.memref_slice %arg16[%mul3A_184] : memref<3328xi32, #tpu.memory_space<vmem>> -> memref<128xi32, #tpu.memory_space<vmem>>
          %dma_wait3A_191 = arith.constant 0 : i32
          %dma_wait3A_192 = arith.constant 0 : i32
          %dma_wait3A_193 = tpu.memref_slice %arg3[%dma_wait3A_191, %dma_wait3A_192] : memref<10000x128xf32, #tpu.memory_space<hbm>> -> memref<10000x128xf32, #tpu.memory_space<hbm>>
          tpu.wait_indirect_dma semaphore(%arg21 : memref<!tpu.dma_semaphore, #tpu.memory_space<semaphore_mem>>) src(%dma_wait3A_193 : memref<10000x128xf32, #tpu.memory_space<hbm>>) dst(%dma_wait3A_189 : memref<128x128xf32, #tpu.memory_space<vmem>>)
          %mul3A_194 = arith.constant 128 : i32
          %mul3A_195 = arith.muli %add3A_164, %mul3A_194 : i32
          %dma_start3A_196 = arith.constant 1 : i32
          %dma_start3A_197 = arith.constant 0 : i32
          %dma_start3A_198 = arith.constant 0 : i32
          %dma_start3A_199 = tpu.memref_slice %arg19[%dma_start3A_196, %dma_start3A_197, %dma_start3A_198] : memref<2x128x128xf32, #tpu.memory_space<vmem>> -> memref<1x128x128xf32, #tpu.memory_space<vmem>>
          %dma_start3A_200 = tpu.memref_squeeze %dma_start3A_199 : memref<1x128x128xf32, #tpu.memory_space<vmem>> -> memref<128x128xf32, #tpu.memory_space<vmem>>
          %dma_start3A_201 = tpu.memref_slice %arg18[%mul3A_195] : memref<3328xi32, #tpu.memory_space<vmem>> -> memref<128xi32, #tpu.memory_space<vmem>>
          %dma_start3A_202 = arith.constant 0 : i32
          %dma_start3A_203 = arith.constant 0 : i32
          %dma_start3A_204 = tpu.memref_slice %arg14[%dma_start3A_202, %dma_start3A_203] : memref<10240x128xf32, #tpu.memory_space<vmem_shared>> -> memref<10240x128xf32, #tpu.memory_space<vmem_shared>>
          tpu.enqueue_indirect_dma source(%dma_start3A_200 : memref<128x128xf32, #tpu.memory_space<vmem>>) target(%dma_start3A_204 : memref<10240x128xf32, #tpu.memory_space<vmem_shared>>) offsets(%dma_start3A_201 : memref<128xi32, #tpu.memory_space<vmem>>) semaphore(%arg23 : memref<!tpu.dma_semaphore, #tpu.memory_space<semaphore_mem>>) {add = true}
          %scan3A_205 = arith.constant 0 : i32
          scf.yield %scan3A_205 : i32
        }
        %scan3A_111 = arith.constant 13 : i32
        %add3A_112 = arith.constant 1 : i32
        %add3A_113 = arith.addi %add3A_97, %add3A_112 : i32
        %lt3A_114 = arith.constant 6 : i32
        %lt3A_115 = arith.cmpi slt, %add3A_113, %lt3A_114 : i32
        %convert_element_type3A_116 = arith.extui %lt3A_115 : i1 to i32
        %cond3A_117 = arith.constant 0 : i32
        %cond3A_118 = arith.cmpi ne, %convert_element_type3A_116, %cond3A_117 : i32
        scf.if %cond3A_118 {
          %add3A_120 = arith.constant 1 : i32
          %add3A_121 = arith.addi %add3A_97, %add3A_120 : i32
          %mul3A_122 = arith.constant 3328 : i32
          %mul3A_123 = arith.muli %add3A_121, %mul3A_122 : i32
          %add3A_124 = arith.addi %mul3A_19, %mul3A_123 : i32
          %dma_wait3A_125 = tpu.memref_slice %arg10[%add3A_124] : memref<320000xi32, #tpu.memory_space<hbm>> -> memref<3328xi32, #tpu.memory_space<hbm>>
          %dma_wait3A_126 = tpu.memref_slice %arg10[%add3A_124] : memref<320000xi32, #tpu.memory_space<hbm>> -> memref<3328xi32, #tpu.memory_space<hbm>>
          tpu.wait_dma2 semaphore(%arg24 : memref<!tpu.dma_semaphore, #tpu.memory_space<semaphore_mem>>) src(%dma_wait3A_126 : memref<3328xi32, #tpu.memory_space<hbm>>) dst(%arg15 : memref<3328xi32, #tpu.memory_space<vmem>>)
          %dma_wait3A_127 = tpu.memref_slice %arg9[%add3A_124] : memref<320000xi32, #tpu.memory_space<hbm>> -> memref<3328xi32, #tpu.memory_space<hbm>>
          %dma_wait3A_128 = tpu.memref_slice %arg9[%add3A_124] : memref<320000xi32, #tpu.memory_space<hbm>> -> memref<3328xi32, #tpu.memory_space<hbm>>
          tpu.wait_dma2 semaphore(%arg25 : memref<!tpu.dma_semaphore, #tpu.memory_space<semaphore_mem>>) src(%dma_wait3A_128 : memref<3328xi32, #tpu.memory_space<hbm>>) dst(%arg17 : memref<3328xi32, #tpu.memory_space<vmem>>)
          %dma_start3A_129 = arith.constant 0 : i32
          %dma_start3A_130 = arith.constant 0 : i32
          %dma_start3A_131 = arith.constant 0 : i32
          %dma_start3A_132 = tpu.memref_slice %arg19[%dma_start3A_129, %dma_start3A_130, %dma_start3A_131] : memref<2x128x128xf32, #tpu.memory_space<vmem>> -> memref<1x128x128xf32, #tpu.memory_space<vmem>>
          %dma_start3A_133 = tpu.memref_squeeze %dma_start3A_132 : memref<1x128x128xf32, #tpu.memory_space<vmem>> -> memref<128x128xf32, #tpu.memory_space<vmem>>
          %dma_start3A_134 = arith.constant 0 : i32
          %dma_start3A_135 = tpu.memref_slice %arg15[%dma_start3A_134] : memref<3328xi32, #tpu.memory_space<vmem>> -> memref<128xi32, #tpu.memory_space<vmem>>
          %dma_start3A_136 = arith.constant 0 : i32
          %dma_start3A_137 = arith.constant 0 : i32
          %dma_start3A_138 = tpu.memref_slice %arg3[%dma_start3A_136, %dma_start3A_137] : memref<10000x128xf32, #tpu.memory_space<hbm>> -> memref<10000x128xf32, #tpu.memory_space<hbm>>
          tpu.enqueue_indirect_dma source(%dma_start3A_138 : memref<10000x128xf32, #tpu.memory_space<hbm>>) target(%dma_start3A_133 : memref<128x128xf32, #tpu.memory_space<vmem>>) offsets(%dma_start3A_135 : memref<128xi32, #tpu.memory_space<vmem>>) semaphore(%arg20 : memref<!tpu.dma_semaphore, #tpu.memory_space<semaphore_mem>>)
        } else {
        }
        %scan3A_119 = arith.constant 0 : i32
        scf.yield %scan3A_119 : i32
      }
      %scan3A_34 = arith.constant 3 : i32
      %dma_wait3A = arith.constant 1 : i32
      %dma_wait3A_35 = arith.constant 0 : i32
      %dma_wait3A_36 = arith.constant 0 : i32
      %dma_wait3A_37 = tpu.memref_slice %arg19[%dma_wait3A, %dma_wait3A_35, %dma_wait3A_36] : memref<2x128x128xf32, #tpu.memory_space<vmem>> -> memref<1x128x128xf32, #tpu.memory_space<vmem>>
      %dma_wait3A_38 = tpu.memref_squeeze %dma_wait3A_37 : memref<1x128x128xf32, #tpu.memory_space<vmem>> -> memref<128x128xf32, #tpu.memory_space<vmem>>
      %dma_wait3A_39 = arith.constant 3200 : i32
      %dma_wait3A_40 = tpu.memref_slice %arg18[%dma_wait3A_39] : memref<3328xi32, #tpu.memory_space<vmem>> -> memref<128xi32, #tpu.memory_space<vmem>>
      %dma_wait3A_41 = arith.constant 0 : i32
      %dma_wait3A_42 = arith.constant 0 : i32
      %dma_wait3A_43 = tpu.memref_slice %arg14[%dma_wait3A_41, %dma_wait3A_42] : memref<10240x128xf32, #tpu.memory_space<vmem_shared>> -> memref<10240x128xf32, #tpu.memory_space<vmem_shared>>
      tpu.wait_indirect_dma semaphore(%arg23 : memref<!tpu.dma_semaphore, #tpu.memory_space<semaphore_mem>>) src(%dma_wait3A_38 : memref<128x128xf32, #tpu.memory_space<vmem>>) dst(%dma_wait3A_43 : memref<10240x128xf32, #tpu.memory_space<vmem_shared>>)
      %add3A = arith.constant 19968 : i32
      %add3A_44 = arith.addi %mul3A_19, %add3A : i32
      "tpu.region"() ({
        %run_scoped3A_68 = tpu.sem_alloc : memref<!tpu.dma_semaphore, #tpu.memory_space<semaphore_mem>>
        %dma_start3A_69 = arith.constant 0 : i32
        %dma_start3A_70 = tpu.memref_slice %arg15[%dma_start3A_69] : memref<3328xi32, #tpu.memory_space<vmem>> -> memref<32xi32, #tpu.memory_space<vmem>>
        %dma_start3A_71 = tpu.memref_slice %arg10[%add3A_44] : memref<320000xi32, #tpu.memory_space<hbm>> -> memref<32xi32, #tpu.memory_space<hbm>>
        %dma_start3A_72 = arith.constant 0 : i32
        %dma_start3A_73 = tpu.memref_slice %arg15[%dma_start3A_72] : memref<3328xi32, #tpu.memory_space<vmem>> -> memref<32xi32, #tpu.memory_space<vmem>>
        %dma_start3A_74 = tpu.memref_slice %arg10[%add3A_44] : memref<320000xi32, #tpu.memory_space<hbm>> -> memref<32xi32, #tpu.memory_space<hbm>>
        tpu.enqueue_dma source(%dma_start3A_74 : memref<32xi32, #tpu.memory_space<hbm>>) target(%dma_start3A_73 : memref<32xi32, #tpu.memory_space<vmem>>) target_semaphore(%run_scoped3A_68 : memref<!tpu.dma_semaphore, #tpu.memory_space<semaphore_mem>>)
        %dma_wait3A_75 = arith.constant 0 : i32
        %dma_wait3A_76 = tpu.memref_slice %arg15[%dma_wait3A_75] : memref<3328xi32, #tpu.memory_space<vmem>> -> memref<32xi32, #tpu.memory_space<vmem>>
        %dma_wait3A_77 = tpu.memref_slice %arg10[%add3A_44] : memref<320000xi32, #tpu.memory_space<hbm>> -> memref<32xi32, #tpu.memory_space<hbm>>
        %dma_wait3A_78 = arith.constant 0 : i32
        %dma_wait3A_79 = tpu.memref_slice %arg15[%dma_wait3A_78] : memref<3328xi32, #tpu.memory_space<vmem>> -> memref<32xi32, #tpu.memory_space<vmem>>
        %dma_wait3A_80 = tpu.memref_slice %arg10[%add3A_44] : memref<320000xi32, #tpu.memory_space<hbm>> -> memref<32xi32, #tpu.memory_space<hbm>>
        tpu.wait_dma2 semaphore(%run_scoped3A_68 : memref<!tpu.dma_semaphore, #tpu.memory_space<semaphore_mem>>) src(%dma_wait3A_80 : memref<32xi32, #tpu.memory_space<hbm>>) dst(%dma_wait3A_79 : memref<32xi32, #tpu.memory_space<vmem>>)
        tpu.yield
      }) : () -> ()
      "tpu.region"() ({
        %run_scoped3A_68 = tpu.sem_alloc : memref<!tpu.dma_semaphore, #tpu.memory_space<semaphore_mem>>
        %dma_start3A_69 = arith.constant 0 : i32
        %dma_start3A_70 = tpu.memref_slice %arg17[%dma_start3A_69] : memref<3328xi32, #tpu.memory_space<vmem>> -> memref<32xi32, #tpu.memory_space<vmem>>
        %dma_start3A_71 = tpu.memref_slice %arg9[%add3A_44] : memref<320000xi32, #tpu.memory_space<hbm>> -> memref<32xi32, #tpu.memory_space<hbm>>
        %dma_start3A_72 = arith.constant 0 : i32
        %dma_start3A_73 = tpu.memref_slice %arg17[%dma_start3A_72] : memref<3328xi32, #tpu.memory_space<vmem>> -> memref<32xi32, #tpu.memory_space<vmem>>
        %dma_start3A_74 = tpu.memref_slice %arg9[%add3A_44] : memref<320000xi32, #tpu.memory_space<hbm>> -> memref<32xi32, #tpu.memory_space<hbm>>
        tpu.enqueue_dma source(%dma_start3A_74 : memref<32xi32, #tpu.memory_space<hbm>>) target(%dma_start3A_73 : memref<32xi32, #tpu.memory_space<vmem>>) target_semaphore(%run_scoped3A_68 : memref<!tpu.dma_semaphore, #tpu.memory_space<semaphore_mem>>)
        %dma_wait3A_75 = arith.constant 0 : i32
        %dma_wait3A_76 = tpu.memref_slice %arg17[%dma_wait3A_75] : memref<3328xi32, #tpu.memory_space<vmem>> -> memref<32xi32, #tpu.memory_space<vmem>>
        %dma_wait3A_77 = tpu.memref_slice %arg9[%add3A_44] : memref<320000xi32, #tpu.memory_space<hbm>> -> memref<32xi32, #tpu.memory_space<hbm>>
        %dma_wait3A_78 = arith.constant 0 : i32
        %dma_wait3A_79 = tpu.memref_slice %arg17[%dma_wait3A_78] : memref<3328xi32, #tpu.memory_space<vmem>> -> memref<32xi32, #tpu.memory_space<vmem>>
        %dma_wait3A_80 = tpu.memref_slice %arg9[%add3A_44] : memref<320000xi32, #tpu.memory_space<hbm>> -> memref<32xi32, #tpu.memory_space<hbm>>
        tpu.wait_dma2 semaphore(%run_scoped3A_68 : memref<!tpu.dma_semaphore, #tpu.memory_space<semaphore_mem>>) src(%dma_wait3A_80 : memref<32xi32, #tpu.memory_space<hbm>>) dst(%dma_wait3A_79 : memref<32xi32, #tpu.memory_space<vmem>>)
        tpu.yield
      }) : () -> ()
      %dma_start3A_45 = arith.constant 0 : i32
      %dma_start3A_46 = arith.constant 0 : i32
      %dma_start3A_47 = arith.constant 0 : i32
      %dma_start3A_48 = tpu.memref_slice %arg19[%dma_start3A_45, %dma_start3A_46, %dma_start3A_47] : memref<2x128x128xf32, #tpu.memory_space<vmem>> -> memref<1x32x128xf32, #tpu.memory_space<vmem>>
      %dma_start3A_49 = tpu.memref_squeeze %dma_start3A_48 : memref<1x32x128xf32, #tpu.memory_space<vmem>> -> memref<32x128xf32, #tpu.memory_space<vmem>>
      %dma_start3A_50 = arith.constant 0 : i32
      %dma_start3A_51 = tpu.memref_slice %arg15[%dma_start3A_50] : memref<3328xi32, #tpu.memory_space<vmem>> -> memref<32xi32, #tpu.memory_space<vmem>>
      %dma_start3A_52 = arith.constant 0 : i32
      %dma_start3A_53 = arith.constant 0 : i32
      %dma_start3A_54 = tpu.memref_slice %arg3[%dma_start3A_52, %dma_start3A_53] : memref<10000x128xf32, #tpu.memory_space<hbm>> -> memref<10000x128xf32, #tpu.memory_space<hbm>>
      tpu.enqueue_indirect_dma source(%dma_start3A_54 : memref<10000x128xf32, #tpu.memory_space<hbm>>) target(%dma_start3A_49 : memref<32x128xf32, #tpu.memory_space<vmem>>) offsets(%dma_start3A_51 : memref<32xi32, #tpu.memory_space<vmem>>) semaphore(%arg20 : memref<!tpu.dma_semaphore, #tpu.memory_space<semaphore_mem>>)
      %dma_wait3A_55 = arith.constant 0 : i32
      %dma_wait3A_56 = arith.constant 0 : i32
      %dma_wait3A_57 = arith.constant 0 : i32
      %dma_wait3A_58 = tpu.memref_slice %arg19[%dma_wait3A_55, %dma_wait3A_56, %dma_wait3A_57] : memref<2x128x128xf32, #tpu.memory_space<vmem>> -> memref<1x32x128xf32, #tpu.memory_space<vmem>>
      %dma_wait3A_59 = tpu.memref_squeeze %dma_wait3A_58 : memref<1x32x128xf32, #tpu.memory_space<vmem>> -> memref<32x128xf32, #tpu.memory_space<vmem>>
      %dma_wait3A_60 = arith.constant 0 : i32
      %dma_wait3A_61 = tpu.memref_slice %arg15[%dma_wait3A_60] : memref<3328xi32, #tpu.memory_space<vmem>> -> memref<32xi32, #tpu.memory_space<vmem>>
      %dma_wait3A_62 = arith.constant 0 : i32
      %dma_wait3A_63 = arith.constant 0 : i32
      %dma_wait3A_64 = tpu.memref_slice %arg3[%dma_wait3A_62, %dma_wait3A_63] : memref<10000x128xf32, #tpu.memory_space<hbm>> -> memref<10000x128xf32, #tpu.memory_space<hbm>>
      tpu.wait_indirect_dma semaphore(%arg20 : memref<!tpu.dma_semaphore, #tpu.memory_space<semaphore_mem>>) src(%dma_wait3A_64 : memref<10000x128xf32, #tpu.memory_space<hbm>>) dst(%dma_wait3A_59 : memref<32x128xf32, #tpu.memory_space<vmem>>)
      %run_scoped3A = arith.constant 0 : i32
      "tpu.region"() ({
        %run_scoped3A_68 = tpu.sem_alloc : memref<!tpu.dma_semaphore, #tpu.memory_space<semaphore_mem>>
        %dma_start3A_69 = arith.constant 0 : i32
        %dma_start3A_70 = arith.constant 0 : i32
        %dma_start3A_71 = tpu.memref_slice %arg19[%run_scoped3A, %dma_start3A_69, %dma_start3A_70] : memref<2x128x128xf32, #tpu.memory_space<vmem>> -> memref<1x32x128xf32, #tpu.memory_space<vmem>>
        %dma_start3A_72 = tpu.memref_squeeze %dma_start3A_71 : memref<1x32x128xf32, #tpu.memory_space<vmem>> -> memref<32x128xf32, #tpu.memory_space<vmem>>
        %dma_start3A_73 = arith.constant 0 : i32
        %dma_start3A_74 = tpu.memref_slice %arg17[%dma_start3A_73] : memref<3328xi32, #tpu.memory_space<vmem>> -> memref<32xi32, #tpu.memory_space<vmem>>
        %dma_start3A_75 = arith.constant 0 : i32
        %dma_start3A_76 = arith.constant 0 : i32
        %dma_start3A_77 = tpu.memref_slice %arg14[%dma_start3A_75, %dma_start3A_76] : memref<10240x128xf32, #tpu.memory_space<vmem_shared>> -> memref<10240x128xf32, #tpu.memory_space<vmem_shared>>
        tpu.enqueue_indirect_dma source(%dma_start3A_72 : memref<32x128xf32, #tpu.memory_space<vmem>>) target(%dma_start3A_77 : memref<10240x128xf32, #tpu.memory_space<vmem_shared>>) offsets(%dma_start3A_74 : memref<32xi32, #tpu.memory_space<vmem>>) semaphore(%run_scoped3A_68 : memref<!tpu.dma_semaphore, #tpu.memory_space<semaphore_mem>>) {add = true}
        %dma_wait3A_78 = arith.constant 0 : i32
        %dma_wait3A_79 = arith.constant 0 : i32
        %dma_wait3A_80 = tpu.memref_slice %arg19[%run_scoped3A, %dma_wait3A_78, %dma_wait3A_79] : memref<2x128x128xf32, #tpu.memory_space<vmem>> -> memref<1x32x128xf32, #tpu.memory_space<vmem>>
        %dma_wait3A_81 = tpu.memref_squeeze %dma_wait3A_80 : memref<1x32x128xf32, #tpu.memory_space<vmem>> -> memref<32x128xf32, #tpu.memory_space<vmem>>
        %dma_wait3A_82 = arith.constant 0 : i32
        %dma_wait3A_83 = tpu.memref_slice %arg17[%dma_wait3A_82] : memref<3328xi32, #tpu.memory_space<vmem>> -> memref<32xi32, #tpu.memory_space<vmem>>
        %dma_wait3A_84 = arith.constant 0 : i32
        %dma_wait3A_85 = arith.constant 0 : i32
        %dma_wait3A_86 = tpu.memref_slice %arg14[%dma_wait3A_84, %dma_wait3A_85] : memref<10240x128xf32, #tpu.memory_space<vmem_shared>> -> memref<10240x128xf32, #tpu.memory_space<vmem_shared>>
        tpu.wait_indirect_dma semaphore(%run_scoped3A_68 : memref<!tpu.dma_semaphore, #tpu.memory_space<semaphore_mem>>) src(%dma_wait3A_81 : memref<32x128xf32, #tpu.memory_space<vmem>>) dst(%dma_wait3A_86 : memref<10240x128xf32, #tpu.memory_space<vmem_shared>>)
        tpu.yield
      }) : () -> ()
      %barrier3A_65 = arith.constant 0 : index
      tpu.barrier barrier_id(%barrier3A_65)
      %run_scoped3A_66 = arith.constant 2 : i32
      "tpu.region"() ({
        %run_scoped3A_68 = tpu.sem_alloc : memref<!tpu.dma_semaphore, #tpu.memory_space<semaphore_mem>>
        %dma_start3A_69 = arith.constant 0 : i32
        %dma_start3A_70 = tpu.memref_slice %arg13[%run_scoped3A_66, %mul3A_0, %dma_start3A_69] : memref<4x10240x128xf32, #tpu.memory_space<hbm>> -> memref<1x640x128xf32, #tpu.memory_space<hbm>>
        %dma_start3A_71 = tpu.memref_squeeze %dma_start3A_70 : memref<1x640x128xf32, #tpu.memory_space<hbm>> -> memref<640x128xf32, #tpu.memory_space<hbm>>
        %dma_start3A_72 = arith.constant 0 : i32
        %dma_start3A_73 = tpu.memref_slice %arg14[%mul3A_0, %dma_start3A_72] : memref<10240x128xf32, #tpu.memory_space<vmem_shared>> -> memref<640x128xf32, #tpu.memory_space<vmem_shared>>
        tpu.enqueue_dma source(%dma_start3A_73 : memref<640x128xf32, #tpu.memory_space<vmem_shared>>) target(%dma_start3A_71 : memref<640x128xf32, #tpu.memory_space<hbm>>) target_semaphore(%run_scoped3A_68 : memref<!tpu.dma_semaphore, #tpu.memory_space<semaphore_mem>>)
        %dma_wait3A_74 = arith.constant 0 : i32
        %dma_wait3A_75 = tpu.memref_slice %arg13[%run_scoped3A_66, %mul3A_0, %dma_wait3A_74] : memref<4x10240x128xf32, #tpu.memory_space<hbm>> -> memref<1x640x128xf32, #tpu.memory_space<hbm>>
        %dma_wait3A_76 = tpu.memref_squeeze %dma_wait3A_75 : memref<1x640x128xf32, #tpu.memory_space<hbm>> -> memref<640x128xf32, #tpu.memory_space<hbm>>
        %dma_wait3A_77 = arith.constant 0 : i32
        %dma_wait3A_78 = tpu.memref_slice %arg14[%mul3A_0, %dma_wait3A_77] : memref<10240x128xf32, #tpu.memory_space<vmem_shared>> -> memref<640x128xf32, #tpu.memory_space<vmem_shared>>
        tpu.wait_dma2 semaphore(%run_scoped3A_68 : memref<!tpu.dma_semaphore, #tpu.memory_space<semaphore_mem>>) src(%dma_wait3A_78 : memref<640x128xf32, #tpu.memory_space<vmem_shared>>) dst(%dma_wait3A_76 : memref<640x128xf32, #tpu.memory_space<hbm>>)
        tpu.yield
      }) : () -> ()
      "tpu.region"() ({
        %run_scoped3A_68 = tpu.sem_alloc : memref<!tpu.dma_semaphore, #tpu.memory_space<semaphore_mem>>
        %dma_start3A_69 = arith.constant 0 : i32
        %dma_start3A_70 = tpu.memref_slice %arg14[%mul3A_0, %dma_start3A_69] : memref<10240x128xf32, #tpu.memory_space<vmem_shared>> -> memref<640x128xf32, #tpu.memory_space<vmem_shared>>
        tpu.enqueue_dma source(%arg4 : memref<640x128xf32, #tpu.memory_space<hbm>>) target(%dma_start3A_70 : memref<640x128xf32, #tpu.memory_space<vmem_shared>>) target_semaphore(%run_scoped3A_68 : memref<!tpu.dma_semaphore, #tpu.memory_space<semaphore_mem>>)
        %dma_wait3A_71 = arith.constant 0 : i32
        %dma_wait3A_72 = tpu.memref_slice %arg14[%mul3A_0, %dma_wait3A_71] : memref<10240x128xf32, #tpu.memory_space<vmem_shared>> -> memref<640x128xf32, #tpu.memory_space<vmem_shared>>
        tpu.wait_dma2 semaphore(%run_scoped3A_68 : memref<!tpu.dma_semaphore, #tpu.memory_space<semaphore_mem>>) src(%arg4 : memref<640x128xf32, #tpu.memory_space<hbm>>) dst(%dma_wait3A_72 : memref<640x128xf32, #tpu.memory_space<vmem_shared>>)
        tpu.yield
      }) : () -> ()
      %barrier3A_67 = arith.constant 0 : index
      tpu.barrier barrier_id(%barrier3A_67)
    } else {
    }
    %eq3A_13 = arith.constant 1 : i32
    %eq3A_14 = arith.cmpi eq, %arg0, %eq3A_13 : i32
    %convert_element_type3A_15 = arith.extui %eq3A_14 : i1 to i32
    %cond3A_16 = arith.constant 0 : i32
    %cond3A_17 = arith.cmpi ne, %convert_element_type3A_15, %cond3A_16 : i32
    scf.if %cond3A_17 {
      %mul3A_18 = arith.constant 20000 : i32
      %mul3A_19 = arith.muli %arg1, %mul3A_18 : i32
      "tpu.region"() ({
        %run_scoped3A_68 = tpu.sem_alloc : memref<!tpu.dma_semaphore, #tpu.memory_space<semaphore_mem>>
        %dma_start3A_69 = tpu.memref_slice %arg12[%mul3A_19] : memref<320000xi32, #tpu.memory_space<hbm>> -> memref<3328xi32, #tpu.memory_space<hbm>>
        %dma_start3A_70 = tpu.memref_slice %arg12[%mul3A_19] : memref<320000xi32, #tpu.memory_space<hbm>> -> memref<3328xi32, #tpu.memory_space<hbm>>
        tpu.enqueue_dma source(%dma_start3A_70 : memref<3328xi32, #tpu.memory_space<hbm>>) target(%arg15 : memref<3328xi32, #tpu.memory_space<vmem>>) target_semaphore(%run_scoped3A_68 : memref<!tpu.dma_semaphore, #tpu.memory_space<semaphore_mem>>)
        %dma_wait3A_71 = tpu.memref_slice %arg12[%mul3A_19] : memref<320000xi32, #tpu.memory_space<hbm>> -> memref<3328xi32, #tpu.memory_space<hbm>>
        %dma_wait3A_72 = tpu.memref_slice %arg12[%mul3A_19] : memref<320000xi32, #tpu.memory_space<hbm>> -> memref<3328xi32, #tpu.memory_space<hbm>>
        tpu.wait_dma2 semaphore(%run_scoped3A_68 : memref<!tpu.dma_semaphore, #tpu.memory_space<semaphore_mem>>) src(%dma_wait3A_72 : memref<3328xi32, #tpu.memory_space<hbm>>) dst(%arg15 : memref<3328xi32, #tpu.memory_space<vmem>>)
        tpu.yield
      }) : () -> ()
      "tpu.region"() ({
        %run_scoped3A_68 = tpu.sem_alloc : memref<!tpu.dma_semaphore, #tpu.memory_space<semaphore_mem>>
        %dma_start3A_69 = tpu.memref_slice %arg11[%mul3A_19] : memref<320000xi32, #tpu.memory_space<hbm>> -> memref<3328xi32, #tpu.memory_space<hbm>>
        %dma_start3A_70 = tpu.memref_slice %arg11[%mul3A_19] : memref<320000xi32, #tpu.memory_space<hbm>> -> memref<3328xi32, #tpu.memory_space<hbm>>
        tpu.enqueue_dma source(%dma_start3A_70 : memref<3328xi32, #tpu.memory_space<hbm>>) target(%arg17 : memref<3328xi32, #tpu.memory_space<vmem>>) target_semaphore(%run_scoped3A_68 : memref<!tpu.dma_semaphore, #tpu.memory_space<semaphore_mem>>)
        %dma_wait3A_71 = tpu.memref_slice %arg11[%mul3A_19] : memref<320000xi32, #tpu.memory_space<hbm>> -> memref<3328xi32, #tpu.memory_space<hbm>>
        %dma_wait3A_72 = tpu.memref_slice %arg11[%mul3A_19] : memref<320000xi32, #tpu.memory_space<hbm>> -> memref<3328xi32, #tpu.memory_space<hbm>>
        tpu.wait_dma2 semaphore(%run_scoped3A_68 : memref<!tpu.dma_semaphore, #tpu.memory_space<semaphore_mem>>) src(%dma_wait3A_72 : memref<3328xi32, #tpu.memory_space<hbm>>) dst(%arg17 : memref<3328xi32, #tpu.memory_space<vmem>>)
        tpu.yield
      }) : () -> ()
      %dma_start3A = arith.constant 0 : i32
      %dma_start3A_20 = arith.constant 0 : i32
      %dma_start3A_21 = arith.constant 0 : i32
      %dma_start3A_22 = tpu.memref_slice %arg19[%dma_start3A, %dma_start3A_20, %dma_start3A_21] : memref<2x128x128xf32, #tpu.memory_space<vmem>> -> memref<1x128x128xf32, #tpu.memory_space<vmem>>
      %dma_start3A_23 = tpu.memref_squeeze %dma_start3A_22 : memref<1x128x128xf32, #tpu.memory_space<vmem>> -> memref<128x128xf32, #tpu.memory_space<vmem>>
      %dma_start3A_24 = arith.constant 0 : i32
      %dma_start3A_25 = tpu.memref_slice %arg15[%dma_start3A_24] : memref<3328xi32, #tpu.memory_space<vmem>> -> memref<128xi32, #tpu.memory_space<vmem>>
      %dma_start3A_26 = arith.constant 0 : i32
      %dma_start3A_27 = arith.constant 0 : i32
      %dma_start3A_28 = tpu.memref_slice %arg2[%dma_start3A_26, %dma_start3A_27] : memref<10000x128xf32, #tpu.memory_space<hbm>> -> memref<10000x128xf32, #tpu.memory_space<hbm>>
      tpu.enqueue_indirect_dma source(%dma_start3A_28 : memref<10000x128xf32, #tpu.memory_space<hbm>>) target(%dma_start3A_23 : memref<128x128xf32, #tpu.memory_space<vmem>>) offsets(%dma_start3A_25 : memref<128xi32, #tpu.memory_space<vmem>>) semaphore(%arg20 : memref<!tpu.dma_semaphore, #tpu.memory_space<semaphore_mem>>)
      %scan3A = arith.constant 0 : i32
      %scan3A_29 = arith.constant 0 : i32
      %scan3A_30 = arith.constant 3 : i32
      %scan3A_31 = arith.addi %scan3A_29, %scan3A_30 : i32
      %scan3A_32 = arith.constant 1 : i32
      %scan3A_33 = scf.for %scan3A_68 = %scan3A_29 to %scan3A_31 step %scan3A_32 iter_args(%scan3A_69 = %scan3A) -> (i32)  : i32 {
        %mul3A_70 = arith.constant 2 : i32
        %mul3A_71 = arith.muli %scan3A_68, %mul3A_70 : i32
        %add3A_72 = arith.constant 0 : i32
        %add3A_73 = arith.addi %mul3A_71, %add3A_72 : i32
        %add3A_74 = arith.constant 1 : i32
        %add3A_75 = arith.addi %add3A_73, %add3A_74 : i32
        %lt3A = arith.constant 6 : i32
        %lt3A_76 = arith.cmpi slt, %add3A_75, %lt3A : i32
        %convert_element_type3A_77 = arith.extui %lt3A_76 : i1 to i32
        %cond3A_78 = arith.constant 0 : i32
        %cond3A_79 = arith.cmpi ne, %convert_element_type3A_77, %cond3A_78 : i32
        scf.if %cond3A_79 {
          %add3A_120 = arith.constant 1 : i32
          %add3A_121 = arith.addi %add3A_73, %add3A_120 : i32
          %mul3A_122 = arith.constant 3328 : i32
          %mul3A_123 = arith.muli %add3A_121, %mul3A_122 : i32
          %add3A_124 = arith.addi %mul3A_19, %mul3A_123 : i32
          %dma_start3A_125 = tpu.memref_slice %arg12[%add3A_124] : memref<320000xi32, #tpu.memory_space<hbm>> -> memref<3328xi32, #tpu.memory_space<hbm>>
          %dma_start3A_126 = tpu.memref_slice %arg12[%add3A_124] : memref<320000xi32, #tpu.memory_space<hbm>> -> memref<3328xi32, #tpu.memory_space<hbm>>
          tpu.enqueue_dma source(%dma_start3A_126 : memref<3328xi32, #tpu.memory_space<hbm>>) target(%arg16 : memref<3328xi32, #tpu.memory_space<vmem>>) target_semaphore(%arg24 : memref<!tpu.dma_semaphore, #tpu.memory_space<semaphore_mem>>)
          %dma_start3A_127 = tpu.memref_slice %arg11[%add3A_124] : memref<320000xi32, #tpu.memory_space<hbm>> -> memref<3328xi32, #tpu.memory_space<hbm>>
          %dma_start3A_128 = tpu.memref_slice %arg11[%add3A_124] : memref<320000xi32, #tpu.memory_space<hbm>> -> memref<3328xi32, #tpu.memory_space<hbm>>
          tpu.enqueue_dma source(%dma_start3A_128 : memref<3328xi32, #tpu.memory_space<hbm>>) target(%arg18 : memref<3328xi32, #tpu.memory_space<vmem>>) target_semaphore(%arg25 : memref<!tpu.dma_semaphore, #tpu.memory_space<semaphore_mem>>)
        } else {
        }
        %scan3A_80 = arith.constant 0 : i32
        %scan3A_81 = arith.constant 0 : i32
        %scan3A_82 = arith.constant 13 : i32
        %scan3A_83 = arith.addi %scan3A_81, %scan3A_82 : i32
        %scan3A_84 = arith.constant 1 : i32
        %scan3A_85 = scf.for %scan3A_120 = %scan3A_81 to %scan3A_83 step %scan3A_84 iter_args(%scan3A_121 = %scan3A_80) -> (i32)  : i32 {
          %mul3A_122 = arith.constant 2 : i32
          %mul3A_123 = arith.muli %scan3A_120, %mul3A_122 : i32
          %add3A_124 = arith.constant 0 : i32
          %add3A_125 = arith.addi %mul3A_123, %add3A_124 : i32
          %gt3A = arith.constant 0 : i32
          %gt3A_126 = arith.cmpi sgt, %add3A_125, %gt3A : i32
          %gt3A_127 = arith.constant 0 : i32
          %gt3A_128 = arith.cmpi sgt, %add3A_73, %gt3A_127 : i32
          %or3A = arith.ori %gt3A_126, %gt3A_128 : i1
          %convert_element_type3A_129 = arith.extui %or3A : i1 to i32
          %cond3A_130 = arith.constant 0 : i32
          %cond3A_131 = arith.cmpi ne, %convert_element_type3A_129, %cond3A_130 : i32
          scf.if %cond3A_131 {
            %mul3A_206 = arith.constant 128 : i32
            %mul3A_207 = arith.muli %add3A_125, %mul3A_206 : i32
            %dma_wait3A_208 = arith.constant 1 : i32
            %dma_wait3A_209 = arith.constant 0 : i32
            %dma_wait3A_210 = arith.constant 0 : i32
            %dma_wait3A_211 = tpu.memref_slice %arg19[%dma_wait3A_208, %dma_wait3A_209, %dma_wait3A_210] : memref<2x128x128xf32, #tpu.memory_space<vmem>> -> memref<1x128x128xf32, #tpu.memory_space<vmem>>
            %dma_wait3A_212 = tpu.memref_squeeze %dma_wait3A_211 : memref<1x128x128xf32, #tpu.memory_space<vmem>> -> memref<128x128xf32, #tpu.memory_space<vmem>>
            %dma_wait3A_213 = tpu.memref_slice %arg17[%mul3A_207] : memref<3328xi32, #tpu.memory_space<vmem>> -> memref<128xi32, #tpu.memory_space<vmem>>
            %dma_wait3A_214 = arith.constant 0 : i32
            %dma_wait3A_215 = arith.constant 0 : i32
            %dma_wait3A_216 = tpu.memref_slice %arg14[%dma_wait3A_214, %dma_wait3A_215] : memref<10240x128xf32, #tpu.memory_space<vmem_shared>> -> memref<10240x128xf32, #tpu.memory_space<vmem_shared>>
            tpu.wait_indirect_dma semaphore(%arg23 : memref<!tpu.dma_semaphore, #tpu.memory_space<semaphore_mem>>) src(%dma_wait3A_212 : memref<128x128xf32, #tpu.memory_space<vmem>>) dst(%dma_wait3A_216 : memref<10240x128xf32, #tpu.memory_space<vmem_shared>>)
          } else {
          }
          %add3A_132 = arith.constant 1 : i32
          %add3A_133 = arith.addi %add3A_125, %add3A_132 : i32
          %lt3A_134 = arith.constant 26 : i32
          %lt3A_135 = arith.cmpi slt, %add3A_133, %lt3A_134 : i32
          %convert_element_type3A_136 = arith.extui %lt3A_135 : i1 to i32
          %cond3A_137 = arith.constant 0 : i32
          %cond3A_138 = arith.cmpi ne, %convert_element_type3A_136, %cond3A_137 : i32
          scf.if %cond3A_138 {
            %add3A_206 = arith.constant 1 : i32
            %add3A_207 = arith.addi %add3A_125, %add3A_206 : i32
            %mul3A_208 = arith.constant 128 : i32
            %mul3A_209 = arith.muli %add3A_207, %mul3A_208 : i32
            %dma_start3A_210 = arith.constant 1 : i32
            %dma_start3A_211 = arith.constant 0 : i32
            %dma_start3A_212 = arith.constant 0 : i32
            %dma_start3A_213 = tpu.memref_slice %arg19[%dma_start3A_210, %dma_start3A_211, %dma_start3A_212] : memref<2x128x128xf32, #tpu.memory_space<vmem>> -> memref<1x128x128xf32, #tpu.memory_space<vmem>>
            %dma_start3A_214 = tpu.memref_squeeze %dma_start3A_213 : memref<1x128x128xf32, #tpu.memory_space<vmem>> -> memref<128x128xf32, #tpu.memory_space<vmem>>
            %dma_start3A_215 = tpu.memref_slice %arg15[%mul3A_209] : memref<3328xi32, #tpu.memory_space<vmem>> -> memref<128xi32, #tpu.memory_space<vmem>>
            %dma_start3A_216 = arith.constant 0 : i32
            %dma_start3A_217 = arith.constant 0 : i32
            %dma_start3A_218 = tpu.memref_slice %arg2[%dma_start3A_216, %dma_start3A_217] : memref<10000x128xf32, #tpu.memory_space<hbm>> -> memref<10000x128xf32, #tpu.memory_space<hbm>>
            tpu.enqueue_indirect_dma source(%dma_start3A_218 : memref<10000x128xf32, #tpu.memory_space<hbm>>) target(%dma_start3A_214 : memref<128x128xf32, #tpu.memory_space<vmem>>) offsets(%dma_start3A_215 : memref<128xi32, #tpu.memory_space<vmem>>) semaphore(%arg21 : memref<!tpu.dma_semaphore, #tpu.memory_space<semaphore_mem>>)
          } else {
          }
          %mul3A_139 = arith.constant 128 : i32
          %mul3A_140 = arith.muli %add3A_125, %mul3A_139 : i32
          %dma_wait3A_141 = arith.constant 0 : i32
          %dma_wait3A_142 = arith.constant 0 : i32
          %dma_wait3A_143 = arith.constant 0 : i32
          %dma_wait3A_144 = tpu.memref_slice %arg19[%dma_wait3A_141, %dma_wait3A_142, %dma_wait3A_143] : memref<2x128x128xf32, #tpu.memory_space<vmem>> -> memref<1x128x128xf32, #tpu.memory_space<vmem>>
          %dma_wait3A_145 = tpu.memref_squeeze %dma_wait3A_144 : memref<1x128x128xf32, #tpu.memory_space<vmem>> -> memref<128x128xf32, #tpu.memory_space<vmem>>
          %dma_wait3A_146 = tpu.memref_slice %arg15[%mul3A_140] : memref<3328xi32, #tpu.memory_space<vmem>> -> memref<128xi32, #tpu.memory_space<vmem>>
          %dma_wait3A_147 = arith.constant 0 : i32
          %dma_wait3A_148 = arith.constant 0 : i32
          %dma_wait3A_149 = tpu.memref_slice %arg2[%dma_wait3A_147, %dma_wait3A_148] : memref<10000x128xf32, #tpu.memory_space<hbm>> -> memref<10000x128xf32, #tpu.memory_space<hbm>>
          tpu.wait_indirect_dma semaphore(%arg20 : memref<!tpu.dma_semaphore, #tpu.memory_space<semaphore_mem>>) src(%dma_wait3A_149 : memref<10000x128xf32, #tpu.memory_space<hbm>>) dst(%dma_wait3A_145 : memref<128x128xf32, #tpu.memory_space<vmem>>)
          %mul3A_150 = arith.constant 128 : i32
          %mul3A_151 = arith.muli %add3A_125, %mul3A_150 : i32
          %dma_start3A_152 = arith.constant 0 : i32
          %dma_start3A_153 = arith.constant 0 : i32
          %dma_start3A_154 = arith.constant 0 : i32
          %dma_start3A_155 = tpu.memref_slice %arg19[%dma_start3A_152, %dma_start3A_153, %dma_start3A_154] : memref<2x128x128xf32, #tpu.memory_space<vmem>> -> memref<1x128x128xf32, #tpu.memory_space<vmem>>
          %dma_start3A_156 = tpu.memref_squeeze %dma_start3A_155 : memref<1x128x128xf32, #tpu.memory_space<vmem>> -> memref<128x128xf32, #tpu.memory_space<vmem>>
          %dma_start3A_157 = tpu.memref_slice %arg17[%mul3A_151] : memref<3328xi32, #tpu.memory_space<vmem>> -> memref<128xi32, #tpu.memory_space<vmem>>
          %dma_start3A_158 = arith.constant 0 : i32
          %dma_start3A_159 = arith.constant 0 : i32
          %dma_start3A_160 = tpu.memref_slice %arg14[%dma_start3A_158, %dma_start3A_159] : memref<10240x128xf32, #tpu.memory_space<vmem_shared>> -> memref<10240x128xf32, #tpu.memory_space<vmem_shared>>
          tpu.enqueue_indirect_dma source(%dma_start3A_156 : memref<128x128xf32, #tpu.memory_space<vmem>>) target(%dma_start3A_160 : memref<10240x128xf32, #tpu.memory_space<vmem_shared>>) offsets(%dma_start3A_157 : memref<128xi32, #tpu.memory_space<vmem>>) semaphore(%arg22 : memref<!tpu.dma_semaphore, #tpu.memory_space<semaphore_mem>>) {add = true}
          %mul3A_161 = arith.constant 2 : i32
          %mul3A_162 = arith.muli %scan3A_120, %mul3A_161 : i32
          %add3A_163 = arith.constant 1 : i32
          %add3A_164 = arith.addi %mul3A_162, %add3A_163 : i32
          %mul3A_165 = arith.constant 128 : i32
          %mul3A_166 = arith.muli %add3A_164, %mul3A_165 : i32
          %dma_wait3A_167 = arith.constant 0 : i32
          %dma_wait3A_168 = arith.constant 0 : i32
          %dma_wait3A_169 = arith.constant 0 : i32
          %dma_wait3A_170 = tpu.memref_slice %arg19[%dma_wait3A_167, %dma_wait3A_168, %dma_wait3A_169] : memref<2x128x128xf32, #tpu.memory_space<vmem>> -> memref<1x128x128xf32, #tpu.memory_space<vmem>>
          %dma_wait3A_171 = tpu.memref_squeeze %dma_wait3A_170 : memref<1x128x128xf32, #tpu.memory_space<vmem>> -> memref<128x128xf32, #tpu.memory_space<vmem>>
          %dma_wait3A_172 = tpu.memref_slice %arg17[%mul3A_166] : memref<3328xi32, #tpu.memory_space<vmem>> -> memref<128xi32, #tpu.memory_space<vmem>>
          %dma_wait3A_173 = arith.constant 0 : i32
          %dma_wait3A_174 = arith.constant 0 : i32
          %dma_wait3A_175 = tpu.memref_slice %arg14[%dma_wait3A_173, %dma_wait3A_174] : memref<10240x128xf32, #tpu.memory_space<vmem_shared>> -> memref<10240x128xf32, #tpu.memory_space<vmem_shared>>
          tpu.wait_indirect_dma semaphore(%arg22 : memref<!tpu.dma_semaphore, #tpu.memory_space<semaphore_mem>>) src(%dma_wait3A_171 : memref<128x128xf32, #tpu.memory_space<vmem>>) dst(%dma_wait3A_175 : memref<10240x128xf32, #tpu.memory_space<vmem_shared>>)
          %add3A_176 = arith.constant 1 : i32
          %add3A_177 = arith.addi %add3A_164, %add3A_176 : i32
          %lt3A_178 = arith.constant 26 : i32
          %lt3A_179 = arith.cmpi slt, %add3A_177, %lt3A_178 : i32
          %convert_element_type3A_180 = arith.extui %lt3A_179 : i1 to i32
          %cond3A_181 = arith.constant 0 : i32
          %cond3A_182 = arith.cmpi ne, %convert_element_type3A_180, %cond3A_181 : i32
          scf.if %cond3A_182 {
            %add3A_206 = arith.constant 1 : i32
            %add3A_207 = arith.addi %add3A_164, %add3A_206 : i32
            %mul3A_208 = arith.constant 128 : i32
            %mul3A_209 = arith.muli %add3A_207, %mul3A_208 : i32
            %dma_start3A_210 = arith.constant 0 : i32
            %dma_start3A_211 = arith.constant 0 : i32
            %dma_start3A_212 = arith.constant 0 : i32
            %dma_start3A_213 = tpu.memref_slice %arg19[%dma_start3A_210, %dma_start3A_211, %dma_start3A_212] : memref<2x128x128xf32, #tpu.memory_space<vmem>> -> memref<1x128x128xf32, #tpu.memory_space<vmem>>
            %dma_start3A_214 = tpu.memref_squeeze %dma_start3A_213 : memref<1x128x128xf32, #tpu.memory_space<vmem>> -> memref<128x128xf32, #tpu.memory_space<vmem>>
            %dma_start3A_215 = tpu.memref_slice %arg15[%mul3A_209] : memref<3328xi32, #tpu.memory_space<vmem>> -> memref<128xi32, #tpu.memory_space<vmem>>
            %dma_start3A_216 = arith.constant 0 : i32
            %dma_start3A_217 = arith.constant 0 : i32
            %dma_start3A_218 = tpu.memref_slice %arg2[%dma_start3A_216, %dma_start3A_217] : memref<10000x128xf32, #tpu.memory_space<hbm>> -> memref<10000x128xf32, #tpu.memory_space<hbm>>
            tpu.enqueue_indirect_dma source(%dma_start3A_218 : memref<10000x128xf32, #tpu.memory_space<hbm>>) target(%dma_start3A_214 : memref<128x128xf32, #tpu.memory_space<vmem>>) offsets(%dma_start3A_215 : memref<128xi32, #tpu.memory_space<vmem>>) semaphore(%arg20 : memref<!tpu.dma_semaphore, #tpu.memory_space<semaphore_mem>>)
          } else {
          }
          %mul3A_183 = arith.constant 128 : i32
          %mul3A_184 = arith.muli %add3A_164, %mul3A_183 : i32
          %dma_wait3A_185 = arith.constant 1 : i32
          %dma_wait3A_186 = arith.constant 0 : i32
          %dma_wait3A_187 = arith.constant 0 : i32
          %dma_wait3A_188 = tpu.memref_slice %arg19[%dma_wait3A_185, %dma_wait3A_186, %dma_wait3A_187] : memref<2x128x128xf32, #tpu.memory_space<vmem>> -> memref<1x128x128xf32, #tpu.memory_space<vmem>>
          %dma_wait3A_189 = tpu.memref_squeeze %dma_wait3A_188 : memref<1x128x128xf32, #tpu.memory_space<vmem>> -> memref<128x128xf32, #tpu.memory_space<vmem>>
          %dma_wait3A_190 = tpu.memref_slice %arg15[%mul3A_184] : memref<3328xi32, #tpu.memory_space<vmem>> -> memref<128xi32, #tpu.memory_space<vmem>>
          %dma_wait3A_191 = arith.constant 0 : i32
          %dma_wait3A_192 = arith.constant 0 : i32
          %dma_wait3A_193 = tpu.memref_slice %arg2[%dma_wait3A_191, %dma_wait3A_192] : memref<10000x128xf32, #tpu.memory_space<hbm>> -> memref<10000x128xf32, #tpu.memory_space<hbm>>
          tpu.wait_indirect_dma semaphore(%arg21 : memref<!tpu.dma_semaphore, #tpu.memory_space<semaphore_mem>>) src(%dma_wait3A_193 : memref<10000x128xf32, #tpu.memory_space<hbm>>) dst(%dma_wait3A_189 : memref<128x128xf32, #tpu.memory_space<vmem>>)
          %mul3A_194 = arith.constant 128 : i32
          %mul3A_195 = arith.muli %add3A_164, %mul3A_194 : i32
          %dma_start3A_196 = arith.constant 1 : i32
          %dma_start3A_197 = arith.constant 0 : i32
          %dma_start3A_198 = arith.constant 0 : i32
          %dma_start3A_199 = tpu.memref_slice %arg19[%dma_start3A_196, %dma_start3A_197, %dma_start3A_198] : memref<2x128x128xf32, #tpu.memory_space<vmem>> -> memref<1x128x128xf32, #tpu.memory_space<vmem>>
          %dma_start3A_200 = tpu.memref_squeeze %dma_start3A_199 : memref<1x128x128xf32, #tpu.memory_space<vmem>> -> memref<128x128xf32, #tpu.memory_space<vmem>>
          %dma_start3A_201 = tpu.memref_slice %arg17[%mul3A_195] : memref<3328xi32, #tpu.memory_space<vmem>> -> memref<128xi32, #tpu.memory_space<vmem>>
          %dma_start3A_202 = arith.constant 0 : i32
          %dma_start3A_203 = arith.constant 0 : i32
          %dma_start3A_204 = tpu.memref_slice %arg14[%dma_start3A_202, %dma_start3A_203] : memref<10240x128xf32, #tpu.memory_space<vmem_shared>> -> memref<10240x128xf32, #tpu.memory_space<vmem_shared>>
          tpu.enqueue_indirect_dma source(%dma_start3A_200 : memref<128x128xf32, #tpu.memory_space<vmem>>) target(%dma_start3A_204 : memref<10240x128xf32, #tpu.memory_space<vmem_shared>>) offsets(%dma_start3A_201 : memref<128xi32, #tpu.memory_space<vmem>>) semaphore(%arg23 : memref<!tpu.dma_semaphore, #tpu.memory_space<semaphore_mem>>) {add = true}
          %scan3A_205 = arith.constant 0 : i32
          scf.yield %scan3A_205 : i32
        }
        %scan3A_86 = arith.constant 13 : i32
        %add3A_87 = arith.constant 1 : i32
        %add3A_88 = arith.addi %add3A_73, %add3A_87 : i32
        %lt3A_89 = arith.constant 6 : i32
        %lt3A_90 = arith.cmpi slt, %add3A_88, %lt3A_89 : i32
        %convert_element_type3A_91 = arith.extui %lt3A_90 : i1 to i32
        %cond3A_92 = arith.constant 0 : i32
        %cond3A_93 = arith.cmpi ne, %convert_element_type3A_91, %cond3A_92 : i32
        scf.if %cond3A_93 {
          %add3A_120 = arith.constant 1 : i32
          %add3A_121 = arith.addi %add3A_73, %add3A_120 : i32
          %mul3A_122 = arith.constant 3328 : i32
          %mul3A_123 = arith.muli %add3A_121, %mul3A_122 : i32
          %add3A_124 = arith.addi %mul3A_19, %mul3A_123 : i32
          %dma_wait3A_125 = tpu.memref_slice %arg12[%add3A_124] : memref<320000xi32, #tpu.memory_space<hbm>> -> memref<3328xi32, #tpu.memory_space<hbm>>
          %dma_wait3A_126 = tpu.memref_slice %arg12[%add3A_124] : memref<320000xi32, #tpu.memory_space<hbm>> -> memref<3328xi32, #tpu.memory_space<hbm>>
          tpu.wait_dma2 semaphore(%arg24 : memref<!tpu.dma_semaphore, #tpu.memory_space<semaphore_mem>>) src(%dma_wait3A_126 : memref<3328xi32, #tpu.memory_space<hbm>>) dst(%arg16 : memref<3328xi32, #tpu.memory_space<vmem>>)
          %dma_wait3A_127 = tpu.memref_slice %arg11[%add3A_124] : memref<320000xi32, #tpu.memory_space<hbm>> -> memref<3328xi32, #tpu.memory_space<hbm>>
          %dma_wait3A_128 = tpu.memref_slice %arg11[%add3A_124] : memref<320000xi32, #tpu.memory_space<hbm>> -> memref<3328xi32, #tpu.memory_space<hbm>>
          tpu.wait_dma2 semaphore(%arg25 : memref<!tpu.dma_semaphore, #tpu.memory_space<semaphore_mem>>) src(%dma_wait3A_128 : memref<3328xi32, #tpu.memory_space<hbm>>) dst(%arg18 : memref<3328xi32, #tpu.memory_space<vmem>>)
          %dma_start3A_129 = arith.constant 0 : i32
          %dma_start3A_130 = arith.constant 0 : i32
          %dma_start3A_131 = arith.constant 0 : i32
          %dma_start3A_132 = tpu.memref_slice %arg19[%dma_start3A_129, %dma_start3A_130, %dma_start3A_131] : memref<2x128x128xf32, #tpu.memory_space<vmem>> -> memref<1x128x128xf32, #tpu.memory_space<vmem>>
          %dma_start3A_133 = tpu.memref_squeeze %dma_start3A_132 : memref<1x128x128xf32, #tpu.memory_space<vmem>> -> memref<128x128xf32, #tpu.memory_space<vmem>>
          %dma_start3A_134 = arith.constant 0 : i32
          %dma_start3A_135 = tpu.memref_slice %arg16[%dma_start3A_134] : memref<3328xi32, #tpu.memory_space<vmem>> -> memref<128xi32, #tpu.memory_space<vmem>>
          %dma_start3A_136 = arith.constant 0 : i32
          %dma_start3A_137 = arith.constant 0 : i32
          %dma_start3A_138 = tpu.memref_slice %arg2[%dma_start3A_136, %dma_start3A_137] : memref<10000x128xf32, #tpu.memory_space<hbm>> -> memref<10000x128xf32, #tpu.memory_space<hbm>>
          tpu.enqueue_indirect_dma source(%dma_start3A_138 : memref<10000x128xf32, #tpu.memory_space<hbm>>) target(%dma_start3A_133 : memref<128x128xf32, #tpu.memory_space<vmem>>) offsets(%dma_start3A_135 : memref<128xi32, #tpu.memory_space<vmem>>) semaphore(%arg20 : memref<!tpu.dma_semaphore, #tpu.memory_space<semaphore_mem>>)
        } else {
        }
        %mul3A_94 = arith.constant 2 : i32
        %mul3A_95 = arith.muli %scan3A_68, %mul3A_94 : i32
        %add3A_96 = arith.constant 1 : i32
        %add3A_97 = arith.addi %mul3A_95, %add3A_96 : i32
        %add3A_98 = arith.constant 1 : i32
        %add3A_99 = arith.addi %add3A_97, %add3A_98 : i32
        %lt3A_100 = arith.constant 6 : i32
        %lt3A_101 = arith.cmpi slt, %add3A_99, %lt3A_100 : i32
        %convert_element_type3A_102 = arith.extui %lt3A_101 : i1 to i32
        %cond3A_103 = arith.constant 0 : i32
        %cond3A_104 = arith.cmpi ne, %convert_element_type3A_102, %cond3A_103 : i32
        scf.if %cond3A_104 {
          %add3A_120 = arith.constant 1 : i32
          %add3A_121 = arith.addi %add3A_97, %add3A_120 : i32
          %mul3A_122 = arith.constant 3328 : i32
          %mul3A_123 = arith.muli %add3A_121, %mul3A_122 : i32
          %add3A_124 = arith.addi %mul3A_19, %mul3A_123 : i32
          %dma_start3A_125 = tpu.memref_slice %arg12[%add3A_124] : memref<320000xi32, #tpu.memory_space<hbm>> -> memref<3328xi32, #tpu.memory_space<hbm>>
          %dma_start3A_126 = tpu.memref_slice %arg12[%add3A_124] : memref<320000xi32, #tpu.memory_space<hbm>> -> memref<3328xi32, #tpu.memory_space<hbm>>
          tpu.enqueue_dma source(%dma_start3A_126 : memref<3328xi32, #tpu.memory_space<hbm>>) target(%arg15 : memref<3328xi32, #tpu.memory_space<vmem>>) target_semaphore(%arg24 : memref<!tpu.dma_semaphore, #tpu.memory_space<semaphore_mem>>)
          %dma_start3A_127 = tpu.memref_slice %arg11[%add3A_124] : memref<320000xi32, #tpu.memory_space<hbm>> -> memref<3328xi32, #tpu.memory_space<hbm>>
          %dma_start3A_128 = tpu.memref_slice %arg11[%add3A_124] : memref<320000xi32, #tpu.memory_space<hbm>> -> memref<3328xi32, #tpu.memory_space<hbm>>
          tpu.enqueue_dma source(%dma_start3A_128 : memref<3328xi32, #tpu.memory_space<hbm>>) target(%arg17 : memref<3328xi32, #tpu.memory_space<vmem>>) target_semaphore(%arg25 : memref<!tpu.dma_semaphore, #tpu.memory_space<semaphore_mem>>)
        } else {
        }
        %scan3A_105 = arith.constant 0 : i32
        %scan3A_106 = arith.constant 0 : i32
        %scan3A_107 = arith.constant 13 : i32
        %scan3A_108 = arith.addi %scan3A_106, %scan3A_107 : i32
        %scan3A_109 = arith.constant 1 : i32
        %scan3A_110 = scf.for %scan3A_120 = %scan3A_106 to %scan3A_108 step %scan3A_109 iter_args(%scan3A_121 = %scan3A_105) -> (i32)  : i32 {
          %mul3A_122 = arith.constant 2 : i32
          %mul3A_123 = arith.muli %scan3A_120, %mul3A_122 : i32
          %add3A_124 = arith.constant 0 : i32
          %add3A_125 = arith.addi %mul3A_123, %add3A_124 : i32
          %gt3A = arith.constant 0 : i32
          %gt3A_126 = arith.cmpi sgt, %add3A_125, %gt3A : i32
          %gt3A_127 = arith.constant 0 : i32
          %gt3A_128 = arith.cmpi sgt, %add3A_97, %gt3A_127 : i32
          %or3A = arith.ori %gt3A_126, %gt3A_128 : i1
          %convert_element_type3A_129 = arith.extui %or3A : i1 to i32
          %cond3A_130 = arith.constant 0 : i32
          %cond3A_131 = arith.cmpi ne, %convert_element_type3A_129, %cond3A_130 : i32
          scf.if %cond3A_131 {
            %mul3A_206 = arith.constant 128 : i32
            %mul3A_207 = arith.muli %add3A_125, %mul3A_206 : i32
            %dma_wait3A_208 = arith.constant 1 : i32
            %dma_wait3A_209 = arith.constant 0 : i32
            %dma_wait3A_210 = arith.constant 0 : i32
            %dma_wait3A_211 = tpu.memref_slice %arg19[%dma_wait3A_208, %dma_wait3A_209, %dma_wait3A_210] : memref<2x128x128xf32, #tpu.memory_space<vmem>> -> memref<1x128x128xf32, #tpu.memory_space<vmem>>
            %dma_wait3A_212 = tpu.memref_squeeze %dma_wait3A_211 : memref<1x128x128xf32, #tpu.memory_space<vmem>> -> memref<128x128xf32, #tpu.memory_space<vmem>>
            %dma_wait3A_213 = tpu.memref_slice %arg18[%mul3A_207] : memref<3328xi32, #tpu.memory_space<vmem>> -> memref<128xi32, #tpu.memory_space<vmem>>
            %dma_wait3A_214 = arith.constant 0 : i32
            %dma_wait3A_215 = arith.constant 0 : i32
            %dma_wait3A_216 = tpu.memref_slice %arg14[%dma_wait3A_214, %dma_wait3A_215] : memref<10240x128xf32, #tpu.memory_space<vmem_shared>> -> memref<10240x128xf32, #tpu.memory_space<vmem_shared>>
            tpu.wait_indirect_dma semaphore(%arg23 : memref<!tpu.dma_semaphore, #tpu.memory_space<semaphore_mem>>) src(%dma_wait3A_212 : memref<128x128xf32, #tpu.memory_space<vmem>>) dst(%dma_wait3A_216 : memref<10240x128xf32, #tpu.memory_space<vmem_shared>>)
          } else {
          }
          %add3A_132 = arith.constant 1 : i32
          %add3A_133 = arith.addi %add3A_125, %add3A_132 : i32
          %lt3A_134 = arith.constant 26 : i32
          %lt3A_135 = arith.cmpi slt, %add3A_133, %lt3A_134 : i32
          %convert_element_type3A_136 = arith.extui %lt3A_135 : i1 to i32
          %cond3A_137 = arith.constant 0 : i32
          %cond3A_138 = arith.cmpi ne, %convert_element_type3A_136, %cond3A_137 : i32
          scf.if %cond3A_138 {
            %add3A_206 = arith.constant 1 : i32
            %add3A_207 = arith.addi %add3A_125, %add3A_206 : i32
            %mul3A_208 = arith.constant 128 : i32
            %mul3A_209 = arith.muli %add3A_207, %mul3A_208 : i32
            %dma_start3A_210 = arith.constant 1 : i32
            %dma_start3A_211 = arith.constant 0 : i32
            %dma_start3A_212 = arith.constant 0 : i32
            %dma_start3A_213 = tpu.memref_slice %arg19[%dma_start3A_210, %dma_start3A_211, %dma_start3A_212] : memref<2x128x128xf32, #tpu.memory_space<vmem>> -> memref<1x128x128xf32, #tpu.memory_space<vmem>>
            %dma_start3A_214 = tpu.memref_squeeze %dma_start3A_213 : memref<1x128x128xf32, #tpu.memory_space<vmem>> -> memref<128x128xf32, #tpu.memory_space<vmem>>
            %dma_start3A_215 = tpu.memref_slice %arg16[%mul3A_209] : memref<3328xi32, #tpu.memory_space<vmem>> -> memref<128xi32, #tpu.memory_space<vmem>>
            %dma_start3A_216 = arith.constant 0 : i32
            %dma_start3A_217 = arith.constant 0 : i32
            %dma_start3A_218 = tpu.memref_slice %arg2[%dma_start3A_216, %dma_start3A_217] : memref<10000x128xf32, #tpu.memory_space<hbm>> -> memref<10000x128xf32, #tpu.memory_space<hbm>>
            tpu.enqueue_indirect_dma source(%dma_start3A_218 : memref<10000x128xf32, #tpu.memory_space<hbm>>) target(%dma_start3A_214 : memref<128x128xf32, #tpu.memory_space<vmem>>) offsets(%dma_start3A_215 : memref<128xi32, #tpu.memory_space<vmem>>) semaphore(%arg21 : memref<!tpu.dma_semaphore, #tpu.memory_space<semaphore_mem>>)
          } else {
          }
          %mul3A_139 = arith.constant 128 : i32
          %mul3A_140 = arith.muli %add3A_125, %mul3A_139 : i32
          %dma_wait3A_141 = arith.constant 0 : i32
          %dma_wait3A_142 = arith.constant 0 : i32
          %dma_wait3A_143 = arith.constant 0 : i32
          %dma_wait3A_144 = tpu.memref_slice %arg19[%dma_wait3A_141, %dma_wait3A_142, %dma_wait3A_143] : memref<2x128x128xf32, #tpu.memory_space<vmem>> -> memref<1x128x128xf32, #tpu.memory_space<vmem>>
          %dma_wait3A_145 = tpu.memref_squeeze %dma_wait3A_144 : memref<1x128x128xf32, #tpu.memory_space<vmem>> -> memref<128x128xf32, #tpu.memory_space<vmem>>
          %dma_wait3A_146 = tpu.memref_slice %arg16[%mul3A_140] : memref<3328xi32, #tpu.memory_space<vmem>> -> memref<128xi32, #tpu.memory_space<vmem>>
          %dma_wait3A_147 = arith.constant 0 : i32
          %dma_wait3A_148 = arith.constant 0 : i32
          %dma_wait3A_149 = tpu.memref_slice %arg2[%dma_wait3A_147, %dma_wait3A_148] : memref<10000x128xf32, #tpu.memory_space<hbm>> -> memref<10000x128xf32, #tpu.memory_space<hbm>>
          tpu.wait_indirect_dma semaphore(%arg20 : memref<!tpu.dma_semaphore, #tpu.memory_space<semaphore_mem>>) src(%dma_wait3A_149 : memref<10000x128xf32, #tpu.memory_space<hbm>>) dst(%dma_wait3A_145 : memref<128x128xf32, #tpu.memory_space<vmem>>)
          %mul3A_150 = arith.constant 128 : i32
          %mul3A_151 = arith.muli %add3A_125, %mul3A_150 : i32
          %dma_start3A_152 = arith.constant 0 : i32
          %dma_start3A_153 = arith.constant 0 : i32
          %dma_start3A_154 = arith.constant 0 : i32
          %dma_start3A_155 = tpu.memref_slice %arg19[%dma_start3A_152, %dma_start3A_153, %dma_start3A_154] : memref<2x128x128xf32, #tpu.memory_space<vmem>> -> memref<1x128x128xf32, #tpu.memory_space<vmem>>
          %dma_start3A_156 = tpu.memref_squeeze %dma_start3A_155 : memref<1x128x128xf32, #tpu.memory_space<vmem>> -> memref<128x128xf32, #tpu.memory_space<vmem>>
          %dma_start3A_157 = tpu.memref_slice %arg18[%mul3A_151] : memref<3328xi32, #tpu.memory_space<vmem>> -> memref<128xi32, #tpu.memory_space<vmem>>
          %dma_start3A_158 = arith.constant 0 : i32
          %dma_start3A_159 = arith.constant 0 : i32
          %dma_start3A_160 = tpu.memref_slice %arg14[%dma_start3A_158, %dma_start3A_159] : memref<10240x128xf32, #tpu.memory_space<vmem_shared>> -> memref<10240x128xf32, #tpu.memory_space<vmem_shared>>
          tpu.enqueue_indirect_dma source(%dma_start3A_156 : memref<128x128xf32, #tpu.memory_space<vmem>>) target(%dma_start3A_160 : memref<10240x128xf32, #tpu.memory_space<vmem_shared>>) offsets(%dma_start3A_157 : memref<128xi32, #tpu.memory_space<vmem>>) semaphore(%arg22 : memref<!tpu.dma_semaphore, #tpu.memory_space<semaphore_mem>>) {add = true}
          %mul3A_161 = arith.constant 2 : i32
          %mul3A_162 = arith.muli %scan3A_120, %mul3A_161 : i32
          %add3A_163 = arith.constant 1 : i32
          %add3A_164 = arith.addi %mul3A_162, %add3A_163 : i32
          %mul3A_165 = arith.constant 128 : i32
          %mul3A_166 = arith.muli %add3A_164, %mul3A_165 : i32
          %dma_wait3A_167 = arith.constant 0 : i32
          %dma_wait3A_168 = arith.constant 0 : i32
          %dma_wait3A_169 = arith.constant 0 : i32
          %dma_wait3A_170 = tpu.memref_slice %arg19[%dma_wait3A_167, %dma_wait3A_168, %dma_wait3A_169] : memref<2x128x128xf32, #tpu.memory_space<vmem>> -> memref<1x128x128xf32, #tpu.memory_space<vmem>>
          %dma_wait3A_171 = tpu.memref_squeeze %dma_wait3A_170 : memref<1x128x128xf32, #tpu.memory_space<vmem>> -> memref<128x128xf32, #tpu.memory_space<vmem>>
          %dma_wait3A_172 = tpu.memref_slice %arg18[%mul3A_166] : memref<3328xi32, #tpu.memory_space<vmem>> -> memref<128xi32, #tpu.memory_space<vmem>>
          %dma_wait3A_173 = arith.constant 0 : i32
          %dma_wait3A_174 = arith.constant 0 : i32
          %dma_wait3A_175 = tpu.memref_slice %arg14[%dma_wait3A_173, %dma_wait3A_174] : memref<10240x128xf32, #tpu.memory_space<vmem_shared>> -> memref<10240x128xf32, #tpu.memory_space<vmem_shared>>
          tpu.wait_indirect_dma semaphore(%arg22 : memref<!tpu.dma_semaphore, #tpu.memory_space<semaphore_mem>>) src(%dma_wait3A_171 : memref<128x128xf32, #tpu.memory_space<vmem>>) dst(%dma_wait3A_175 : memref<10240x128xf32, #tpu.memory_space<vmem_shared>>)
          %add3A_176 = arith.constant 1 : i32
          %add3A_177 = arith.addi %add3A_164, %add3A_176 : i32
          %lt3A_178 = arith.constant 26 : i32
          %lt3A_179 = arith.cmpi slt, %add3A_177, %lt3A_178 : i32
          %convert_element_type3A_180 = arith.extui %lt3A_179 : i1 to i32
          %cond3A_181 = arith.constant 0 : i32
          %cond3A_182 = arith.cmpi ne, %convert_element_type3A_180, %cond3A_181 : i32
          scf.if %cond3A_182 {
            %add3A_206 = arith.constant 1 : i32
            %add3A_207 = arith.addi %add3A_164, %add3A_206 : i32
            %mul3A_208 = arith.constant 128 : i32
            %mul3A_209 = arith.muli %add3A_207, %mul3A_208 : i32
            %dma_start3A_210 = arith.constant 0 : i32
            %dma_start3A_211 = arith.constant 0 : i32
            %dma_start3A_212 = arith.constant 0 : i32
            %dma_start3A_213 = tpu.memref_slice %arg19[%dma_start3A_210, %dma_start3A_211, %dma_start3A_212] : memref<2x128x128xf32, #tpu.memory_space<vmem>> -> memref<1x128x128xf32, #tpu.memory_space<vmem>>
            %dma_start3A_214 = tpu.memref_squeeze %dma_start3A_213 : memref<1x128x128xf32, #tpu.memory_space<vmem>> -> memref<128x128xf32, #tpu.memory_space<vmem>>
            %dma_start3A_215 = tpu.memref_slice %arg16[%mul3A_209] : memref<3328xi32, #tpu.memory_space<vmem>> -> memref<128xi32, #tpu.memory_space<vmem>>
            %dma_start3A_216 = arith.constant 0 : i32
            %dma_start3A_217 = arith.constant 0 : i32
            %dma_start3A_218 = tpu.memref_slice %arg2[%dma_start3A_216, %dma_start3A_217] : memref<10000x128xf32, #tpu.memory_space<hbm>> -> memref<10000x128xf32, #tpu.memory_space<hbm>>
            tpu.enqueue_indirect_dma source(%dma_start3A_218 : memref<10000x128xf32, #tpu.memory_space<hbm>>) target(%dma_start3A_214 : memref<128x128xf32, #tpu.memory_space<vmem>>) offsets(%dma_start3A_215 : memref<128xi32, #tpu.memory_space<vmem>>) semaphore(%arg20 : memref<!tpu.dma_semaphore, #tpu.memory_space<semaphore_mem>>)
          } else {
          }
          %mul3A_183 = arith.constant 128 : i32
          %mul3A_184 = arith.muli %add3A_164, %mul3A_183 : i32
          %dma_wait3A_185 = arith.constant 1 : i32
          %dma_wait3A_186 = arith.constant 0 : i32
          %dma_wait3A_187 = arith.constant 0 : i32
          %dma_wait3A_188 = tpu.memref_slice %arg19[%dma_wait3A_185, %dma_wait3A_186, %dma_wait3A_187] : memref<2x128x128xf32, #tpu.memory_space<vmem>> -> memref<1x128x128xf32, #tpu.memory_space<vmem>>
          %dma_wait3A_189 = tpu.memref_squeeze %dma_wait3A_188 : memref<1x128x128xf32, #tpu.memory_space<vmem>> -> memref<128x128xf32, #tpu.memory_space<vmem>>
          %dma_wait3A_190 = tpu.memref_slice %arg16[%mul3A_184] : memref<3328xi32, #tpu.memory_space<vmem>> -> memref<128xi32, #tpu.memory_space<vmem>>
          %dma_wait3A_191 = arith.constant 0 : i32
          %dma_wait3A_192 = arith.constant 0 : i32
          %dma_wait3A_193 = tpu.memref_slice %arg2[%dma_wait3A_191, %dma_wait3A_192] : memref<10000x128xf32, #tpu.memory_space<hbm>> -> memref<10000x128xf32, #tpu.memory_space<hbm>>
          tpu.wait_indirect_dma semaphore(%arg21 : memref<!tpu.dma_semaphore, #tpu.memory_space<semaphore_mem>>) src(%dma_wait3A_193 : memref<10000x128xf32, #tpu.memory_space<hbm>>) dst(%dma_wait3A_189 : memref<128x128xf32, #tpu.memory_space<vmem>>)
          %mul3A_194 = arith.constant 128 : i32
          %mul3A_195 = arith.muli %add3A_164, %mul3A_194 : i32
          %dma_start3A_196 = arith.constant 1 : i32
          %dma_start3A_197 = arith.constant 0 : i32
          %dma_start3A_198 = arith.constant 0 : i32
          %dma_start3A_199 = tpu.memref_slice %arg19[%dma_start3A_196, %dma_start3A_197, %dma_start3A_198] : memref<2x128x128xf32, #tpu.memory_space<vmem>> -> memref<1x128x128xf32, #tpu.memory_space<vmem>>
          %dma_start3A_200 = tpu.memref_squeeze %dma_start3A_199 : memref<1x128x128xf32, #tpu.memory_space<vmem>> -> memref<128x128xf32, #tpu.memory_space<vmem>>
          %dma_start3A_201 = tpu.memref_slice %arg18[%mul3A_195] : memref<3328xi32, #tpu.memory_space<vmem>> -> memref<128xi32, #tpu.memory_space<vmem>>
          %dma_start3A_202 = arith.constant 0 : i32
          %dma_start3A_203 = arith.constant 0 : i32
          %dma_start3A_204 = tpu.memref_slice %arg14[%dma_start3A_202, %dma_start3A_203] : memref<10240x128xf32, #tpu.memory_space<vmem_shared>> -> memref<10240x128xf32, #tpu.memory_space<vmem_shared>>
          tpu.enqueue_indirect_dma source(%dma_start3A_200 : memref<128x128xf32, #tpu.memory_space<vmem>>) target(%dma_start3A_204 : memref<10240x128xf32, #tpu.memory_space<vmem_shared>>) offsets(%dma_start3A_201 : memref<128xi32, #tpu.memory_space<vmem>>) semaphore(%arg23 : memref<!tpu.dma_semaphore, #tpu.memory_space<semaphore_mem>>) {add = true}
          %scan3A_205 = arith.constant 0 : i32
          scf.yield %scan3A_205 : i32
        }
        %scan3A_111 = arith.constant 13 : i32
        %add3A_112 = arith.constant 1 : i32
        %add3A_113 = arith.addi %add3A_97, %add3A_112 : i32
        %lt3A_114 = arith.constant 6 : i32
        %lt3A_115 = arith.cmpi slt, %add3A_113, %lt3A_114 : i32
        %convert_element_type3A_116 = arith.extui %lt3A_115 : i1 to i32
        %cond3A_117 = arith.constant 0 : i32
        %cond3A_118 = arith.cmpi ne, %convert_element_type3A_116, %cond3A_117 : i32
        scf.if %cond3A_118 {
          %add3A_120 = arith.constant 1 : i32
          %add3A_121 = arith.addi %add3A_97, %add3A_120 : i32
          %mul3A_122 = arith.constant 3328 : i32
          %mul3A_123 = arith.muli %add3A_121, %mul3A_122 : i32
          %add3A_124 = arith.addi %mul3A_19, %mul3A_123 : i32
          %dma_wait3A_125 = tpu.memref_slice %arg12[%add3A_124] : memref<320000xi32, #tpu.memory_space<hbm>> -> memref<3328xi32, #tpu.memory_space<hbm>>
          %dma_wait3A_126 = tpu.memref_slice %arg12[%add3A_124] : memref<320000xi32, #tpu.memory_space<hbm>> -> memref<3328xi32, #tpu.memory_space<hbm>>
          tpu.wait_dma2 semaphore(%arg24 : memref<!tpu.dma_semaphore, #tpu.memory_space<semaphore_mem>>) src(%dma_wait3A_126 : memref<3328xi32, #tpu.memory_space<hbm>>) dst(%arg15 : memref<3328xi32, #tpu.memory_space<vmem>>)
          %dma_wait3A_127 = tpu.memref_slice %arg11[%add3A_124] : memref<320000xi32, #tpu.memory_space<hbm>> -> memref<3328xi32, #tpu.memory_space<hbm>>
          %dma_wait3A_128 = tpu.memref_slice %arg11[%add3A_124] : memref<320000xi32, #tpu.memory_space<hbm>> -> memref<3328xi32, #tpu.memory_space<hbm>>
          tpu.wait_dma2 semaphore(%arg25 : memref<!tpu.dma_semaphore, #tpu.memory_space<semaphore_mem>>) src(%dma_wait3A_128 : memref<3328xi32, #tpu.memory_space<hbm>>) dst(%arg17 : memref<3328xi32, #tpu.memory_space<vmem>>)
          %dma_start3A_129 = arith.constant 0 : i32
          %dma_start3A_130 = arith.constant 0 : i32
          %dma_start3A_131 = arith.constant 0 : i32
          %dma_start3A_132 = tpu.memref_slice %arg19[%dma_start3A_129, %dma_start3A_130, %dma_start3A_131] : memref<2x128x128xf32, #tpu.memory_space<vmem>> -> memref<1x128x128xf32, #tpu.memory_space<vmem>>
          %dma_start3A_133 = tpu.memref_squeeze %dma_start3A_132 : memref<1x128x128xf32, #tpu.memory_space<vmem>> -> memref<128x128xf32, #tpu.memory_space<vmem>>
          %dma_start3A_134 = arith.constant 0 : i32
          %dma_start3A_135 = tpu.memref_slice %arg15[%dma_start3A_134] : memref<3328xi32, #tpu.memory_space<vmem>> -> memref<128xi32, #tpu.memory_space<vmem>>
          %dma_start3A_136 = arith.constant 0 : i32
          %dma_start3A_137 = arith.constant 0 : i32
          %dma_start3A_138 = tpu.memref_slice %arg2[%dma_start3A_136, %dma_start3A_137] : memref<10000x128xf32, #tpu.memory_space<hbm>> -> memref<10000x128xf32, #tpu.memory_space<hbm>>
          tpu.enqueue_indirect_dma source(%dma_start3A_138 : memref<10000x128xf32, #tpu.memory_space<hbm>>) target(%dma_start3A_133 : memref<128x128xf32, #tpu.memory_space<vmem>>) offsets(%dma_start3A_135 : memref<128xi32, #tpu.memory_space<vmem>>) semaphore(%arg20 : memref<!tpu.dma_semaphore, #tpu.memory_space<semaphore_mem>>)
        } else {
        }
        %scan3A_119 = arith.constant 0 : i32
        scf.yield %scan3A_119 : i32
      }
      %scan3A_34 = arith.constant 3 : i32
      %dma_wait3A = arith.constant 1 : i32
      %dma_wait3A_35 = arith.constant 0 : i32
      %dma_wait3A_36 = arith.constant 0 : i32
      %dma_wait3A_37 = tpu.memref_slice %arg19[%dma_wait3A, %dma_wait3A_35, %dma_wait3A_36] : memref<2x128x128xf32, #tpu.memory_space<vmem>> -> memref<1x128x128xf32, #tpu.memory_space<vmem>>
      %dma_wait3A_38 = tpu.memref_squeeze %dma_wait3A_37 : memref<1x128x128xf32, #tpu.memory_space<vmem>> -> memref<128x128xf32, #tpu.memory_space<vmem>>
      %dma_wait3A_39 = arith.constant 3200 : i32
      %dma_wait3A_40 = tpu.memref_slice %arg18[%dma_wait3A_39] : memref<3328xi32, #tpu.memory_space<vmem>> -> memref<128xi32, #tpu.memory_space<vmem>>
      %dma_wait3A_41 = arith.constant 0 : i32
      %dma_wait3A_42 = arith.constant 0 : i32
      %dma_wait3A_43 = tpu.memref_slice %arg14[%dma_wait3A_41, %dma_wait3A_42] : memref<10240x128xf32, #tpu.memory_space<vmem_shared>> -> memref<10240x128xf32, #tpu.memory_space<vmem_shared>>
      tpu.wait_indirect_dma semaphore(%arg23 : memref<!tpu.dma_semaphore, #tpu.memory_space<semaphore_mem>>) src(%dma_wait3A_38 : memref<128x128xf32, #tpu.memory_space<vmem>>) dst(%dma_wait3A_43 : memref<10240x128xf32, #tpu.memory_space<vmem_shared>>)
      %add3A = arith.constant 19968 : i32
      %add3A_44 = arith.addi %mul3A_19, %add3A : i32
      "tpu.region"() ({
        %run_scoped3A_68 = tpu.sem_alloc : memref<!tpu.dma_semaphore, #tpu.memory_space<semaphore_mem>>
        %dma_start3A_69 = arith.constant 0 : i32
        %dma_start3A_70 = tpu.memref_slice %arg15[%dma_start3A_69] : memref<3328xi32, #tpu.memory_space<vmem>> -> memref<32xi32, #tpu.memory_space<vmem>>
        %dma_start3A_71 = tpu.memref_slice %arg12[%add3A_44] : memref<320000xi32, #tpu.memory_space<hbm>> -> memref<32xi32, #tpu.memory_space<hbm>>
        %dma_start3A_72 = arith.constant 0 : i32
        %dma_start3A_73 = tpu.memref_slice %arg15[%dma_start3A_72] : memref<3328xi32, #tpu.memory_space<vmem>> -> memref<32xi32, #tpu.memory_space<vmem>>
        %dma_start3A_74 = tpu.memref_slice %arg12[%add3A_44] : memref<320000xi32, #tpu.memory_space<hbm>> -> memref<32xi32, #tpu.memory_space<hbm>>
        tpu.enqueue_dma source(%dma_start3A_74 : memref<32xi32, #tpu.memory_space<hbm>>) target(%dma_start3A_73 : memref<32xi32, #tpu.memory_space<vmem>>) target_semaphore(%run_scoped3A_68 : memref<!tpu.dma_semaphore, #tpu.memory_space<semaphore_mem>>)
        %dma_wait3A_75 = arith.constant 0 : i32
        %dma_wait3A_76 = tpu.memref_slice %arg15[%dma_wait3A_75] : memref<3328xi32, #tpu.memory_space<vmem>> -> memref<32xi32, #tpu.memory_space<vmem>>
        %dma_wait3A_77 = tpu.memref_slice %arg12[%add3A_44] : memref<320000xi32, #tpu.memory_space<hbm>> -> memref<32xi32, #tpu.memory_space<hbm>>
        %dma_wait3A_78 = arith.constant 0 : i32
        %dma_wait3A_79 = tpu.memref_slice %arg15[%dma_wait3A_78] : memref<3328xi32, #tpu.memory_space<vmem>> -> memref<32xi32, #tpu.memory_space<vmem>>
        %dma_wait3A_80 = tpu.memref_slice %arg12[%add3A_44] : memref<320000xi32, #tpu.memory_space<hbm>> -> memref<32xi32, #tpu.memory_space<hbm>>
        tpu.wait_dma2 semaphore(%run_scoped3A_68 : memref<!tpu.dma_semaphore, #tpu.memory_space<semaphore_mem>>) src(%dma_wait3A_80 : memref<32xi32, #tpu.memory_space<hbm>>) dst(%dma_wait3A_79 : memref<32xi32, #tpu.memory_space<vmem>>)
        tpu.yield
      }) : () -> ()
      "tpu.region"() ({
        %run_scoped3A_68 = tpu.sem_alloc : memref<!tpu.dma_semaphore, #tpu.memory_space<semaphore_mem>>
        %dma_start3A_69 = arith.constant 0 : i32
        %dma_start3A_70 = tpu.memref_slice %arg17[%dma_start3A_69] : memref<3328xi32, #tpu.memory_space<vmem>> -> memref<32xi32, #tpu.memory_space<vmem>>
        %dma_start3A_71 = tpu.memref_slice %arg11[%add3A_44] : memref<320000xi32, #tpu.memory_space<hbm>> -> memref<32xi32, #tpu.memory_space<hbm>>
        %dma_start3A_72 = arith.constant 0 : i32
        %dma_start3A_73 = tpu.memref_slice %arg17[%dma_start3A_72] : memref<3328xi32, #tpu.memory_space<vmem>> -> memref<32xi32, #tpu.memory_space<vmem>>
        %dma_start3A_74 = tpu.memref_slice %arg11[%add3A_44] : memref<320000xi32, #tpu.memory_space<hbm>> -> memref<32xi32, #tpu.memory_space<hbm>>
        tpu.enqueue_dma source(%dma_start3A_74 : memref<32xi32, #tpu.memory_space<hbm>>) target(%dma_start3A_73 : memref<32xi32, #tpu.memory_space<vmem>>) target_semaphore(%run_scoped3A_68 : memref<!tpu.dma_semaphore, #tpu.memory_space<semaphore_mem>>)
        %dma_wait3A_75 = arith.constant 0 : i32
        %dma_wait3A_76 = tpu.memref_slice %arg17[%dma_wait3A_75] : memref<3328xi32, #tpu.memory_space<vmem>> -> memref<32xi32, #tpu.memory_space<vmem>>
        %dma_wait3A_77 = tpu.memref_slice %arg11[%add3A_44] : memref<320000xi32, #tpu.memory_space<hbm>> -> memref<32xi32, #tpu.memory_space<hbm>>
        %dma_wait3A_78 = arith.constant 0 : i32
        %dma_wait3A_79 = tpu.memref_slice %arg17[%dma_wait3A_78] : memref<3328xi32, #tpu.memory_space<vmem>> -> memref<32xi32, #tpu.memory_space<vmem>>
        %dma_wait3A_80 = tpu.memref_slice %arg11[%add3A_44] : memref<320000xi32, #tpu.memory_space<hbm>> -> memref<32xi32, #tpu.memory_space<hbm>>
        tpu.wait_dma2 semaphore(%run_scoped3A_68 : memref<!tpu.dma_semaphore, #tpu.memory_space<semaphore_mem>>) src(%dma_wait3A_80 : memref<32xi32, #tpu.memory_space<hbm>>) dst(%dma_wait3A_79 : memref<32xi32, #tpu.memory_space<vmem>>)
        tpu.yield
      }) : () -> ()
      %dma_start3A_45 = arith.constant 0 : i32
      %dma_start3A_46 = arith.constant 0 : i32
      %dma_start3A_47 = arith.constant 0 : i32
      %dma_start3A_48 = tpu.memref_slice %arg19[%dma_start3A_45, %dma_start3A_46, %dma_start3A_47] : memref<2x128x128xf32, #tpu.memory_space<vmem>> -> memref<1x32x128xf32, #tpu.memory_space<vmem>>
      %dma_start3A_49 = tpu.memref_squeeze %dma_start3A_48 : memref<1x32x128xf32, #tpu.memory_space<vmem>> -> memref<32x128xf32, #tpu.memory_space<vmem>>
      %dma_start3A_50 = arith.constant 0 : i32
      %dma_start3A_51 = tpu.memref_slice %arg15[%dma_start3A_50] : memref<3328xi32, #tpu.memory_space<vmem>> -> memref<32xi32, #tpu.memory_space<vmem>>
      %dma_start3A_52 = arith.constant 0 : i32
      %dma_start3A_53 = arith.constant 0 : i32
      %dma_start3A_54 = tpu.memref_slice %arg2[%dma_start3A_52, %dma_start3A_53] : memref<10000x128xf32, #tpu.memory_space<hbm>> -> memref<10000x128xf32, #tpu.memory_space<hbm>>
      tpu.enqueue_indirect_dma source(%dma_start3A_54 : memref<10000x128xf32, #tpu.memory_space<hbm>>) target(%dma_start3A_49 : memref<32x128xf32, #tpu.memory_space<vmem>>) offsets(%dma_start3A_51 : memref<32xi32, #tpu.memory_space<vmem>>) semaphore(%arg20 : memref<!tpu.dma_semaphore, #tpu.memory_space<semaphore_mem>>)
      %dma_wait3A_55 = arith.constant 0 : i32
      %dma_wait3A_56 = arith.constant 0 : i32
      %dma_wait3A_57 = arith.constant 0 : i32
      %dma_wait3A_58 = tpu.memref_slice %arg19[%dma_wait3A_55, %dma_wait3A_56, %dma_wait3A_57] : memref<2x128x128xf32, #tpu.memory_space<vmem>> -> memref<1x32x128xf32, #tpu.memory_space<vmem>>
      %dma_wait3A_59 = tpu.memref_squeeze %dma_wait3A_58 : memref<1x32x128xf32, #tpu.memory_space<vmem>> -> memref<32x128xf32, #tpu.memory_space<vmem>>
      %dma_wait3A_60 = arith.constant 0 : i32
      %dma_wait3A_61 = tpu.memref_slice %arg15[%dma_wait3A_60] : memref<3328xi32, #tpu.memory_space<vmem>> -> memref<32xi32, #tpu.memory_space<vmem>>
      %dma_wait3A_62 = arith.constant 0 : i32
      %dma_wait3A_63 = arith.constant 0 : i32
      %dma_wait3A_64 = tpu.memref_slice %arg2[%dma_wait3A_62, %dma_wait3A_63] : memref<10000x128xf32, #tpu.memory_space<hbm>> -> memref<10000x128xf32, #tpu.memory_space<hbm>>
      tpu.wait_indirect_dma semaphore(%arg20 : memref<!tpu.dma_semaphore, #tpu.memory_space<semaphore_mem>>) src(%dma_wait3A_64 : memref<10000x128xf32, #tpu.memory_space<hbm>>) dst(%dma_wait3A_59 : memref<32x128xf32, #tpu.memory_space<vmem>>)
      %run_scoped3A = arith.constant 0 : i32
      "tpu.region"() ({
        %run_scoped3A_68 = tpu.sem_alloc : memref<!tpu.dma_semaphore, #tpu.memory_space<semaphore_mem>>
        %dma_start3A_69 = arith.constant 0 : i32
        %dma_start3A_70 = arith.constant 0 : i32
        %dma_start3A_71 = tpu.memref_slice %arg19[%run_scoped3A, %dma_start3A_69, %dma_start3A_70] : memref<2x128x128xf32, #tpu.memory_space<vmem>> -> memref<1x32x128xf32, #tpu.memory_space<vmem>>
        %dma_start3A_72 = tpu.memref_squeeze %dma_start3A_71 : memref<1x32x128xf32, #tpu.memory_space<vmem>> -> memref<32x128xf32, #tpu.memory_space<vmem>>
        %dma_start3A_73 = arith.constant 0 : i32
        %dma_start3A_74 = tpu.memref_slice %arg17[%dma_start3A_73] : memref<3328xi32, #tpu.memory_space<vmem>> -> memref<32xi32, #tpu.memory_space<vmem>>
        %dma_start3A_75 = arith.constant 0 : i32
        %dma_start3A_76 = arith.constant 0 : i32
        %dma_start3A_77 = tpu.memref_slice %arg14[%dma_start3A_75, %dma_start3A_76] : memref<10240x128xf32, #tpu.memory_space<vmem_shared>> -> memref<10240x128xf32, #tpu.memory_space<vmem_shared>>
        tpu.enqueue_indirect_dma source(%dma_start3A_72 : memref<32x128xf32, #tpu.memory_space<vmem>>) target(%dma_start3A_77 : memref<10240x128xf32, #tpu.memory_space<vmem_shared>>) offsets(%dma_start3A_74 : memref<32xi32, #tpu.memory_space<vmem>>) semaphore(%run_scoped3A_68 : memref<!tpu.dma_semaphore, #tpu.memory_space<semaphore_mem>>) {add = true}
        %dma_wait3A_78 = arith.constant 0 : i32
        %dma_wait3A_79 = arith.constant 0 : i32
        %dma_wait3A_80 = tpu.memref_slice %arg19[%run_scoped3A, %dma_wait3A_78, %dma_wait3A_79] : memref<2x128x128xf32, #tpu.memory_space<vmem>> -> memref<1x32x128xf32, #tpu.memory_space<vmem>>
        %dma_wait3A_81 = tpu.memref_squeeze %dma_wait3A_80 : memref<1x32x128xf32, #tpu.memory_space<vmem>> -> memref<32x128xf32, #tpu.memory_space<vmem>>
        %dma_wait3A_82 = arith.constant 0 : i32
        %dma_wait3A_83 = tpu.memref_slice %arg17[%dma_wait3A_82] : memref<3328xi32, #tpu.memory_space<vmem>> -> memref<32xi32, #tpu.memory_space<vmem>>
        %dma_wait3A_84 = arith.constant 0 : i32
        %dma_wait3A_85 = arith.constant 0 : i32
        %dma_wait3A_86 = tpu.memref_slice %arg14[%dma_wait3A_84, %dma_wait3A_85] : memref<10240x128xf32, #tpu.memory_space<vmem_shared>> -> memref<10240x128xf32, #tpu.memory_space<vmem_shared>>
        tpu.wait_indirect_dma semaphore(%run_scoped3A_68 : memref<!tpu.dma_semaphore, #tpu.memory_space<semaphore_mem>>) src(%dma_wait3A_81 : memref<32x128xf32, #tpu.memory_space<vmem>>) dst(%dma_wait3A_86 : memref<10240x128xf32, #tpu.memory_space<vmem_shared>>)
        tpu.yield
      }) : () -> ()
      %barrier3A_65 = arith.constant 0 : index
      tpu.barrier barrier_id(%barrier3A_65)
      %run_scoped3A_66 = arith.constant 3 : i32
      "tpu.region"() ({
        %run_scoped3A_68 = tpu.sem_alloc : memref<!tpu.dma_semaphore, #tpu.memory_space<semaphore_mem>>
        %dma_start3A_69 = arith.constant 0 : i32
        %dma_start3A_70 = tpu.memref_slice %arg13[%run_scoped3A_66, %mul3A_0, %dma_start3A_69] : memref<4x10240x128xf32, #tpu.memory_space<hbm>> -> memref<1x640x128xf32, #tpu.memory_space<hbm>>
        %dma_start3A_71 = tpu.memref_squeeze %dma_start3A_70 : memref<1x640x128xf32, #tpu.memory_space<hbm>> -> memref<640x128xf32, #tpu.memory_space<hbm>>
        %dma_start3A_72 = arith.constant 0 : i32
        %dma_start3A_73 = tpu.memref_slice %arg14[%mul3A_0, %dma_start3A_72] : memref<10240x128xf32, #tpu.memory_space<vmem_shared>> -> memref<640x128xf32, #tpu.memory_space<vmem_shared>>
        tpu.enqueue_dma source(%dma_start3A_73 : memref<640x128xf32, #tpu.memory_space<vmem_shared>>) target(%dma_start3A_71 : memref<640x128xf32, #tpu.memory_space<hbm>>) target_semaphore(%run_scoped3A_68 : memref<!tpu.dma_semaphore, #tpu.memory_space<semaphore_mem>>)
        %dma_wait3A_74 = arith.constant 0 : i32
        %dma_wait3A_75 = tpu.memref_slice %arg13[%run_scoped3A_66, %mul3A_0, %dma_wait3A_74] : memref<4x10240x128xf32, #tpu.memory_space<hbm>> -> memref<1x640x128xf32, #tpu.memory_space<hbm>>
        %dma_wait3A_76 = tpu.memref_squeeze %dma_wait3A_75 : memref<1x640x128xf32, #tpu.memory_space<hbm>> -> memref<640x128xf32, #tpu.memory_space<hbm>>
        %dma_wait3A_77 = arith.constant 0 : i32
        %dma_wait3A_78 = tpu.memref_slice %arg14[%mul3A_0, %dma_wait3A_77] : memref<10240x128xf32, #tpu.memory_space<vmem_shared>> -> memref<640x128xf32, #tpu.memory_space<vmem_shared>>
        tpu.wait_dma2 semaphore(%run_scoped3A_68 : memref<!tpu.dma_semaphore, #tpu.memory_space<semaphore_mem>>) src(%dma_wait3A_78 : memref<640x128xf32, #tpu.memory_space<vmem_shared>>) dst(%dma_wait3A_76 : memref<640x128xf32, #tpu.memory_space<hbm>>)
        tpu.yield
      }) : () -> ()
      "tpu.region"() ({
        %run_scoped3A_68 = tpu.sem_alloc : memref<!tpu.dma_semaphore, #tpu.memory_space<semaphore_mem>>
        %dma_start3A_69 = arith.constant 0 : i32
        %dma_start3A_70 = tpu.memref_slice %arg14[%mul3A_0, %dma_start3A_69] : memref<10240x128xf32, #tpu.memory_space<vmem_shared>> -> memref<640x128xf32, #tpu.memory_space<vmem_shared>>
        tpu.enqueue_dma source(%arg4 : memref<640x128xf32, #tpu.memory_space<hbm>>) target(%dma_start3A_70 : memref<640x128xf32, #tpu.memory_space<vmem_shared>>) target_semaphore(%run_scoped3A_68 : memref<!tpu.dma_semaphore, #tpu.memory_space<semaphore_mem>>)
        %dma_wait3A_71 = arith.constant 0 : i32
        %dma_wait3A_72 = tpu.memref_slice %arg14[%mul3A_0, %dma_wait3A_71] : memref<10240x128xf32, #tpu.memory_space<vmem_shared>> -> memref<640x128xf32, #tpu.memory_space<vmem_shared>>
        tpu.wait_dma2 semaphore(%run_scoped3A_68 : memref<!tpu.dma_semaphore, #tpu.memory_space<semaphore_mem>>) src(%arg4 : memref<640x128xf32, #tpu.memory_space<hbm>>) dst(%dma_wait3A_72 : memref<640x128xf32, #tpu.memory_space<vmem_shared>>)
        tpu.yield
      }) : () -> ()
      %barrier3A_67 = arith.constant 0 : index
      tpu.barrier barrier_id(%barrier3A_67)
    } else {
    }
    return
  }
}

module attributes {stable_mosaic.version = 14 : i64} {
  func.func @_tc_split_body(%arg0: i32, %arg1: memref<2x320000xi32, #tpu.memory_space<vmem>>, %arg2: memref<2x320000xi32, #tpu.memory_space<vmem>>, %arg3: memref<2x320000xi32, #tpu.memory_space<vmem>>, %arg4: memref<2x320000xi32, #tpu.memory_space<vmem>>, %arg5: memref<320000xi32, #tpu.memory_space<vmem>>, %arg6: memref<320000xi32, #tpu.memory_space<vmem>>, %arg7: memref<320000xi32, #tpu.memory_space<vmem>>, %arg8: memref<320000xi32, #tpu.memory_space<vmem>>, %arg9: memref<320000xi32, #tpu.memory_space<vmem>>, %arg10: memref<320000xi32, #tpu.memory_space<vmem>>, %arg11: memref<320000xi32, #tpu.memory_space<vmem>>, %arg12: memref<320000xi32, #tpu.memory_space<vmem>>) attributes {dimension_semantics = [#tpu.dimension_semantics<arbitrary>], iteration_bounds = array<i64: 1>, scalar_prefetch = 0 : i64, scratch_operands = 0 : i64, tpu.core_type = #tpu.core_type<tc>, window_params = [{pipeline_mode = #tpu.pipeline_mode<synchronous>, transform_indices = @transform_0, window_bounds = array<i64: 2, 320000>}, {pipeline_mode = #tpu.pipeline_mode<synchronous>, transform_indices = @transform_1, window_bounds = array<i64: 2, 320000>}, {pipeline_mode = #tpu.pipeline_mode<synchronous>, transform_indices = @transform_2, window_bounds = array<i64: 2, 320000>}, {pipeline_mode = #tpu.pipeline_mode<synchronous>, transform_indices = @transform_3, window_bounds = array<i64: 2, 320000>}, {pipeline_mode = #tpu.pipeline_mode<synchronous>, transform_indices = @transform_4, window_bounds = array<i64: 320000>}, {pipeline_mode = #tpu.pipeline_mode<synchronous>, transform_indices = @transform_5, window_bounds = array<i64: 320000>}, {pipeline_mode = #tpu.pipeline_mode<synchronous>, transform_indices = @transform_6, window_bounds = array<i64: 320000>}, {pipeline_mode = #tpu.pipeline_mode<synchronous>, transform_indices = @transform_7, window_bounds = array<i64: 320000>}, {pipeline_mode = #tpu.pipeline_mode<synchronous>, transform_indices = @transform_8, window_bounds = array<i64: 320000>}, {pipeline_mode = #tpu.pipeline_mode<synchronous>, transform_indices = @transform_9, window_bounds = array<i64: 320000>}, {pipeline_mode = #tpu.pipeline_mode<synchronous>, transform_indices = @transform_10, window_bounds = array<i64: 320000>}, {pipeline_mode = #tpu.pipeline_mode<synchronous>, transform_indices = @transform_11, window_bounds = array<i64: 320000>}]} {
    %get3A = arith.constant 0 : index
    %get3A_0 = arith.constant 0 : index
    %get3A_1 = vector.load %arg1[%get3A, %get3A_0] : memref<2x320000xi32, #tpu.memory_space<vmem>>, vector<1x320000xi32>
    %get3A_2 = vector.shape_cast %get3A_1 : vector<1x320000xi32> to vector<320000xi32>
    %swap3A = arith.constant 0 : index
    %swap3A_3 = vector.load %arg5[%swap3A] : memref<320000xi32, #tpu.memory_space<vmem>>, vector<320000xi32>
    tpu.vector_store %arg5[%swap3A], %get3A_2 {strides = array<i32>} : memref<320000xi32, #tpu.memory_space<vmem>>, vector<320000xi32>,
    %get3A_4 = arith.constant 1 : index
    %get3A_5 = arith.constant 0 : index
    %get3A_6 = vector.load %arg1[%get3A_4, %get3A_5] : memref<2x320000xi32, #tpu.memory_space<vmem>>, vector<1x320000xi32>
    %get3A_7 = vector.shape_cast %get3A_6 : vector<1x320000xi32> to vector<320000xi32>
    %swap3A_8 = arith.constant 0 : index
    %swap3A_9 = vector.load %arg6[%swap3A_8] : memref<320000xi32, #tpu.memory_space<vmem>>, vector<320000xi32>
    tpu.vector_store %arg6[%swap3A_8], %get3A_7 {strides = array<i32>} : memref<320000xi32, #tpu.memory_space<vmem>>, vector<320000xi32>,
    %get3A_10 = arith.constant 0 : index
    %get3A_11 = arith.constant 0 : index
    %get3A_12 = vector.load %arg2[%get3A_10, %get3A_11] : memref<2x320000xi32, #tpu.memory_space<vmem>>, vector<1x320000xi32>
    %get3A_13 = vector.shape_cast %get3A_12 : vector<1x320000xi32> to vector<320000xi32>
    %swap3A_14 = arith.constant 0 : index
    %swap3A_15 = vector.load %arg7[%swap3A_14] : memref<320000xi32, #tpu.memory_space<vmem>>, vector<320000xi32>
    tpu.vector_store %arg7[%swap3A_14], %get3A_13 {strides = array<i32>} : memref<320000xi32, #tpu.memory_space<vmem>>, vector<320000xi32>,
    %get3A_16 = arith.constant 1 : index
    %get3A_17 = arith.constant 0 : index
    %get3A_18 = vector.load %arg2[%get3A_16, %get3A_17] : memref<2x320000xi32, #tpu.memory_space<vmem>>, vector<1x320000xi32>
    %get3A_19 = vector.shape_cast %get3A_18 : vector<1x320000xi32> to vector<320000xi32>
    %swap3A_20 = arith.constant 0 : index
    %swap3A_21 = vector.load %arg8[%swap3A_20] : memref<320000xi32, #tpu.memory_space<vmem>>, vector<320000xi32>
    tpu.vector_store %arg8[%swap3A_20], %get3A_19 {strides = array<i32>} : memref<320000xi32, #tpu.memory_space<vmem>>, vector<320000xi32>,
    %get3A_22 = arith.constant 0 : index
    %get3A_23 = arith.constant 0 : index
    %get3A_24 = vector.load %arg3[%get3A_22, %get3A_23] : memref<2x320000xi32, #tpu.memory_space<vmem>>, vector<1x320000xi32>
    %get3A_25 = vector.shape_cast %get3A_24 : vector<1x320000xi32> to vector<320000xi32>
    %swap3A_26 = arith.constant 0 : index
    %swap3A_27 = vector.load %arg9[%swap3A_26] : memref<320000xi32, #tpu.memory_space<vmem>>, vector<320000xi32>
    tpu.vector_store %arg9[%swap3A_26], %get3A_25 {strides = array<i32>} : memref<320000xi32, #tpu.memory_space<vmem>>, vector<320000xi32>,
    %get3A_28 = arith.constant 1 : index
    %get3A_29 = arith.constant 0 : index
    %get3A_30 = vector.load %arg3[%get3A_28, %get3A_29] : memref<2x320000xi32, #tpu.memory_space<vmem>>, vector<1x320000xi32>
    %get3A_31 = vector.shape_cast %get3A_30 : vector<1x320000xi32> to vector<320000xi32>
    %swap3A_32 = arith.constant 0 : index
    %swap3A_33 = vector.load %arg10[%swap3A_32] : memref<320000xi32, #tpu.memory_space<vmem>>, vector<320000xi32>
    tpu.vector_store %arg10[%swap3A_32], %get3A_31 {strides = array<i32>} : memref<320000xi32, #tpu.memory_space<vmem>>, vector<320000xi32>,
    %get3A_34 = arith.constant 0 : index
    %get3A_35 = arith.constant 0 : index
    %get3A_36 = vector.load %arg4[%get3A_34, %get3A_35] : memref<2x320000xi32, #tpu.memory_space<vmem>>, vector<1x320000xi32>
    %get3A_37 = vector.shape_cast %get3A_36 : vector<1x320000xi32> to vector<320000xi32>
    %swap3A_38 = arith.constant 0 : index
    %swap3A_39 = vector.load %arg11[%swap3A_38] : memref<320000xi32, #tpu.memory_space<vmem>>, vector<320000xi32>
    tpu.vector_store %arg11[%swap3A_38], %get3A_37 {strides = array<i32>} : memref<320000xi32, #tpu.memory_space<vmem>>, vector<320000xi32>,
    %get3A_40 = arith.constant 1 : index
    %get3A_41 = arith.constant 0 : index
    %get3A_42 = vector.load %arg4[%get3A_40, %get3A_41] : memref<2x320000xi32, #tpu.memory_space<vmem>>, vector<1x320000xi32>
    %get3A_43 = vector.shape_cast %get3A_42 : vector<1x320000xi32> to vector<320000xi32>
    %swap3A_44 = arith.constant 0 : index
    %swap3A_45 = vector.load %arg12[%swap3A_44] : memref<320000xi32, #tpu.memory_space<vmem>>, vector<320000xi32>
    tpu.vector_store %arg12[%swap3A_44], %get3A_43 {strides = array<i32>} : memref<320000xi32, #tpu.memory_space<vmem>>, vector<320000xi32>,
    return
  }
  func.func @transform_0(%arg0: i32) -> (i32, i32) {
    %c0_i32 = arith.constant 0 : i32
    %c0_i32_0 = arith.constant 0 : i32
    %c0_i32_1 = arith.constant 0 : i32
    return %c0_i32, %c0_i32_0 : i32, i32
  }
  func.func @transform_1(%arg0: i32) -> (i32, i32) {
    %c0_i32 = arith.constant 0 : i32
    %c0_i32_0 = arith.constant 0 : i32
    %c0_i32_1 = arith.constant 0 : i32
    return %c0_i32, %c0_i32_0 : i32, i32
  }
  func.func @transform_2(%arg0: i32) -> (i32, i32) {
    %c0_i32 = arith.constant 0 : i32
    %c0_i32_0 = arith.constant 0 : i32
    %c0_i32_1 = arith.constant 0 : i32
    return %c0_i32, %c0_i32_0 : i32, i32
  }
  func.func @transform_3(%arg0: i32) -> (i32, i32) {
    %c0_i32 = arith.constant 0 : i32
    %c0_i32_0 = arith.constant 0 : i32
    %c0_i32_1 = arith.constant 0 : i32
    return %c0_i32, %c0_i32_0 : i32, i32
  }
  func.func @transform_4(%arg0: i32) -> i32 {
    %c0_i32 = arith.constant 0 : i32
    %c0_i32_0 = arith.constant 0 : i32
    return %c0_i32 : i32
  }
  func.func @transform_5(%arg0: i32) -> i32 {
    %c0_i32 = arith.constant 0 : i32
    %c0_i32_0 = arith.constant 0 : i32
    return %c0_i32 : i32
  }
  func.func @transform_6(%arg0: i32) -> i32 {
    %c0_i32 = arith.constant 0 : i32
    %c0_i32_0 = arith.constant 0 : i32
    return %c0_i32 : i32
  }
  func.func @transform_7(%arg0: i32) -> i32 {
    %c0_i32 = arith.constant 0 : i32
    %c0_i32_0 = arith.constant 0 : i32
    return %c0_i32 : i32
  }
  func.func @transform_8(%arg0: i32) -> i32 {
    %c0_i32 = arith.constant 0 : i32
    %c0_i32_0 = arith.constant 0 : i32
    return %c0_i32 : i32
  }
  func.func @transform_9(%arg0: i32) -> i32 {
    %c0_i32 = arith.constant 0 : i32
    %c0_i32_0 = arith.constant 0 : i32
    return %c0_i32 : i32
  }
  func.func @transform_10(%arg0: i32) -> i32 {
    %c0_i32 = arith.constant 0 : i32
    %c0_i32_0 = arith.constant 0 : i32
    return %c0_i32 : i32
  }
  func.func @transform_11(%arg0: i32) -> i32 {
    %c0_i32 = arith.constant 0 : i32
    %c0_i32_0 = arith.constant 0 : i32
    return %c0_i32 : i32
  }
}

module attributes {stable_mosaic.version = 14 : i64} {
  func.func @_tc_body(%arg0: i32, %arg1: memref<4x2000x128xf32, #tpu.memory_space<vmem>>, %arg2: memref<2000x128xf32, #tpu.memory_space<vmem>>, %arg3: memref<2000x128xf32, #tpu.memory_space<vmem>>, %arg4: memref<4x128x128xf32, #tpu.memory_space<vmem>>, %arg5: memref<4x1x128xf32, #tpu.memory_space<vmem>>, %arg6: memref<256x128xf32, #tpu.memory_space<vmem>>, %arg7: memref<1x128xf32, #tpu.memory_space<vmem>>, %arg8: memref<256x128xf32, #tpu.memory_space<vmem>>, %arg9: memref<1x128xf32, #tpu.memory_space<vmem>>, %arg10: memref<256x128xf32, #tpu.memory_space<vmem>>, %arg11: memref<1x128xf32, #tpu.memory_space<vmem>>, %arg12: memref<256x128xf32, #tpu.memory_space<vmem>>, %arg13: memref<1x128xf32, #tpu.memory_space<vmem>>, %arg14: memref<2000x128xf32, #tpu.memory_space<vmem>>, %arg15: memref<2000x128xf32, #tpu.memory_space<vmem>>) attributes {dimension_semantics = [#tpu.dimension_semantics<arbitrary>], iteration_bounds = array<i64: 5>, scalar_prefetch = 0 : i64, scratch_operands = 0 : i64, tpu.core_type = #tpu.core_type<tc>, window_params = [{transform_indices = @transform_0, window_bounds = array<i64: 4, 2000, 128>}, {transform_indices = @transform_1, window_bounds = array<i64: 2000, 128>}, {transform_indices = @transform_2, window_bounds = array<i64: 2000, 128>}, {pipeline_mode = #tpu.pipeline_mode<synchronous>, transform_indices = @transform_3, window_bounds = array<i64: 4, 128, 128>}, {pipeline_mode = #tpu.pipeline_mode<synchronous>, transform_indices = @transform_4, window_bounds = array<i64: 4, 1, 128>}, {pipeline_mode = #tpu.pipeline_mode<synchronous>, transform_indices = @transform_5, window_bounds = array<i64: 256, 128>}, {pipeline_mode = #tpu.pipeline_mode<synchronous>, transform_indices = @transform_6, window_bounds = array<i64: 1, 128>}, {pipeline_mode = #tpu.pipeline_mode<synchronous>, transform_indices = @transform_7, window_bounds = array<i64: 256, 128>}, {pipeline_mode = #tpu.pipeline_mode<synchronous>, transform_indices = @transform_8, window_bounds = array<i64: 1, 128>}, {pipeline_mode = #tpu.pipeline_mode<synchronous>, transform_indices = @transform_9, window_bounds = array<i64: 256, 128>}, {pipeline_mode = #tpu.pipeline_mode<synchronous>, transform_indices = @transform_10, window_bounds = array<i64: 1, 128>}, {pipeline_mode = #tpu.pipeline_mode<synchronous>, transform_indices = @transform_11, window_bounds = array<i64: 256, 128>}, {pipeline_mode = #tpu.pipeline_mode<synchronous>, transform_indices = @transform_12, window_bounds = array<i64: 1, 128>}, {transform_indices = @transform_13, window_bounds = array<i64: 2000, 128>}, {transform_indices = @transform_14, window_bounds = array<i64: 2000, 128>}]} {
    %get3A = arith.constant 0 : index
    %get3A_0 = arith.constant 0 : index
    %get3A_1 = arith.constant 0 : index
    %get3A_2 = vector.load %arg1[%get3A, %get3A_0, %get3A_1] : memref<4x2000x128xf32, #tpu.memory_space<vmem>>, vector<1x2000x128xf32>
    %get3A_3 = vector.shape_cast %get3A_2 : vector<1x2000x128xf32> to vector<2000x128xf32>
    %get3A_4 = arith.constant 0 : index
    %get3A_5 = arith.constant 0 : index
    %get3A_6 = arith.constant 0 : index
    %get3A_7 = vector.load %arg4[%get3A_4, %get3A_5, %get3A_6] : memref<4x128x128xf32, #tpu.memory_space<vmem>>, vector<1x128x128xf32>
    %get3A_8 = vector.shape_cast %get3A_7 : vector<1x128x128xf32> to vector<128x128xf32>
    %dot_general3A = arith.constant dense<0.000000e+00> : vector<2000x128xf32>
    %dot_general3A_9 = tpu.matmul %get3A_3, %get3A_8, %dot_general3A {dimension_numbers = #tpu.dot_dimension_numbers<[1], [0], [0], [1], [0, 0, 1, 1], [], []>, transpose_lhs_hint = false} : vector<2000x128xf32>, vector<128x128xf32>, vector<2000x128xf32> -> vector<2000x128xf32>
    %get3A_10 = arith.constant 0 : index
    %get3A_11 = arith.constant 0 : index
    %get3A_12 = arith.constant 0 : index
    %get3A_13 = vector.load %arg5[%get3A_10, %get3A_11, %get3A_12] : memref<4x1x128xf32, #tpu.memory_space<vmem>>, vector<1x1x128xf32>
    %get3A_14 = vector.shape_cast %get3A_13 : vector<1x1x128xf32> to vector<1x128xf32>
    %add3A = vector.broadcast %get3A_14 : vector<1x128xf32> to vector<2000x128xf32>
    %add3A_15 = arith.addf %dot_general3A_9, %add3A : vector<2000x128xf32>
    %ge3A = arith.constant 0.000000e+00 : f32
    %ge3A_16 = vector.broadcast %ge3A : f32 to vector<2000x128xf32>
    %ge3A_17 = arith.cmpf oge, %add3A_15, %ge3A_16 : vector<2000x128xf32>
    %mul3A = arith.constant 2.000000e-01 : f32
    %mul3A_18 = vector.broadcast %mul3A : f32 to vector<2000x128xf32>
    %mul3A_19 = arith.mulf %mul3A_18, %add3A_15 : vector<2000x128xf32>
    %select_n3A = arith.select %ge3A_17, %add3A_15, %mul3A_19 : vector<2000x128xi1>, vector<2000x128xf32>
    %get3A_20 = arith.constant 1 : index
    %get3A_21 = arith.constant 0 : index
    %get3A_22 = arith.constant 0 : index
    %get3A_23 = vector.load %arg1[%get3A_20, %get3A_21, %get3A_22] : memref<4x2000x128xf32, #tpu.memory_space<vmem>>, vector<1x2000x128xf32>
    %get3A_24 = vector.shape_cast %get3A_23 : vector<1x2000x128xf32> to vector<2000x128xf32>
    %get3A_25 = arith.constant 1 : index
    %get3A_26 = arith.constant 0 : index
    %get3A_27 = arith.constant 0 : index
    %get3A_28 = vector.load %arg4[%get3A_25, %get3A_26, %get3A_27] : memref<4x128x128xf32, #tpu.memory_space<vmem>>, vector<1x128x128xf32>
    %get3A_29 = vector.shape_cast %get3A_28 : vector<1x128x128xf32> to vector<128x128xf32>
    %dot_general3A_30 = arith.constant dense<0.000000e+00> : vector<2000x128xf32>
    %dot_general3A_31 = tpu.matmul %get3A_24, %get3A_29, %dot_general3A_30 {dimension_numbers = #tpu.dot_dimension_numbers<[1], [0], [0], [1], [0, 0, 1, 1], [], []>, transpose_lhs_hint = false} : vector<2000x128xf32>, vector<128x128xf32>, vector<2000x128xf32> -> vector<2000x128xf32>
    %get3A_32 = arith.constant 1 : index
    %get3A_33 = arith.constant 0 : index
    %get3A_34 = arith.constant 0 : index
    %get3A_35 = vector.load %arg5[%get3A_32, %get3A_33, %get3A_34] : memref<4x1x128xf32, #tpu.memory_space<vmem>>, vector<1x1x128xf32>
    %get3A_36 = vector.shape_cast %get3A_35 : vector<1x1x128xf32> to vector<1x128xf32>
    %add3A_37 = vector.broadcast %get3A_36 : vector<1x128xf32> to vector<2000x128xf32>
    %add3A_38 = arith.addf %dot_general3A_31, %add3A_37 : vector<2000x128xf32>
    %ge3A_39 = arith.constant 0.000000e+00 : f32
    %ge3A_40 = vector.broadcast %ge3A_39 : f32 to vector<2000x128xf32>
    %ge3A_41 = arith.cmpf oge, %add3A_38, %ge3A_40 : vector<2000x128xf32>
    %mul3A_42 = arith.constant 2.000000e-01 : f32
    %mul3A_43 = vector.broadcast %mul3A_42 : f32 to vector<2000x128xf32>
    %mul3A_44 = arith.mulf %mul3A_43, %add3A_38 : vector<2000x128xf32>
    %select_n3A_45 = arith.select %ge3A_41, %add3A_38, %mul3A_44 : vector<2000x128xi1>, vector<2000x128xf32>
    %get3A_46 = arith.constant 2 : index
    %get3A_47 = arith.constant 0 : index
    %get3A_48 = arith.constant 0 : index
    %get3A_49 = vector.load %arg1[%get3A_46, %get3A_47, %get3A_48] : memref<4x2000x128xf32, #tpu.memory_space<vmem>>, vector<1x2000x128xf32>
    %get3A_50 = vector.shape_cast %get3A_49 : vector<1x2000x128xf32> to vector<2000x128xf32>
    %get3A_51 = arith.constant 2 : index
    %get3A_52 = arith.constant 0 : index
    %get3A_53 = arith.constant 0 : index
    %get3A_54 = vector.load %arg4[%get3A_51, %get3A_52, %get3A_53] : memref<4x128x128xf32, #tpu.memory_space<vmem>>, vector<1x128x128xf32>
    %get3A_55 = vector.shape_cast %get3A_54 : vector<1x128x128xf32> to vector<128x128xf32>
    %dot_general3A_56 = arith.constant dense<0.000000e+00> : vector<2000x128xf32>
    %dot_general3A_57 = tpu.matmul %get3A_50, %get3A_55, %dot_general3A_56 {dimension_numbers = #tpu.dot_dimension_numbers<[1], [0], [0], [1], [0, 0, 1, 1], [], []>, transpose_lhs_hint = false} : vector<2000x128xf32>, vector<128x128xf32>, vector<2000x128xf32> -> vector<2000x128xf32>
    %get3A_58 = arith.constant 2 : index
    %get3A_59 = arith.constant 0 : index
    %get3A_60 = arith.constant 0 : index
    %get3A_61 = vector.load %arg5[%get3A_58, %get3A_59, %get3A_60] : memref<4x1x128xf32, #tpu.memory_space<vmem>>, vector<1x1x128xf32>
    %get3A_62 = vector.shape_cast %get3A_61 : vector<1x1x128xf32> to vector<1x128xf32>
    %add3A_63 = vector.broadcast %get3A_62 : vector<1x128xf32> to vector<2000x128xf32>
    %add3A_64 = arith.addf %dot_general3A_57, %add3A_63 : vector<2000x128xf32>
    %ge3A_65 = arith.constant 0.000000e+00 : f32
    %ge3A_66 = vector.broadcast %ge3A_65 : f32 to vector<2000x128xf32>
    %ge3A_67 = arith.cmpf oge, %add3A_64, %ge3A_66 : vector<2000x128xf32>
    %mul3A_68 = arith.constant 2.000000e-01 : f32
    %mul3A_69 = vector.broadcast %mul3A_68 : f32 to vector<2000x128xf32>
    %mul3A_70 = arith.mulf %mul3A_69, %add3A_64 : vector<2000x128xf32>
    %select_n3A_71 = arith.select %ge3A_67, %add3A_64, %mul3A_70 : vector<2000x128xi1>, vector<2000x128xf32>
    %get3A_72 = arith.constant 3 : index
    %get3A_73 = arith.constant 0 : index
    %get3A_74 = arith.constant 0 : index
    %get3A_75 = vector.load %arg1[%get3A_72, %get3A_73, %get3A_74] : memref<4x2000x128xf32, #tpu.memory_space<vmem>>, vector<1x2000x128xf32>
    %get3A_76 = vector.shape_cast %get3A_75 : vector<1x2000x128xf32> to vector<2000x128xf32>
    %get3A_77 = arith.constant 3 : index
    %get3A_78 = arith.constant 0 : index
    %get3A_79 = arith.constant 0 : index
    %get3A_80 = vector.load %arg4[%get3A_77, %get3A_78, %get3A_79] : memref<4x128x128xf32, #tpu.memory_space<vmem>>, vector<1x128x128xf32>
    %get3A_81 = vector.shape_cast %get3A_80 : vector<1x128x128xf32> to vector<128x128xf32>
    %dot_general3A_82 = arith.constant dense<0.000000e+00> : vector<2000x128xf32>
    %dot_general3A_83 = tpu.matmul %get3A_76, %get3A_81, %dot_general3A_82 {dimension_numbers = #tpu.dot_dimension_numbers<[1], [0], [0], [1], [0, 0, 1, 1], [], []>, transpose_lhs_hint = false} : vector<2000x128xf32>, vector<128x128xf32>, vector<2000x128xf32> -> vector<2000x128xf32>
    %get3A_84 = arith.constant 3 : index
    %get3A_85 = arith.constant 0 : index
    %get3A_86 = arith.constant 0 : index
    %get3A_87 = vector.load %arg5[%get3A_84, %get3A_85, %get3A_86] : memref<4x1x128xf32, #tpu.memory_space<vmem>>, vector<1x1x128xf32>
    %get3A_88 = vector.shape_cast %get3A_87 : vector<1x1x128xf32> to vector<1x128xf32>
    %add3A_89 = vector.broadcast %get3A_88 : vector<1x128xf32> to vector<2000x128xf32>
    %add3A_90 = arith.addf %dot_general3A_83, %add3A_89 : vector<2000x128xf32>
    %ge3A_91 = arith.constant 0.000000e+00 : f32
    %ge3A_92 = vector.broadcast %ge3A_91 : f32 to vector<2000x128xf32>
    %ge3A_93 = arith.cmpf oge, %add3A_90, %ge3A_92 : vector<2000x128xf32>
    %mul3A_94 = arith.constant 2.000000e-01 : f32
    %mul3A_95 = vector.broadcast %mul3A_94 : f32 to vector<2000x128xf32>
    %mul3A_96 = arith.mulf %mul3A_95, %add3A_90 : vector<2000x128xf32>
    %select_n3A_97 = arith.select %ge3A_93, %add3A_90, %mul3A_96 : vector<2000x128xi1>, vector<2000x128xf32>
    %get3A_98 = arith.constant 0 : index
    %get3A_99 = arith.constant 0 : index
    %get3A_100 = vector.load %arg6[%get3A_98, %get3A_99] : memref<256x128xf32, #tpu.memory_space<vmem>>, vector<128x128xf32>
    %dot_general3A_101 = arith.constant dense<0.000000e+00> : vector<2000x128xf32>
    %dot_general3A_102 = tpu.matmul %select_n3A, %get3A_100, %dot_general3A_101 {dimension_numbers = #tpu.dot_dimension_numbers<[1], [0], [0], [1], [0, 0, 1, 1], [], []>, transpose_lhs_hint = false} : vector<2000x128xf32>, vector<128x128xf32>, vector<2000x128xf32> -> vector<2000x128xf32>
    %get3A_103 = arith.constant 128 : index
    %get3A_104 = arith.constant 0 : index
    %get3A_105 = vector.load %arg6[%get3A_103, %get3A_104] : memref<256x128xf32, #tpu.memory_space<vmem>>, vector<128x128xf32>
    %dot_general3A_106 = arith.constant dense<0.000000e+00> : vector<2000x128xf32>
    %dot_general3A_107 = tpu.matmul %select_n3A_71, %get3A_105, %dot_general3A_106 {dimension_numbers = #tpu.dot_dimension_numbers<[1], [0], [0], [1], [0, 0, 1, 1], [], []>, transpose_lhs_hint = false} : vector<2000x128xf32>, vector<128x128xf32>, vector<2000x128xf32> -> vector<2000x128xf32>
    %add3A_108 = arith.addf %dot_general3A_102, %dot_general3A_107 : vector<2000x128xf32>
    %get3A_109 = arith.constant 0 : index
    %get3A_110 = arith.constant 0 : index
    %get3A_111 = vector.load %arg7[%get3A_109, %get3A_110] : memref<1x128xf32, #tpu.memory_space<vmem>>, vector<1x128xf32>
    %add3A_112 = vector.broadcast %get3A_111 : vector<1x128xf32> to vector<2000x128xf32>
    %add3A_113 = arith.addf %add3A_108, %add3A_112 : vector<2000x128xf32>
    %get3A_114 = arith.constant 0 : index
    %get3A_115 = arith.constant 0 : index
    %get3A_116 = vector.load %arg8[%get3A_114, %get3A_115] : memref<256x128xf32, #tpu.memory_space<vmem>>, vector<128x128xf32>
    %dot_general3A_117 = arith.constant dense<0.000000e+00> : vector<2000x128xf32>
    %dot_general3A_118 = tpu.matmul %select_n3A_45, %get3A_116, %dot_general3A_117 {dimension_numbers = #tpu.dot_dimension_numbers<[1], [0], [0], [1], [0, 0, 1, 1], [], []>, transpose_lhs_hint = false} : vector<2000x128xf32>, vector<128x128xf32>, vector<2000x128xf32> -> vector<2000x128xf32>
    %get3A_119 = arith.constant 128 : index
    %get3A_120 = arith.constant 0 : index
    %get3A_121 = vector.load %arg8[%get3A_119, %get3A_120] : memref<256x128xf32, #tpu.memory_space<vmem>>, vector<128x128xf32>
    %dot_general3A_122 = arith.constant dense<0.000000e+00> : vector<2000x128xf32>
    %dot_general3A_123 = tpu.matmul %select_n3A_97, %get3A_121, %dot_general3A_122 {dimension_numbers = #tpu.dot_dimension_numbers<[1], [0], [0], [1], [0, 0, 1, 1], [], []>, transpose_lhs_hint = false} : vector<2000x128xf32>, vector<128x128xf32>, vector<2000x128xf32> -> vector<2000x128xf32>
    %add3A_124 = arith.addf %dot_general3A_118, %dot_general3A_123 : vector<2000x128xf32>
    %get3A_125 = arith.constant 0 : index
    %get3A_126 = arith.constant 0 : index
    %get3A_127 = vector.load %arg9[%get3A_125, %get3A_126] : memref<1x128xf32, #tpu.memory_space<vmem>>, vector<1x128xf32>
    %add3A_128 = vector.broadcast %get3A_127 : vector<1x128xf32> to vector<2000x128xf32>
    %add3A_129 = arith.addf %add3A_124, %add3A_128 : vector<2000x128xf32>
    %get3A_130 = arith.constant 0 : index
    %get3A_131 = arith.constant 0 : index
    %get3A_132 = vector.load %arg10[%get3A_130, %get3A_131] : memref<256x128xf32, #tpu.memory_space<vmem>>, vector<128x128xf32>
    %dot_general3A_133 = arith.constant dense<0.000000e+00> : vector<2000x128xf32>
    %dot_general3A_134 = tpu.matmul %add3A_113, %get3A_132, %dot_general3A_133 {dimension_numbers = #tpu.dot_dimension_numbers<[1], [0], [0], [1], [0, 0, 1, 1], [], []>, transpose_lhs_hint = false} : vector<2000x128xf32>, vector<128x128xf32>, vector<2000x128xf32> -> vector<2000x128xf32>
    %get3A_135 = arith.constant 0 : index
    %get3A_136 = arith.constant 0 : index
    %get3A_137 = vector.load %arg2[%get3A_135, %get3A_136] : memref<2000x128xf32, #tpu.memory_space<vmem>>, vector<2000x128xf32>
    %get3A_138 = arith.constant 128 : index
    %get3A_139 = arith.constant 0 : index
    %get3A_140 = vector.load %arg10[%get3A_138, %get3A_139] : memref<256x128xf32, #tpu.memory_space<vmem>>, vector<128x128xf32>
    %dot_general3A_141 = arith.constant dense<0.000000e+00> : vector<2000x128xf32>
    %dot_general3A_142 = tpu.matmul %get3A_137, %get3A_140, %dot_general3A_141 {dimension_numbers = #tpu.dot_dimension_numbers<[1], [0], [0], [1], [0, 0, 1, 1], [], []>, transpose_lhs_hint = false} : vector<2000x128xf32>, vector<128x128xf32>, vector<2000x128xf32> -> vector<2000x128xf32>
    %add3A_143 = arith.addf %dot_general3A_134, %dot_general3A_142 : vector<2000x128xf32>
    %get3A_144 = arith.constant 0 : index
    %get3A_145 = arith.constant 0 : index
    %get3A_146 = vector.load %arg11[%get3A_144, %get3A_145] : memref<1x128xf32, #tpu.memory_space<vmem>>, vector<1x128xf32>
    %add3A_147 = vector.broadcast %get3A_146 : vector<1x128xf32> to vector<2000x128xf32>
    %add3A_148 = arith.addf %add3A_143, %add3A_147 : vector<2000x128xf32>
    %ge3A_149 = arith.constant 0.000000e+00 : f32
    %ge3A_150 = vector.broadcast %ge3A_149 : f32 to vector<2000x128xf32>
    %ge3A_151 = arith.cmpf oge, %add3A_148, %ge3A_150 : vector<2000x128xf32>
    %mul3A_152 = arith.constant 2.000000e-01 : f32
    %mul3A_153 = vector.broadcast %mul3A_152 : f32 to vector<2000x128xf32>
    %mul3A_154 = arith.mulf %mul3A_153, %add3A_148 : vector<2000x128xf32>
    %select_n3A_155 = arith.select %ge3A_151, %add3A_148, %mul3A_154 : vector<2000x128xi1>, vector<2000x128xf32>
    %swap3A = arith.constant 0 : index
    %swap3A_156 = arith.constant 0 : index
    %swap3A_157 = vector.load %arg14[%swap3A, %swap3A_156] : memref<2000x128xf32, #tpu.memory_space<vmem>>, vector<2000x128xf32>
    tpu.vector_store %arg14[%swap3A, %swap3A_156], %select_n3A_155 {strides = array<i32>} : memref<2000x128xf32, #tpu.memory_space<vmem>>, vector<2000x128xf32>,
    %get3A_158 = arith.constant 0 : index
    %get3A_159 = arith.constant 0 : index
    %get3A_160 = vector.load %arg12[%get3A_158, %get3A_159] : memref<256x128xf32, #tpu.memory_space<vmem>>, vector<128x128xf32>
    %dot_general3A_161 = arith.constant dense<0.000000e+00> : vector<2000x128xf32>
    %dot_general3A_162 = tpu.matmul %add3A_129, %get3A_160, %dot_general3A_161 {dimension_numbers = #tpu.dot_dimension_numbers<[1], [0], [0], [1], [0, 0, 1, 1], [], []>, transpose_lhs_hint = false} : vector<2000x128xf32>, vector<128x128xf32>, vector<2000x128xf32> -> vector<2000x128xf32>
    %get3A_163 = arith.constant 0 : index
    %get3A_164 = arith.constant 0 : index
    %get3A_165 = vector.load %arg3[%get3A_163, %get3A_164] : memref<2000x128xf32, #tpu.memory_space<vmem>>, vector<2000x128xf32>
    %get3A_166 = arith.constant 128 : index
    %get3A_167 = arith.constant 0 : index
    %get3A_168 = vector.load %arg12[%get3A_166, %get3A_167] : memref<256x128xf32, #tpu.memory_space<vmem>>, vector<128x128xf32>
    %dot_general3A_169 = arith.constant dense<0.000000e+00> : vector<2000x128xf32>
    %dot_general3A_170 = tpu.matmul %get3A_165, %get3A_168, %dot_general3A_169 {dimension_numbers = #tpu.dot_dimension_numbers<[1], [0], [0], [1], [0, 0, 1, 1], [], []>, transpose_lhs_hint = false} : vector<2000x128xf32>, vector<128x128xf32>, vector<2000x128xf32> -> vector<2000x128xf32>
    %add3A_171 = arith.addf %dot_general3A_162, %dot_general3A_170 : vector<2000x128xf32>
    %get3A_172 = arith.constant 0 : index
    %get3A_173 = arith.constant 0 : index
    %get3A_174 = vector.load %arg13[%get3A_172, %get3A_173] : memref<1x128xf32, #tpu.memory_space<vmem>>, vector<1x128xf32>
    %add3A_175 = vector.broadcast %get3A_174 : vector<1x128xf32> to vector<2000x128xf32>
    %add3A_176 = arith.addf %add3A_171, %add3A_175 : vector<2000x128xf32>
    %ge3A_177 = arith.constant 0.000000e+00 : f32
    %ge3A_178 = vector.broadcast %ge3A_177 : f32 to vector<2000x128xf32>
    %ge3A_179 = arith.cmpf oge, %add3A_176, %ge3A_178 : vector<2000x128xf32>
    %mul3A_180 = arith.constant 2.000000e-01 : f32
    %mul3A_181 = vector.broadcast %mul3A_180 : f32 to vector<2000x128xf32>
    %mul3A_182 = arith.mulf %mul3A_181, %add3A_176 : vector<2000x128xf32>
    %select_n3A_183 = arith.select %ge3A_179, %add3A_176, %mul3A_182 : vector<2000x128xi1>, vector<2000x128xf32>
    %swap3A_184 = arith.constant 0 : index
    %swap3A_185 = arith.constant 0 : index
    %swap3A_186 = vector.load %arg15[%swap3A_184, %swap3A_185] : memref<2000x128xf32, #tpu.memory_space<vmem>>, vector<2000x128xf32>
    tpu.vector_store %arg15[%swap3A_184, %swap3A_185], %select_n3A_183 {strides = array<i32>} : memref<2000x128xf32, #tpu.memory_space<vmem>>, vector<2000x128xf32>,
    return
  }
  func.func @transform_0(%arg0: i32) -> (i32, i32, i32) {
    %c0_i32 = arith.constant 0 : i32
    %c0_i32_0 = arith.constant 0 : i32
    %c0_i32_1 = arith.constant 0 : i32
    return %c0_i32, %arg0, %c0_i32_0 : i32, i32, i32
  }
  func.func @transform_1(%arg0: i32) -> (i32, i32) {
    %c0_i32 = arith.constant 0 : i32
    %c0_i32_0 = arith.constant 0 : i32
    return %arg0, %c0_i32 : i32, i32
  }
  func.func @transform_2(%arg0: i32) -> (i32, i32) {
    %c0_i32 = arith.constant 0 : i32
    %c0_i32_0 = arith.constant 0 : i32
    return %arg0, %c0_i32 : i32, i32
  }
  func.func @transform_3(%arg0: i32) -> (i32, i32, i32) {
    %c0_i32 = arith.constant 0 : i32
    %c0_i32_0 = arith.constant 0 : i32
    %c0_i32_1 = arith.constant 0 : i32
    %c0_i32_2 = arith.constant 0 : i32
    return %c0_i32, %c0_i32_0, %c0_i32_1 : i32, i32, i32
  }
  func.func @transform_4(%arg0: i32) -> (i32, i32, i32) {
    %c0_i32 = arith.constant 0 : i32
    %c0_i32_0 = arith.constant 0 : i32
    %c0_i32_1 = arith.constant 0 : i32
    %c0_i32_2 = arith.constant 0 : i32
    return %c0_i32, %c0_i32_0, %c0_i32_1 : i32, i32, i32
  }
  func.func @transform_5(%arg0: i32) -> (i32, i32) {
    %c0_i32 = arith.constant 0 : i32
    %c0_i32_0 = arith.constant 0 : i32
    %c0_i32_1 = arith.constant 0 : i32
    return %c0_i32, %c0_i32_0 : i32, i32
  }
  func.func @transform_6(%arg0: i32) -> (i32, i32) {
    %c0_i32 = arith.constant 0 : i32
    %c0_i32_0 = arith.constant 0 : i32
    %c0_i32_1 = arith.constant 0 : i32
    return %c0_i32, %c0_i32_0 : i32, i32
  }
  func.func @transform_7(%arg0: i32) -> (i32, i32) {
    %c0_i32 = arith.constant 0 : i32
    %c0_i32_0 = arith.constant 0 : i32
    %c0_i32_1 = arith.constant 0 : i32
    return %c0_i32, %c0_i32_0 : i32, i32
  }
  func.func @transform_8(%arg0: i32) -> (i32, i32) {
    %c0_i32 = arith.constant 0 : i32
    %c0_i32_0 = arith.constant 0 : i32
    %c0_i32_1 = arith.constant 0 : i32
    return %c0_i32, %c0_i32_0 : i32, i32
  }
  func.func @transform_9(%arg0: i32) -> (i32, i32) {
    %c0_i32 = arith.constant 0 : i32
    %c0_i32_0 = arith.constant 0 : i32
    %c0_i32_1 = arith.constant 0 : i32
    return %c0_i32, %c0_i32_0 : i32, i32
  }
  func.func @transform_10(%arg0: i32) -> (i32, i32) {
    %c0_i32 = arith.constant 0 : i32
    %c0_i32_0 = arith.constant 0 : i32
    %c0_i32_1 = arith.constant 0 : i32
    return %c0_i32, %c0_i32_0 : i32, i32
  }
  func.func @transform_11(%arg0: i32) -> (i32, i32) {
    %c0_i32 = arith.constant 0 : i32
    %c0_i32_0 = arith.constant 0 : i32
    %c0_i32_1 = arith.constant 0 : i32
    return %c0_i32, %c0_i32_0 : i32, i32
  }
  func.func @transform_12(%arg0: i32) -> (i32, i32) {
    %c0_i32 = arith.constant 0 : i32
    %c0_i32_0 = arith.constant 0 : i32
    %c0_i32_1 = arith.constant 0 : i32
    return %c0_i32, %c0_i32_0 : i32, i32
  }
  func.func @transform_13(%arg0: i32) -> (i32, i32) {
    %c0_i32 = arith.constant 0 : i32
    %c0_i32_0 = arith.constant 0 : i32
    return %arg0, %c0_i32 : i32, i32
  }
  func.func @transform_14(%arg0: i32) -> (i32, i32) {
    %c0_i32 = arith.constant 0 : i32
    %c0_i32_0 = arith.constant 0 : i32
    return %arg0, %c0_i32 : i32, i32
  }
}

</mosaic_0001>

<sc_bundles>
// kernel: kernel.5.cloned.1.call-start
scs
__scs_entry_jumppad:
0x0: {  	(pc) =	sbr.rel $0x88, $3  }
0x1: {  	(tag) =	ssettag $0x0;
	lr =	simm.s32 $0x1  }
0x2: {  	[smem:$0x3F8B] =	sst lr;
	_ =	strace $0xD0000000  }
0x3: {  	_ = 	snop  }
0x4: {  	_ = 	snop  }
0x5: {  	_ = 	snop  }
0x6: {  	_ = 	snop  }
0x7: {  	_ = 	snop  }
__scs_overlays_trampoline_lowered:
0x8: {  	[smem:$0x3F9A] =	sst s0  }
0x9: {  	[smem:$0x3F9B] =	sst s1  }
0xa: {  	[smem:$0x3F9C] =	sst s2  }
0xb: {  	[smem:$0x3F9D] =	sst s3  }
0xc: {  	[smem:$0x3F9E] =	sst s4  }
0xd: {  	[smem:$0x3F9F] =	sst s5  }
0xe: {  	[smem:$0x3FA0] =	sst s6  }
0xf: {  	[smem:$0x3FA1] =	sst s7  }
0x10: {  	[smem:$0x3FA2] =	sst s8  }
0x11: {  	[smem:$0x3FA3] =	sst s9;
	s0 =	simm.s32 @!p0 $0x0  }
0x12: {  	s1 =	sld [smem:$0x3F89];
	s0 =	simm.s32 @p0 $0x1  }
0x13: {  	[smem:$0x3FA4] =	sst s0;
	s0 =	simm.s32 @!p1 $0x0  }
0x14: {  	s2 =	sld [smem:$0x3F88];
	s0 =	simm.s32 @p1 $0x1  }
0x15: {  	[smem:$0x3FA5] =	sst s0;
	s0 =	simm.s32 @!p2 $0x0  }
0x16: {  	s3 =	sld [smem:$0x3FDB];
	s0 =	simm.s32 @p2 $0x1  }
0x17: {  	s4 =	simm.s32 $0x1BF5;
	[smem:$0x3FA7] =	sst s0  }
0x18: {  	s0 =	sld [smem:$0x3F8A];
	_ =	swait.ge [sflag:s4], $0x0  }
0x19: {  	s7 =	sld [smem:$0x3F8B]  }
0x1a: {  	s8 =	sadd.s32 $0xFFFFE003, lr  }
0x1b: {  	s9 =	sadd.s32 $0xFFFFFEF7, lr;
	s5 =	simm.s32 $0xFFFFFFFF;
	p2 =	slt.u32 s8, $0xFFFFF086  }
0x1c: {  	p1 =	slt.u32 s9, $0xF7A;
	s5 =	simm.s32 @!p2 $0x0  }
0x1d: {  	s5 =	simm.s32 @p1 $0x1;
	p0 =	seq.s32 s7, s2  }
0x1e: {  	s7 =	smul.u32 @!p0 $0xF7A, s2;
	p2 =	seq.s32 @!p0 s5, $0x0  }
0x1f: {  	s9 =	smul.u32 $0xF7A, s1;
	s8 =	simm.s32 @!p0 $0x1BF5;
	p2 =	por !p2, p0  }
0x20: {  	[sflag:s8] =	ssyncset.s32 @!p0 $0xFFFFF086;
	s6 =	sadd.s32 @!p0 s3, s7;
	s7 =	simm.s32 @!p0 $0x108  }
0x21: {  	s3 =	sadd.s32 s3, s9;
	s6 =	sadd.s32 @!p0 $0x88, s6;
	s7 =	simm.s32 @p2 $0x1082  }
0x22: {  	[simem:s7], [sflag:s8] =	dma.local @!p0 [hbm:s6], $0xF7A  }
0x23: {  	s9 =	sor.u32 $0xD0000000, s2;
	s6 =	simm.s32 $0x108;
	_ =	swait.ge @!p0 [sflag:s8], $0x0  }
0x24: {  	s3 =	sadd.s32 $0x88, s3;
	s6 =	simm.s32 @!p1 $0x1082;
	[sflag:s4] =	ssyncset.s32 $0xFFFFF086  }
0x25: {  	[simem:s6], [sflag:s4] =	dma.local [hbm:s3], $0xF7A  }
0x26: {  	[smem:$0x3F8B] =	sst s1;
	(tag) =	ssettag s2;
	_ =	strace s9  }
0x27: {  	s1 =	sld [smem:$0x3F9B]  }
0x28: {  	s2 =	sld [smem:$0x3F9C]  }
0x29: {  	s4 =	sld [smem:$0x3F9E]  }
0x2a: {  	p0 =	seq.s32 s5, $0x0;
	s5 =	sld [smem:$0x3F9F]  }
0x2b: {  	s6 =	sld [smem:$0x3FA0]  }
0x2c: {  	s7 =	sld [smem:$0x3FA1]  }
0x2d: {  	s3 =	simm.s32 $0x108;
	s8 =	sld [smem:$0x3FA2]  }
0x2e: {  	s3 =	simm.s32 @!p0 $0x1082;
	s9 =	sld [smem:$0x3FA3]  }
0x2f: {  	lr =	sadd.s32 s0, s3;
	s0 =	sld [smem:$0x3F9A]  }
0x30: {  	s3 =	sld [smem:$0x3F9D]  }
0x31: {  	[smem:$0x3FA6] =	sst s10  }
0x32: {  	s10 =	sld [smem:$0x3FA4];
	_ =	sdelay $0x3  }
0x33: {  	p0 =	seq.s32 s10, $0x1;
	s10 =	sld [smem:$0x3FA6];
	_ =	sdelay $0x3  }
0x34: {  	[smem:$0x3FA6] =	sst s10  }
0x35: {  	s10 =	sld [smem:$0x3FA5];
	_ =	sdelay $0x3  }
0x36: {  	p1 =	seq.s32 s10, $0x1;
	s10 =	sld [smem:$0x3FA6];
	_ =	sdelay $0x3  }
0x37: {  	[smem:$0x3FA6] =	sst s10  }
0x38: {  	s10 =	sld [smem:$0x3FA7]  }
0x39: {  	_ = 	snop;
	(pc) =	sbr.ind lr, $3  }
0x3a: {  	_ = 	snop  }
0x3b: {  	_ = 	snop  }
0x3c: {  	p2 =	seq.s32 s10, $0x1;
	s10 =	sld [smem:$0x3FA6]  }
0x3d: {  	_ =	shalt  }
0x3e: {  	_ =	shalt  }
0x3f: {  	_ =	shalt  }
0x40: {  	_ =	shalt  }
0x41: {  	_ =	shalt  }
0x42: {  	_ =	shalt  }
0x43: {  	_ =	shalt  }
0x44: {  	_ =	shalt  }
0x45: {  	_ =	shalt  }
0x46: {  	_ =	shalt  }
0x47: {  	_ =	shalt  }
0x48: {  	_ =	shalt  }
0x49: {  	_ =	shalt  }
0x4a: {  	_ =	shalt  }
0x4b: {  	_ =	shalt  }
0x4c: {  	_ =	shalt  }
0x4d: {  	_ =	shalt  }
0x4e: {  	_ =	shalt  }
0x4f: {  	_ =	shalt  }
0x50: {  	_ =	shalt  }
0x51: {  	_ =	shalt  }
0x52: {  	_ =	shalt  }
0x53: {  	_ =	shalt  }
0x54: {  	_ =	shalt  }
0x55: {  	_ =	shalt  }
0x56: {  	_ =	shalt  }
0x57: {  	_ =	shalt  }
0x58: {  	_ =	shalt  }
0x59: {  	_ =	shalt  }
0x5a: {  	_ =	shalt  }
0x5b: {  	_ =	shalt  }
0x5c: {  	_ =	shalt  }
0x5d: {  	_ =	shalt  }
0x5e: {  	_ =	shalt  }
0x5f: {  	_ =	shalt  }
0x60: {  	_ =	shalt  }
0x61: {  	_ =	shalt  }
0x62: {  	_ =	shalt  }
0x63: {  	_ =	shalt  }
0x64: {  	_ =	shalt  }
0x65: {  	_ =	shalt  }
0x66: {  	_ =	shalt  }
0x67: {  	_ =	shalt  }
0x68: {  	_ =	shalt  }
0x69: {  	_ =	shalt  }
0x6a: {  	_ =	shalt  }
0x6b: {  	_ =	shalt  }
0x6c: {  	_ =	shalt  }
0x6d: {  	_ =	shalt  }
0x6e: {  	_ =	shalt  }
0x6f: {  	_ =	shalt  }
0x70: {  	_ =	shalt  }
0x71: {  	_ =	shalt  }
0x72: {  	_ =	shalt  }
0x73: {  	_ =	shalt  }
0x74: {  	_ =	shalt  }
0x75: {  	_ =	shalt  }
0x76: {  	_ =	shalt  }
0x77: {  	_ =	shalt  }
0x78: {  	_ =	shalt  }
0x79: {  	_ =	shalt  }
0x7a: {  	_ =	shalt  }
0x7b: {  	_ =	shalt  }
0x7c: {  	_ =	shalt  }
0x7d: {  	_ =	shalt  }
0x7e: {  	_ =	shalt  }
0x7f: {  	_ =	shalt  }
0x80: {  	_ =	shalt  }
0x81: {  	_ =	shalt  }
0x82: {  	_ =	shalt  }
0x83: {  	_ =	shalt  }
0x84: {  	_ =	shalt  }
0x85: {  	_ =	shalt  }
0x86: {  	_ =	shalt  }
0x87: {  	_ =	shalt  }
.Lfunc_end0:
.L_simem_size_0:
called_computation_lowered:
.L_overlay_start_0:
0x88: {  	s2 =	sld [smem:$0x3FD9]  }
0x89: {  	s3 =	sld [smem:$0x3FFE];
	_ =	sdelay $0x1  }
0x8a: {  	s1 =	srdreg.scid  }
0x8b: {  	s0 =	sand.u32 $0x1, s1  }
0x8c: {  	s14 =	sshll.u32 s0, $0xA;
	s2 =	sadd.s32 s3, s2  }
0x8d: {  	s2 =	sadd.s32 s2, s14  }
0x8e: {  	[smem:$0x3FB2] =	sst s2  }
0x8f: {  	_ = 	snop  }
0x90: {  	s2 =	sld [smem:$0x3FD0];
	_ =	sdelay $0x1  }
0x91: {  	s15 =	sld [smem:$0x3FC9]  }
0x92: {  	s5 =	simm.s32 $0xA;
	s6 =	simm.s32 $0x10;
	s4 =	sld [smem:$0x3FC8]  }
0x93: {  	[smem:s6], [sflag:s5] =	dma.local [hbm:s2], $0x1  }
0x94: {  	_ =	swait.eq [sflag:s5], $0x1  }
0x95: {  	[sflag:s5] =	ssyncset.done $0x0  }
0x96: {  	s16 =	sld [smem:$0x10];
	[sflag:s5] =	ssyncadd.s32 $0xFFFFFFFF  }
0x97: {  	s17 =	sld [smem:$0x11];
	(tm) =	ssettm $0x1  }
0x98: {  	s18 =	sld [smem:$0x3FFB];
	_ =	sdelay $0x3  }
0x99: {  	_ =	strace s18  }
0x9a: {  	s6 =	sld [smem:$0x3FFC];
	_ =	sdelay $0x3  }
0x9b: {  	_ =	strace s6  }
0x9c: {  	s6 =	sld [smem:$0x3FFD];
	_ =	sdelay $0x3  }
0x9d: {  	_ =	strace s6  }
0x9e: {  	_ =	strace $0x8FFFFFFF  }
0x9f: {  	s19 =	sld [smem:$0x3FDB];
	_ =	sdelay $0x1  }
0xa0: {  	s7 =	simm.s32 $_scs_section_size  }
0xa1: {  	s8 =	simm.s32 $_size__tile_overlayer_lowered;
	s9 =	simm.s32 $_tile_overlayer_lowered  }
0xa2: {  	s22 =	simm.s32 $0x1BFF;
	s21 =	sshll.u32 s9, $0x1;
	s6 =	sadd.s32 s7, s19  }
0xa3: {  	s10 =	simm.s32 $0x0;
	s20 =	sshll.u32 s8, $0x1;
	s8 =	sadd.s32 s21, s6  }
0xa4: {  	[timem:s10], [sflag:s22] =	dma.local [hbm:s8], s20  }
0xa5: {  	_ =	swait.ge [sflag:s22], s20  }
0xa6: {  	s7 =	ssub.s32 $0x0, s20;
	[sflag:s22] =	ssyncset.done $0x0  }
0xa7: {  	[sflag:s22] =	ssyncadd.s32 s7;
	_ =	sdelay $0x1  }
0xa8: {  	s23 =	simm.s32 $0x1B8B  }
0xa9: {  	_ =	swait.ge [sflag:s23], $0x1  }
0xaa: {  	[sflag:s23] =	ssyncset.done $0x0  }
0xab: {  	s25 =	simm.s32 $0x1B8E;
	s24 =	sld [smem:$0x3FFE];
	[sflag:s23] =	ssyncadd.s32 $0xFFFFFFFF  }
0xac: {  	s26 =	simm.s32 $execute0_lowered;
	[smem:$0x3FD2] =	sst s25  }
0xad: {  	s8 =	sshll.u32 s26, $0x1;
	_ =	strace $0x80000046;
	[dreg:$0x1] =	wrdreg $0xFFFFFFFF  }
0xae: {  	s28 =	simm.s32 $_size_execute0_lowered;
	s6 =	sadd.s32 s6, s8;
	[dreg:$0x0] =	wrdreg $0x0  }
0xaf: {  	s8 =	sshll.u32 s28, $0x1;
	[dreg:$0x2] =	wrdreg s6  }
0xb0: {  	[dreg:$0x3] =	wrdreg s8  }
0xb1: {  	[dreg:$0x4] =	wrdreg $0xC0  }
0xb2: {  	_ =	task [dreg:s10], $0x5FFFF  }
0xb3: {  	[dreg:$0x1] =	wrdreg $0xFFFFFFFF  }
0xb4: {  	[dreg:$0x0] =	wrdreg $0x60  }
0xb5: {  	[dreg:$0x2] =	wrdreg s15  }
0xb6: {  	[dreg:$0x3] =	wrdreg s4  }
0xb7: {  	[dreg:$0x4] =	wrdreg s24  }
0xb8: {  	[dreg:$0x5] =	wrdreg s17  }
0xb9: {  	[dreg:$0x6] =	wrdreg s16  }
0xba: {  	[dreg:$0x7] =	wrdreg $0x0  }
0xbb: {  	[dreg:$0x8] =	wrdreg $0x9  }
0xbc: {  	_ =	task.clear_ibuf [dreg:s10], $0x9FFFF;
	_ =	strace $0x90000046  }
0xbd: {  	s29 =	simm.s32 $0x9;
	_ =	strace $0x80000048  }
0xbe: {  	_ =	swait.ge [sflag:s29], $0x1  }
0xbf: {  	[sflag:s29] =	ssyncadd.s32 $0xFFFFFFFF  }
0xc0: {  	_ =	strace $0x90000048  }
0xc1: {  	_ =	sfence  }
0xc2: {  	s30 =	sld [smem:$0x0];
	_ =	sdelay $0x2  }
0xc3: {  	s31 =	sshll.u32 s1, $0xD;
	s1 =	sshrl.u32 s1, $0x2  }
0xc4: {  	s3 =	sand.u32 $0x4000, s31;
	s1 =	sadd.s32 s1, s30  }
0xc5: {  	s0 =	sor.u32 s3, s0;
	s1 =	sshll.u32 s1, $0x11  }
0xc6: {  	s0 =	sor.u32 s1, s0  }
0xc7: {  	s0 =	sadd.s32 $0x8F2B, s0  }
0xc8: {  	[sflag:s0] =	ssyncadd.remote.s32 $0x1  }
0xc9: {  	_ =	sfence.sel $0xFFFF  }
0xca: {  	[dreg:$0x0] =	wrdreg $0xFFFFFFFF;
	(pc) =	sbr.abs _section_cstart, $3  }
0xcb: {  	[dreg:$0x1] =	wrdreg $0xFFFFFFFF  }
0xcc: {  	_ =	task.clear_ibuf [dreg:s10], $0x2FFFF;
	_ =	strace $0x9FFFFFFF  }
0xcd: {  	(tm) =	ssettm $0x7FFFFFFF  }
tec
execute0_lowered:
.L_overlay_start_1:
0x0: {  	(tag) =	ssettag $0x1  }
0x1: {  	s1 =	rddreg [dreg:$0x0]  }
0x2: {  	s2 =	rddreg [dreg:$0x1]  }
0x3: {  	s0 =	rddreg [dreg:$0x2]  }
0x4: {  	s9 =	rddreg [dreg:$0x3]  }
0x5: {  	s10 =	rddreg [dreg:$0x4]  }
0x6: {  	s5 =	rddreg [dreg:$0x5];
	s3 =	simm.s32 $0x0;
	s4 =	srdreg.scid  }
0x7: {  	s12 =	stileid.u32;
	s29 =	simm.s32 $0x14000;
	[smem:$0x7FF] =	sst s3  }
0x8: {  	s11 =	sadd.s32 $0x40200, s0;
	s13 =	sadd.s32 $0x4E00, s0;
	s14 =	sadd.s32 $0xEC00, s0  }
0x9: {  	s16 =	sadd.s32 $0x18A00, s0;
	s17 =	sadd.s32 $0x22800, s0;
	s19 =	sadd.s32 $0x42A00, s0  }
0xa: {  	s3 =	sand.u32 $0x1, s4;
	_ =	strace $0x80000047;
	[dreg:$0xc] =	wrdreg s19  }
0xb: {  	s4 =	smul.u32 $0x50000, s12;
	s18 =	sadd.s32 $0x2C600, s0;
	[dreg:$0x8] =	wrdreg s14  }
0xc: {  	s15 =	sadd.s32 $0x36400, s0;
	s8 =	smul.u32 $0x4E20, s12;
	[dreg:$0xb] =	wrdreg s13  }
0xd: {  	s22 =	smul.u32 $0x14000, s12;
	s6 =	ssub.s32 $0x2, s3;
	[dreg:$0xa] =	wrdreg s17  }
0xe: {  	p0 =	seq.s32 s3, $0x1;
	[dreg:$0x9] =	wrdreg s16;
	s4 =	sshrl.u32 s4, $0x2  }
0xf: {  	[dreg:$0x7] =	wrdreg s11;
	s25 =	sshrl.u32 s22, $0x3;
	s4 =	sadd.s32 s4, s5  }
0x10: {  	s3 =	sadd.s32 s19, s25;
	s19 =	sadd.s32 $0x140000, s22;
	[dreg:$0xd] =	wrdreg s4  }
0x11: {  	s7 =	sshrl.u32 s6, $0x1;
	s22 =	sadd.s32 $0x3C0000, s22;
	[dreg:$0x19] =	wrdreg s19  }
0x12: {  	s0 =	ssub.s32 s6, s7;
	s7 =	sshrl.u32 s8, $0x3;
	[dreg:$0x1a] =	wrdreg s22  }
0x13: {  	s31 =	simm.s32 $0x1;
	s23 =	sadd.s32 s10, s7;
	[dreg:$0x11] =	wrdreg s3  }
0x14: {  	s30 =	smov.u32 s15;
	s24 =	sadd.s32 s9, s7;
	[dreg:$0xf] =	wrdreg s23  }
0x15: {  	s20 =	sadd.s32 $0xD00, s8;
	s26 =	sadd.s32 s14, s7;
	[dreg:$0x10] =	wrdreg s24  }
0x16: {  	s21 =	sadd.s32 $0x1A00, s8;
	s28 =	sadd.s32 s13, s7;
	[dreg:$0x13] =	wrdreg s26  }
0x17: {  	s6 =	sshll.u32 s12, $0x6;
	s13 =	sadd.s32 s17, s7;
	[dreg:$0x14] =	wrdreg s28  }
0x18: {  	s12 =	sor.u32 $0x1C07, s6;
	s14 =	sadd.s32 s16, s7;
	[dreg:$0x15] =	wrdreg s13  }
0x19: {  	s4 =	sadd.s32 $0x9C0, s7;
	s15 =	sadd.s32 s15, s7;
	[dreg:$0x16] =	wrdreg s14  }
0x1a: {  	s6 =	sadd.s32 s18, s7;
	s0 =	smax.u32 s0, $0x1;
	[dreg:$0x17] =	wrdreg s15  }
0x1b: {  	s19 =	simm.s32 $0x17400;
	s22 =	simm.s32 $0x2;
	[dreg:$0x18] =	wrdreg s6  }
0x1c: {  	s7 =	simm.s32 $0x6;
	s15 =	smov.u32 s18;
	[dreg:$0x1b] =	wrdreg s0  }
0x1d: {  	s23 =	sadd.s32 s10, s4;
	s24 =	sadd.s32 s9, s4;
	[dreg:$0x12] =	wrdreg s4  }
0x1e: {  	s25 =	sadd.s32 s17, s4;
	s26 =	sadd.s32 s16, s4;
	[dreg:$0xe] =	wrdreg s12  }
0x1f: {  	s28 =	sadd.s32 $0x50000, s3;
	s13 =	simm.s32 $0x7;
	[dreg:$0x1c] =	wrdreg s23  }
.Ltmp0:
0x20: {  	s9 =	simm.s32 $0x15A00;
	[dreg:$0x1d] =	wrdreg s24;
	(pc) =	sbr.rel .LBB2_1-.Ltmp0, $4  }
0x21: {  	s18 =	simm.s32 $0x80;
	s0 =	simm.s32 $0x3;
	[dreg:$0x1e] =	wrdreg s25  }
0x22: {  	s6 =	simm.s32 $0x4;
	s17 =	simm.s32 $0x17300;
	[dreg:$0x1f] =	wrdreg s26  }
0x23: {  	s3 =	simm.s32 $0x17380;
	s14 =	simm.s32 $0x0;
	[smem:$0x7FD] =	sst s28  }
0x24: {  	s24 =	simm.s32 $0x14D00;
	s26 =	simm.s32 $0x1B400;
	s23 =	simm.s32 $0x5  }
.LBB2_30:
0x25: {  	s11 =	smov.u32 s30;
	s4 =	rddreg [dreg:$0x1a]  }
0x26: {  	s10 =	smov.u32 s15;
	s9 =	smov.u32 s1;
	s14 =	sld [smem:$0x7FB]  }
.LBB2_31:
0x27: {  	_ =	swait.ge [sflag:s6], $0x4000  }
0x28: {  	s16 =	simm.s32 $0x0;
	[sflag:s6] =	ssyncset.done $0x0;
	s12 =	rddreg [dreg:$0x12]  }
0x29: {  	s13 =	simm.s32 $0x7;
	s8 =	sadd.s32 s11, s12;
	[sflag:s6] =	ssyncadd.s32 $0xFFFFC000  }
0x2a: {  	[tilespmem:s29], [sflag:$0x7] =	stream.linear.gather [hbm4b:s8+s16], $0x20, $0x38;
	[tilespmem:$0x1F400] =	vst v63  }
0x2b: {  	_ =	swait.ge [sflag:s13], $0x20  }
0x2c: {  	[sflag:s13] =	ssyncset.done $0x0  }
0x2d: {  	s28 =	simm.s32 $0x15A00;
	s25 =	sadd.s32 s10, s12;
	[sflag:s13] =	ssyncadd.s32 $0xFFFFFFE0  }
0x2e: {  	[tilespmem:s28], [sflag:$0x7] =	stream.linear.gather [hbm4b:s25+s16], $0x20, $0x38;
	[tilespmem:$0x1F400] =	vst v63  }
0x2f: {  	_ =	swait.ge [sflag:s13], $0x20  }
0x30: {  	[sflag:s13] =	ssyncset.done $0x0  }
0x31: {  	s12 =	simm.s32 $0x20;
	[sflag:s13] =	ssyncadd.s32 $0xFFFFFFE0  }
0x32: {  	[tilespmem:s19], [sflag:$0x1] =	stream.indirect.gather [hbm4b:s9+s12], $0x80, s29, s12, $0xb8;
	[tilespmem:$0x1F400] =	vst v63  }
0x33: {  	_ =	swait.ge [sflag:s31], $0x1000  }
0x34: {  	[sflag:s31] =	ssyncset.done $0x0  }
0x35: {  	[sflag:s31] =	ssyncadd.s32 $0xFFFFF000  }
0x36: {  	[spmem:s5] =	stream.indirect.scatter.add.f32 [tilespmem:s19], [sflag:$0x7], $0x80, s28, s12, $0xb8;
	[tilespmem:$0x1F400] =	vst v63  }
0x37: {  	_ =	swait.ge [sflag:s13], $0x1000  }
0x38: {  	[sflag:s13] =	ssyncset.done $0x0  }
0x39: {  	[sflag:s13] =	ssyncadd.s32 $0xFFFFF000  }
0x3a: {  	s16 =	rddreg [dreg:$0xc];
	[bflag:$0x0] =	sbarrier.arrive $0xFFFF  }
0x3b: {  	s25 =	sld [smem:$0x7FC]  }
0x3c: {  	s4 =	sshrl.u32 s4, $0x3  }
0x3d: {  	s4 =	sadd.s32 s16, s4;
	s12 =	rddreg [dreg:$0xe]  }
0x3e: {  	[hbm:s4], [sflag:s12] =	dma.local [spmem:s25], $0x2800  }
0x3f: {  	_ =	swait.ge [sflag:s13], $0x2800  }
0x40: {  	[sflag:s13] =	ssyncset.done $0x0  }
0x41: {  	s11 =	rddreg [dreg:$0x7];
	[sflag:s13] =	ssyncadd.s32 $0xFFFFD800  }
0x42: {  	[spmem:s25], [sflag:s12] =	dma.local [hbm:s11], $0x2800  }
0x43: {  	_ =	swait.ge [sflag:s13], $0x2800  }
0x44: {  	s14 =	sadd.s32 $0x1, s14;
	s28 =	rddreg [dreg:$0x1b]  }
0x45: {  	p1 =	sne.s32 s14, s28  }
.Ltmp1:
0x46: {  	_ = 	snop;
	(pc) =	sbr.rel @!p1 .LBB2_32-.Ltmp1, $4  }
0x47: {  	[sflag:s13] =	ssyncset.done $0x0  }
0x48: {  	[sflag:s13] =	ssyncadd.s32 $0xFFFFD800  }
0x49: {  	[bflag:$0x0] =	sbarrier.arrive $0xFFFF  }
0x4a: {  	s9 =	simm.s32 $0x15A00  }
.LBB2_1:
0x4b: {  	s4 =	rddreg [dreg:$0xd]  }
0x4c: {  	[smem:$0x7FB] =	sst s14;
	s4 =	sshrl.u32 s4, $0x3  }
0x4d: {  	[smem:$0x7FC] =	sst s4  }
0x4e: {  	[spmem:s4], [sflag:s12] =	dma.local [hbm:s11], $0x2800  }
.Ltmp2:
0x4f: {  	_ =	swait.ge [sflag:s13], $0x2800;
	(pc) =	sbr.rel @!p0 .LBB2_2-.Ltmp2, $4  }
0x50: {  	[sflag:s13] =	ssyncset.done $0x0  }
0x51: {  	[sflag:s13] =	ssyncadd.s32 $0xFFFFD800  }
0x52: {  	[bflag:$0x0] =	sbarrier.arrive $0xFFFF  }
0x53: {  	s4 =	simm.s32 $0x0  }
0x54: {  	s8 =	rddreg [dreg:$0x15]  }
0x55: {  	[tilespmem:s29], [sflag:$0x7] =	stream.linear.gather [hbm4b:s8+s4], $0xD00, $0x38;
	[tilespmem:$0x1F400] =	vst v63  }
0x56: {  	_ =	swait.ge [sflag:s13], $0xD00  }
0x57: {  	[sflag:s13] =	ssyncset.done $0x0  }
0x58: {  	s25 =	rddreg [dreg:$0x16];
	[sflag:s13] =	ssyncadd.s32 $0xFFFFF300  }
0x59: {  	[tilespmem:s9], [sflag:$0x7] =	stream.linear.gather [hbm4b:s25+s4], $0xD00, $0x38;
	[tilespmem:$0x1F400] =	vst v63  }
0x5a: {  	_ =	swait.ge [sflag:s13], $0xD00  }
0x5b: {  	[sflag:s13] =	ssyncset.done $0x0  }
0x5c: {  	s28 =	simm.s32 $0x0;
	[sflag:s13] =	ssyncadd.s32 $0xFFFFF300  }
0x5d: {  	[tilespmem:s19], [sflag:$0x1] =	stream.indirect.gather [hbm4b:s2+s18], $0x80, s29, s18, $0xb8;
	[tilespmem:$0x1F400] =	vst v63  }
.LBB2_18:
0x5e: {  	s11 =	smul.u32 $0x1A00, s28;
	_ =	sdelay $0x1  }
0x5f: {  	s8 =	sadd.s32 s11, s20  }
0x60: {  	s9 =	rddreg [dreg:$0xa];
	s8 =	sshrl.u32 s8, $0x3  }
0x61: {  	s16 =	rddreg [dreg:$0x9];
	s10 =	sor.u32 s28, s4;
	s9 =	sadd.s32 s9, s8  }
0x62: {  	[tilespmem:s24], [sflag:$0x5] =	stream.linear.gather [hbm4b:s9+s4], $0xD00, $0x38;
	[tilespmem:$0x1F400] =	vst v63  }
0x63: {  	s25 =	simm.s32 $0x16700;
	p1 =	seq.s32 s10, $0x0;
	s8 =	sadd.s32 s16, s8  }
0x64: {  	[tilespmem:s25], [sflag:$0x6] =	stream.linear.gather [hbm4b:s8+s4], $0xD00, $0x38;
	[tilespmem:$0x1F400] =	vst v63  }
0x65: {  	s8 =	simm.s32 @!p1 $0x4  }
0x66: {  	_ =	swait.ge @!p1 [sflag:s8], $0x4000  }
0x67: {  	[sflag:s8] =	ssyncset.done @!p1 $0x0  }
0x68: {  	s12 =	simm.s32 $0x14080;
	[sflag:s8] =	ssyncadd.s32 @!p1 $0xFFFFC000  }
0x69: {  	[tilespmem:s26], [sflag:$0x2] =	stream.indirect.gather [hbm4b:s2+s18], $0x80, s12, s18, $0xb8;
	[tilespmem:$0x1F400] =	vst v63  }
0x6a: {  	_ =	swait.ge [sflag:s31], $0x4000  }
0x6b: {  	[sflag:s31] =	ssyncset.done $0x0  }
0x6c: {  	s13 =	simm.s32 $0x15A00;
	[sflag:s31] =	ssyncadd.s32 $0xFFFFC000  }
0x6d: {  	[spmem:s5] =	stream.indirect.scatter.add.f32 [tilespmem:s19], [sflag:$0x3], $0x80, s13, s18, $0xb8;
	[tilespmem:$0x1F400] =	vst v63  }
0x6e: {  	_ =	swait.ge [sflag:s0], $0x4000  }
0x6f: {  	s14 =	simm.s32 $0x14100;
	s16 =	simm.s32 $0x1;
	[sflag:s0] =	ssyncset.done $0x0  }
0x70: {  	s10 =	simm.s32 $0x2;
	s25 =	sor.u32 s28, s16;
	[sflag:s0] =	ssyncadd.s32 $0xFFFFC000  }
0x71: {  	[tilespmem:s19], [sflag:$0x1] =	stream.indirect.gather [hbm4b:s2+s18], $0x80, s14, s18, $0xb8;
	[tilespmem:$0x1F400] =	vst v63  }
0x72: {  	s9 =	simm.s32 $0x15B00;
	p2 =	seq.s32 s25, $0x0;
	_ =	swait.ge [sflag:s22], $0x4000  }
0x73: {  	s12 =	simm.s32 $0x14200;
	s13 =	simm.s32 $0x15A80;
	[sflag:s22] =	ssyncset.done $0x0  }
.LBB2_19:
0x74: {  	s8 =	simm.s32 @!p2 $0x4;
	[sflag:s22] =	ssyncadd.s32 $0xFFFFC000;
	s14 =	smov.u32 s10  }
0x75: {  	s10 =	sadd.s32 $0x1, s10;
	s16 =	smov.u32 s12;
	s25 =	smov.u32 s9  }
0x76: {  	[spmem:s5] =	stream.indirect.scatter.add.f32 [tilespmem:s26], [sflag:$0x4], $0x80, s13, s18, $0xb8;
	[tilespmem:$0x1F400] =	vst v63  }
0x77: {  	p1 =	sne.s32 s10, $0xC;
	_ =	swait.ge @!p2 [sflag:s8], $0x4000  }
0x78: {  	[sflag:s8] =	ssyncset.done @!p2 $0x0  }
0x79: {  	[sflag:s8] =	ssyncadd.s32 @!p2 $0xFFFFC000;
	s8 =	sadd.s32 $0xFFFFFF80, s12  }
0x7a: {  	[tilespmem:s26], [sflag:$0x2] =	stream.indirect.gather [hbm4b:s2+s18], $0x80, s8, s18, $0xb8;
	[tilespmem:$0x1F400] =	vst v63  }
0x7b: {  	_ =	swait.ge [sflag:s31], $0x4000  }
0x7c: {  	[sflag:s31] =	ssyncset.done $0x0  }
0x7d: {  	[sflag:s31] =	ssyncadd.s32 $0xFFFFC000  }
0x7e: {  	[spmem:s5] =	stream.indirect.scatter.add.f32 [tilespmem:s19], [sflag:$0x3], $0x80, s9, s18, $0xb8;
	[tilespmem:$0x1F400] =	vst v63  }
0x7f: {  	_ =	swait.ge [sflag:s0], $0x4000  }
.Ltmp3:
0x80: {  	[sflag:s0] =	ssyncset.done $0x0;
	(pc) =	sbr.rel @p1 .LBB2_19-.Ltmp3, $4  }
0x81: {  	s12 =	sadd.s32 $0x100, s12;
	[sflag:s0] =	ssyncadd.s32 $0xFFFFC000  }
0x82: {  	[tilespmem:s19], [sflag:$0x1] =	stream.indirect.gather [hbm4b:s2+s18], $0x80, s16, s18, $0xb8;
	[tilespmem:$0x1F400] =	vst v63  }
0x83: {  	s8 =	sor.u32 s28, s14;
	s9 =	sadd.s32 $0x100, s9;
	_ =	swait.ge [sflag:s22], $0x4000  }
0x84: {  	s13 =	sadd.s32 $0x80, s25;
	p2 =	seq.s32 s8, $0x0;
	[sflag:s22] =	ssyncset.done $0x0  }
0x85: {  	s8 =	simm.s32 @!p2 $0x4;
	[sflag:s22] =	ssyncadd.s32 $0xFFFFC000  }
0x86: {  	[spmem:s5] =	stream.indirect.scatter.add.f32 [tilespmem:s26], [sflag:$0x4], $0x80, s13, s18, $0xb8;
	[tilespmem:$0x1F400] =	vst v63  }
0x87: {  	_ =	swait.ge @!p2 [sflag:s8], $0x4000  }
0x88: {  	[sflag:s8] =	ssyncset.done @!p2 $0x0  }
0x89: {  	s25 =	sadd.s32 $0xFFFFFF80, s12;
	[sflag:s8] =	ssyncadd.s32 @!p2 $0xFFFFC000  }
0x8a: {  	[tilespmem:s26], [sflag:$0x2] =	stream.indirect.gather [hbm4b:s2+s18], $0x80, s25, s18, $0xb8;
	[tilespmem:$0x1F400] =	vst v63  }
0x8b: {  	_ =	swait.ge [sflag:s31], $0x4000  }
0x8c: {  	[sflag:s31] =	ssyncset.done $0x0  }
0x8d: {  	[sflag:s31] =	ssyncadd.s32 $0xFFFFC000  }
0x8e: {  	[spmem:s5] =	stream.indirect.scatter.add.f32 [tilespmem:s19], [sflag:$0x3], $0x80, s9, s18, $0xb8;
	[tilespmem:$0x1F400] =	vst v63  }
0x8f: {  	_ =	swait.ge [sflag:s0], $0x4000  }
0x90: {  	[sflag:s0] =	ssyncset.done $0x0  }
0x91: {  	[sflag:s0] =	ssyncadd.s32 $0xFFFFC000  }
0x92: {  	[tilespmem:s19], [sflag:$0x1] =	stream.indirect.gather [hbm4b:s2+s18], $0x80, s12, s18, $0xb8;
	[tilespmem:$0x1F400] =	vst v63  }
0x93: {  	_ =	swait.ge [sflag:s22], $0x4000  }
0x94: {  	[sflag:s22] =	ssyncset.done $0x0  }
0x95: {  	s9 =	sadd.s32 $0x80, s9;
	[sflag:s22] =	ssyncadd.s32 $0xFFFFC000  }
0x96: {  	[spmem:s5] =	stream.indirect.scatter.add.f32 [tilespmem:s26], [sflag:$0x4], $0x80, s9, s18, $0xb8;
	[tilespmem:$0x1F400] =	vst v63  }
0x97: {  	_ =	swait.ge [sflag:s6], $0x4000  }
0x98: {  	[sflag:s6] =	ssyncset.done $0x0  }
0x99: {  	s10 =	simm.s32 $0x14C80;
	[sflag:s6] =	ssyncadd.s32 $0xFFFFC000  }
0x9a: {  	[tilespmem:s26], [sflag:$0x2] =	stream.indirect.gather [hbm4b:s2+s18], $0x80, s10, s18, $0xb8;
	[tilespmem:$0x1F400] =	vst v63  }
0x9b: {  	_ =	swait.ge [sflag:s31], $0x4000  }
0x9c: {  	[sflag:s31] =	ssyncset.done $0x0  }
0x9d: {  	s12 =	simm.s32 $0x16600;
	[sflag:s31] =	ssyncadd.s32 $0xFFFFC000  }
0x9e: {  	[spmem:s5] =	stream.indirect.scatter.add.f32 [tilespmem:s19], [sflag:$0x3], $0x80, s12, s18, $0xb8;
	[tilespmem:$0x1F400] =	vst v63  }
0x9f: {  	_ =	swait.ge [sflag:s0], $0x4000  }
0xa0: {  	[sflag:s0] =	ssyncset.done $0x0  }
0xa1: {  	[sflag:s0] =	ssyncadd.s32 $0xFFFFC000  }
0xa2: {  	_ =	swait.ge [sflag:s22], $0x4000  }
0xa3: {  	[sflag:s22] =	ssyncset.done $0x0  }
0xa4: {  	s13 =	simm.s32 $0x16680;
	[sflag:s22] =	ssyncadd.s32 $0xFFFFC000  }
0xa5: {  	[spmem:s5] =	stream.indirect.scatter.add.f32 [tilespmem:s26], [sflag:$0x4], $0x80, s13, s18, $0xb8;
	[tilespmem:$0x1F400] =	vst v63  }
0xa6: {  	_ =	swait.ge [sflag:s23], $0xD00  }
0xa7: {  	[sflag:s23] =	ssyncset.done $0x0  }
0xa8: {  	[sflag:s23] =	ssyncadd.s32 $0xFFFFF300  }
0xa9: {  	p1 =	seq.s32 s28, $0x2;
	_ =	swait.ge [sflag:s7], $0xD00  }
0xaa: {  	s8 =	sadd.s32 @!p1 s11, s21;
	[sflag:s7] =	ssyncset.done $0x0  }
0xab: {  	s8 =	sshrl.u32 @!p1 s8, $0x3;
	s9 =	rddreg [dreg:$0xa];
	[sflag:s7] =	ssyncadd.s32 $0xFFFFF300  }
0xac: {  	[tilespmem:s19], [sflag:$0x1] =	stream.indirect.gather [hbm4b:s2+s18], $0x80, s24, s18, $0xb8;
	[tilespmem:$0x1F400] =	vst v63  }
0xad: {  	s11 =	simm.s32 @!p1 $0x14000;
	s10 =	simm.s32 @!p1 $0x0;
	s9 =	sadd.s32 @!p1 s9, s8  }
0xae: {  	[tilespmem:s11], [sflag:$0x5] =	stream.linear.gather @!p1 [hbm4b:s9+s10], $0xD00, $0x38;
	[tilespmem:$0x1F400] =	vst v63  }
0xaf: {  	s9 =	rddreg [dreg:$0x9]  }
0xb0: {  	s8 =	sadd.s32 @!p1 s9, s8;
	s9 =	simm.s32 @!p1 $0x15A00  }
0xb1: {  	[tilespmem:s9], [sflag:$0x6] =	stream.linear.gather @!p1 [hbm4b:s8+s10], $0xD00, $0x38;
	[tilespmem:$0x1F400] =	vst v63  }
0xb2: {  	_ =	swait.ge [sflag:s6], $0x4000  }
0xb3: {  	[sflag:s6] =	ssyncset.done $0x0  }
0xb4: {  	s14 =	simm.s32 $0x14D80;
	[sflag:s6] =	ssyncadd.s32 $0xFFFFC000  }
0xb5: {  	[tilespmem:s26], [sflag:$0x2] =	stream.indirect.gather [hbm4b:s2+s18], $0x80, s14, s18, $0xb8;
	[tilespmem:$0x1F400] =	vst v63  }
0xb6: {  	_ =	swait.ge [sflag:s31], $0x4000  }
0xb7: {  	[sflag:s31] =	ssyncset.done $0x0  }
0xb8: {  	s16 =	simm.s32 $0x16700;
	[sflag:s31] =	ssyncadd.s32 $0xFFFFC000  }
0xb9: {  	[spmem:s5] =	stream.indirect.scatter.add.f32 [tilespmem:s19], [sflag:$0x3], $0x80, s16, s18, $0xb8;
	[tilespmem:$0x1F400] =	vst v63  }
0xba: {  	_ =	swait.ge [sflag:s0], $0x4000  }
0xbb: {  	[sflag:s0] =	ssyncset.done $0x0  }
0xbc: {  	s25 =	simm.s32 $0x14E00;
	[sflag:s0] =	ssyncadd.s32 $0xFFFFC000  }
0xbd: {  	[tilespmem:s19], [sflag:$0x1] =	stream.indirect.gather [hbm4b:s2+s18], $0x80, s25, s18, $0xb8;
	[tilespmem:$0x1F400] =	vst v63  }
0xbe: {  	_ =	swait.ge [sflag:s22], $0x4000  }
0xbf: {  	[sflag:s22] =	ssyncset.done $0x0  }
0xc0: {  	s9 =	simm.s32 $0x400;
	s10 =	simm.s32 $0x16780;
	[sflag:s22] =	ssyncadd.s32 $0xFFFFC000  }
.LBB2_21:
0xc1: {  	[spmem:s5] =	stream.indirect.scatter.add.f32 [tilespmem:s26], [sflag:$0x4], $0x80, s10, s18, $0xb8;
	[tilespmem:$0x1F400] =	vst v63  }
0xc2: {  	s8 =	smov.u32 s9  }
0xc3: {  	p2 =	sne.s32 s9, $0x2C00;
	s9 =	sadd.s32 $0x400, s9;
	_ =	swait.ge [sflag:s6], $0x4000  }
0xc4: {  	s8 =	sshra.s32 s8, $0x2;
	[sflag:s6] =	ssyncset.done $0x0  }
0xc5: {  	s10 =	sadd.s32 $0x14D80, s8;
	[sflag:s6] =	ssyncadd.s32 $0xFFFFC000  }
0xc6: {  	[tilespmem:s26], [sflag:$0x2] =	stream.indirect.gather [hbm4b:s2+s18], $0x80, s10, s18, $0xb8;
	[tilespmem:$0x1F400] =	vst v63  }
0xc7: {  	_ =	swait.ge [sflag:s31], $0x4000  }
0xc8: {  	[sflag:s31] =	ssyncset.done $0x0  }
0xc9: {  	s10 =	sadd.s32 $0x16700, s8;
	[sflag:s31] =	ssyncadd.s32 $0xFFFFC000  }
0xca: {  	[spmem:s5] =	stream.indirect.scatter.add.f32 [tilespmem:s19], [sflag:$0x3], $0x80, s10, s18, $0xb8;
	[tilespmem:$0x1F400] =	vst v63  }
0xcb: {  	_ =	swait.ge [sflag:s0], $0x4000  }
0xcc: {  	[sflag:s0] =	ssyncset.done $0x0  }
.Ltmp4:
0xcd: {  	s10 =	sadd.s32 $0x14E00, s8;
	[sflag:s0] =	ssyncadd.s32 $0xFFFFC000;
	(pc) =	sbr.rel @p2 .LBB2_21-.Ltmp4, $4  }
0xce: {  	[tilespmem:s19], [sflag:$0x1] =	stream.indirect.gather [hbm4b:s2+s18], $0x80, s10, s18, $0xb8;
	[tilespmem:$0x1F400] =	vst v63  }
0xcf: {  	_ =	swait.ge [sflag:s22], $0x4000  }
0xd0: {  	[sflag:s22] =	ssyncset.done $0x0  }
0xd1: {  	s10 =	sadd.s32 $0x16780, s8;
	[sflag:s22] =	ssyncadd.s32 $0xFFFFC000  }
0xd2: {  	[spmem:s5] =	stream.indirect.scatter.add.f32 [tilespmem:s26], [sflag:$0x4], $0x80, s10, s18, $0xb8;
	[tilespmem:$0x1F400] =	vst v63  }
0xd3: {  	_ =	swait.ge [sflag:s6], $0x4000  }
0xd4: {  	[sflag:s6] =	ssyncset.done $0x0  }
0xd5: {  	s8 =	simm.s32 $0x15980;
	[sflag:s6] =	ssyncadd.s32 $0xFFFFC000  }
0xd6: {  	[tilespmem:s26], [sflag:$0x2] =	stream.indirect.gather [hbm4b:s2+s18], $0x80, s8, s18, $0xb8;
	[tilespmem:$0x1F400] =	vst v63  }
0xd7: {  	_ =	swait.ge [sflag:s31], $0x4000  }
0xd8: {  	[sflag:s31] =	ssyncset.done $0x0  }
0xd9: {  	[sflag:s31] =	ssyncadd.s32 $0xFFFFC000  }
0xda: {  	[spmem:s5] =	stream.indirect.scatter.add.f32 [tilespmem:s19], [sflag:$0x3], $0x80, s17, s18, $0xb8;
	[tilespmem:$0x1F400] =	vst v63  }
0xdb: {  	_ =	swait.ge [sflag:s0], $0x4000  }
0xdc: {  	[sflag:s0] =	ssyncset.done $0x0  }
.Ltmp5:
0xdd: {  	[sflag:s0] =	ssyncadd.s32 $0xFFFFC000;
	(pc) =	sbr.rel @p1 .LBB2_24-.Ltmp5, $4  }
0xde: {  	_ =	swait.ge [sflag:s22], $0x4000  }
0xdf: {  	[sflag:s22] =	ssyncset.done $0x0  }
0xe0: {  	[sflag:s22] =	ssyncadd.s32 $0xFFFFC000  }
0xe1: {  	[spmem:s5] =	stream.indirect.scatter.add.f32 [tilespmem:s26], [sflag:$0x4], $0x80, s3, s18, $0xb8;
	[tilespmem:$0x1F400] =	vst v63  }
0xe2: {  	_ =	swait.ge [sflag:s23], $0xD00  }
0xe3: {  	[sflag:s23] =	ssyncset.done $0x0  }
.Ltmp6:
0xe4: {  	[sflag:s23] =	ssyncadd.s32 $0xFFFFF300;
	(pc) =	sbr.rel .LBB2_18-.Ltmp6, $4  }
0xe5: {  	_ =	swait.ge [sflag:s7], $0xD00  }
0xe6: {  	[sflag:s7] =	ssyncset.done $0x0  }
0xe7: {  	s28 =	sadd.s32 $0x1, s28;
	[sflag:s7] =	ssyncadd.s32 $0xFFFFF300  }
0xe8: {  	[tilespmem:s19], [sflag:$0x1] =	stream.indirect.gather [hbm4b:s2+s18], $0x80, s29, s18, $0xb8;
	[tilespmem:$0x1F400] =	vst v63  }
.LBB2_2:
0xe9: {  	s8 =	rddreg [dreg:$0xf]  }
0xea: {  	[tilespmem:s29], [sflag:$0x7] =	stream.linear.gather [hbm4b:s8+s4], $0xD00, $0x38;
	[tilespmem:$0x1F400] =	vst v63  }
0xeb: {  	_ =	swait.ge [sflag:s13], $0xD00  }
0xec: {  	[sflag:s13] =	ssyncset.done $0x0  }
0xed: {  	s25 =	rddreg [dreg:$0x10];
	[sflag:s13] =	ssyncadd.s32 $0xFFFFF300  }
0xee: {  	[tilespmem:s9], [sflag:$0x7] =	stream.linear.gather [hbm4b:s25+s4], $0xD00, $0x38;
	[tilespmem:$0x1F400] =	vst v63  }
0xef: {  	_ =	swait.ge [sflag:s13], $0xD00  }
0xf0: {  	[sflag:s13] =	ssyncset.done $0x0  }
0xf1: {  	s28 =	simm.s32 $0x0;
	[sflag:s13] =	ssyncadd.s32 $0xFFFFF300  }
0xf2: {  	[tilespmem:s19], [sflag:$0x1] =	stream.indirect.gather [hbm4b:s1+s18], $0x80, s29, s18, $0xb8;
	[tilespmem:$0x1F400] =	vst v63  }
.LBB2_3:
0xf3: {  	s11 =	smul.u32 $0x1A00, s28;
	_ =	sdelay $0x1  }
0xf4: {  	s9 =	sadd.s32 s11, s20  }
0xf5: {  	s8 =	rddreg [dreg:$0x4];
	s9 =	sshrl.u32 s9, $0x3  }
0xf6: {  	s10 =	sadd.s32 s8, s9  }
0xf7: {  	[tilespmem:s24], [sflag:$0x5] =	stream.linear.gather [hbm4b:s10+s4], $0xD00, $0x38;
	[tilespmem:$0x1F400] =	vst v63  }
0xf8: {  	s13 =	sor.u32 s28, s4;
	s10 =	rddreg [dreg:$0x3]  }
0xf9: {  	s12 =	simm.s32 $0x16700;
	p1 =	seq.s32 s13, $0x0;
	s9 =	sadd.s32 s10, s9  }
0xfa: {  	[tilespmem:s12], [sflag:$0x6] =	stream.linear.gather [hbm4b:s9+s4], $0xD00, $0x38;
	[tilespmem:$0x1F400] =	vst v63  }
0xfb: {  	s9 =	simm.s32 @!p1 $0x4  }
0xfc: {  	_ =	swait.ge @!p1 [sflag:s9], $0x4000  }
0xfd: {  	[sflag:s9] =	ssyncset.done @!p1 $0x0  }
0xfe: {  	s14 =	simm.s32 $0x14080;
	[sflag:s9] =	ssyncadd.s32 @!p1 $0xFFFFC000  }
0xff: {  	[tilespmem:s26], [sflag:$0x2] =	stream.indirect.gather [hbm4b:s1+s18], $0x80, s14, s18, $0xb8;
	[tilespmem:$0x1F400] =	vst v63  }
0x100: {  	_ =	swait.ge [sflag:s31], $0x4000  }
0x101: {  	[sflag:s31] =	ssyncset.done $0x0  }
0x102: {  	s16 =	simm.s32 $0x15A00;
	[sflag:s31] =	ssyncadd.s32 $0xFFFFC000  }
0x103: {  	[spmem:s5] =	stream.indirect.scatter.add.f32 [tilespmem:s19], [sflag:$0x3], $0x80, s16, s18, $0xb8;
	[tilespmem:$0x1F400] =	vst v63  }
0x104: {  	s13 =	simm.s32 $0x1;
	_ =	swait.ge [sflag:s0], $0x4000  }
0x105: {  	s13 =	sor.u32 s28, s13;
	[sflag:s0] =	ssyncset.done $0x0  }
0x106: {  	s25 =	simm.s32 $0x14100;
	p2 =	seq.s32 s13, $0x0;
	[sflag:s0] =	ssyncadd.s32 $0xFFFFC000  }
0x107: {  	[tilespmem:s19], [sflag:$0x1] =	stream.indirect.gather [hbm4b:s1+s18], $0x80, s25, s18, $0xb8;
	[tilespmem:$0x1F400] =	vst v63  }
0x108: {  	s13 =	simm.s32 $0x15A80;
	s10 =	simm.s32 $0x2;
	_ =	swait.ge [sflag:s22], $0x4000  }
0x109: {  	s12 =	simm.s32 $0x14200;
	s9 =	simm.s32 $0x15B00;
	[sflag:s22] =	ssyncset.done $0x0  }
.LBB2_4:
0x10a: {  	s14 =	simm.s32 @!p2 $0x4;
	[sflag:s22] =	ssyncadd.s32 $0xFFFFC000;
	s25 =	smov.u32 s10  }
0x10b: {  	s10 =	sadd.s32 $0x1, s10;
	s16 =	smov.u32 s12;
	s8 =	smov.u32 s9  }
0x10c: {  	[spmem:s5] =	stream.indirect.scatter.add.f32 [tilespmem:s26], [sflag:$0x4], $0x80, s13, s18, $0xb8;
	[tilespmem:$0x1F400] =	vst v63  }
0x10d: {  	p1 =	sne.s32 s10, $0xC;
	_ =	swait.ge @!p2 [sflag:s14], $0x4000  }
0x10e: {  	[sflag:s14] =	ssyncset.done @!p2 $0x0  }
0x10f: {  	s13 =	sadd.s32 $0xFFFFFF80, s12;
	[sflag:s14] =	ssyncadd.s32 @!p2 $0xFFFFC000  }
0x110: {  	[tilespmem:s26], [sflag:$0x2] =	stream.indirect.gather [hbm4b:s1+s18], $0x80, s13, s18, $0xb8;
	[tilespmem:$0x1F400] =	vst v63  }
0x111: {  	_ =	swait.ge [sflag:s31], $0x4000  }
0x112: {  	[sflag:s31] =	ssyncset.done $0x0  }
0x113: {  	[sflag:s31] =	ssyncadd.s32 $0xFFFFC000  }
0x114: {  	[spmem:s5] =	stream.indirect.scatter.add.f32 [tilespmem:s19], [sflag:$0x3], $0x80, s9, s18, $0xb8;
	[tilespmem:$0x1F400] =	vst v63  }
0x115: {  	_ =	swait.ge [sflag:s0], $0x4000  }
.Ltmp7:
0x116: {  	[sflag:s0] =	ssyncset.done $0x0;
	(pc) =	sbr.rel @p1 .LBB2_4-.Ltmp7, $4  }
0x117: {  	s12 =	sadd.s32 $0x100, s12;
	[sflag:s0] =	ssyncadd.s32 $0xFFFFC000  }
0x118: {  	[tilespmem:s19], [sflag:$0x1] =	stream.indirect.gather [hbm4b:s1+s18], $0x80, s16, s18, $0xb8;
	[tilespmem:$0x1F400] =	vst v63  }
0x119: {  	s13 =	sor.u32 s28, s25;
	s9 =	sadd.s32 $0x100, s9;
	_ =	swait.ge [sflag:s22], $0x4000  }
0x11a: {  	p2 =	seq.s32 s13, $0x0;
	s13 =	sadd.s32 $0x80, s8;
	[sflag:s22] =	ssyncset.done $0x0  }
0x11b: {  	s8 =	simm.s32 @!p2 $0x4;
	[sflag:s22] =	ssyncadd.s32 $0xFFFFC000  }
0x11c: {  	[spmem:s5] =	stream.indirect.scatter.add.f32 [tilespmem:s26], [sflag:$0x4], $0x80, s13, s18, $0xb8;
	[tilespmem:$0x1F400] =	vst v63  }
0x11d: {  	_ =	swait.ge @!p2 [sflag:s8], $0x4000  }
0x11e: {  	[sflag:s8] =	ssyncset.done @!p2 $0x0  }
0x11f: {  	s25 =	sadd.s32 $0xFFFFFF80, s12;
	[sflag:s8] =	ssyncadd.s32 @!p2 $0xFFFFC000  }
0x120: {  	[tilespmem:s26], [sflag:$0x2] =	stream.indirect.gather [hbm4b:s1+s18], $0x80, s25, s18, $0xb8;
	[tilespmem:$0x1F400] =	vst v63  }
0x121: {  	_ =	swait.ge [sflag:s31], $0x4000  }
0x122: {  	[sflag:s31] =	ssyncset.done $0x0  }
0x123: {  	[sflag:s31] =	ssyncadd.s32 $0xFFFFC000  }
0x124: {  	[spmem:s5] =	stream.indirect.scatter.add.f32 [tilespmem:s19], [sflag:$0x3], $0x80, s9, s18, $0xb8;
	[tilespmem:$0x1F400] =	vst v63  }
0x125: {  	_ =	swait.ge [sflag:s0], $0x4000  }
0x126: {  	[sflag:s0] =	ssyncset.done $0x0  }
0x127: {  	[sflag:s0] =	ssyncadd.s32 $0xFFFFC000  }
0x128: {  	[tilespmem:s19], [sflag:$0x1] =	stream.indirect.gather [hbm4b:s1+s18], $0x80, s12, s18, $0xb8;
	[tilespmem:$0x1F400] =	vst v63  }
0x129: {  	_ =	swait.ge [sflag:s22], $0x4000  }
0x12a: {  	[sflag:s22] =	ssyncset.done $0x0  }
0x12b: {  	s9 =	sadd.s32 $0x80, s9;
	[sflag:s22] =	ssyncadd.s32 $0xFFFFC000  }
0x12c: {  	[spmem:s5] =	stream.indirect.scatter.add.f32 [tilespmem:s26], [sflag:$0x4], $0x80, s9, s18, $0xb8;
	[tilespmem:$0x1F400] =	vst v63  }
0x12d: {  	_ =	swait.ge [sflag:s6], $0x4000  }
0x12e: {  	[sflag:s6] =	ssyncset.done $0x0  }
0x12f: {  	s10 =	simm.s32 $0x14C80;
	[sflag:s6] =	ssyncadd.s32 $0xFFFFC000  }
0x130: {  	[tilespmem:s26], [sflag:$0x2] =	stream.indirect.gather [hbm4b:s1+s18], $0x80, s10, s18, $0xb8;
	[tilespmem:$0x1F400] =	vst v63  }
0x131: {  	_ =	swait.ge [sflag:s31], $0x4000  }
0x132: {  	[sflag:s31] =	ssyncset.done $0x0  }
0x133: {  	s12 =	simm.s32 $0x16600;
	[sflag:s31] =	ssyncadd.s32 $0xFFFFC000  }
0x134: {  	[spmem:s5] =	stream.indirect.scatter.add.f32 [tilespmem:s19], [sflag:$0x3], $0x80, s12, s18, $0xb8;
	[tilespmem:$0x1F400] =	vst v63  }
0x135: {  	_ =	swait.ge [sflag:s0], $0x4000  }
0x136: {  	[sflag:s0] =	ssyncset.done $0x0  }
0x137: {  	[sflag:s0] =	ssyncadd.s32 $0xFFFFC000  }
0x138: {  	_ =	swait.ge [sflag:s22], $0x4000  }
0x139: {  	[sflag:s22] =	ssyncset.done $0x0  }
0x13a: {  	s13 =	simm.s32 $0x16680;
	[sflag:s22] =	ssyncadd.s32 $0xFFFFC000  }
0x13b: {  	[spmem:s5] =	stream.indirect.scatter.add.f32 [tilespmem:s26], [sflag:$0x4], $0x80, s13, s18, $0xb8;
	[tilespmem:$0x1F400] =	vst v63  }
0x13c: {  	_ =	swait.ge [sflag:s23], $0xD00  }
0x13d: {  	[sflag:s23] =	ssyncset.done $0x0  }
0x13e: {  	[sflag:s23] =	ssyncadd.s32 $0xFFFFF300  }
0x13f: {  	_ =	swait.ge [sflag:s7], $0xD00  }
0x140: {  	p1 =	seq.s32 s28, $0x2;
	[sflag:s7] =	ssyncset.done $0x0  }
0x141: {  	s8 =	sadd.s32 @!p1 s11, s21;
	[sflag:s7] =	ssyncadd.s32 $0xFFFFF300  }
0x142: {  	[tilespmem:s19], [sflag:$0x1] =	stream.indirect.gather [hbm4b:s1+s18], $0x80, s24, s18, $0xb8;
	[tilespmem:$0x1F400] =	vst v63  }
0x143: {  	s8 =	sshrl.u32 @!p1 s8, $0x3;
	s9 =	rddreg [dreg:$0x4]  }
0x144: {  	s11 =	simm.s32 @!p1 $0x14000;
	s10 =	simm.s32 @!p1 $0x0;
	s9 =	sadd.s32 @!p1 s9, s8  }
0x145: {  	[tilespmem:s11], [sflag:$0x5] =	stream.linear.gather @!p1 [hbm4b:s9+s10], $0xD00, $0x38;
	[tilespmem:$0x1F400] =	vst v63  }
0x146: {  	s9 =	rddreg [dreg:$0x3]  }
0x147: {  	s8 =	sadd.s32 @!p1 s9, s8;
	s9 =	simm.s32 @!p1 $0x15A00  }
0x148: {  	[tilespmem:s9], [sflag:$0x6] =	stream.linear.gather @!p1 [hbm4b:s8+s10], $0xD00, $0x38;
	[tilespmem:$0x1F400] =	vst v63  }
0x149: {  	_ =	swait.ge [sflag:s6], $0x4000  }
0x14a: {  	[sflag:s6] =	ssyncset.done $0x0  }
0x14b: {  	s14 =	simm.s32 $0x14D80;
	[sflag:s6] =	ssyncadd.s32 $0xFFFFC000  }
0x14c: {  	[tilespmem:s26], [sflag:$0x2] =	stream.indirect.gather [hbm4b:s1+s18], $0x80, s14, s18, $0xb8;
	[tilespmem:$0x1F400] =	vst v63  }
0x14d: {  	_ =	swait.ge [sflag:s31], $0x4000  }
0x14e: {  	[sflag:s31] =	ssyncset.done $0x0  }
0x14f: {  	s16 =	simm.s32 $0x16700;
	[sflag:s31] =	ssyncadd.s32 $0xFFFFC000  }
0x150: {  	[spmem:s5] =	stream.indirect.scatter.add.f32 [tilespmem:s19], [sflag:$0x3], $0x80, s16, s18, $0xb8;
	[tilespmem:$0x1F400] =	vst v63  }
0x151: {  	_ =	swait.ge [sflag:s0], $0x4000  }
0x152: {  	[sflag:s0] =	ssyncset.done $0x0  }
0x153: {  	s25 =	simm.s32 $0x14E00;
	[sflag:s0] =	ssyncadd.s32 $0xFFFFC000  }
0x154: {  	[tilespmem:s19], [sflag:$0x1] =	stream.indirect.gather [hbm4b:s1+s18], $0x80, s25, s18, $0xb8;
	[tilespmem:$0x1F400] =	vst v63  }
0x155: {  	_ =	swait.ge [sflag:s22], $0x4000  }
0x156: {  	[sflag:s22] =	ssyncset.done $0x0  }
0x157: {  	s9 =	simm.s32 $0x400;
	s10 =	simm.s32 $0x16780;
	[sflag:s22] =	ssyncadd.s32 $0xFFFFC000  }
.LBB2_6:
0x158: {  	[spmem:s5] =	stream.indirect.scatter.add.f32 [tilespmem:s26], [sflag:$0x4], $0x80, s10, s18, $0xb8;
	[tilespmem:$0x1F400] =	vst v63  }
0x159: {  	s8 =	smov.u32 s9  }
0x15a: {  	p2 =	sne.s32 s9, $0x2C00;
	s9 =	sadd.s32 $0x400, s9;
	_ =	swait.ge [sflag:s6], $0x4000  }
0x15b: {  	s8 =	sshra.s32 s8, $0x2;
	[sflag:s6] =	ssyncset.done $0x0  }
0x15c: {  	s10 =	sadd.s32 $0x14D80, s8;
	[sflag:s6] =	ssyncadd.s32 $0xFFFFC000  }
0x15d: {  	[tilespmem:s26], [sflag:$0x2] =	stream.indirect.gather [hbm4b:s1+s18], $0x80, s10, s18, $0xb8;
	[tilespmem:$0x1F400] =	vst v63  }
0x15e: {  	_ =	swait.ge [sflag:s31], $0x4000  }
0x15f: {  	[sflag:s31] =	ssyncset.done $0x0  }
0x160: {  	s10 =	sadd.s32 $0x16700, s8;
	[sflag:s31] =	ssyncadd.s32 $0xFFFFC000  }
0x161: {  	[spmem:s5] =	stream.indirect.scatter.add.f32 [tilespmem:s19], [sflag:$0x3], $0x80, s10, s18, $0xb8;
	[tilespmem:$0x1F400] =	vst v63  }
0x162: {  	_ =	swait.ge [sflag:s0], $0x4000  }
0x163: {  	[sflag:s0] =	ssyncset.done $0x0  }
.Ltmp8:
0x164: {  	s10 =	sadd.s32 $0x14E00, s8;
	[sflag:s0] =	ssyncadd.s32 $0xFFFFC000;
	(pc) =	sbr.rel @p2 .LBB2_6-.Ltmp8, $4  }
0x165: {  	[tilespmem:s19], [sflag:$0x1] =	stream.indirect.gather [hbm4b:s1+s18], $0x80, s10, s18, $0xb8;
	[tilespmem:$0x1F400] =	vst v63  }
0x166: {  	_ =	swait.ge [sflag:s22], $0x4000  }
0x167: {  	[sflag:s22] =	ssyncset.done $0x0  }
0x168: {  	s10 =	sadd.s32 $0x16780, s8;
	[sflag:s22] =	ssyncadd.s32 $0xFFFFC000  }
0x169: {  	[spmem:s5] =	stream.indirect.scatter.add.f32 [tilespmem:s26], [sflag:$0x4], $0x80, s10, s18, $0xb8;
	[tilespmem:$0x1F400] =	vst v63  }
0x16a: {  	_ =	swait.ge [sflag:s6], $0x4000  }
0x16b: {  	[sflag:s6] =	ssyncset.done $0x0  }
0x16c: {  	s8 =	simm.s32 $0x15980;
	[sflag:s6] =	ssyncadd.s32 $0xFFFFC000  }
0x16d: {  	[tilespmem:s26], [sflag:$0x2] =	stream.indirect.gather [hbm4b:s1+s18], $0x80, s8, s18, $0xb8;
	[tilespmem:$0x1F400] =	vst v63  }
0x16e: {  	_ =	swait.ge [sflag:s31], $0x4000  }
0x16f: {  	[sflag:s31] =	ssyncset.done $0x0  }
0x170: {  	[sflag:s31] =	ssyncadd.s32 $0xFFFFC000  }
0x171: {  	[spmem:s5] =	stream.indirect.scatter.add.f32 [tilespmem:s19], [sflag:$0x3], $0x80, s17, s18, $0xb8;
	[tilespmem:$0x1F400] =	vst v63  }
0x172: {  	_ =	swait.ge [sflag:s0], $0x4000  }
0x173: {  	[sflag:s0] =	ssyncset.done $0x0  }
.Ltmp9:
0x174: {  	[sflag:s0] =	ssyncadd.s32 $0xFFFFC000;
	(pc) =	sbr.rel @p1 .LBB2_9-.Ltmp9, $4  }
0x175: {  	_ =	swait.ge [sflag:s22], $0x4000  }
0x176: {  	[sflag:s22] =	ssyncset.done $0x0  }
0x177: {  	[sflag:s22] =	ssyncadd.s32 $0xFFFFC000  }
0x178: {  	[spmem:s5] =	stream.indirect.scatter.add.f32 [tilespmem:s26], [sflag:$0x4], $0x80, s3, s18, $0xb8;
	[tilespmem:$0x1F400] =	vst v63  }
0x179: {  	_ =	swait.ge [sflag:s23], $0xD00  }
0x17a: {  	[sflag:s23] =	ssyncset.done $0x0  }
.Ltmp10:
0x17b: {  	[sflag:s23] =	ssyncadd.s32 $0xFFFFF300;
	(pc) =	sbr.rel .LBB2_3-.Ltmp10, $4  }
0x17c: {  	_ =	swait.ge [sflag:s7], $0xD00  }
0x17d: {  	[sflag:s7] =	ssyncset.done $0x0  }
0x17e: {  	s28 =	sadd.s32 $0x1, s28;
	[sflag:s7] =	ssyncadd.s32 $0xFFFFF300  }
0x17f: {  	[tilespmem:s19], [sflag:$0x1] =	stream.indirect.gather [hbm4b:s1+s18], $0x80, s29, s18, $0xb8;
	[tilespmem:$0x1F400] =	vst v63  }
.LBB2_24:
0x180: {  	_ =	swait.ge [sflag:s6], $0x4000  }
0x181: {  	s4 =	simm.s32 $0x0;
	[sflag:s6] =	ssyncset.done $0x0  }
0x182: {  	s10 =	simm.s32 $0x7;
	s8 =	rddreg [dreg:$0x1e];
	[sflag:s6] =	ssyncadd.s32 $0xFFFFC000  }
0x183: {  	[tilespmem:s29], [sflag:$0x7] =	stream.linear.gather [hbm4b:s8+s4], $0x20, $0x38;
	[tilespmem:$0x1F400] =	vst v63  }
0x184: {  	_ =	swait.ge [sflag:s10], $0x20  }
0x185: {  	[sflag:s10] =	ssyncset.done $0x0  }
0x186: {  	s11 =	simm.s32 $0x15A00;
	s9 =	rddreg [dreg:$0x1f];
	[sflag:s10] =	ssyncadd.s32 $0xFFFFFFE0  }
0x187: {  	[tilespmem:s11], [sflag:$0x7] =	stream.linear.gather [hbm4b:s9+s4], $0x20, $0x38;
	[tilespmem:$0x1F400] =	vst v63  }
0x188: {  	_ =	swait.ge [sflag:s10], $0x20  }
0x189: {  	[sflag:s10] =	ssyncset.done $0x0  }
0x18a: {  	s12 =	simm.s32 $0x20;
	[sflag:s10] =	ssyncadd.s32 $0xFFFFFFE0  }
0x18b: {  	[tilespmem:s19], [sflag:$0x1] =	stream.indirect.gather [hbm4b:s2+s12], $0x80, s29, s12, $0xb8;
	[tilespmem:$0x1F400] =	vst v63  }
0x18c: {  	_ =	swait.ge [sflag:s31], $0x1000  }
0x18d: {  	[sflag:s31] =	ssyncset.done $0x0  }
0x18e: {  	[sflag:s31] =	ssyncadd.s32 $0xFFFFF000  }
0x18f: {  	[spmem:s5] =	stream.indirect.scatter.add.f32 [tilespmem:s19], [sflag:$0x7], $0x80, s11, s12, $0xb8;
	[tilespmem:$0x1F400] =	vst v63  }
0x190: {  	_ =	swait.ge [sflag:s10], $0x1000  }
0x191: {  	[sflag:s10] =	ssyncset.done $0x0  }
0x192: {  	[sflag:s10] =	ssyncadd.s32 $0xFFFFF000  }
0x193: {  	[bflag:$0x0] =	sbarrier.arrive $0xFFFF  }
0x194: {  	s13 =	sld [smem:$0x7FD]  }
0x195: {  	s12 =	sld [smem:$0x7FC];
	_ =	sdelay $0x1  }
0x196: {  	s9 =	rddreg [dreg:$0xe]  }
0x197: {  	[hbm:s13], [sflag:s9] =	dma.local [spmem:s12], $0x2800  }
0x198: {  	_ =	swait.ge [sflag:s10], $0x2800  }
0x199: {  	[sflag:s10] =	ssyncset.done $0x0  }
0x19a: {  	s14 =	rddreg [dreg:$0x7];
	[sflag:s10] =	ssyncadd.s32 $0xFFFFD800  }
0x19b: {  	[spmem:s12], [sflag:s9] =	dma.local [hbm:s14], $0x2800  }
0x19c: {  	_ =	swait.ge [sflag:s10], $0x2800  }
0x19d: {  	[sflag:s10] =	ssyncset.done $0x0  }
0x19e: {  	[sflag:s10] =	ssyncadd.s32 $0xFFFFD800  }
0x19f: {  	[bflag:$0x0] =	sbarrier.arrive $0xFFFF  }
0x1a0: {  	s16 =	rddreg [dreg:$0x17]  }
0x1a1: {  	[tilespmem:s29], [sflag:$0x7] =	stream.linear.gather [hbm4b:s16+s4], $0xD00, $0x38;
	[tilespmem:$0x1F400] =	vst v63  }
0x1a2: {  	_ =	swait.ge [sflag:s10], $0xD00  }
0x1a3: {  	[sflag:s10] =	ssyncset.done $0x0  }
0x1a4: {  	s25 =	rddreg [dreg:$0x18];
	[sflag:s10] =	ssyncadd.s32 $0xFFFFF300  }
0x1a5: {  	[tilespmem:s11], [sflag:$0x7] =	stream.linear.gather [hbm4b:s25+s4], $0xD00, $0x38;
	[tilespmem:$0x1F400] =	vst v63  }
0x1a6: {  	_ =	swait.ge [sflag:s10], $0xD00  }
0x1a7: {  	[sflag:s10] =	ssyncset.done $0x0  }
0x1a8: {  	s28 =	simm.s32 $0x0;
	[sflag:s10] =	ssyncadd.s32 $0xFFFFF300  }
0x1a9: {  	[tilespmem:s19], [sflag:$0x1] =	stream.indirect.gather [hbm4b:s1+s18], $0x80, s29, s18, $0xb8;
	[tilespmem:$0x1F400] =	vst v63  }
.LBB2_25:
0x1aa: {  	s11 =	smul.u32 $0x1A00, s28;
	_ =	sdelay $0x1  }
0x1ab: {  	s8 =	sadd.s32 s11, s20  }
0x1ac: {  	s8 =	sshrl.u32 s8, $0x3  }
0x1ad: {  	s10 =	sor.u32 s28, s4;
	s9 =	sadd.s32 s30, s8  }
0x1ae: {  	[tilespmem:s24], [sflag:$0x5] =	stream.linear.gather [hbm4b:s9+s4], $0xD00, $0x38;
	[tilespmem:$0x1F400] =	vst v63  }
0x1af: {  	s25 =	simm.s32 $0x16700;
	p1 =	seq.s32 s10, $0x0;
	s8 =	sadd.s32 s15, s8  }
0x1b0: {  	[tilespmem:s25], [sflag:$0x6] =	stream.linear.gather [hbm4b:s8+s4], $0xD00, $0x38;
	[tilespmem:$0x1F400] =	vst v63  }
0x1b1: {  	s8 =	simm.s32 @!p1 $0x4  }
0x1b2: {  	_ =	swait.ge @!p1 [sflag:s8], $0x4000  }
0x1b3: {  	[sflag:s8] =	ssyncset.done @!p1 $0x0  }
0x1b4: {  	s12 =	simm.s32 $0x14080;
	[sflag:s8] =	ssyncadd.s32 @!p1 $0xFFFFC000  }
0x1b5: {  	[tilespmem:s26], [sflag:$0x2] =	stream.indirect.gather [hbm4b:s1+s18], $0x80, s12, s18, $0xb8;
	[tilespmem:$0x1F400] =	vst v63  }
0x1b6: {  	_ =	swait.ge [sflag:s31], $0x4000  }
0x1b7: {  	[sflag:s31] =	ssyncset.done $0x0  }
0x1b8: {  	s13 =	simm.s32 $0x15A00;
	[sflag:s31] =	ssyncadd.s32 $0xFFFFC000  }
0x1b9: {  	[spmem:s5] =	stream.indirect.scatter.add.f32 [tilespmem:s19], [sflag:$0x3], $0x80, s13, s18, $0xb8;
	[tilespmem:$0x1F400] =	vst v63  }
0x1ba: {  	_ =	swait.ge [sflag:s0], $0x4000  }
0x1bb: {  	s14 =	simm.s32 $0x14100;
	s16 =	simm.s32 $0x1;
	[sflag:s0] =	ssyncset.done $0x0  }
0x1bc: {  	s10 =	simm.s32 $0x2;
	s25 =	sor.u32 s28, s16;
	[sflag:s0] =	ssyncadd.s32 $0xFFFFC000  }
0x1bd: {  	[tilespmem:s19], [sflag:$0x1] =	stream.indirect.gather [hbm4b:s1+s18], $0x80, s14, s18, $0xb8;
	[tilespmem:$0x1F400] =	vst v63  }
0x1be: {  	s9 =	simm.s32 $0x15B00;
	p2 =	seq.s32 s25, $0x0;
	_ =	swait.ge [sflag:s22], $0x4000  }
0x1bf: {  	s12 =	simm.s32 $0x14200;
	s13 =	simm.s32 $0x15A80;
	[sflag:s22] =	ssyncset.done $0x0  }
.LBB2_26:
0x1c0: {  	s8 =	simm.s32 @!p2 $0x4;
	[sflag:s22] =	ssyncadd.s32 $0xFFFFC000;
	s14 =	smov.u32 s10  }
0x1c1: {  	s10 =	sadd.s32 $0x1, s10;
	s16 =	smov.u32 s12;
	s25 =	smov.u32 s9  }
0x1c2: {  	[spmem:s5] =	stream.indirect.scatter.add.f32 [tilespmem:s26], [sflag:$0x4], $0x80, s13, s18, $0xb8;
	[tilespmem:$0x1F400] =	vst v63  }
0x1c3: {  	p1 =	sne.s32 s10, $0xC;
	_ =	swait.ge @!p2 [sflag:s8], $0x4000  }
0x1c4: {  	[sflag:s8] =	ssyncset.done @!p2 $0x0  }
0x1c5: {  	[sflag:s8] =	ssyncadd.s32 @!p2 $0xFFFFC000;
	s8 =	sadd.s32 $0xFFFFFF80, s12  }
0x1c6: {  	[tilespmem:s26], [sflag:$0x2] =	stream.indirect.gather [hbm4b:s1+s18], $0x80, s8, s18, $0xb8;
	[tilespmem:$0x1F400] =	vst v63  }
0x1c7: {  	_ =	swait.ge [sflag:s31], $0x4000  }
0x1c8: {  	[sflag:s31] =	ssyncset.done $0x0  }
0x1c9: {  	[sflag:s31] =	ssyncadd.s32 $0xFFFFC000  }
0x1ca: {  	[spmem:s5] =	stream.indirect.scatter.add.f32 [tilespmem:s19], [sflag:$0x3], $0x80, s9, s18, $0xb8;
	[tilespmem:$0x1F400] =	vst v63  }
0x1cb: {  	_ =	swait.ge [sflag:s0], $0x4000  }
.Ltmp11:
0x1cc: {  	[sflag:s0] =	ssyncset.done $0x0;
	(pc) =	sbr.rel @p1 .LBB2_26-.Ltmp11, $4  }
0x1cd: {  	s12 =	sadd.s32 $0x100, s12;
	[sflag:s0] =	ssyncadd.s32 $0xFFFFC000  }
0x1ce: {  	[tilespmem:s19], [sflag:$0x1] =	stream.indirect.gather [hbm4b:s1+s18], $0x80, s16, s18, $0xb8;
	[tilespmem:$0x1F400] =	vst v63  }
0x1cf: {  	s8 =	sor.u32 s28, s14;
	s9 =	sadd.s32 $0x100, s9;
	_ =	swait.ge [sflag:s22], $0x4000  }
0x1d0: {  	s13 =	sadd.s32 $0x80, s25;
	p2 =	seq.s32 s8, $0x0;
	[sflag:s22] =	ssyncset.done $0x0  }
0x1d1: {  	s8 =	simm.s32 @!p2 $0x4;
	[sflag:s22] =	ssyncadd.s32 $0xFFFFC000  }
0x1d2: {  	[spmem:s5] =	stream.indirect.scatter.add.f32 [tilespmem:s26], [sflag:$0x4], $0x80, s13, s18, $0xb8;
	[tilespmem:$0x1F400] =	vst v63  }
0x1d3: {  	_ =	swait.ge @!p2 [sflag:s8], $0x4000  }
0x1d4: {  	[sflag:s8] =	ssyncset.done @!p2 $0x0  }
0x1d5: {  	s25 =	sadd.s32 $0xFFFFFF80, s12;
	[sflag:s8] =	ssyncadd.s32 @!p2 $0xFFFFC000  }
0x1d6: {  	[tilespmem:s26], [sflag:$0x2] =	stream.indirect.gather [hbm4b:s1+s18], $0x80, s25, s18, $0xb8;
	[tilespmem:$0x1F400] =	vst v63  }
0x1d7: {  	_ =	swait.ge [sflag:s31], $0x4000  }
0x1d8: {  	[sflag:s31] =	ssyncset.done $0x0  }
0x1d9: {  	[sflag:s31] =	ssyncadd.s32 $0xFFFFC000  }
0x1da: {  	[spmem:s5] =	stream.indirect.scatter.add.f32 [tilespmem:s19], [sflag:$0x3], $0x80, s9, s18, $0xb8;
	[tilespmem:$0x1F400] =	vst v63  }
0x1db: {  	_ =	swait.ge [sflag:s0], $0x4000  }
0x1dc: {  	[sflag:s0] =	ssyncset.done $0x0  }
0x1dd: {  	[sflag:s0] =	ssyncadd.s32 $0xFFFFC000  }
0x1de: {  	[tilespmem:s19], [sflag:$0x1] =	stream.indirect.gather [hbm4b:s1+s18], $0x80, s12, s18, $0xb8;
	[tilespmem:$0x1F400] =	vst v63  }
0x1df: {  	_ =	swait.ge [sflag:s22], $0x4000  }
0x1e0: {  	[sflag:s22] =	ssyncset.done $0x0  }
0x1e1: {  	s9 =	sadd.s32 $0x80, s9;
	[sflag:s22] =	ssyncadd.s32 $0xFFFFC000  }
0x1e2: {  	[spmem:s5] =	stream.indirect.scatter.add.f32 [tilespmem:s26], [sflag:$0x4], $0x80, s9, s18, $0xb8;
	[tilespmem:$0x1F400] =	vst v63  }
0x1e3: {  	_ =	swait.ge [sflag:s6], $0x4000  }
0x1e4: {  	[sflag:s6] =	ssyncset.done $0x0  }
0x1e5: {  	s10 =	simm.s32 $0x14C80;
	[sflag:s6] =	ssyncadd.s32 $0xFFFFC000  }
0x1e6: {  	[tilespmem:s26], [sflag:$0x2] =	stream.indirect.gather [hbm4b:s1+s18], $0x80, s10, s18, $0xb8;
	[tilespmem:$0x1F400] =	vst v63  }
0x1e7: {  	_ =	swait.ge [sflag:s31], $0x4000  }
0x1e8: {  	[sflag:s31] =	ssyncset.done $0x0  }
0x1e9: {  	s12 =	simm.s32 $0x16600;
	[sflag:s31] =	ssyncadd.s32 $0xFFFFC000  }
0x1ea: {  	[spmem:s5] =	stream.indirect.scatter.add.f32 [tilespmem:s19], [sflag:$0x3], $0x80, s12, s18, $0xb8;
	[tilespmem:$0x1F400] =	vst v63  }
0x1eb: {  	_ =	swait.ge [sflag:s0], $0x4000  }
0x1ec: {  	[sflag:s0] =	ssyncset.done $0x0  }
0x1ed: {  	[sflag:s0] =	ssyncadd.s32 $0xFFFFC000  }
0x1ee: {  	_ =	swait.ge [sflag:s22], $0x4000  }
0x1ef: {  	[sflag:s22] =	ssyncset.done $0x0  }
0x1f0: {  	s13 =	simm.s32 $0x16680;
	[sflag:s22] =	ssyncadd.s32 $0xFFFFC000  }
0x1f1: {  	[spmem:s5] =	stream.indirect.scatter.add.f32 [tilespmem:s26], [sflag:$0x4], $0x80, s13, s18, $0xb8;
	[tilespmem:$0x1F400] =	vst v63  }
0x1f2: {  	_ =	swait.ge [sflag:s23], $0xD00  }
0x1f3: {  	[sflag:s23] =	ssyncset.done $0x0  }
0x1f4: {  	[sflag:s23] =	ssyncadd.s32 $0xFFFFF300  }
0x1f5: {  	p1 =	seq.s32 s28, $0x2;
	_ =	swait.ge [sflag:s7], $0xD00  }
0x1f6: {  	s8 =	sadd.s32 @!p1 s11, s21;
	[sflag:s7] =	ssyncset.done $0x0  }
0x1f7: {  	s8 =	sshrl.u32 @!p1 s8, $0x3;
	[sflag:s7] =	ssyncadd.s32 $0xFFFFF300  }
0x1f8: {  	[tilespmem:s19], [sflag:$0x1] =	stream.indirect.gather [hbm4b:s1+s18], $0x80, s24, s18, $0xb8;
	[tilespmem:$0x1F400] =	vst v63  }
0x1f9: {  	s11 =	simm.s32 @!p1 $0x14000;
	s9 =	sadd.s32 @!p1 s30, s8;
	s10 =	simm.s32 @!p1 $0x0  }
0x1fa: {  	[tilespmem:s11], [sflag:$0x5] =	stream.linear.gather @!p1 [hbm4b:s9+s10], $0xD00, $0x38;
	[tilespmem:$0x1F400] =	vst v63  }
0x1fb: {  	s8 =	sadd.s32 @!p1 s15, s8;
	s9 =	simm.s32 @!p1 $0x15A00  }
0x1fc: {  	[tilespmem:s9], [sflag:$0x6] =	stream.linear.gather @!p1 [hbm4b:s8+s10], $0xD00, $0x38;
	[tilespmem:$0x1F400] =	vst v63  }
0x1fd: {  	_ =	swait.ge [sflag:s6], $0x4000  }
0x1fe: {  	[sflag:s6] =	ssyncset.done $0x0  }
0x1ff: {  	s14 =	simm.s32 $0x14D80;
	[sflag:s6] =	ssyncadd.s32 $0xFFFFC000  }
0x200: {  	[tilespmem:s26], [sflag:$0x2] =	stream.indirect.gather [hbm4b:s1+s18], $0x80, s14, s18, $0xb8;
	[tilespmem:$0x1F400] =	vst v63  }
0x201: {  	_ =	swait.ge [sflag:s31], $0x4000  }
0x202: {  	[sflag:s31] =	ssyncset.done $0x0  }
0x203: {  	s16 =	simm.s32 $0x16700;
	[sflag:s31] =	ssyncadd.s32 $0xFFFFC000  }
0x204: {  	[spmem:s5] =	stream.indirect.scatter.add.f32 [tilespmem:s19], [sflag:$0x3], $0x80, s16, s18, $0xb8;
	[tilespmem:$0x1F400] =	vst v63  }
0x205: {  	_ =	swait.ge [sflag:s0], $0x4000  }
0x206: {  	[sflag:s0] =	ssyncset.done $0x0  }
0x207: {  	s25 =	simm.s32 $0x14E00;
	[sflag:s0] =	ssyncadd.s32 $0xFFFFC000  }
0x208: {  	[tilespmem:s19], [sflag:$0x1] =	stream.indirect.gather [hbm4b:s1+s18], $0x80, s25, s18, $0xb8;
	[tilespmem:$0x1F400] =	vst v63  }
0x209: {  	_ =	swait.ge [sflag:s22], $0x4000  }
0x20a: {  	[sflag:s22] =	ssyncset.done $0x0  }
0x20b: {  	s9 =	simm.s32 $0x400;
	s10 =	simm.s32 $0x16780;
	[sflag:s22] =	ssyncadd.s32 $0xFFFFC000  }
.LBB2_28:
0x20c: {  	[spmem:s5] =	stream.indirect.scatter.add.f32 [tilespmem:s26], [sflag:$0x4], $0x80, s10, s18, $0xb8;
	[tilespmem:$0x1F400] =	vst v63  }
0x20d: {  	s8 =	smov.u32 s9  }
0x20e: {  	p2 =	sne.s32 s9, $0x2C00;
	s9 =	sadd.s32 $0x400, s9;
	_ =	swait.ge [sflag:s6], $0x4000  }
0x20f: {  	s8 =	sshra.s32 s8, $0x2;
	[sflag:s6] =	ssyncset.done $0x0  }
0x210: {  	s10 =	sadd.s32 $0x14D80, s8;
	[sflag:s6] =	ssyncadd.s32 $0xFFFFC000  }
0x211: {  	[tilespmem:s26], [sflag:$0x2] =	stream.indirect.gather [hbm4b:s1+s18], $0x80, s10, s18, $0xb8;
	[tilespmem:$0x1F400] =	vst v63  }
0x212: {  	_ =	swait.ge [sflag:s31], $0x4000  }
0x213: {  	[sflag:s31] =	ssyncset.done $0x0  }
0x214: {  	s10 =	sadd.s32 $0x16700, s8;
	[sflag:s31] =	ssyncadd.s32 $0xFFFFC000  }
0x215: {  	[spmem:s5] =	stream.indirect.scatter.add.f32 [tilespmem:s19], [sflag:$0x3], $0x80, s10, s18, $0xb8;
	[tilespmem:$0x1F400] =	vst v63  }
0x216: {  	_ =	swait.ge [sflag:s0], $0x4000  }
0x217: {  	[sflag:s0] =	ssyncset.done $0x0  }
.Ltmp12:
0x218: {  	s10 =	sadd.s32 $0x14E00, s8;
	[sflag:s0] =	ssyncadd.s32 $0xFFFFC000;
	(pc) =	sbr.rel @p2 .LBB2_28-.Ltmp12, $4  }
0x219: {  	[tilespmem:s19], [sflag:$0x1] =	stream.indirect.gather [hbm4b:s1+s18], $0x80, s10, s18, $0xb8;
	[tilespmem:$0x1F400] =	vst v63  }
0x21a: {  	_ =	swait.ge [sflag:s22], $0x4000  }
0x21b: {  	[sflag:s22] =	ssyncset.done $0x0  }
0x21c: {  	s10 =	sadd.s32 $0x16780, s8;
	[sflag:s22] =	ssyncadd.s32 $0xFFFFC000  }
0x21d: {  	[spmem:s5] =	stream.indirect.scatter.add.f32 [tilespmem:s26], [sflag:$0x4], $0x80, s10, s18, $0xb8;
	[tilespmem:$0x1F400] =	vst v63  }
0x21e: {  	_ =	swait.ge [sflag:s6], $0x4000  }
0x21f: {  	[sflag:s6] =	ssyncset.done $0x0  }
0x220: {  	s8 =	simm.s32 $0x15980;
	[sflag:s6] =	ssyncadd.s32 $0xFFFFC000  }
0x221: {  	[tilespmem:s26], [sflag:$0x2] =	stream.indirect.gather [hbm4b:s1+s18], $0x80, s8, s18, $0xb8;
	[tilespmem:$0x1F400] =	vst v63  }
0x222: {  	_ =	swait.ge [sflag:s31], $0x4000  }
0x223: {  	[sflag:s31] =	ssyncset.done $0x0  }
0x224: {  	[sflag:s31] =	ssyncadd.s32 $0xFFFFC000  }
0x225: {  	[spmem:s5] =	stream.indirect.scatter.add.f32 [tilespmem:s19], [sflag:$0x3], $0x80, s17, s18, $0xb8;
	[tilespmem:$0x1F400] =	vst v63  }
0x226: {  	_ =	swait.ge [sflag:s0], $0x4000  }
0x227: {  	[sflag:s0] =	ssyncset.done $0x0  }
.Ltmp13:
0x228: {  	[sflag:s0] =	ssyncadd.s32 $0xFFFFC000;
	(pc) =	sbr.rel @p1 .LBB2_30-.Ltmp13, $4  }
0x229: {  	_ =	swait.ge [sflag:s22], $0x4000  }
0x22a: {  	[sflag:s22] =	ssyncset.done $0x0  }
0x22b: {  	[sflag:s22] =	ssyncadd.s32 $0xFFFFC000  }
0x22c: {  	[spmem:s5] =	stream.indirect.scatter.add.f32 [tilespmem:s26], [sflag:$0x4], $0x80, s3, s18, $0xb8;
	[tilespmem:$0x1F400] =	vst v63  }
0x22d: {  	_ =	swait.ge [sflag:s23], $0xD00  }
0x22e: {  	[sflag:s23] =	ssyncset.done $0x0  }
.Ltmp14:
0x22f: {  	[sflag:s23] =	ssyncadd.s32 $0xFFFFF300;
	(pc) =	sbr.rel .LBB2_25-.Ltmp14, $4  }
0x230: {  	_ =	swait.ge [sflag:s7], $0xD00  }
0x231: {  	[sflag:s7] =	ssyncset.done $0x0  }
0x232: {  	s28 =	sadd.s32 $0x1, s28;
	[sflag:s7] =	ssyncadd.s32 $0xFFFFF300  }
0x233: {  	[tilespmem:s19], [sflag:$0x1] =	stream.indirect.gather [hbm4b:s1+s18], $0x80, s29, s18, $0xb8;
	[tilespmem:$0x1F400] =	vst v63  }
.LBB2_9:
0x234: {  	_ =	swait.ge [sflag:s6], $0x4000  }
0x235: {  	s4 =	simm.s32 $0x0;
	[sflag:s6] =	ssyncset.done $0x0  }
0x236: {  	s10 =	simm.s32 $0x7;
	s8 =	rddreg [dreg:$0x1c];
	[sflag:s6] =	ssyncadd.s32 $0xFFFFC000  }
0x237: {  	[tilespmem:s29], [sflag:$0x7] =	stream.linear.gather [hbm4b:s8+s4], $0x20, $0x38;
	[tilespmem:$0x1F400] =	vst v63  }
0x238: {  	_ =	swait.ge [sflag:s10], $0x20  }
0x239: {  	[sflag:s10] =	ssyncset.done $0x0  }
0x23a: {  	s11 =	simm.s32 $0x15A00;
	s9 =	rddreg [dreg:$0x1d];
	[sflag:s10] =	ssyncadd.s32 $0xFFFFFFE0  }
0x23b: {  	[tilespmem:s11], [sflag:$0x7] =	stream.linear.gather [hbm4b:s9+s4], $0x20, $0x38;
	[tilespmem:$0x1F400] =	vst v63  }
0x23c: {  	_ =	swait.ge [sflag:s10], $0x20  }
0x23d: {  	[sflag:s10] =	ssyncset.done $0x0  }
0x23e: {  	s12 =	simm.s32 $0x20;
	[sflag:s10] =	ssyncadd.s32 $0xFFFFFFE0  }
0x23f: {  	[tilespmem:s19], [sflag:$0x1] =	stream.indirect.gather [hbm4b:s1+s12], $0x80, s29, s12, $0xb8;
	[tilespmem:$0x1F400] =	vst v63  }
0x240: {  	_ =	swait.ge [sflag:s31], $0x1000  }
0x241: {  	[sflag:s31] =	ssyncset.done $0x0  }
0x242: {  	[sflag:s31] =	ssyncadd.s32 $0xFFFFF000  }
0x243: {  	[spmem:s5] =	stream.indirect.scatter.add.f32 [tilespmem:s19], [sflag:$0x7], $0x80, s11, s12, $0xb8;
	[tilespmem:$0x1F400] =	vst v63  }
0x244: {  	_ =	swait.ge [sflag:s10], $0x1000  }
0x245: {  	[sflag:s10] =	ssyncset.done $0x0  }
0x246: {  	[sflag:s10] =	ssyncadd.s32 $0xFFFFF000  }
0x247: {  	[bflag:$0x0] =	sbarrier.arrive $0xFFFF  }
0x248: {  	s12 =	sld [smem:$0x7FC]  }
0x249: {  	s9 =	rddreg [dreg:$0xe]  }
0x24a: {  	s13 =	rddreg [dreg:$0x11]  }
0x24b: {  	[hbm:s13], [sflag:s9] =	dma.local [spmem:s12], $0x2800  }
0x24c: {  	_ =	swait.ge [sflag:s10], $0x2800  }
0x24d: {  	[sflag:s10] =	ssyncset.done $0x0  }
0x24e: {  	s14 =	rddreg [dreg:$0x7];
	[sflag:s10] =	ssyncadd.s32 $0xFFFFD800  }
0x24f: {  	[spmem:s12], [sflag:s9] =	dma.local [hbm:s14], $0x2800  }
0x250: {  	_ =	swait.ge [sflag:s10], $0x2800  }
0x251: {  	[sflag:s10] =	ssyncset.done $0x0  }
0x252: {  	[sflag:s10] =	ssyncadd.s32 $0xFFFFD800  }
0x253: {  	[bflag:$0x0] =	sbarrier.arrive $0xFFFF  }
0x254: {  	s16 =	rddreg [dreg:$0x13]  }
0x255: {  	[tilespmem:s29], [sflag:$0x7] =	stream.linear.gather [hbm4b:s16+s4], $0xD00, $0x38;
	[tilespmem:$0x1F400] =	vst v63  }
0x256: {  	_ =	swait.ge [sflag:s10], $0xD00  }
0x257: {  	[sflag:s10] =	ssyncset.done $0x0  }
0x258: {  	s25 =	rddreg [dreg:$0x14];
	[sflag:s10] =	ssyncadd.s32 $0xFFFFF300  }
0x259: {  	[tilespmem:s11], [sflag:$0x7] =	stream.linear.gather [hbm4b:s25+s4], $0xD00, $0x38;
	[tilespmem:$0x1F400] =	vst v63  }
0x25a: {  	_ =	swait.ge [sflag:s10], $0xD00  }
0x25b: {  	[sflag:s10] =	ssyncset.done $0x0  }
0x25c: {  	s28 =	simm.s32 $0x0;
	[sflag:s10] =	ssyncadd.s32 $0xFFFFF300  }
0x25d: {  	[tilespmem:s19], [sflag:$0x1] =	stream.indirect.gather [hbm4b:s2+s18], $0x80, s29, s18, $0xb8;
	[tilespmem:$0x1F400] =	vst v63  }
.LBB2_10:
0x25e: {  	s11 =	smul.u32 $0x1A00, s28;
	_ =	sdelay $0x1  }
0x25f: {  	s8 =	sadd.s32 s11, s20  }
0x260: {  	s9 =	rddreg [dreg:$0x8];
	s8 =	sshrl.u32 s8, $0x3  }
0x261: {  	s16 =	rddreg [dreg:$0xb];
	s10 =	sor.u32 s28, s4;
	s9 =	sadd.s32 s9, s8  }
0x262: {  	[tilespmem:s24], [sflag:$0x5] =	stream.linear.gather [hbm4b:s9+s4], $0xD00, $0x38;
	[tilespmem:$0x1F400] =	vst v63  }
0x263: {  	s25 =	simm.s32 $0x16700;
	p1 =	seq.s32 s10, $0x0;
	s8 =	sadd.s32 s16, s8  }
0x264: {  	[tilespmem:s25], [sflag:$0x6] =	stream.linear.gather [hbm4b:s8+s4], $0xD00, $0x38;
	[tilespmem:$0x1F400] =	vst v63  }
0x265: {  	s8 =	simm.s32 @!p1 $0x4  }
0x266: {  	_ =	swait.ge @!p1 [sflag:s8], $0x4000  }
0x267: {  	[sflag:s8] =	ssyncset.done @!p1 $0x0  }
0x268: {  	s12 =	simm.s32 $0x14080;
	[sflag:s8] =	ssyncadd.s32 @!p1 $0xFFFFC000  }
0x269: {  	[tilespmem:s26], [sflag:$0x2] =	stream.indirect.gather [hbm4b:s2+s18], $0x80, s12, s18, $0xb8;
	[tilespmem:$0x1F400] =	vst v63  }
0x26a: {  	_ =	swait.ge [sflag:s31], $0x4000  }
0x26b: {  	[sflag:s31] =	ssyncset.done $0x0  }
0x26c: {  	s13 =	simm.s32 $0x15A00;
	[sflag:s31] =	ssyncadd.s32 $0xFFFFC000  }
0x26d: {  	[spmem:s5] =	stream.indirect.scatter.add.f32 [tilespmem:s19], [sflag:$0x3], $0x80, s13, s18, $0xb8;
	[tilespmem:$0x1F400] =	vst v63  }
0x26e: {  	_ =	swait.ge [sflag:s0], $0x4000  }
0x26f: {  	s14 =	simm.s32 $0x14100;
	s16 =	simm.s32 $0x1;
	[sflag:s0] =	ssyncset.done $0x0  }
0x270: {  	s10 =	simm.s32 $0x2;
	s25 =	sor.u32 s28, s16;
	[sflag:s0] =	ssyncadd.s32 $0xFFFFC000  }
0x271: {  	[tilespmem:s19], [sflag:$0x1] =	stream.indirect.gather [hbm4b:s2+s18], $0x80, s14, s18, $0xb8;
	[tilespmem:$0x1F400] =	vst v63  }
0x272: {  	s9 =	simm.s32 $0x15B00;
	p2 =	seq.s32 s25, $0x0;
	_ =	swait.ge [sflag:s22], $0x4000  }
0x273: {  	s12 =	simm.s32 $0x14200;
	s13 =	simm.s32 $0x15A80;
	[sflag:s22] =	ssyncset.done $0x0  }
.LBB2_11:
0x274: {  	s8 =	simm.s32 @!p2 $0x4;
	[sflag:s22] =	ssyncadd.s32 $0xFFFFC000;
	s14 =	smov.u32 s10  }
0x275: {  	s10 =	sadd.s32 $0x1, s10;
	s16 =	smov.u32 s12;
	s25 =	smov.u32 s9  }
0x276: {  	[spmem:s5] =	stream.indirect.scatter.add.f32 [tilespmem:s26], [sflag:$0x4], $0x80, s13, s18, $0xb8;
	[tilespmem:$0x1F400] =	vst v63  }
0x277: {  	p1 =	sne.s32 s10, $0xC;
	_ =	swait.ge @!p2 [sflag:s8], $0x4000  }
0x278: {  	[sflag:s8] =	ssyncset.done @!p2 $0x0  }
0x279: {  	[sflag:s8] =	ssyncadd.s32 @!p2 $0xFFFFC000;
	s8 =	sadd.s32 $0xFFFFFF80, s12  }
0x27a: {  	[tilespmem:s26], [sflag:$0x2] =	stream.indirect.gather [hbm4b:s2+s18], $0x80, s8, s18, $0xb8;
	[tilespmem:$0x1F400] =	vst v63  }
0x27b: {  	_ =	swait.ge [sflag:s31], $0x4000  }
0x27c: {  	[sflag:s31] =	ssyncset.done $0x0  }
0x27d: {  	[sflag:s31] =	ssyncadd.s32 $0xFFFFC000  }
0x27e: {  	[spmem:s5] =	stream.indirect.scatter.add.f32 [tilespmem:s19], [sflag:$0x3], $0x80, s9, s18, $0xb8;
	[tilespmem:$0x1F400] =	vst v63  }
0x27f: {  	_ =	swait.ge [sflag:s0], $0x4000  }
.Ltmp15:
0x280: {  	[sflag:s0] =	ssyncset.done $0x0;
	(pc) =	sbr.rel @p1 .LBB2_11-.Ltmp15, $4  }
0x281: {  	s12 =	sadd.s32 $0x100, s12;
	[sflag:s0] =	ssyncadd.s32 $0xFFFFC000  }
0x282: {  	[tilespmem:s19], [sflag:$0x1] =	stream.indirect.gather [hbm4b:s2+s18], $0x80, s16, s18, $0xb8;
	[tilespmem:$0x1F400] =	vst v63  }
0x283: {  	s8 =	sor.u32 s28, s14;
	s9 =	sadd.s32 $0x100, s9;
	_ =	swait.ge [sflag:s22], $0x4000  }
0x284: {  	s13 =	sadd.s32 $0x80, s25;
	p2 =	seq.s32 s8, $0x0;
	[sflag:s22] =	ssyncset.done $0x0  }
0x285: {  	s8 =	simm.s32 @!p2 $0x4;
	[sflag:s22] =	ssyncadd.s32 $0xFFFFC000  }
0x286: {  	[spmem:s5] =	stream.indirect.scatter.add.f32 [tilespmem:s26], [sflag:$0x4], $0x80, s13, s18, $0xb8;
	[tilespmem:$0x1F400] =	vst v63  }
0x287: {  	_ =	swait.ge @!p2 [sflag:s8], $0x4000  }
0x288: {  	[sflag:s8] =	ssyncset.done @!p2 $0x0  }
0x289: {  	s25 =	sadd.s32 $0xFFFFFF80, s12;
	[sflag:s8] =	ssyncadd.s32 @!p2 $0xFFFFC000  }
0x28a: {  	[tilespmem:s26], [sflag:$0x2] =	stream.indirect.gather [hbm4b:s2+s18], $0x80, s25, s18, $0xb8;
	[tilespmem:$0x1F400] =	vst v63  }
0x28b: {  	_ =	swait.ge [sflag:s31], $0x4000  }
0x28c: {  	[sflag:s31] =	ssyncset.done $0x0  }
0x28d: {  	[sflag:s31] =	ssyncadd.s32 $0xFFFFC000  }
0x28e: {  	[spmem:s5] =	stream.indirect.scatter.add.f32 [tilespmem:s19], [sflag:$0x3], $0x80, s9, s18, $0xb8;
	[tilespmem:$0x1F400] =	vst v63  }
0x28f: {  	_ =	swait.ge [sflag:s0], $0x4000  }
0x290: {  	[sflag:s0] =	ssyncset.done $0x0  }
0x291: {  	[sflag:s0] =	ssyncadd.s32 $0xFFFFC000  }
0x292: {  	[tilespmem:s19], [sflag:$0x1] =	stream.indirect.gather [hbm4b:s2+s18], $0x80, s12, s18, $0xb8;
	[tilespmem:$0x1F400] =	vst v63  }
0x293: {  	_ =	swait.ge [sflag:s22], $0x4000  }
0x294: {  	[sflag:s22] =	ssyncset.done $0x0  }
0x295: {  	s9 =	sadd.s32 $0x80, s9;
	[sflag:s22] =	ssyncadd.s32 $0xFFFFC000  }
0x296: {  	[spmem:s5] =	stream.indirect.scatter.add.f32 [tilespmem:s26], [sflag:$0x4], $0x80, s9, s18, $0xb8;
	[tilespmem:$0x1F400] =	vst v63  }
0x297: {  	_ =	swait.ge [sflag:s6], $0x4000  }
0x298: {  	[sflag:s6] =	ssyncset.done $0x0  }
0x299: {  	s10 =	simm.s32 $0x14C80;
	[sflag:s6] =	ssyncadd.s32 $0xFFFFC000  }
0x29a: {  	[tilespmem:s26], [sflag:$0x2] =	stream.indirect.gather [hbm4b:s2+s18], $0x80, s10, s18, $0xb8;
	[tilespmem:$0x1F400] =	vst v63  }
0x29b: {  	_ =	swait.ge [sflag:s31], $0x4000  }
0x29c: {  	[sflag:s31] =	ssyncset.done $0x0  }
0x29d: {  	s12 =	simm.s32 $0x16600;
	[sflag:s31] =	ssyncadd.s32 $0xFFFFC000  }
0x29e: {  	[spmem:s5] =	stream.indirect.scatter.add.f32 [tilespmem:s19], [sflag:$0x3], $0x80, s12, s18, $0xb8;
	[tilespmem:$0x1F400] =	vst v63  }
0x29f: {  	_ =	swait.ge [sflag:s0], $0x4000  }
0x2a0: {  	[sflag:s0] =	ssyncset.done $0x0  }
0x2a1: {  	[sflag:s0] =	ssyncadd.s32 $0xFFFFC000  }
0x2a2: {  	_ =	swait.ge [sflag:s22], $0x4000  }
0x2a3: {  	[sflag:s22] =	ssyncset.done $0x0  }
0x2a4: {  	s13 =	simm.s32 $0x16680;
	[sflag:s22] =	ssyncadd.s32 $0xFFFFC000  }
0x2a5: {  	[spmem:s5] =	stream.indirect.scatter.add.f32 [tilespmem:s26], [sflag:$0x4], $0x80, s13, s18, $0xb8;
	[tilespmem:$0x1F400] =	vst v63  }
0x2a6: {  	_ =	swait.ge [sflag:s23], $0xD00  }
0x2a7: {  	[sflag:s23] =	ssyncset.done $0x0  }
0x2a8: {  	[sflag:s23] =	ssyncadd.s32 $0xFFFFF300  }
0x2a9: {  	p1 =	seq.s32 s28, $0x2;
	_ =	swait.ge [sflag:s7], $0xD00  }
0x2aa: {  	s8 =	sadd.s32 @!p1 s11, s21;
	[sflag:s7] =	ssyncset.done $0x0  }
0x2ab: {  	s8 =	sshrl.u32 @!p1 s8, $0x3;
	s9 =	rddreg [dreg:$0x8];
	[sflag:s7] =	ssyncadd.s32 $0xFFFFF300  }
0x2ac: {  	[tilespmem:s19], [sflag:$0x1] =	stream.indirect.gather [hbm4b:s2+s18], $0x80, s24, s18, $0xb8;
	[tilespmem:$0x1F400] =	vst v63  }
0x2ad: {  	s11 =	simm.s32 @!p1 $0x14000;
	s10 =	simm.s32 @!p1 $0x0;
	s9 =	sadd.s32 @!p1 s9, s8  }
0x2ae: {  	[tilespmem:s11], [sflag:$0x5] =	stream.linear.gather @!p1 [hbm4b:s9+s10], $0xD00, $0x38;
	[tilespmem:$0x1F400] =	vst v63  }
0x2af: {  	s9 =	rddreg [dreg:$0xb]  }
0x2b0: {  	s8 =	sadd.s32 @!p1 s9, s8;
	s9 =	simm.s32 @!p1 $0x15A00  }
0x2b1: {  	[tilespmem:s9], [sflag:$0x6] =	stream.linear.gather @!p1 [hbm4b:s8+s10], $0xD00, $0x38;
	[tilespmem:$0x1F400] =	vst v63  }
0x2b2: {  	_ =	swait.ge [sflag:s6], $0x4000  }
0x2b3: {  	[sflag:s6] =	ssyncset.done $0x0  }
0x2b4: {  	s14 =	simm.s32 $0x14D80;
	[sflag:s6] =	ssyncadd.s32 $0xFFFFC000  }
0x2b5: {  	[tilespmem:s26], [sflag:$0x2] =	stream.indirect.gather [hbm4b:s2+s18], $0x80, s14, s18, $0xb8;
	[tilespmem:$0x1F400] =	vst v63  }
0x2b6: {  	_ =	swait.ge [sflag:s31], $0x4000  }
0x2b7: {  	[sflag:s31] =	ssyncset.done $0x0  }
0x2b8: {  	s16 =	simm.s32 $0x16700;
	[sflag:s31] =	ssyncadd.s32 $0xFFFFC000  }
0x2b9: {  	[spmem:s5] =	stream.indirect.scatter.add.f32 [tilespmem:s19], [sflag:$0x3], $0x80, s16, s18, $0xb8;
	[tilespmem:$0x1F400] =	vst v63  }
0x2ba: {  	_ =	swait.ge [sflag:s0], $0x4000  }
0x2bb: {  	[sflag:s0] =	ssyncset.done $0x0  }
0x2bc: {  	s25 =	simm.s32 $0x14E00;
	[sflag:s0] =	ssyncadd.s32 $0xFFFFC000  }
0x2bd: {  	[tilespmem:s19], [sflag:$0x1] =	stream.indirect.gather [hbm4b:s2+s18], $0x80, s25, s18, $0xb8;
	[tilespmem:$0x1F400] =	vst v63  }
0x2be: {  	_ =	swait.ge [sflag:s22], $0x4000  }
0x2bf: {  	[sflag:s22] =	ssyncset.done $0x0  }
0x2c0: {  	s9 =	simm.s32 $0x400;
	s10 =	simm.s32 $0x16780;
	[sflag:s22] =	ssyncadd.s32 $0xFFFFC000  }
.LBB2_13:
0x2c1: {  	[spmem:s5] =	stream.indirect.scatter.add.f32 [tilespmem:s26], [sflag:$0x4], $0x80, s10, s18, $0xb8;
	[tilespmem:$0x1F400] =	vst v63  }
0x2c2: {  	s8 =	smov.u32 s9  }
0x2c3: {  	p2 =	sne.s32 s9, $0x2C00;
	s9 =	sadd.s32 $0x400, s9;
	_ =	swait.ge [sflag:s6], $0x4000  }
0x2c4: {  	s8 =	sshra.s32 s8, $0x2;
	[sflag:s6] =	ssyncset.done $0x0  }
0x2c5: {  	s10 =	sadd.s32 $0x14D80, s8;
	[sflag:s6] =	ssyncadd.s32 $0xFFFFC000  }
0x2c6: {  	[tilespmem:s26], [sflag:$0x2] =	stream.indirect.gather [hbm4b:s2+s18], $0x80, s10, s18, $0xb8;
	[tilespmem:$0x1F400] =	vst v63  }
0x2c7: {  	_ =	swait.ge [sflag:s31], $0x4000  }
0x2c8: {  	[sflag:s31] =	ssyncset.done $0x0  }
0x2c9: {  	s10 =	sadd.s32 $0x16700, s8;
	[sflag:s31] =	ssyncadd.s32 $0xFFFFC000  }
0x2ca: {  	[spmem:s5] =	stream.indirect.scatter.add.f32 [tilespmem:s19], [sflag:$0x3], $0x80, s10, s18, $0xb8;
	[tilespmem:$0x1F400] =	vst v63  }
0x2cb: {  	_ =	swait.ge [sflag:s0], $0x4000  }
0x2cc: {  	[sflag:s0] =	ssyncset.done $0x0  }
.Ltmp16:
0x2cd: {  	s10 =	sadd.s32 $0x14E00, s8;
	[sflag:s0] =	ssyncadd.s32 $0xFFFFC000;
	(pc) =	sbr.rel @p2 .LBB2_13-.Ltmp16, $4  }
0x2ce: {  	[tilespmem:s19], [sflag:$0x1] =	stream.indirect.gather [hbm4b:s2+s18], $0x80, s10, s18, $0xb8;
	[tilespmem:$0x1F400] =	vst v63  }
0x2cf: {  	_ =	swait.ge [sflag:s22], $0x4000  }
0x2d0: {  	[sflag:s22] =	ssyncset.done $0x0  }
0x2d1: {  	s10 =	sadd.s32 $0x16780, s8;
	[sflag:s22] =	ssyncadd.s32 $0xFFFFC000  }
0x2d2: {  	[spmem:s5] =	stream.indirect.scatter.add.f32 [tilespmem:s26], [sflag:$0x4], $0x80, s10, s18, $0xb8;
	[tilespmem:$0x1F400] =	vst v63  }
0x2d3: {  	_ =	swait.ge [sflag:s6], $0x4000  }
0x2d4: {  	[sflag:s6] =	ssyncset.done $0x0  }
0x2d5: {  	s8 =	simm.s32 $0x15980;
	[sflag:s6] =	ssyncadd.s32 $0xFFFFC000  }
0x2d6: {  	[tilespmem:s26], [sflag:$0x2] =	stream.indirect.gather [hbm4b:s2+s18], $0x80, s8, s18, $0xb8;
	[tilespmem:$0x1F400] =	vst v63  }
0x2d7: {  	_ =	swait.ge [sflag:s31], $0x4000  }
0x2d8: {  	[sflag:s31] =	ssyncset.done $0x0  }
0x2d9: {  	[sflag:s31] =	ssyncadd.s32 $0xFFFFC000  }
0x2da: {  	[spmem:s5] =	stream.indirect.scatter.add.f32 [tilespmem:s19], [sflag:$0x3], $0x80, s17, s18, $0xb8;
	[tilespmem:$0x1F400] =	vst v63  }
0x2db: {  	_ =	swait.ge [sflag:s0], $0x4000  }
0x2dc: {  	[sflag:s0] =	ssyncset.done $0x0  }
.Ltmp17:
0x2dd: {  	[sflag:s0] =	ssyncadd.s32 $0xFFFFC000;
	(pc) =	sbr.rel @p1 .LBB2_15-.Ltmp17, $4  }
0x2de: {  	_ =	swait.ge [sflag:s22], $0x4000  }
0x2df: {  	[sflag:s22] =	ssyncset.done $0x0  }
0x2e0: {  	[sflag:s22] =	ssyncadd.s32 $0xFFFFC000  }
0x2e1: {  	[spmem:s5] =	stream.indirect.scatter.add.f32 [tilespmem:s26], [sflag:$0x4], $0x80, s3, s18, $0xb8;
	[tilespmem:$0x1F400] =	vst v63  }
0x2e2: {  	_ =	swait.ge [sflag:s23], $0xD00  }
0x2e3: {  	[sflag:s23] =	ssyncset.done $0x0  }
.Ltmp18:
0x2e4: {  	[sflag:s23] =	ssyncadd.s32 $0xFFFFF300;
	(pc) =	sbr.rel .LBB2_10-.Ltmp18, $4  }
0x2e5: {  	_ =	swait.ge [sflag:s7], $0xD00  }
0x2e6: {  	[sflag:s7] =	ssyncset.done $0x0  }
0x2e7: {  	s28 =	sadd.s32 $0x1, s28;
	[sflag:s7] =	ssyncadd.s32 $0xFFFFF300  }
0x2e8: {  	[tilespmem:s19], [sflag:$0x1] =	stream.indirect.gather [hbm4b:s2+s18], $0x80, s29, s18, $0xb8;
	[tilespmem:$0x1F400] =	vst v63  }
.LBB2_15:
.Ltmp19:
0x2e9: {  	(pc) =	sbr.rel .LBB2_31-.Ltmp19, $4  }
0x2ea: {  	s11 =	rddreg [dreg:$0x8]  }
0x2eb: {  	s10 =	rddreg [dreg:$0xb]  }
0x2ec: {  	s4 =	rddreg [dreg:$0x19]  }
0x2ed: {  	s9 =	smov.u32 s2;
	s14 =	sld [smem:$0x7FB]  }
.LBB2_32:
0x2ee: {  	_ =	sfence.sel $0x180000  }
0x2ef: {  	[bflag:$0x0] =	sbarrier.arrive $0xFFFF  }
0x2f0: {  	_ =	strace $0x90000047  }
0x2f1: {  	s0 =	stileid.u32;
	[bflag:$0x2] =	sbarrier.arrive $0xFFFF  }
0x2f2: {  	p0 =	sne.s32 s0, $0x0;
	s0 =	rddreg [dreg:$0x6]  }
0x2f3: {  	s0 =	sadd.s32 @!p0 $0x100000, s0  }
0x2f4: {  	[sflag:s0] =	ssyncadd.tile.s32 @!p0 $0x1;
	_ =	shalt  }
.Lfunc_end2:
_tile_overlayer_lowered:
.L_overlay_start_2:
0x2f5: {  	(tag) =	ssettag $0x2  }
0x2f6: {  	s0 =	rddreg [dreg:$0x0];
	s2 =	stileid.u32  }
0x2f7: {  	s1 =	rddreg [dreg:$0x1];
	p0 =	sne.s32 s2, $0x0  }
0x2f8: {  	s3 =	rddreg [dreg:$0x2];
	[bflag:$0x3] =	sbarrier.arrive $0xFFFF;
	s2 =	simm.s32 @!p0 $0x1C07  }
0x2f9: {  	[timem:s3], [sflag:s2] =	dma.local @!p0 [hbm:s0], s1  }
0x2fa: {  	s0 =	simm.s32 @!p0 $0x7  }
0x2fb: {  	_ =	swait.ge @!p0 [sflag:s0], s1  }
0x2fc: {  	s1 =	ssub.s32 @!p0 $0x0, s1;
	[sflag:s0] =	ssyncset.done @!p0 $0x0  }
0x2fd: {  	[sflag:s0] =	ssyncadd.s32 @!p0 s1  }
0x2fe: {  	[bflag:$0x3] =	sbarrier.arrive $0xFFFF  }
0x2ff: {  	_ =	shalt  }

</sc_bundles>
